<compile_context>
chip_gen: v7x
topology: tpu7x:2x2x1
jax: 0.10.2.dev20260603
libtpu: 0.0.44.dev20260713+nightly
codegen_flags: <defaults>
</compile_context>

<pallas_src>
import functools

import jax
import jax.numpy as jnp
from jax import lax
from jax.experimental import pallas as pl
from jax.experimental.pallas import tpu as pltpu
from jax.experimental.pallas import tpu_sc as plsc

N_NODES = 10000
N_EDGES = 320000
D_EDGE = 4

NC = 2
NS = 16
NW = NC * NS
NBLK = N_EDGES // 128
CBLK = 4
CHUNK_E = CBLK * 128
N_CHUNKS = NBLK // CBLK

DROWS = 80
DCOLS = 128

AW = CHUNK_E * D_EDGE
EW = CHUNK_E * 2
N_DBL = 10

_mesh = plsc.VectorSubcoreMesh(
    core_axis_name="c", subcore_axis_name="s", num_cores=NC, num_subcores=NS
)


def _degrees_body(attr_hbm, ei_hbm, out_hbm,
                  attr_a, attr_b, ei_a, ei_b, deg1_v, deg2_v, ridx_v,
                  acc1_sh, acc2_sh, sem_a0, sem_a1, sem_e0, sem_e1):
    cid = lax.axis_index("c")
    sid = lax.axis_index("s")
    wid = sid * NC + cid

    def _issue(i, av, ev_, sa, se):
        g = jnp.minimum(i * NW + wid, N_CHUNKS - 1)
        pltpu.async_copy(attr_hbm.at[pl.ds(g * AW, AW)], av, sa)
        pltpu.async_copy(ei_hbm.at[pl.ds(g * EW, EW)], ev_, se)

    def _wait(av, ev_, sa, se):
        pltpu.make_async_copy(attr_hbm.at[pl.ds(0, AW)], av, sa).wait()
        pltpu.make_async_copy(ei_hbm.at[pl.ds(0, EW)], ev_, se).wait()

    _issue(0, attr_a, ei_a, sem_a0, sem_e0)

    zeros = jnp.zeros((16,), jnp.float32)

    def _zero_row(r, carry):
        for cc in range(DCOLS // 16):
            deg1_v[r, pl.ds(cc * 16, 16)] = zeros
            deg2_v[r, pl.ds(cc * 16, 16)] = zeros
        return carry

    lax.fori_loop(0, DROWS, _zero_row, 0)

    iota16 = lax.iota(jnp.int32, 16)
    for i in range(DROWS // 16):
        ridx_v[pl.ds(i * 16, 16)] = iota16 + (i * 16)

    @pl.when(sid == 0)
    def _():
        pltpu.sync_copy(deg1_v, acc1_sh)
        pltpu.sync_copy(deg2_v, acc2_sh)

    ones = jnp.ones((16,), jnp.float32)

    def _process(av, ev_, i):
        @pl.when(i * NW + wid <= N_CHUNKS - 1)
        def _():
            for gg in range(CHUNK_E // 16):
                bb, ss = gg >> 3, gg & 7
                ao = bb * 512 + ss * 16
                a0 = av[pl.ds(ao, 16)]
                a1 = av[pl.ds(ao + 128, 16)]
                a2 = av[pl.ds(ao + 256, 16)]
                a3 = av[pl.ds(ao + 384, 16)]
                m1 = (a1 > a0) & (a1 >= a2) & (a1 >= a3)
                m2 = (a2 > a0) & (a2 > a1) & (a2 >= a3)
                eo = bb * 256 + ss * 16
                u = ev_[pl.ds(eo, 16)]
                v = ev_[pl.ds(eo + 128, 16)]
                ur = lax.shift_right_logical(u, 7)
                uc = lax.bitwise_and(u, 127)
                vr = lax.shift_right_logical(v, 7)
                vc = lax.bitwise_and(v, 127)
                plsc.addupdate_scatter(deg1_v, [ur, uc], ones, mask=m1)
                plsc.addupdate_scatter(deg1_v, [vr, vc], ones, mask=m1)
                plsc.addupdate_scatter(deg2_v, [ur, uc], ones, mask=m2)
                plsc.addupdate_scatter(deg2_v, [vr, vc], ones, mask=m2)

    def _dbl(j, carry):
        i0 = 2 * j
        _wait(attr_a, ei_a, sem_a0, sem_e0)
        _issue(i0 + 1, attr_b, ei_b, sem_a1, sem_e1)
        _process(attr_a, ei_a, i0)
        _wait(attr_b, ei_b, sem_a1, sem_e1)

        @pl.when(j < N_DBL - 1)
        def _():
            _issue(i0 + 2, attr_a, ei_a, sem_a0, sem_e0)

        _process(attr_b, ei_b, i0 + 1)
        return carry

    lax.fori_loop(0, N_DBL, _dbl, 0)

    plsc.subcore_barrier()
    pltpu.sync_copy(deg1_v, acc1_sh.at[ridx_v], add=True)
    pltpu.sync_copy(deg2_v, acc2_sh.at[ridx_v], add=True)
    plsc.subcore_barrier()

    @pl.when(sid == 0)
    def _():
        pltpu.sync_copy(acc1_sh, out_hbm.at[cid, 0])
        pltpu.sync_copy(acc2_sh, out_hbm.at[cid, 1])


@functools.partial(
    pl.kernel,
    out_type=jax.ShapeDtypeStruct((NC, 2, DROWS, DCOLS), jnp.float32),
    mesh=_mesh,
    scratch_types=[
        pltpu.VMEM((AW,), jnp.float32),
        pltpu.VMEM((AW,), jnp.float32),
        pltpu.VMEM((EW,), jnp.int32),
        pltpu.VMEM((EW,), jnp.int32),
        pltpu.VMEM((DROWS, DCOLS), jnp.float32),
        pltpu.VMEM((DROWS, DCOLS), jnp.float32),
        pltpu.VMEM((DROWS,), jnp.int32),
        pltpu.VMEM_SHARED((DROWS, DCOLS), jnp.float32),
        pltpu.VMEM_SHARED((DROWS, DCOLS), jnp.float32),
        pltpu.SemaphoreType.DMA,
        pltpu.SemaphoreType.DMA,
        pltpu.SemaphoreType.DMA,
        pltpu.SemaphoreType.DMA,
    ],
    compiler_params=pltpu.CompilerParams(needs_layout_passes=False),
)
def _degrees_kernel(*args):
    _degrees_body(*args)


HALF = 2 * DROWS * DCOLS
CHUNK = HALF // NS
CGROUPS = CHUNK // 16


def _energy_body(part_hbm, out_hbm, p0_v, p1_v, stage_v, acc_sm, sem0, sem1):
    cid = lax.axis_index("c")
    sid = lax.axis_index("s")

    @pl.when((cid == 0) & (sid == 0))
    def _():
        acc_sm[0] = 0

    plsc.subcore_barrier()

    @pl.when(cid == 0)
    def _():
        o = sid * CHUNK
        c0 = pltpu.async_copy(part_hbm.at[pl.ds(o, CHUNK)], p0_v, sem0)
        c1 = pltpu.async_copy(part_hbm.at[pl.ds(HALF + o, CHUNK)], p1_v, sem1)
        c0.wait()
        c1.wait()
        acc = jnp.zeros((16,), jnp.float32)
        for g in range(CGROUPS):
            x = p0_v[pl.ds(g * 16, 16)] + p1_v[pl.ds(g * 16, 16)]
            acc = acc + x * x
        s = lax.reduce_sum_p.bind(acc, axes=(0,))
        plsc.fetch_and_add(acc_sm, s.astype(jnp.int32), subcore_id=0)

    plsc.subcore_barrier()

    @pl.when((cid == 0) & (sid == 0))
    def _():
        tot = acc_sm[0].astype(jnp.float32)
        stage_v[0, pl.ds(0, 16)] = jnp.full((16,), tot, jnp.float32)
        pltpu.sync_copy(stage_v.at[0], out_hbm)


@functools.partial(
    pl.kernel,
    out_type=jax.ShapeDtypeStruct((16,), jnp.float32),
    mesh=_mesh,
    scratch_types=[
        pltpu.VMEM((CHUNK,), jnp.float32),
        pltpu.VMEM((CHUNK,), jnp.float32),
        pltpu.VMEM((1, 16), jnp.float32),
        pltpu.SMEM((1,), jnp.int32),
        pltpu.SemaphoreType.DMA,
        pltpu.SemaphoreType.DMA,
    ],
    compiler_params=pltpu.CompilerParams(needs_layout_passes=False),
)
def _energy_kernel(*args):
    _energy_body(*args)


def kernel(node_features, edge_attr, coupling_strength, edge_index):
    num_nodes = node_features.shape[0]
    nblk = edge_attr.shape[0] // 128
    af = edge_attr.reshape(nblk, 128, D_EDGE).transpose(0, 2, 1).reshape(-1)
    eif = edge_index.reshape(2, nblk, 128).transpose(1, 0, 2).reshape(-1)
    part = _degrees_kernel(af, eif)
    esum = _energy_kernel(part.reshape(-1))
    return esum[0] * coupling_strength / (2.0 * num_nodes)

# --- scband reference (transcript-rebuilt; emitter-appended) ---
"""Pipeline reference for scband-potts-energy-module-33938831573035 (READ-ONLY COPY).

The authoritative reference and input builder live on the scoring server;
editing this copy changes nothing except your own understanding.
"""

import jax, jax.numpy as jnp
import numpy as np

N_NODES = 10000
N_EDGES = 320000
D_FEAT = 128
D_EDGE = 4


def setup_inputs(seed: int = 0) -> dict:
    key = jax.random.key(seed)
    k1, k2, k3 = jax.random.split(key, 3)
    node_features = jax.random.normal(k1, (N_NODES, D_FEAT), dtype=jnp.float32)
    edge_attr = jax.random.normal(k2, (N_EDGES, D_EDGE), dtype=jnp.float32)
    edge_index = jax.random.randint(k3, (2, N_EDGES), 0, N_NODES, dtype=jnp.int32)
    coupling_strength = jnp.array(1.0, dtype=jnp.float32)  # learned parameter
    return {
        "node_features": node_features,
        "edge_attr": edge_attr,
        "coupling_strength": coupling_strength,
        "edge_index": edge_index,
    }


def _approximate_triangle_energy(edge_index, edge_weights, num_nodes):
    # Equivalent to: select edges where weight==1, scatter_add ones at both
    # endpoints to form degrees, then sum(deg**2) / (2*num_nodes).
    # Implemented with weighted scatter-add so it is jit/mask friendly.
    degrees = jnp.zeros((num_nodes,), dtype=jnp.float32)
    degrees = degrees.at[edge_index[0]].add(edge_weights)
    degrees = degrees.at[edge_index[1]].add(edge_weights)
    return (degrees ** 2).sum() / (2.0 * num_nodes)


def reference(node_features, edge_attr, coupling_strength, edge_index):
    num_nodes = node_features.shape[0]
    # Potts energy: H = coupling * sum over colors of approx triangle energy
    edge_colors = jnp.argmax(edge_attr, axis=1)  # color id per edge
    # colored_mask = edge_colors != 0 is implicit: we only iterate colors 1, 2
    energy = jnp.array(0.0, dtype=jnp.float32)
    for color in (1, 2):
        color_w = (edge_colors == color).astype(jnp.float32)
        energy = energy + _approximate_triangle_energy(edge_index, color_w, num_nodes)
    return energy * coupling_strength

if __name__ == "__main__":
    import jax
    _d = setup_inputs()
    print(jax.jit(kernel)(*tuple(_d.values())))

</pallas_src>

<mosaic_0001>
#map = affine_map<(d0, d1) -> (0)>
#map1 = affine_map<(d0, d1) -> (0, 0, 0, 0)>
module attributes {stable_mosaic.version = 14 : i64} {
  func.func @_degrees_kernel(%arg0: i32, %arg1: i32, %arg2: memref<1280000xf32, #tpu.memory_space<hbm>>, %arg3: memref<640000xi32, #tpu.memory_space<hbm>>, %arg4: memref<2x2x80x128xf32, #tpu.memory_space<hbm>>, %arg5: memref<2048xf32, #tpu.memory_space<vmem>>, %arg6: memref<2048xf32, #tpu.memory_space<vmem>>, %arg7: memref<1024xi32, #tpu.memory_space<vmem>>, %arg8: memref<1024xi32, #tpu.memory_space<vmem>>, %arg9: memref<80x128xf32, #tpu.memory_space<vmem>>, %arg10: memref<80x128xf32, #tpu.memory_space<vmem>>, %arg11: memref<80xi32, #tpu.memory_space<vmem>>, %arg12: memref<80x128xf32, #tpu.memory_space<vmem_shared>>, %arg13: memref<80x128xf32, #tpu.memory_space<vmem_shared>>, %arg14: memref<!tpu.dma_semaphore, #tpu.memory_space<semaphore_mem>>, %arg15: memref<!tpu.dma_semaphore, #tpu.memory_space<semaphore_mem>>, %arg16: memref<!tpu.dma_semaphore, #tpu.memory_space<semaphore_mem>>, %arg17: memref<!tpu.dma_semaphore, #tpu.memory_space<semaphore_mem>>) attributes {dimension_semantics = [#tpu.dimension_semantics<core_parallel>, #tpu.dimension_semantics<subcore_parallel>], iteration_bounds = array<i64: 2, 16>, scalar_prefetch = 0 : i64, scratch_operands = 13 : i64, tpu.core_type = #tpu.core_type<sc_vector_subcore>, window_params = [{transform_indices = #map}, {transform_indices = #map}, {transform_indices = #map1}]} {
    %mul3A = arith.constant 2 : i32
    %mul3A_0 = arith.muli %arg1, %mul3A : i32
    %add3A = arith.addi %mul3A_0, %arg0 : i32
    %add3A_1 = arith.constant 0 : i32
    %add3A_2 = arith.addi %add3A_1, %add3A : i32
    %min3A = arith.constant 624 : i32
    %min3A_3 = arith.minsi %add3A_2, %min3A : i32
    %mul3A_4 = arith.constant 2048 : i32
    %mul3A_5 = arith.muli %min3A_3, %mul3A_4 : i32
    %dma_start3A = tpu.memref_slice %arg2[%mul3A_5] : memref<1280000xf32, #tpu.memory_space<hbm>> -> memref<2048xf32, #tpu.memory_space<hbm>>
    %dma_start3A_6 = tpu.memref_slice %arg2[%mul3A_5] : memref<1280000xf32, #tpu.memory_space<hbm>> -> memref<2048xf32, #tpu.memory_space<hbm>>
    tpu.enqueue_dma source(%dma_start3A_6 : memref<2048xf32, #tpu.memory_space<hbm>>) target(%arg5 : memref<2048xf32, #tpu.memory_space<vmem>>) target_semaphore(%arg14 : memref<!tpu.dma_semaphore, #tpu.memory_space<semaphore_mem>>)
    %mul3A_7 = arith.constant 1024 : i32
    %mul3A_8 = arith.muli %min3A_3, %mul3A_7 : i32
    %dma_start3A_9 = tpu.memref_slice %arg3[%mul3A_8] : memref<640000xi32, #tpu.memory_space<hbm>> -> memref<1024xi32, #tpu.memory_space<hbm>>
    %dma_start3A_10 = tpu.memref_slice %arg3[%mul3A_8] : memref<640000xi32, #tpu.memory_space<hbm>> -> memref<1024xi32, #tpu.memory_space<hbm>>
    tpu.enqueue_dma source(%dma_start3A_10 : memref<1024xi32, #tpu.memory_space<hbm>>) target(%arg7 : memref<1024xi32, #tpu.memory_space<vmem>>) target_semaphore(%arg16 : memref<!tpu.dma_semaphore, #tpu.memory_space<semaphore_mem>>)
    %broadcast_in_dim3A = arith.constant 0.000000e+00 : f32
    %broadcast_in_dim3A_11 = vector.broadcast %broadcast_in_dim3A : f32 to vector<16xf32>
    %scan3A = arith.constant 0 : i32
    %scan3A_12 = arith.constant 0 : i32
    %scan3A_13 = arith.constant 80 : i32
    %scan3A_14 = arith.addi %scan3A_12, %scan3A_13 : i32
    %scan3A_15 = arith.constant 1 : i32
    scf.for %scan3A_57 = %scan3A_12 to %scan3A_14 step %scan3A_15  : i32 {
      %swap3A_58 = arith.index_cast %scan3A_57 : i32 to index
      %swap3A_59 = arith.constant 0 : index
      %swap3A_60 = tpu.vector_load %arg9[%swap3A_58, %swap3A_59] {strides = array<i32>} : memref<80x128xf32, #tpu.memory_space<vmem>>, vector<16xf32>,
      tpu.vector_store %arg9[%swap3A_58, %swap3A_59], %broadcast_in_dim3A_11 {strides = array<i32>} : memref<80x128xf32, #tpu.memory_space<vmem>>, vector<16xf32>,
      %swap3A_61 = arith.index_cast %scan3A_57 : i32 to index
      %swap3A_62 = arith.constant 0 : index
      %swap3A_63 = tpu.vector_load %arg10[%swap3A_61, %swap3A_62] {strides = array<i32>} : memref<80x128xf32, #tpu.memory_space<vmem>>, vector<16xf32>,
      tpu.vector_store %arg10[%swap3A_61, %swap3A_62], %broadcast_in_dim3A_11 {strides = array<i32>} : memref<80x128xf32, #tpu.memory_space<vmem>>, vector<16xf32>,
      %swap3A_64 = arith.index_cast %scan3A_57 : i32 to index
      %swap3A_65 = arith.constant 16 : index
      %swap3A_66 = tpu.vector_load %arg9[%swap3A_64, %swap3A_65] {strides = array<i32>} : memref<80x128xf32, #tpu.memory_space<vmem>>, vector<16xf32>,
      tpu.vector_store %arg9[%swap3A_64, %swap3A_65], %broadcast_in_dim3A_11 {strides = array<i32>} : memref<80x128xf32, #tpu.memory_space<vmem>>, vector<16xf32>,
      %swap3A_67 = arith.index_cast %scan3A_57 : i32 to index
      %swap3A_68 = arith.constant 16 : index
      %swap3A_69 = tpu.vector_load %arg10[%swap3A_67, %swap3A_68] {strides = array<i32>} : memref<80x128xf32, #tpu.memory_space<vmem>>, vector<16xf32>,
      tpu.vector_store %arg10[%swap3A_67, %swap3A_68], %broadcast_in_dim3A_11 {strides = array<i32>} : memref<80x128xf32, #tpu.memory_space<vmem>>, vector<16xf32>,
      %swap3A_70 = arith.index_cast %scan3A_57 : i32 to index
      %swap3A_71 = arith.constant 32 : index
      %swap3A_72 = tpu.vector_load %arg9[%swap3A_70, %swap3A_71] {strides = array<i32>} : memref<80x128xf32, #tpu.memory_space<vmem>>, vector<16xf32>,
      tpu.vector_store %arg9[%swap3A_70, %swap3A_71], %broadcast_in_dim3A_11 {strides = array<i32>} : memref<80x128xf32, #tpu.memory_space<vmem>>, vector<16xf32>,
      %swap3A_73 = arith.index_cast %scan3A_57 : i32 to index
      %swap3A_74 = arith.constant 32 : index
      %swap3A_75 = tpu.vector_load %arg10[%swap3A_73, %swap3A_74] {strides = array<i32>} : memref<80x128xf32, #tpu.memory_space<vmem>>, vector<16xf32>,
      tpu.vector_store %arg10[%swap3A_73, %swap3A_74], %broadcast_in_dim3A_11 {strides = array<i32>} : memref<80x128xf32, #tpu.memory_space<vmem>>, vector<16xf32>,
      %swap3A_76 = arith.index_cast %scan3A_57 : i32 to index
      %swap3A_77 = arith.constant 48 : index
      %swap3A_78 = tpu.vector_load %arg9[%swap3A_76, %swap3A_77] {strides = array<i32>} : memref<80x128xf32, #tpu.memory_space<vmem>>, vector<16xf32>,
      tpu.vector_store %arg9[%swap3A_76, %swap3A_77], %broadcast_in_dim3A_11 {strides = array<i32>} : memref<80x128xf32, #tpu.memory_space<vmem>>, vector<16xf32>,
      %swap3A_79 = arith.index_cast %scan3A_57 : i32 to index
      %swap3A_80 = arith.constant 48 : index
      %swap3A_81 = tpu.vector_load %arg10[%swap3A_79, %swap3A_80] {strides = array<i32>} : memref<80x128xf32, #tpu.memory_space<vmem>>, vector<16xf32>,
      tpu.vector_store %arg10[%swap3A_79, %swap3A_80], %broadcast_in_dim3A_11 {strides = array<i32>} : memref<80x128xf32, #tpu.memory_space<vmem>>, vector<16xf32>,
      %swap3A_82 = arith.index_cast %scan3A_57 : i32 to index
      %swap3A_83 = arith.constant 64 : index
      %swap3A_84 = tpu.vector_load %arg9[%swap3A_82, %swap3A_83] {strides = array<i32>} : memref<80x128xf32, #tpu.memory_space<vmem>>, vector<16xf32>,
      tpu.vector_store %arg9[%swap3A_82, %swap3A_83], %broadcast_in_dim3A_11 {strides = array<i32>} : memref<80x128xf32, #tpu.memory_space<vmem>>, vector<16xf32>,
      %swap3A_85 = arith.index_cast %scan3A_57 : i32 to index
      %swap3A_86 = arith.constant 64 : index
      %swap3A_87 = tpu.vector_load %arg10[%swap3A_85, %swap3A_86] {strides = array<i32>} : memref<80x128xf32, #tpu.memory_space<vmem>>, vector<16xf32>,
      tpu.vector_store %arg10[%swap3A_85, %swap3A_86], %broadcast_in_dim3A_11 {strides = array<i32>} : memref<80x128xf32, #tpu.memory_space<vmem>>, vector<16xf32>,
      %swap3A_88 = arith.index_cast %scan3A_57 : i32 to index
      %swap3A_89 = arith.constant 80 : index
      %swap3A_90 = tpu.vector_load %arg9[%swap3A_88, %swap3A_89] {strides = array<i32>} : memref<80x128xf32, #tpu.memory_space<vmem>>, vector<16xf32>,
      tpu.vector_store %arg9[%swap3A_88, %swap3A_89], %broadcast_in_dim3A_11 {strides = array<i32>} : memref<80x128xf32, #tpu.memory_space<vmem>>, vector<16xf32>,
      %swap3A_91 = arith.index_cast %scan3A_57 : i32 to index
      %swap3A_92 = arith.constant 80 : index
      %swap3A_93 = tpu.vector_load %arg10[%swap3A_91, %swap3A_92] {strides = array<i32>} : memref<80x128xf32, #tpu.memory_space<vmem>>, vector<16xf32>,
      tpu.vector_store %arg10[%swap3A_91, %swap3A_92], %broadcast_in_dim3A_11 {strides = array<i32>} : memref<80x128xf32, #tpu.memory_space<vmem>>, vector<16xf32>,
      %swap3A_94 = arith.index_cast %scan3A_57 : i32 to index
      %swap3A_95 = arith.constant 96 : index
      %swap3A_96 = tpu.vector_load %arg9[%swap3A_94, %swap3A_95] {strides = array<i32>} : memref<80x128xf32, #tpu.memory_space<vmem>>, vector<16xf32>,
      tpu.vector_store %arg9[%swap3A_94, %swap3A_95], %broadcast_in_dim3A_11 {strides = array<i32>} : memref<80x128xf32, #tpu.memory_space<vmem>>, vector<16xf32>,
      %swap3A_97 = arith.index_cast %scan3A_57 : i32 to index
      %swap3A_98 = arith.constant 96 : index
      %swap3A_99 = tpu.vector_load %arg10[%swap3A_97, %swap3A_98] {strides = array<i32>} : memref<80x128xf32, #tpu.memory_space<vmem>>, vector<16xf32>,
      tpu.vector_store %arg10[%swap3A_97, %swap3A_98], %broadcast_in_dim3A_11 {strides = array<i32>} : memref<80x128xf32, #tpu.memory_space<vmem>>, vector<16xf32>,
      %swap3A_100 = arith.index_cast %scan3A_57 : i32 to index
      %swap3A_101 = arith.constant 112 : index
      %swap3A_102 = tpu.vector_load %arg9[%swap3A_100, %swap3A_101] {strides = array<i32>} : memref<80x128xf32, #tpu.memory_space<vmem>>, vector<16xf32>,
      tpu.vector_store %arg9[%swap3A_100, %swap3A_101], %broadcast_in_dim3A_11 {strides = array<i32>} : memref<80x128xf32, #tpu.memory_space<vmem>>, vector<16xf32>,
      %swap3A_103 = arith.index_cast %scan3A_57 : i32 to index
      %swap3A_104 = arith.constant 112 : index
      %swap3A_105 = tpu.vector_load %arg10[%swap3A_103, %swap3A_104] {strides = array<i32>} : memref<80x128xf32, #tpu.memory_space<vmem>>, vector<16xf32>,
      tpu.vector_store %arg10[%swap3A_103, %swap3A_104], %broadcast_in_dim3A_11 {strides = array<i32>} : memref<80x128xf32, #tpu.memory_space<vmem>>, vector<16xf32>,
    }
    %scan3A_16 = arith.constant 80 : i32
    %iota3A = tpu.iota {dimensions = array<i32: 0>} : vector<16xi32>
    %add3A_17 = arith.constant 0 : i32
    %add3A_18 = vector.broadcast %add3A_17 : i32 to vector<16xi32>
    %add3A_19 = arith.addi %iota3A, %add3A_18 : vector<16xi32>
    %swap3A = arith.constant 0 : index
    %swap3A_20 = tpu.vector_load %arg11[%swap3A] {strides = array<i32>} : memref<80xi32, #tpu.memory_space<vmem>>, vector<16xi32>,
    tpu.vector_store %arg11[%swap3A], %add3A_19 {strides = array<i32>} : memref<80xi32, #tpu.memory_space<vmem>>, vector<16xi32>,
    %add3A_21 = arith.constant 16 : i32
    %add3A_22 = vector.broadcast %add3A_21 : i32 to vector<16xi32>
    %add3A_23 = arith.addi %iota3A, %add3A_22 : vector<16xi32>
    %swap3A_24 = arith.constant 16 : index
    %swap3A_25 = tpu.vector_load %arg11[%swap3A_24] {strides = array<i32>} : memref<80xi32, #tpu.memory_space<vmem>>, vector<16xi32>,
    tpu.vector_store %arg11[%swap3A_24], %add3A_23 {strides = array<i32>} : memref<80xi32, #tpu.memory_space<vmem>>, vector<16xi32>,
    %add3A_26 = arith.constant 32 : i32
    %add3A_27 = vector.broadcast %add3A_26 : i32 to vector<16xi32>
    %add3A_28 = arith.addi %iota3A, %add3A_27 : vector<16xi32>
    %swap3A_29 = arith.constant 32 : index
    %swap3A_30 = tpu.vector_load %arg11[%swap3A_29] {strides = array<i32>} : memref<80xi32, #tpu.memory_space<vmem>>, vector<16xi32>,
    tpu.vector_store %arg11[%swap3A_29], %add3A_28 {strides = array<i32>} : memref<80xi32, #tpu.memory_space<vmem>>, vector<16xi32>,
    %add3A_31 = arith.constant 48 : i32
    %add3A_32 = vector.broadcast %add3A_31 : i32 to vector<16xi32>
    %add3A_33 = arith.addi %iota3A, %add3A_32 : vector<16xi32>
    %swap3A_34 = arith.constant 48 : index
    %swap3A_35 = tpu.vector_load %arg11[%swap3A_34] {strides = array<i32>} : memref<80xi32, #tpu.memory_space<vmem>>, vector<16xi32>,
    tpu.vector_store %arg11[%swap3A_34], %add3A_33 {strides = array<i32>} : memref<80xi32, #tpu.memory_space<vmem>>, vector<16xi32>,
    %add3A_36 = arith.constant 64 : i32
    %add3A_37 = vector.broadcast %add3A_36 : i32 to vector<16xi32>
    %add3A_38 = arith.addi %iota3A, %add3A_37 : vector<16xi32>
    %swap3A_39 = arith.constant 64 : index
    %swap3A_40 = tpu.vector_load %arg11[%swap3A_39] {strides = array<i32>} : memref<80xi32, #tpu.memory_space<vmem>>, vector<16xi32>,
    tpu.vector_store %arg11[%swap3A_39], %add3A_38 {strides = array<i32>} : memref<80xi32, #tpu.memory_space<vmem>>, vector<16xi32>,
    %eq3A = arith.constant 0 : i32
    %eq3A_41 = arith.cmpi eq, %arg1, %eq3A : i32
    %convert_element_type3A = arith.extui %eq3A_41 : i1 to i32
    %cond3A = arith.constant 0 : i32
    %cond3A_42 = arith.cmpi ne, %convert_element_type3A, %cond3A : i32
    scf.if %cond3A_42 {
      "tpu.region"() ({
        %run_scoped3A = tpu.sem_alloc : memref<!tpu.dma_semaphore, #tpu.memory_space<semaphore_mem>>
        tpu.enqueue_dma source(%arg9 : memref<80x128xf32, #tpu.memory_space<vmem>>) target(%arg12 : memref<80x128xf32, #tpu.memory_space<vmem_shared>>) target_semaphore(%run_scoped3A : memref<!tpu.dma_semaphore, #tpu.memory_space<semaphore_mem>>)
        tpu.wait_dma2 semaphore(%run_scoped3A : memref<!tpu.dma_semaphore, #tpu.memory_space<semaphore_mem>>) src(%arg9 : memref<80x128xf32, #tpu.memory_space<vmem>>) dst(%arg12 : memref<80x128xf32, #tpu.memory_space<vmem_shared>>)
        tpu.yield
      }) : () -> ()
      "tpu.region"() ({
        %run_scoped3A = tpu.sem_alloc : memref<!tpu.dma_semaphore, #tpu.memory_space<semaphore_mem>>
        tpu.enqueue_dma source(%arg10 : memref<80x128xf32, #tpu.memory_space<vmem>>) target(%arg13 : memref<80x128xf32, #tpu.memory_space<vmem_shared>>) target_semaphore(%run_scoped3A : memref<!tpu.dma_semaphore, #tpu.memory_space<semaphore_mem>>)
        tpu.wait_dma2 semaphore(%run_scoped3A : memref<!tpu.dma_semaphore, #tpu.memory_space<semaphore_mem>>) src(%arg10 : memref<80x128xf32, #tpu.memory_space<vmem>>) dst(%arg13 : memref<80x128xf32, #tpu.memory_space<vmem_shared>>)
        tpu.yield
      }) : () -> ()
    } else {
    }
    %broadcast_in_dim3A_43 = arith.constant 1.000000e+00 : f32
    %broadcast_in_dim3A_44 = vector.broadcast %broadcast_in_dim3A_43 : f32 to vector<16xf32>
    %scan3A_45 = arith.constant 0 : i32
    %scan3A_46 = arith.constant 0 : i32
    %scan3A_47 = arith.constant 10 : i32
    %scan3A_48 = arith.addi %scan3A_46, %scan3A_47 : i32
    %scan3A_49 = arith.constant 1 : i32
    scf.for %scan3A_57 = %scan3A_46 to %scan3A_48 step %scan3A_49  : i32 {
      %mul3A_58 = arith.constant 2 : i32
      %mul3A_59 = arith.muli %mul3A_58, %scan3A_57 : i32
      %dma_wait3A = arith.constant 0 : i32
      %dma_wait3A_60 = tpu.memref_slice %arg2[%dma_wait3A] : memref<1280000xf32, #tpu.memory_space<hbm>> -> memref<2048xf32, #tpu.memory_space<hbm>>
      %dma_wait3A_61 = arith.constant 0 : i32
      %dma_wait3A_62 = tpu.memref_slice %arg2[%dma_wait3A_61] : memref<1280000xf32, #tpu.memory_space<hbm>> -> memref<2048xf32, #tpu.memory_space<hbm>>
      tpu.wait_dma2 semaphore(%arg14 : memref<!tpu.dma_semaphore, #tpu.memory_space<semaphore_mem>>) src(%dma_wait3A_62 : memref<2048xf32, #tpu.memory_space<hbm>>) dst(%arg5 : memref<2048xf32, #tpu.memory_space<vmem>>)
      %dma_wait3A_63 = arith.constant 0 : i32
      %dma_wait3A_64 = tpu.memref_slice %arg3[%dma_wait3A_63] : memref<640000xi32, #tpu.memory_space<hbm>> -> memref<1024xi32, #tpu.memory_space<hbm>>
      %dma_wait3A_65 = arith.constant 0 : i32
      %dma_wait3A_66 = tpu.memref_slice %arg3[%dma_wait3A_65] : memref<640000xi32, #tpu.memory_space<hbm>> -> memref<1024xi32, #tpu.memory_space<hbm>>
      tpu.wait_dma2 semaphore(%arg16 : memref<!tpu.dma_semaphore, #tpu.memory_space<semaphore_mem>>) src(%dma_wait3A_66 : memref<1024xi32, #tpu.memory_space<hbm>>) dst(%arg7 : memref<1024xi32, #tpu.memory_space<vmem>>)
      %add3A_67 = arith.constant 1 : i32
      %add3A_68 = arith.addi %mul3A_59, %add3A_67 : i32
      %mul3A_69 = arith.constant 32 : i32
      %mul3A_70 = arith.muli %add3A_68, %mul3A_69 : i32
      %add3A_71 = arith.addi %mul3A_70, %add3A : i32
      %min3A_72 = arith.constant 624 : i32
      %min3A_73 = arith.minsi %add3A_71, %min3A_72 : i32
      %mul3A_74 = arith.constant 2048 : i32
      %mul3A_75 = arith.muli %min3A_73, %mul3A_74 : i32
      %dma_start3A_76 = tpu.memref_slice %arg2[%mul3A_75] : memref<1280000xf32, #tpu.memory_space<hbm>> -> memref<2048xf32, #tpu.memory_space<hbm>>
      %dma_start3A_77 = tpu.memref_slice %arg2[%mul3A_75] : memref<1280000xf32, #tpu.memory_space<hbm>> -> memref<2048xf32, #tpu.memory_space<hbm>>
      tpu.enqueue_dma source(%dma_start3A_77 : memref<2048xf32, #tpu.memory_space<hbm>>) target(%arg6 : memref<2048xf32, #tpu.memory_space<vmem>>) target_semaphore(%arg15 : memref<!tpu.dma_semaphore, #tpu.memory_space<semaphore_mem>>)
      %mul3A_78 = arith.constant 1024 : i32
      %mul3A_79 = arith.muli %min3A_73, %mul3A_78 : i32
      %dma_start3A_80 = tpu.memref_slice %arg3[%mul3A_79] : memref<640000xi32, #tpu.memory_space<hbm>> -> memref<1024xi32, #tpu.memory_space<hbm>>
      %dma_start3A_81 = tpu.memref_slice %arg3[%mul3A_79] : memref<640000xi32, #tpu.memory_space<hbm>> -> memref<1024xi32, #tpu.memory_space<hbm>>
      tpu.enqueue_dma source(%dma_start3A_81 : memref<1024xi32, #tpu.memory_space<hbm>>) target(%arg8 : memref<1024xi32, #tpu.memory_space<vmem>>) target_semaphore(%arg17 : memref<!tpu.dma_semaphore, #tpu.memory_space<semaphore_mem>>)
      %mul3A_82 = arith.constant 32 : i32
      %mul3A_83 = arith.muli %mul3A_59, %mul3A_82 : i32
      %add3A_84 = arith.addi %mul3A_83, %add3A : i32
      %le3A = arith.constant 624 : i32
      %le3A_85 = arith.cmpi sle, %add3A_84, %le3A : i32
      %convert_element_type3A_86 = arith.extui %le3A_85 : i1 to i32
      %cond3A_87 = arith.constant 0 : i32
      %cond3A_88 = arith.cmpi ne, %convert_element_type3A_86, %cond3A_87 : i32
      scf.if %cond3A_88 {
        %get3A = arith.constant 0 : index
        %get3A_111 = tpu.vector_load %arg5[%get3A] {strides = array<i32>} : memref<2048xf32, #tpu.memory_space<vmem>>, vector<16xf32>,
        %get3A_112 = arith.constant 128 : index
        %get3A_113 = tpu.vector_load %arg5[%get3A_112] {strides = array<i32>} : memref<2048xf32, #tpu.memory_space<vmem>>, vector<16xf32>,
        %get3A_114 = arith.constant 256 : index
        %get3A_115 = tpu.vector_load %arg5[%get3A_114] {strides = array<i32>} : memref<2048xf32, #tpu.memory_space<vmem>>, vector<16xf32>,
        %get3A_116 = arith.constant 384 : index
        %get3A_117 = tpu.vector_load %arg5[%get3A_116] {strides = array<i32>} : memref<2048xf32, #tpu.memory_space<vmem>>, vector<16xf32>,
        %gt3A = arith.cmpf ogt, %get3A_113, %get3A_111 : vector<16xf32>
        %ge3A = arith.cmpf oge, %get3A_113, %get3A_115 : vector<16xf32>
        %and3A = arith.andi %gt3A, %ge3A : vector<16xi1>
        %ge3A_118 = arith.cmpf oge, %get3A_113, %get3A_117 : vector<16xf32>
        %and3A_119 = arith.andi %and3A, %ge3A_118 : vector<16xi1>
        %gt3A_120 = arith.cmpf ogt, %get3A_115, %get3A_111 : vector<16xf32>
        %gt3A_121 = arith.cmpf ogt, %get3A_115, %get3A_113 : vector<16xf32>
        %and3A_122 = arith.andi %gt3A_120, %gt3A_121 : vector<16xi1>
        %ge3A_123 = arith.cmpf oge, %get3A_115, %get3A_117 : vector<16xf32>
        %and3A_124 = arith.andi %and3A_122, %ge3A_123 : vector<16xi1>
        %get3A_125 = arith.constant 0 : index
        %get3A_126 = tpu.vector_load %arg7[%get3A_125] {strides = array<i32>} : memref<1024xi32, #tpu.memory_space<vmem>>, vector<16xi32>,
        %get3A_127 = arith.constant 128 : index
        %get3A_128 = tpu.vector_load %arg7[%get3A_127] {strides = array<i32>} : memref<1024xi32, #tpu.memory_space<vmem>>, vector<16xi32>,
        %shift_right_logical3A = arith.constant 7 : i32
        %shift_right_logical3A_129 = vector.broadcast %shift_right_logical3A : i32 to vector<16xi32>
        %shift_right_logical3A_130 = arith.shrui %get3A_126, %shift_right_logical3A_129 : vector<16xi32>
        %and3A_131 = arith.constant 127 : i32
        %and3A_132 = vector.broadcast %and3A_131 : i32 to vector<16xi32>
        %and3A_133 = arith.andi %get3A_126, %and3A_132 : vector<16xi32>
        %shift_right_logical3A_134 = arith.constant 7 : i32
        %shift_right_logical3A_135 = vector.broadcast %shift_right_logical3A_134 : i32 to vector<16xi32>
        %shift_right_logical3A_136 = arith.shrui %get3A_128, %shift_right_logical3A_135 : vector<16xi32>
        %and3A_137 = arith.constant 127 : i32
        %and3A_138 = vector.broadcast %and3A_137 : i32 to vector<16xi32>
        %and3A_139 = arith.andi %get3A_128, %and3A_138 : vector<16xi32>
        tpu.vector_store_idx %arg9[%shift_right_logical3A_130, %and3A_133], %broadcast_in_dim3A_44 masked %and3A_119 {add = true} : memref<80x128xf32, #tpu.memory_space<vmem>>[vector<16xi32>, vector<16xi32>], vector<16xf32>, vector<16xi1>
        tpu.vector_store_idx %arg9[%shift_right_logical3A_136, %and3A_139], %broadcast_in_dim3A_44 masked %and3A_119 {add = true} : memref<80x128xf32, #tpu.memory_space<vmem>>[vector<16xi32>, vector<16xi32>], vector<16xf32>, vector<16xi1>
        tpu.vector_store_idx %arg10[%shift_right_logical3A_130, %and3A_133], %broadcast_in_dim3A_44 masked %and3A_124 {add = true} : memref<80x128xf32, #tpu.memory_space<vmem>>[vector<16xi32>, vector<16xi32>], vector<16xf32>, vector<16xi1>
        tpu.vector_store_idx %arg10[%shift_right_logical3A_136, %and3A_139], %broadcast_in_dim3A_44 masked %and3A_124 {add = true} : memref<80x128xf32, #tpu.memory_space<vmem>>[vector<16xi32>, vector<16xi32>], vector<16xf32>, vector<16xi1>
        %get3A_140 = arith.constant 16 : index
        %get3A_141 = tpu.vector_load %arg5[%get3A_140] {strides = array<i32>} : memref<2048xf32, #tpu.memory_space<vmem>>, vector<16xf32>,
        %get3A_142 = arith.constant 144 : index
        %get3A_143 = tpu.vector_load %arg5[%get3A_142] {strides = array<i32>} : memref<2048xf32, #tpu.memory_space<vmem>>, vector<16xf32>,
        %get3A_144 = arith.constant 272 : index
        %get3A_145 = tpu.vector_load %arg5[%get3A_144] {strides = array<i32>} : memref<2048xf32, #tpu.memory_space<vmem>>, vector<16xf32>,
        %get3A_146 = arith.constant 400 : index
        %get3A_147 = tpu.vector_load %arg5[%get3A_146] {strides = array<i32>} : memref<2048xf32, #tpu.memory_space<vmem>>, vector<16xf32>,
        %gt3A_148 = arith.cmpf ogt, %get3A_143, %get3A_141 : vector<16xf32>
        %ge3A_149 = arith.cmpf oge, %get3A_143, %get3A_145 : vector<16xf32>
        %and3A_150 = arith.andi %gt3A_148, %ge3A_149 : vector<16xi1>
        %ge3A_151 = arith.cmpf oge, %get3A_143, %get3A_147 : vector<16xf32>
        %and3A_152 = arith.andi %and3A_150, %ge3A_151 : vector<16xi1>
        %gt3A_153 = arith.cmpf ogt, %get3A_145, %get3A_141 : vector<16xf32>
        %gt3A_154 = arith.cmpf ogt, %get3A_145, %get3A_143 : vector<16xf32>
        %and3A_155 = arith.andi %gt3A_153, %gt3A_154 : vector<16xi1>
        %ge3A_156 = arith.cmpf oge, %get3A_145, %get3A_147 : vector<16xf32>
        %and3A_157 = arith.andi %and3A_155, %ge3A_156 : vector<16xi1>
        %get3A_158 = arith.constant 16 : index
        %get3A_159 = tpu.vector_load %arg7[%get3A_158] {strides = array<i32>} : memref<1024xi32, #tpu.memory_space<vmem>>, vector<16xi32>,
        %get3A_160 = arith.constant 144 : index
        %get3A_161 = tpu.vector_load %arg7[%get3A_160] {strides = array<i32>} : memref<1024xi32, #tpu.memory_space<vmem>>, vector<16xi32>,
        %shift_right_logical3A_162 = arith.constant 7 : i32
        %shift_right_logical3A_163 = vector.broadcast %shift_right_logical3A_162 : i32 to vector<16xi32>
        %shift_right_logical3A_164 = arith.shrui %get3A_159, %shift_right_logical3A_163 : vector<16xi32>
        %and3A_165 = arith.constant 127 : i32
        %and3A_166 = vector.broadcast %and3A_165 : i32 to vector<16xi32>
        %and3A_167 = arith.andi %get3A_159, %and3A_166 : vector<16xi32>
        %shift_right_logical3A_168 = arith.constant 7 : i32
        %shift_right_logical3A_169 = vector.broadcast %shift_right_logical3A_168 : i32 to vector<16xi32>
        %shift_right_logical3A_170 = arith.shrui %get3A_161, %shift_right_logical3A_169 : vector<16xi32>
        %and3A_171 = arith.constant 127 : i32
        %and3A_172 = vector.broadcast %and3A_171 : i32 to vector<16xi32>
        %and3A_173 = arith.andi %get3A_161, %and3A_172 : vector<16xi32>
        tpu.vector_store_idx %arg9[%shift_right_logical3A_164, %and3A_167], %broadcast_in_dim3A_44 masked %and3A_152 {add = true} : memref<80x128xf32, #tpu.memory_space<vmem>>[vector<16xi32>, vector<16xi32>], vector<16xf32>, vector<16xi1>
        tpu.vector_store_idx %arg9[%shift_right_logical3A_170, %and3A_173], %broadcast_in_dim3A_44 masked %and3A_152 {add = true} : memref<80x128xf32, #tpu.memory_space<vmem>>[vector<16xi32>, vector<16xi32>], vector<16xf32>, vector<16xi1>
        tpu.vector_store_idx %arg10[%shift_right_logical3A_164, %and3A_167], %broadcast_in_dim3A_44 masked %and3A_157 {add = true} : memref<80x128xf32, #tpu.memory_space<vmem>>[vector<16xi32>, vector<16xi32>], vector<16xf32>, vector<16xi1>
        tpu.vector_store_idx %arg10[%shift_right_logical3A_170, %and3A_173], %broadcast_in_dim3A_44 masked %and3A_157 {add = true} : memref<80x128xf32, #tpu.memory_space<vmem>>[vector<16xi32>, vector<16xi32>], vector<16xf32>, vector<16xi1>
        %get3A_174 = arith.constant 32 : index
        %get3A_175 = tpu.vector_load %arg5[%get3A_174] {strides = array<i32>} : memref<2048xf32, #tpu.memory_space<vmem>>, vector<16xf32>,
        %get3A_176 = arith.constant 160 : index
        %get3A_177 = tpu.vector_load %arg5[%get3A_176] {strides = array<i32>} : memref<2048xf32, #tpu.memory_space<vmem>>, vector<16xf32>,
        %get3A_178 = arith.constant 288 : index
        %get3A_179 = tpu.vector_load %arg5[%get3A_178] {strides = array<i32>} : memref<2048xf32, #tpu.memory_space<vmem>>, vector<16xf32>,
        %get3A_180 = arith.constant 416 : index
        %get3A_181 = tpu.vector_load %arg5[%get3A_180] {strides = array<i32>} : memref<2048xf32, #tpu.memory_space<vmem>>, vector<16xf32>,
        %gt3A_182 = arith.cmpf ogt, %get3A_177, %get3A_175 : vector<16xf32>
        %ge3A_183 = arith.cmpf oge, %get3A_177, %get3A_179 : vector<16xf32>
        %and3A_184 = arith.andi %gt3A_182, %ge3A_183 : vector<16xi1>
        %ge3A_185 = arith.cmpf oge, %get3A_177, %get3A_181 : vector<16xf32>
        %and3A_186 = arith.andi %and3A_184, %ge3A_185 : vector<16xi1>
        %gt3A_187 = arith.cmpf ogt, %get3A_179, %get3A_175 : vector<16xf32>
        %gt3A_188 = arith.cmpf ogt, %get3A_179, %get3A_177 : vector<16xf32>
        %and3A_189 = arith.andi %gt3A_187, %gt3A_188 : vector<16xi1>
        %ge3A_190 = arith.cmpf oge, %get3A_179, %get3A_181 : vector<16xf32>
        %and3A_191 = arith.andi %and3A_189, %ge3A_190 : vector<16xi1>
        %get3A_192 = arith.constant 32 : index
        %get3A_193 = tpu.vector_load %arg7[%get3A_192] {strides = array<i32>} : memref<1024xi32, #tpu.memory_space<vmem>>, vector<16xi32>,
        %get3A_194 = arith.constant 160 : index
        %get3A_195 = tpu.vector_load %arg7[%get3A_194] {strides = array<i32>} : memref<1024xi32, #tpu.memory_space<vmem>>, vector<16xi32>,
        %shift_right_logical3A_196 = arith.constant 7 : i32
        %shift_right_logical3A_197 = vector.broadcast %shift_right_logical3A_196 : i32 to vector<16xi32>
        %shift_right_logical3A_198 = arith.shrui %get3A_193, %shift_right_logical3A_197 : vector<16xi32>
        %and3A_199 = arith.constant 127 : i32
        %and3A_200 = vector.broadcast %and3A_199 : i32 to vector<16xi32>
        %and3A_201 = arith.andi %get3A_193, %and3A_200 : vector<16xi32>
        %shift_right_logical3A_202 = arith.constant 7 : i32
        %shift_right_logical3A_203 = vector.broadcast %shift_right_logical3A_202 : i32 to vector<16xi32>
        %shift_right_logical3A_204 = arith.shrui %get3A_195, %shift_right_logical3A_203 : vector<16xi32>
        %and3A_205 = arith.constant 127 : i32
        %and3A_206 = vector.broadcast %and3A_205 : i32 to vector<16xi32>
        %and3A_207 = arith.andi %get3A_195, %and3A_206 : vector<16xi32>
        tpu.vector_store_idx %arg9[%shift_right_logical3A_198, %and3A_201], %broadcast_in_dim3A_44 masked %and3A_186 {add = true} : memref<80x128xf32, #tpu.memory_space<vmem>>[vector<16xi32>, vector<16xi32>], vector<16xf32>, vector<16xi1>
        tpu.vector_store_idx %arg9[%shift_right_logical3A_204, %and3A_207], %broadcast_in_dim3A_44 masked %and3A_186 {add = true} : memref<80x128xf32, #tpu.memory_space<vmem>>[vector<16xi32>, vector<16xi32>], vector<16xf32>, vector<16xi1>
        tpu.vector_store_idx %arg10[%shift_right_logical3A_198, %and3A_201], %broadcast_in_dim3A_44 masked %and3A_191 {add = true} : memref<80x128xf32, #tpu.memory_space<vmem>>[vector<16xi32>, vector<16xi32>], vector<16xf32>, vector<16xi1>
        tpu.vector_store_idx %arg10[%shift_right_logical3A_204, %and3A_207], %broadcast_in_dim3A_44 masked %and3A_191 {add = true} : memref<80x128xf32, #tpu.memory_space<vmem>>[vector<16xi32>, vector<16xi32>], vector<16xf32>, vector<16xi1>
        %get3A_208 = arith.constant 48 : index
        %get3A_209 = tpu.vector_load %arg5[%get3A_208] {strides = array<i32>} : memref<2048xf32, #tpu.memory_space<vmem>>, vector<16xf32>,
        %get3A_210 = arith.constant 176 : index
        %get3A_211 = tpu.vector_load %arg5[%get3A_210] {strides = array<i32>} : memref<2048xf32, #tpu.memory_space<vmem>>, vector<16xf32>,
        %get3A_212 = arith.constant 304 : index
        %get3A_213 = tpu.vector_load %arg5[%get3A_212] {strides = array<i32>} : memref<2048xf32, #tpu.memory_space<vmem>>, vector<16xf32>,
        %get3A_214 = arith.constant 432 : index
        %get3A_215 = tpu.vector_load %arg5[%get3A_214] {strides = array<i32>} : memref<2048xf32, #tpu.memory_space<vmem>>, vector<16xf32>,
        %gt3A_216 = arith.cmpf ogt, %get3A_211, %get3A_209 : vector<16xf32>
        %ge3A_217 = arith.cmpf oge, %get3A_211, %get3A_213 : vector<16xf32>
        %and3A_218 = arith.andi %gt3A_216, %ge3A_217 : vector<16xi1>
        %ge3A_219 = arith.cmpf oge, %get3A_211, %get3A_215 : vector<16xf32>
        %and3A_220 = arith.andi %and3A_218, %ge3A_219 : vector<16xi1>
        %gt3A_221 = arith.cmpf ogt, %get3A_213, %get3A_209 : vector<16xf32>
        %gt3A_222 = arith.cmpf ogt, %get3A_213, %get3A_211 : vector<16xf32>
        %and3A_223 = arith.andi %gt3A_221, %gt3A_222 : vector<16xi1>
        %ge3A_224 = arith.cmpf oge, %get3A_213, %get3A_215 : vector<16xf32>
        %and3A_225 = arith.andi %and3A_223, %ge3A_224 : vector<16xi1>
        %get3A_226 = arith.constant 48 : index
        %get3A_227 = tpu.vector_load %arg7[%get3A_226] {strides = array<i32>} : memref<1024xi32, #tpu.memory_space<vmem>>, vector<16xi32>,
        %get3A_228 = arith.constant 176 : index
        %get3A_229 = tpu.vector_load %arg7[%get3A_228] {strides = array<i32>} : memref<1024xi32, #tpu.memory_space<vmem>>, vector<16xi32>,
        %shift_right_logical3A_230 = arith.constant 7 : i32
        %shift_right_logical3A_231 = vector.broadcast %shift_right_logical3A_230 : i32 to vector<16xi32>
        %shift_right_logical3A_232 = arith.shrui %get3A_227, %shift_right_logical3A_231 : vector<16xi32>
        %and3A_233 = arith.constant 127 : i32
        %and3A_234 = vector.broadcast %and3A_233 : i32 to vector<16xi32>
        %and3A_235 = arith.andi %get3A_227, %and3A_234 : vector<16xi32>
        %shift_right_logical3A_236 = arith.constant 7 : i32
        %shift_right_logical3A_237 = vector.broadcast %shift_right_logical3A_236 : i32 to vector<16xi32>
        %shift_right_logical3A_238 = arith.shrui %get3A_229, %shift_right_logical3A_237 : vector<16xi32>
        %and3A_239 = arith.constant 127 : i32
        %and3A_240 = vector.broadcast %and3A_239 : i32 to vector<16xi32>
        %and3A_241 = arith.andi %get3A_229, %and3A_240 : vector<16xi32>
        tpu.vector_store_idx %arg9[%shift_right_logical3A_232, %and3A_235], %broadcast_in_dim3A_44 masked %and3A_220 {add = true} : memref<80x128xf32, #tpu.memory_space<vmem>>[vector<16xi32>, vector<16xi32>], vector<16xf32>, vector<16xi1>
        tpu.vector_store_idx %arg9[%shift_right_logical3A_238, %and3A_241], %broadcast_in_dim3A_44 masked %and3A_220 {add = true} : memref<80x128xf32, #tpu.memory_space<vmem>>[vector<16xi32>, vector<16xi32>], vector<16xf32>, vector<16xi1>
        tpu.vector_store_idx %arg10[%shift_right_logical3A_232, %and3A_235], %broadcast_in_dim3A_44 masked %and3A_225 {add = true} : memref<80x128xf32, #tpu.memory_space<vmem>>[vector<16xi32>, vector<16xi32>], vector<16xf32>, vector<16xi1>
        tpu.vector_store_idx %arg10[%shift_right_logical3A_238, %and3A_241], %broadcast_in_dim3A_44 masked %and3A_225 {add = true} : memref<80x128xf32, #tpu.memory_space<vmem>>[vector<16xi32>, vector<16xi32>], vector<16xf32>, vector<16xi1>
        %get3A_242 = arith.constant 64 : index
        %get3A_243 = tpu.vector_load %arg5[%get3A_242] {strides = array<i32>} : memref<2048xf32, #tpu.memory_space<vmem>>, vector<16xf32>,
        %get3A_244 = arith.constant 192 : index
        %get3A_245 = tpu.vector_load %arg5[%get3A_244] {strides = array<i32>} : memref<2048xf32, #tpu.memory_space<vmem>>, vector<16xf32>,
        %get3A_246 = arith.constant 320 : index
        %get3A_247 = tpu.vector_load %arg5[%get3A_246] {strides = array<i32>} : memref<2048xf32, #tpu.memory_space<vmem>>, vector<16xf32>,
        %get3A_248 = arith.constant 448 : index
        %get3A_249 = tpu.vector_load %arg5[%get3A_248] {strides = array<i32>} : memref<2048xf32, #tpu.memory_space<vmem>>, vector<16xf32>,
        %gt3A_250 = arith.cmpf ogt, %get3A_245, %get3A_243 : vector<16xf32>
        %ge3A_251 = arith.cmpf oge, %get3A_245, %get3A_247 : vector<16xf32>
        %and3A_252 = arith.andi %gt3A_250, %ge3A_251 : vector<16xi1>
        %ge3A_253 = arith.cmpf oge, %get3A_245, %get3A_249 : vector<16xf32>
        %and3A_254 = arith.andi %and3A_252, %ge3A_253 : vector<16xi1>
        %gt3A_255 = arith.cmpf ogt, %get3A_247, %get3A_243 : vector<16xf32>
        %gt3A_256 = arith.cmpf ogt, %get3A_247, %get3A_245 : vector<16xf32>
        %and3A_257 = arith.andi %gt3A_255, %gt3A_256 : vector<16xi1>
        %ge3A_258 = arith.cmpf oge, %get3A_247, %get3A_249 : vector<16xf32>
        %and3A_259 = arith.andi %and3A_257, %ge3A_258 : vector<16xi1>
        %get3A_260 = arith.constant 64 : index
        %get3A_261 = tpu.vector_load %arg7[%get3A_260] {strides = array<i32>} : memref<1024xi32, #tpu.memory_space<vmem>>, vector<16xi32>,
        %get3A_262 = arith.constant 192 : index
        %get3A_263 = tpu.vector_load %arg7[%get3A_262] {strides = array<i32>} : memref<1024xi32, #tpu.memory_space<vmem>>, vector<16xi32>,
        %shift_right_logical3A_264 = arith.constant 7 : i32
        %shift_right_logical3A_265 = vector.broadcast %shift_right_logical3A_264 : i32 to vector<16xi32>
        %shift_right_logical3A_266 = arith.shrui %get3A_261, %shift_right_logical3A_265 : vector<16xi32>
        %and3A_267 = arith.constant 127 : i32
        %and3A_268 = vector.broadcast %and3A_267 : i32 to vector<16xi32>
        %and3A_269 = arith.andi %get3A_261, %and3A_268 : vector<16xi32>
        %shift_right_logical3A_270 = arith.constant 7 : i32
        %shift_right_logical3A_271 = vector.broadcast %shift_right_logical3A_270 : i32 to vector<16xi32>
        %shift_right_logical3A_272 = arith.shrui %get3A_263, %shift_right_logical3A_271 : vector<16xi32>
        %and3A_273 = arith.constant 127 : i32
        %and3A_274 = vector.broadcast %and3A_273 : i32 to vector<16xi32>
        %and3A_275 = arith.andi %get3A_263, %and3A_274 : vector<16xi32>
        tpu.vector_store_idx %arg9[%shift_right_logical3A_266, %and3A_269], %broadcast_in_dim3A_44 masked %and3A_254 {add = true} : memref<80x128xf32, #tpu.memory_space<vmem>>[vector<16xi32>, vector<16xi32>], vector<16xf32>, vector<16xi1>
        tpu.vector_store_idx %arg9[%shift_right_logical3A_272, %and3A_275], %broadcast_in_dim3A_44 masked %and3A_254 {add = true} : memref<80x128xf32, #tpu.memory_space<vmem>>[vector<16xi32>, vector<16xi32>], vector<16xf32>, vector<16xi1>
        tpu.vector_store_idx %arg10[%shift_right_logical3A_266, %and3A_269], %broadcast_in_dim3A_44 masked %and3A_259 {add = true} : memref<80x128xf32, #tpu.memory_space<vmem>>[vector<16xi32>, vector<16xi32>], vector<16xf32>, vector<16xi1>
        tpu.vector_store_idx %arg10[%shift_right_logical3A_272, %and3A_275], %broadcast_in_dim3A_44 masked %and3A_259 {add = true} : memref<80x128xf32, #tpu.memory_space<vmem>>[vector<16xi32>, vector<16xi32>], vector<16xf32>, vector<16xi1>
        %get3A_276 = arith.constant 80 : index
        %get3A_277 = tpu.vector_load %arg5[%get3A_276] {strides = array<i32>} : memref<2048xf32, #tpu.memory_space<vmem>>, vector<16xf32>,
        %get3A_278 = arith.constant 208 : index
        %get3A_279 = tpu.vector_load %arg5[%get3A_278] {strides = array<i32>} : memref<2048xf32, #tpu.memory_space<vmem>>, vector<16xf32>,
        %get3A_280 = arith.constant 336 : index
        %get3A_281 = tpu.vector_load %arg5[%get3A_280] {strides = array<i32>} : memref<2048xf32, #tpu.memory_space<vmem>>, vector<16xf32>,
        %get3A_282 = arith.constant 464 : index
        %get3A_283 = tpu.vector_load %arg5[%get3A_282] {strides = array<i32>} : memref<2048xf32, #tpu.memory_space<vmem>>, vector<16xf32>,
        %gt3A_284 = arith.cmpf ogt, %get3A_279, %get3A_277 : vector<16xf32>
        %ge3A_285 = arith.cmpf oge, %get3A_279, %get3A_281 : vector<16xf32>
        %and3A_286 = arith.andi %gt3A_284, %ge3A_285 : vector<16xi1>
        %ge3A_287 = arith.cmpf oge, %get3A_279, %get3A_283 : vector<16xf32>
        %and3A_288 = arith.andi %and3A_286, %ge3A_287 : vector<16xi1>
        %gt3A_289 = arith.cmpf ogt, %get3A_281, %get3A_277 : vector<16xf32>
        %gt3A_290 = arith.cmpf ogt, %get3A_281, %get3A_279 : vector<16xf32>
        %and3A_291 = arith.andi %gt3A_289, %gt3A_290 : vector<16xi1>
        %ge3A_292 = arith.cmpf oge, %get3A_281, %get3A_283 : vector<16xf32>
        %and3A_293 = arith.andi %and3A_291, %ge3A_292 : vector<16xi1>
        %get3A_294 = arith.constant 80 : index
        %get3A_295 = tpu.vector_load %arg7[%get3A_294] {strides = array<i32>} : memref<1024xi32, #tpu.memory_space<vmem>>, vector<16xi32>,
        %get3A_296 = arith.constant 208 : index
        %get3A_297 = tpu.vector_load %arg7[%get3A_296] {strides = array<i32>} : memref<1024xi32, #tpu.memory_space<vmem>>, vector<16xi32>,
        %shift_right_logical3A_298 = arith.constant 7 : i32
        %shift_right_logical3A_299 = vector.broadcast %shift_right_logical3A_298 : i32 to vector<16xi32>
        %shift_right_logical3A_300 = arith.shrui %get3A_295, %shift_right_logical3A_299 : vector<16xi32>
        %and3A_301 = arith.constant 127 : i32
        %and3A_302 = vector.broadcast %and3A_301 : i32 to vector<16xi32>
        %and3A_303 = arith.andi %get3A_295, %and3A_302 : vector<16xi32>
        %shift_right_logical3A_304 = arith.constant 7 : i32
        %shift_right_logical3A_305 = vector.broadcast %shift_right_logical3A_304 : i32 to vector<16xi32>
        %shift_right_logical3A_306 = arith.shrui %get3A_297, %shift_right_logical3A_305 : vector<16xi32>
        %and3A_307 = arith.constant 127 : i32
        %and3A_308 = vector.broadcast %and3A_307 : i32 to vector<16xi32>
        %and3A_309 = arith.andi %get3A_297, %and3A_308 : vector<16xi32>
        tpu.vector_store_idx %arg9[%shift_right_logical3A_300, %and3A_303], %broadcast_in_dim3A_44 masked %and3A_288 {add = true} : memref<80x128xf32, #tpu.memory_space<vmem>>[vector<16xi32>, vector<16xi32>], vector<16xf32>, vector<16xi1>
        tpu.vector_store_idx %arg9[%shift_right_logical3A_306, %and3A_309], %broadcast_in_dim3A_44 masked %and3A_288 {add = true} : memref<80x128xf32, #tpu.memory_space<vmem>>[vector<16xi32>, vector<16xi32>], vector<16xf32>, vector<16xi1>
        tpu.vector_store_idx %arg10[%shift_right_logical3A_300, %and3A_303], %broadcast_in_dim3A_44 masked %and3A_293 {add = true} : memref<80x128xf32, #tpu.memory_space<vmem>>[vector<16xi32>, vector<16xi32>], vector<16xf32>, vector<16xi1>
        tpu.vector_store_idx %arg10[%shift_right_logical3A_306, %and3A_309], %broadcast_in_dim3A_44 masked %and3A_293 {add = true} : memref<80x128xf32, #tpu.memory_space<vmem>>[vector<16xi32>, vector<16xi32>], vector<16xf32>, vector<16xi1>
        %get3A_310 = arith.constant 96 : index
        %get3A_311 = tpu.vector_load %arg5[%get3A_310] {strides = array<i32>} : memref<2048xf32, #tpu.memory_space<vmem>>, vector<16xf32>,
        %get3A_312 = arith.constant 224 : index
        %get3A_313 = tpu.vector_load %arg5[%get3A_312] {strides = array<i32>} : memref<2048xf32, #tpu.memory_space<vmem>>, vector<16xf32>,
        %get3A_314 = arith.constant 352 : index
        %get3A_315 = tpu.vector_load %arg5[%get3A_314] {strides = array<i32>} : memref<2048xf32, #tpu.memory_space<vmem>>, vector<16xf32>,
        %get3A_316 = arith.constant 480 : index
        %get3A_317 = tpu.vector_load %arg5[%get3A_316] {strides = array<i32>} : memref<2048xf32, #tpu.memory_space<vmem>>, vector<16xf32>,
        %gt3A_318 = arith.cmpf ogt, %get3A_313, %get3A_311 : vector<16xf32>
        %ge3A_319 = arith.cmpf oge, %get3A_313, %get3A_315 : vector<16xf32>
        %and3A_320 = arith.andi %gt3A_318, %ge3A_319 : vector<16xi1>
        %ge3A_321 = arith.cmpf oge, %get3A_313, %get3A_317 : vector<16xf32>
        %and3A_322 = arith.andi %and3A_320, %ge3A_321 : vector<16xi1>
        %gt3A_323 = arith.cmpf ogt, %get3A_315, %get3A_311 : vector<16xf32>
        %gt3A_324 = arith.cmpf ogt, %get3A_315, %get3A_313 : vector<16xf32>
        %and3A_325 = arith.andi %gt3A_323, %gt3A_324 : vector<16xi1>
        %ge3A_326 = arith.cmpf oge, %get3A_315, %get3A_317 : vector<16xf32>
        %and3A_327 = arith.andi %and3A_325, %ge3A_326 : vector<16xi1>
        %get3A_328 = arith.constant 96 : index
        %get3A_329 = tpu.vector_load %arg7[%get3A_328] {strides = array<i32>} : memref<1024xi32, #tpu.memory_space<vmem>>, vector<16xi32>,
        %get3A_330 = arith.constant 224 : index
        %get3A_331 = tpu.vector_load %arg7[%get3A_330] {strides = array<i32>} : memref<1024xi32, #tpu.memory_space<vmem>>, vector<16xi32>,
        %shift_right_logical3A_332 = arith.constant 7 : i32
        %shift_right_logical3A_333 = vector.broadcast %shift_right_logical3A_332 : i32 to vector<16xi32>
        %shift_right_logical3A_334 = arith.shrui %get3A_329, %shift_right_logical3A_333 : vector<16xi32>
        %and3A_335 = arith.constant 127 : i32
        %and3A_336 = vector.broadcast %and3A_335 : i32 to vector<16xi32>
        %and3A_337 = arith.andi %get3A_329, %and3A_336 : vector<16xi32>
        %shift_right_logical3A_338 = arith.constant 7 : i32
        %shift_right_logical3A_339 = vector.broadcast %shift_right_logical3A_338 : i32 to vector<16xi32>
        %shift_right_logical3A_340 = arith.shrui %get3A_331, %shift_right_logical3A_339 : vector<16xi32>
        %and3A_341 = arith.constant 127 : i32
        %and3A_342 = vector.broadcast %and3A_341 : i32 to vector<16xi32>
        %and3A_343 = arith.andi %get3A_331, %and3A_342 : vector<16xi32>
        tpu.vector_store_idx %arg9[%shift_right_logical3A_334, %and3A_337], %broadcast_in_dim3A_44 masked %and3A_322 {add = true} : memref<80x128xf32, #tpu.memory_space<vmem>>[vector<16xi32>, vector<16xi32>], vector<16xf32>, vector<16xi1>
        tpu.vector_store_idx %arg9[%shift_right_logical3A_340, %and3A_343], %broadcast_in_dim3A_44 masked %and3A_322 {add = true} : memref<80x128xf32, #tpu.memory_space<vmem>>[vector<16xi32>, vector<16xi32>], vector<16xf32>, vector<16xi1>
        tpu.vector_store_idx %arg10[%shift_right_logical3A_334, %and3A_337], %broadcast_in_dim3A_44 masked %and3A_327 {add = true} : memref<80x128xf32, #tpu.memory_space<vmem>>[vector<16xi32>, vector<16xi32>], vector<16xf32>, vector<16xi1>
        tpu.vector_store_idx %arg10[%shift_right_logical3A_340, %and3A_343], %broadcast_in_dim3A_44 masked %and3A_327 {add = true} : memref<80x128xf32, #tpu.memory_space<vmem>>[vector<16xi32>, vector<16xi32>], vector<16xf32>, vector<16xi1>
        %get3A_344 = arith.constant 112 : index
        %get3A_345 = tpu.vector_load %arg5[%get3A_344] {strides = array<i32>} : memref<2048xf32, #tpu.memory_space<vmem>>, vector<16xf32>,
        %get3A_346 = arith.constant 240 : index
        %get3A_347 = tpu.vector_load %arg5[%get3A_346] {strides = array<i32>} : memref<2048xf32, #tpu.memory_space<vmem>>, vector<16xf32>,
        %get3A_348 = arith.constant 368 : index
        %get3A_349 = tpu.vector_load %arg5[%get3A_348] {strides = array<i32>} : memref<2048xf32, #tpu.memory_space<vmem>>, vector<16xf32>,
        %get3A_350 = arith.constant 496 : index
        %get3A_351 = tpu.vector_load %arg5[%get3A_350] {strides = array<i32>} : memref<2048xf32, #tpu.memory_space<vmem>>, vector<16xf32>,
        %gt3A_352 = arith.cmpf ogt, %get3A_347, %get3A_345 : vector<16xf32>
        %ge3A_353 = arith.cmpf oge, %get3A_347, %get3A_349 : vector<16xf32>
        %and3A_354 = arith.andi %gt3A_352, %ge3A_353 : vector<16xi1>
        %ge3A_355 = arith.cmpf oge, %get3A_347, %get3A_351 : vector<16xf32>
        %and3A_356 = arith.andi %and3A_354, %ge3A_355 : vector<16xi1>
        %gt3A_357 = arith.cmpf ogt, %get3A_349, %get3A_345 : vector<16xf32>
        %gt3A_358 = arith.cmpf ogt, %get3A_349, %get3A_347 : vector<16xf32>
        %and3A_359 = arith.andi %gt3A_357, %gt3A_358 : vector<16xi1>
        %ge3A_360 = arith.cmpf oge, %get3A_349, %get3A_351 : vector<16xf32>
        %and3A_361 = arith.andi %and3A_359, %ge3A_360 : vector<16xi1>
        %get3A_362 = arith.constant 112 : index
        %get3A_363 = tpu.vector_load %arg7[%get3A_362] {strides = array<i32>} : memref<1024xi32, #tpu.memory_space<vmem>>, vector<16xi32>,
        %get3A_364 = arith.constant 240 : index
        %get3A_365 = tpu.vector_load %arg7[%get3A_364] {strides = array<i32>} : memref<1024xi32, #tpu.memory_space<vmem>>, vector<16xi32>,
        %shift_right_logical3A_366 = arith.constant 7 : i32
        %shift_right_logical3A_367 = vector.broadcast %shift_right_logical3A_366 : i32 to vector<16xi32>
        %shift_right_logical3A_368 = arith.shrui %get3A_363, %shift_right_logical3A_367 : vector<16xi32>
        %and3A_369 = arith.constant 127 : i32
        %and3A_370 = vector.broadcast %and3A_369 : i32 to vector<16xi32>
        %and3A_371 = arith.andi %get3A_363, %and3A_370 : vector<16xi32>
        %shift_right_logical3A_372 = arith.constant 7 : i32
        %shift_right_logical3A_373 = vector.broadcast %shift_right_logical3A_372 : i32 to vector<16xi32>
        %shift_right_logical3A_374 = arith.shrui %get3A_365, %shift_right_logical3A_373 : vector<16xi32>
        %and3A_375 = arith.constant 127 : i32
        %and3A_376 = vector.broadcast %and3A_375 : i32 to vector<16xi32>
        %and3A_377 = arith.andi %get3A_365, %and3A_376 : vector<16xi32>
        tpu.vector_store_idx %arg9[%shift_right_logical3A_368, %and3A_371], %broadcast_in_dim3A_44 masked %and3A_356 {add = true} : memref<80x128xf32, #tpu.memory_space<vmem>>[vector<16xi32>, vector<16xi32>], vector<16xf32>, vector<16xi1>
        tpu.vector_store_idx %arg9[%shift_right_logical3A_374, %and3A_377], %broadcast_in_dim3A_44 masked %and3A_356 {add = true} : memref<80x128xf32, #tpu.memory_space<vmem>>[vector<16xi32>, vector<16xi32>], vector<16xf32>, vector<16xi1>
        tpu.vector_store_idx %arg10[%shift_right_logical3A_368, %and3A_371], %broadcast_in_dim3A_44 masked %and3A_361 {add = true} : memref<80x128xf32, #tpu.memory_space<vmem>>[vector<16xi32>, vector<16xi32>], vector<16xf32>, vector<16xi1>
        tpu.vector_store_idx %arg10[%shift_right_logical3A_374, %and3A_377], %broadcast_in_dim3A_44 masked %and3A_361 {add = true} : memref<80x128xf32, #tpu.memory_space<vmem>>[vector<16xi32>, vector<16xi32>], vector<16xf32>, vector<16xi1>
        %get3A_378 = arith.constant 512 : index
        %get3A_379 = tpu.vector_load %arg5[%get3A_378] {strides = array<i32>} : memref<2048xf32, #tpu.memory_space<vmem>>, vector<16xf32>,
        %get3A_380 = arith.constant 640 : index
        %get3A_381 = tpu.vector_load %arg5[%get3A_380] {strides = array<i32>} : memref<2048xf32, #tpu.memory_space<vmem>>, vector<16xf32>,
        %get3A_382 = arith.constant 768 : index
        %get3A_383 = tpu.vector_load %arg5[%get3A_382] {strides = array<i32>} : memref<2048xf32, #tpu.memory_space<vmem>>, vector<16xf32>,
        %get3A_384 = arith.constant 896 : index
        %get3A_385 = tpu.vector_load %arg5[%get3A_384] {strides = array<i32>} : memref<2048xf32, #tpu.memory_space<vmem>>, vector<16xf32>,
        %gt3A_386 = arith.cmpf ogt, %get3A_381, %get3A_379 : vector<16xf32>
        %ge3A_387 = arith.cmpf oge, %get3A_381, %get3A_383 : vector<16xf32>
        %and3A_388 = arith.andi %gt3A_386, %ge3A_387 : vector<16xi1>
        %ge3A_389 = arith.cmpf oge, %get3A_381, %get3A_385 : vector<16xf32>
        %and3A_390 = arith.andi %and3A_388, %ge3A_389 : vector<16xi1>
        %gt3A_391 = arith.cmpf ogt, %get3A_383, %get3A_379 : vector<16xf32>
        %gt3A_392 = arith.cmpf ogt, %get3A_383, %get3A_381 : vector<16xf32>
        %and3A_393 = arith.andi %gt3A_391, %gt3A_392 : vector<16xi1>
        %ge3A_394 = arith.cmpf oge, %get3A_383, %get3A_385 : vector<16xf32>
        %and3A_395 = arith.andi %and3A_393, %ge3A_394 : vector<16xi1>
        %get3A_396 = arith.constant 256 : index
        %get3A_397 = tpu.vector_load %arg7[%get3A_396] {strides = array<i32>} : memref<1024xi32, #tpu.memory_space<vmem>>, vector<16xi32>,
        %get3A_398 = arith.constant 384 : index
        %get3A_399 = tpu.vector_load %arg7[%get3A_398] {strides = array<i32>} : memref<1024xi32, #tpu.memory_space<vmem>>, vector<16xi32>,
        %shift_right_logical3A_400 = arith.constant 7 : i32
        %shift_right_logical3A_401 = vector.broadcast %shift_right_logical3A_400 : i32 to vector<16xi32>
        %shift_right_logical3A_402 = arith.shrui %get3A_397, %shift_right_logical3A_401 : vector<16xi32>
        %and3A_403 = arith.constant 127 : i32
        %and3A_404 = vector.broadcast %and3A_403 : i32 to vector<16xi32>
        %and3A_405 = arith.andi %get3A_397, %and3A_404 : vector<16xi32>
        %shift_right_logical3A_406 = arith.constant 7 : i32
        %shift_right_logical3A_407 = vector.broadcast %shift_right_logical3A_406 : i32 to vector<16xi32>
        %shift_right_logical3A_408 = arith.shrui %get3A_399, %shift_right_logical3A_407 : vector<16xi32>
        %and3A_409 = arith.constant 127 : i32
        %and3A_410 = vector.broadcast %and3A_409 : i32 to vector<16xi32>
        %and3A_411 = arith.andi %get3A_399, %and3A_410 : vector<16xi32>
        tpu.vector_store_idx %arg9[%shift_right_logical3A_402, %and3A_405], %broadcast_in_dim3A_44 masked %and3A_390 {add = true} : memref<80x128xf32, #tpu.memory_space<vmem>>[vector<16xi32>, vector<16xi32>], vector<16xf32>, vector<16xi1>
        tpu.vector_store_idx %arg9[%shift_right_logical3A_408, %and3A_411], %broadcast_in_dim3A_44 masked %and3A_390 {add = true} : memref<80x128xf32, #tpu.memory_space<vmem>>[vector<16xi32>, vector<16xi32>], vector<16xf32>, vector<16xi1>
        tpu.vector_store_idx %arg10[%shift_right_logical3A_402, %and3A_405], %broadcast_in_dim3A_44 masked %and3A_395 {add = true} : memref<80x128xf32, #tpu.memory_space<vmem>>[vector<16xi32>, vector<16xi32>], vector<16xf32>, vector<16xi1>
        tpu.vector_store_idx %arg10[%shift_right_logical3A_408, %and3A_411], %broadcast_in_dim3A_44 masked %and3A_395 {add = true} : memref<80x128xf32, #tpu.memory_space<vmem>>[vector<16xi32>, vector<16xi32>], vector<16xf32>, vector<16xi1>
        %get3A_412 = arith.constant 528 : index
        %get3A_413 = tpu.vector_load %arg5[%get3A_412] {strides = array<i32>} : memref<2048xf32, #tpu.memory_space<vmem>>, vector<16xf32>,
        %get3A_414 = arith.constant 656 : index
        %get3A_415 = tpu.vector_load %arg5[%get3A_414] {strides = array<i32>} : memref<2048xf32, #tpu.memory_space<vmem>>, vector<16xf32>,
        %get3A_416 = arith.constant 784 : index
        %get3A_417 = tpu.vector_load %arg5[%get3A_416] {strides = array<i32>} : memref<2048xf32, #tpu.memory_space<vmem>>, vector<16xf32>,
        %get3A_418 = arith.constant 912 : index
        %get3A_419 = tpu.vector_load %arg5[%get3A_418] {strides = array<i32>} : memref<2048xf32, #tpu.memory_space<vmem>>, vector<16xf32>,
        %gt3A_420 = arith.cmpf ogt, %get3A_415, %get3A_413 : vector<16xf32>
        %ge3A_421 = arith.cmpf oge, %get3A_415, %get3A_417 : vector<16xf32>
        %and3A_422 = arith.andi %gt3A_420, %ge3A_421 : vector<16xi1>
        %ge3A_423 = arith.cmpf oge, %get3A_415, %get3A_419 : vector<16xf32>
        %and3A_424 = arith.andi %and3A_422, %ge3A_423 : vector<16xi1>
        %gt3A_425 = arith.cmpf ogt, %get3A_417, %get3A_413 : vector<16xf32>
        %gt3A_426 = arith.cmpf ogt, %get3A_417, %get3A_415 : vector<16xf32>
        %and3A_427 = arith.andi %gt3A_425, %gt3A_426 : vector<16xi1>
        %ge3A_428 = arith.cmpf oge, %get3A_417, %get3A_419 : vector<16xf32>
        %and3A_429 = arith.andi %and3A_427, %ge3A_428 : vector<16xi1>
        %get3A_430 = arith.constant 272 : index
        %get3A_431 = tpu.vector_load %arg7[%get3A_430] {strides = array<i32>} : memref<1024xi32, #tpu.memory_space<vmem>>, vector<16xi32>,
        %get3A_432 = arith.constant 400 : index
        %get3A_433 = tpu.vector_load %arg7[%get3A_432] {strides = array<i32>} : memref<1024xi32, #tpu.memory_space<vmem>>, vector<16xi32>,
        %shift_right_logical3A_434 = arith.constant 7 : i32
        %shift_right_logical3A_435 = vector.broadcast %shift_right_logical3A_434 : i32 to vector<16xi32>
        %shift_right_logical3A_436 = arith.shrui %get3A_431, %shift_right_logical3A_435 : vector<16xi32>
        %and3A_437 = arith.constant 127 : i32
        %and3A_438 = vector.broadcast %and3A_437 : i32 to vector<16xi32>
        %and3A_439 = arith.andi %get3A_431, %and3A_438 : vector<16xi32>
        %shift_right_logical3A_440 = arith.constant 7 : i32
        %shift_right_logical3A_441 = vector.broadcast %shift_right_logical3A_440 : i32 to vector<16xi32>
        %shift_right_logical3A_442 = arith.shrui %get3A_433, %shift_right_logical3A_441 : vector<16xi32>
        %and3A_443 = arith.constant 127 : i32
        %and3A_444 = vector.broadcast %and3A_443 : i32 to vector<16xi32>
        %and3A_445 = arith.andi %get3A_433, %and3A_444 : vector<16xi32>
        tpu.vector_store_idx %arg9[%shift_right_logical3A_436, %and3A_439], %broadcast_in_dim3A_44 masked %and3A_424 {add = true} : memref<80x128xf32, #tpu.memory_space<vmem>>[vector<16xi32>, vector<16xi32>], vector<16xf32>, vector<16xi1>
        tpu.vector_store_idx %arg9[%shift_right_logical3A_442, %and3A_445], %broadcast_in_dim3A_44 masked %and3A_424 {add = true} : memref<80x128xf32, #tpu.memory_space<vmem>>[vector<16xi32>, vector<16xi32>], vector<16xf32>, vector<16xi1>
        tpu.vector_store_idx %arg10[%shift_right_logical3A_436, %and3A_439], %broadcast_in_dim3A_44 masked %and3A_429 {add = true} : memref<80x128xf32, #tpu.memory_space<vmem>>[vector<16xi32>, vector<16xi32>], vector<16xf32>, vector<16xi1>
        tpu.vector_store_idx %arg10[%shift_right_logical3A_442, %and3A_445], %broadcast_in_dim3A_44 masked %and3A_429 {add = true} : memref<80x128xf32, #tpu.memory_space<vmem>>[vector<16xi32>, vector<16xi32>], vector<16xf32>, vector<16xi1>
        %get3A_446 = arith.constant 544 : index
        %get3A_447 = tpu.vector_load %arg5[%get3A_446] {strides = array<i32>} : memref<2048xf32, #tpu.memory_space<vmem>>, vector<16xf32>,
        %get3A_448 = arith.constant 672 : index
        %get3A_449 = tpu.vector_load %arg5[%get3A_448] {strides = array<i32>} : memref<2048xf32, #tpu.memory_space<vmem>>, vector<16xf32>,
        %get3A_450 = arith.constant 800 : index
        %get3A_451 = tpu.vector_load %arg5[%get3A_450] {strides = array<i32>} : memref<2048xf32, #tpu.memory_space<vmem>>, vector<16xf32>,
        %get3A_452 = arith.constant 928 : index
        %get3A_453 = tpu.vector_load %arg5[%get3A_452] {strides = array<i32>} : memref<2048xf32, #tpu.memory_space<vmem>>, vector<16xf32>,
        %gt3A_454 = arith.cmpf ogt, %get3A_449, %get3A_447 : vector<16xf32>
        %ge3A_455 = arith.cmpf oge, %get3A_449, %get3A_451 : vector<16xf32>
        %and3A_456 = arith.andi %gt3A_454, %ge3A_455 : vector<16xi1>
        %ge3A_457 = arith.cmpf oge, %get3A_449, %get3A_453 : vector<16xf32>
        %and3A_458 = arith.andi %and3A_456, %ge3A_457 : vector<16xi1>
        %gt3A_459 = arith.cmpf ogt, %get3A_451, %get3A_447 : vector<16xf32>
        %gt3A_460 = arith.cmpf ogt, %get3A_451, %get3A_449 : vector<16xf32>
        %and3A_461 = arith.andi %gt3A_459, %gt3A_460 : vector<16xi1>
        %ge3A_462 = arith.cmpf oge, %get3A_451, %get3A_453 : vector<16xf32>
        %and3A_463 = arith.andi %and3A_461, %ge3A_462 : vector<16xi1>
        %get3A_464 = arith.constant 288 : index
        %get3A_465 = tpu.vector_load %arg7[%get3A_464] {strides = array<i32>} : memref<1024xi32, #tpu.memory_space<vmem>>, vector<16xi32>,
        %get3A_466 = arith.constant 416 : index
        %get3A_467 = tpu.vector_load %arg7[%get3A_466] {strides = array<i32>} : memref<1024xi32, #tpu.memory_space<vmem>>, vector<16xi32>,
        %shift_right_logical3A_468 = arith.constant 7 : i32
        %shift_right_logical3A_469 = vector.broadcast %shift_right_logical3A_468 : i32 to vector<16xi32>
        %shift_right_logical3A_470 = arith.shrui %get3A_465, %shift_right_logical3A_469 : vector<16xi32>
        %and3A_471 = arith.constant 127 : i32
        %and3A_472 = vector.broadcast %and3A_471 : i32 to vector<16xi32>
        %and3A_473 = arith.andi %get3A_465, %and3A_472 : vector<16xi32>
        %shift_right_logical3A_474 = arith.constant 7 : i32
        %shift_right_logical3A_475 = vector.broadcast %shift_right_logical3A_474 : i32 to vector<16xi32>
        %shift_right_logical3A_476 = arith.shrui %get3A_467, %shift_right_logical3A_475 : vector<16xi32>
        %and3A_477 = arith.constant 127 : i32
        %and3A_478 = vector.broadcast %and3A_477 : i32 to vector<16xi32>
        %and3A_479 = arith.andi %get3A_467, %and3A_478 : vector<16xi32>
        tpu.vector_store_idx %arg9[%shift_right_logical3A_470, %and3A_473], %broadcast_in_dim3A_44 masked %and3A_458 {add = true} : memref<80x128xf32, #tpu.memory_space<vmem>>[vector<16xi32>, vector<16xi32>], vector<16xf32>, vector<16xi1>
        tpu.vector_store_idx %arg9[%shift_right_logical3A_476, %and3A_479], %broadcast_in_dim3A_44 masked %and3A_458 {add = true} : memref<80x128xf32, #tpu.memory_space<vmem>>[vector<16xi32>, vector<16xi32>], vector<16xf32>, vector<16xi1>
        tpu.vector_store_idx %arg10[%shift_right_logical3A_470, %and3A_473], %broadcast_in_dim3A_44 masked %and3A_463 {add = true} : memref<80x128xf32, #tpu.memory_space<vmem>>[vector<16xi32>, vector<16xi32>], vector<16xf32>, vector<16xi1>
        tpu.vector_store_idx %arg10[%shift_right_logical3A_476, %and3A_479], %broadcast_in_dim3A_44 masked %and3A_463 {add = true} : memref<80x128xf32, #tpu.memory_space<vmem>>[vector<16xi32>, vector<16xi32>], vector<16xf32>, vector<16xi1>
        %get3A_480 = arith.constant 560 : index
        %get3A_481 = tpu.vector_load %arg5[%get3A_480] {strides = array<i32>} : memref<2048xf32, #tpu.memory_space<vmem>>, vector<16xf32>,
        %get3A_482 = arith.constant 688 : index
        %get3A_483 = tpu.vector_load %arg5[%get3A_482] {strides = array<i32>} : memref<2048xf32, #tpu.memory_space<vmem>>, vector<16xf32>,
        %get3A_484 = arith.constant 816 : index
        %get3A_485 = tpu.vector_load %arg5[%get3A_484] {strides = array<i32>} : memref<2048xf32, #tpu.memory_space<vmem>>, vector<16xf32>,
        %get3A_486 = arith.constant 944 : index
        %get3A_487 = tpu.vector_load %arg5[%get3A_486] {strides = array<i32>} : memref<2048xf32, #tpu.memory_space<vmem>>, vector<16xf32>,
        %gt3A_488 = arith.cmpf ogt, %get3A_483, %get3A_481 : vector<16xf32>
        %ge3A_489 = arith.cmpf oge, %get3A_483, %get3A_485 : vector<16xf32>
        %and3A_490 = arith.andi %gt3A_488, %ge3A_489 : vector<16xi1>
        %ge3A_491 = arith.cmpf oge, %get3A_483, %get3A_487 : vector<16xf32>
        %and3A_492 = arith.andi %and3A_490, %ge3A_491 : vector<16xi1>
        %gt3A_493 = arith.cmpf ogt, %get3A_485, %get3A_481 : vector<16xf32>
        %gt3A_494 = arith.cmpf ogt, %get3A_485, %get3A_483 : vector<16xf32>
        %and3A_495 = arith.andi %gt3A_493, %gt3A_494 : vector<16xi1>
        %ge3A_496 = arith.cmpf oge, %get3A_485, %get3A_487 : vector<16xf32>
        %and3A_497 = arith.andi %and3A_495, %ge3A_496 : vector<16xi1>
        %get3A_498 = arith.constant 304 : index
        %get3A_499 = tpu.vector_load %arg7[%get3A_498] {strides = array<i32>} : memref<1024xi32, #tpu.memory_space<vmem>>, vector<16xi32>,
        %get3A_500 = arith.constant 432 : index
        %get3A_501 = tpu.vector_load %arg7[%get3A_500] {strides = array<i32>} : memref<1024xi32, #tpu.memory_space<vmem>>, vector<16xi32>,
        %shift_right_logical3A_502 = arith.constant 7 : i32
        %shift_right_logical3A_503 = vector.broadcast %shift_right_logical3A_502 : i32 to vector<16xi32>
        %shift_right_logical3A_504 = arith.shrui %get3A_499, %shift_right_logical3A_503 : vector<16xi32>
        %and3A_505 = arith.constant 127 : i32
        %and3A_506 = vector.broadcast %and3A_505 : i32 to vector<16xi32>
        %and3A_507 = arith.andi %get3A_499, %and3A_506 : vector<16xi32>
        %shift_right_logical3A_508 = arith.constant 7 : i32
        %shift_right_logical3A_509 = vector.broadcast %shift_right_logical3A_508 : i32 to vector<16xi32>
        %shift_right_logical3A_510 = arith.shrui %get3A_501, %shift_right_logical3A_509 : vector<16xi32>
        %and3A_511 = arith.constant 127 : i32
        %and3A_512 = vector.broadcast %and3A_511 : i32 to vector<16xi32>
        %and3A_513 = arith.andi %get3A_501, %and3A_512 : vector<16xi32>
        tpu.vector_store_idx %arg9[%shift_right_logical3A_504, %and3A_507], %broadcast_in_dim3A_44 masked %and3A_492 {add = true} : memref<80x128xf32, #tpu.memory_space<vmem>>[vector<16xi32>, vector<16xi32>], vector<16xf32>, vector<16xi1>
        tpu.vector_store_idx %arg9[%shift_right_logical3A_510, %and3A_513], %broadcast_in_dim3A_44 masked %and3A_492 {add = true} : memref<80x128xf32, #tpu.memory_space<vmem>>[vector<16xi32>, vector<16xi32>], vector<16xf32>, vector<16xi1>
        tpu.vector_store_idx %arg10[%shift_right_logical3A_504, %and3A_507], %broadcast_in_dim3A_44 masked %and3A_497 {add = true} : memref<80x128xf32, #tpu.memory_space<vmem>>[vector<16xi32>, vector<16xi32>], vector<16xf32>, vector<16xi1>
        tpu.vector_store_idx %arg10[%shift_right_logical3A_510, %and3A_513], %broadcast_in_dim3A_44 masked %and3A_497 {add = true} : memref<80x128xf32, #tpu.memory_space<vmem>>[vector<16xi32>, vector<16xi32>], vector<16xf32>, vector<16xi1>
        %get3A_514 = arith.constant 576 : index
        %get3A_515 = tpu.vector_load %arg5[%get3A_514] {strides = array<i32>} : memref<2048xf32, #tpu.memory_space<vmem>>, vector<16xf32>,
        %get3A_516 = arith.constant 704 : index
        %get3A_517 = tpu.vector_load %arg5[%get3A_516] {strides = array<i32>} : memref<2048xf32, #tpu.memory_space<vmem>>, vector<16xf32>,
        %get3A_518 = arith.constant 832 : index
        %get3A_519 = tpu.vector_load %arg5[%get3A_518] {strides = array<i32>} : memref<2048xf32, #tpu.memory_space<vmem>>, vector<16xf32>,
        %get3A_520 = arith.constant 960 : index
        %get3A_521 = tpu.vector_load %arg5[%get3A_520] {strides = array<i32>} : memref<2048xf32, #tpu.memory_space<vmem>>, vector<16xf32>,
        %gt3A_522 = arith.cmpf ogt, %get3A_517, %get3A_515 : vector<16xf32>
        %ge3A_523 = arith.cmpf oge, %get3A_517, %get3A_519 : vector<16xf32>
        %and3A_524 = arith.andi %gt3A_522, %ge3A_523 : vector<16xi1>
        %ge3A_525 = arith.cmpf oge, %get3A_517, %get3A_521 : vector<16xf32>
        %and3A_526 = arith.andi %and3A_524, %ge3A_525 : vector<16xi1>
        %gt3A_527 = arith.cmpf ogt, %get3A_519, %get3A_515 : vector<16xf32>
        %gt3A_528 = arith.cmpf ogt, %get3A_519, %get3A_517 : vector<16xf32>
        %and3A_529 = arith.andi %gt3A_527, %gt3A_528 : vector<16xi1>
        %ge3A_530 = arith.cmpf oge, %get3A_519, %get3A_521 : vector<16xf32>
        %and3A_531 = arith.andi %and3A_529, %ge3A_530 : vector<16xi1>
        %get3A_532 = arith.constant 320 : index
        %get3A_533 = tpu.vector_load %arg7[%get3A_532] {strides = array<i32>} : memref<1024xi32, #tpu.memory_space<vmem>>, vector<16xi32>,
        %get3A_534 = arith.constant 448 : index
        %get3A_535 = tpu.vector_load %arg7[%get3A_534] {strides = array<i32>} : memref<1024xi32, #tpu.memory_space<vmem>>, vector<16xi32>,
        %shift_right_logical3A_536 = arith.constant 7 : i32
        %shift_right_logical3A_537 = vector.broadcast %shift_right_logical3A_536 : i32 to vector<16xi32>
        %shift_right_logical3A_538 = arith.shrui %get3A_533, %shift_right_logical3A_537 : vector<16xi32>
        %and3A_539 = arith.constant 127 : i32
        %and3A_540 = vector.broadcast %and3A_539 : i32 to vector<16xi32>
        %and3A_541 = arith.andi %get3A_533, %and3A_540 : vector<16xi32>
        %shift_right_logical3A_542 = arith.constant 7 : i32
        %shift_right_logical3A_543 = vector.broadcast %shift_right_logical3A_542 : i32 to vector<16xi32>
        %shift_right_logical3A_544 = arith.shrui %get3A_535, %shift_right_logical3A_543 : vector<16xi32>
        %and3A_545 = arith.constant 127 : i32
        %and3A_546 = vector.broadcast %and3A_545 : i32 to vector<16xi32>
        %and3A_547 = arith.andi %get3A_535, %and3A_546 : vector<16xi32>
        tpu.vector_store_idx %arg9[%shift_right_logical3A_538, %and3A_541], %broadcast_in_dim3A_44 masked %and3A_526 {add = true} : memref<80x128xf32, #tpu.memory_space<vmem>>[vector<16xi32>, vector<16xi32>], vector<16xf32>, vector<16xi1>
        tpu.vector_store_idx %arg9[%shift_right_logical3A_544, %and3A_547], %broadcast_in_dim3A_44 masked %and3A_526 {add = true} : memref<80x128xf32, #tpu.memory_space<vmem>>[vector<16xi32>, vector<16xi32>], vector<16xf32>, vector<16xi1>
        tpu.vector_store_idx %arg10[%shift_right_logical3A_538, %and3A_541], %broadcast_in_dim3A_44 masked %and3A_531 {add = true} : memref<80x128xf32, #tpu.memory_space<vmem>>[vector<16xi32>, vector<16xi32>], vector<16xf32>, vector<16xi1>
        tpu.vector_store_idx %arg10[%shift_right_logical3A_544, %and3A_547], %broadcast_in_dim3A_44 masked %and3A_531 {add = true} : memref<80x128xf32, #tpu.memory_space<vmem>>[vector<16xi32>, vector<16xi32>], vector<16xf32>, vector<16xi1>
        %get3A_548 = arith.constant 592 : index
        %get3A_549 = tpu.vector_load %arg5[%get3A_548] {strides = array<i32>} : memref<2048xf32, #tpu.memory_space<vmem>>, vector<16xf32>,
        %get3A_550 = arith.constant 720 : index
        %get3A_551 = tpu.vector_load %arg5[%get3A_550] {strides = array<i32>} : memref<2048xf32, #tpu.memory_space<vmem>>, vector<16xf32>,
        %get3A_552 = arith.constant 848 : index
        %get3A_553 = tpu.vector_load %arg5[%get3A_552] {strides = array<i32>} : memref<2048xf32, #tpu.memory_space<vmem>>, vector<16xf32>,
        %get3A_554 = arith.constant 976 : index
        %get3A_555 = tpu.vector_load %arg5[%get3A_554] {strides = array<i32>} : memref<2048xf32, #tpu.memory_space<vmem>>, vector<16xf32>,
        %gt3A_556 = arith.cmpf ogt, %get3A_551, %get3A_549 : vector<16xf32>
        %ge3A_557 = arith.cmpf oge, %get3A_551, %get3A_553 : vector<16xf32>
        %and3A_558 = arith.andi %gt3A_556, %ge3A_557 : vector<16xi1>
        %ge3A_559 = arith.cmpf oge, %get3A_551, %get3A_555 : vector<16xf32>
        %and3A_560 = arith.andi %and3A_558, %ge3A_559 : vector<16xi1>
        %gt3A_561 = arith.cmpf ogt, %get3A_553, %get3A_549 : vector<16xf32>
        %gt3A_562 = arith.cmpf ogt, %get3A_553, %get3A_551 : vector<16xf32>
        %and3A_563 = arith.andi %gt3A_561, %gt3A_562 : vector<16xi1>
        %ge3A_564 = arith.cmpf oge, %get3A_553, %get3A_555 : vector<16xf32>
        %and3A_565 = arith.andi %and3A_563, %ge3A_564 : vector<16xi1>
        %get3A_566 = arith.constant 336 : index
        %get3A_567 = tpu.vector_load %arg7[%get3A_566] {strides = array<i32>} : memref<1024xi32, #tpu.memory_space<vmem>>, vector<16xi32>,
        %get3A_568 = arith.constant 464 : index
        %get3A_569 = tpu.vector_load %arg7[%get3A_568] {strides = array<i32>} : memref<1024xi32, #tpu.memory_space<vmem>>, vector<16xi32>,
        %shift_right_logical3A_570 = arith.constant 7 : i32
        %shift_right_logical3A_571 = vector.broadcast %shift_right_logical3A_570 : i32 to vector<16xi32>
        %shift_right_logical3A_572 = arith.shrui %get3A_567, %shift_right_logical3A_571 : vector<16xi32>
        %and3A_573 = arith.constant 127 : i32
        %and3A_574 = vector.broadcast %and3A_573 : i32 to vector<16xi32>
        %and3A_575 = arith.andi %get3A_567, %and3A_574 : vector<16xi32>
        %shift_right_logical3A_576 = arith.constant 7 : i32
        %shift_right_logical3A_577 = vector.broadcast %shift_right_logical3A_576 : i32 to vector<16xi32>
        %shift_right_logical3A_578 = arith.shrui %get3A_569, %shift_right_logical3A_577 : vector<16xi32>
        %and3A_579 = arith.constant 127 : i32
        %and3A_580 = vector.broadcast %and3A_579 : i32 to vector<16xi32>
        %and3A_581 = arith.andi %get3A_569, %and3A_580 : vector<16xi32>
        tpu.vector_store_idx %arg9[%shift_right_logical3A_572, %and3A_575], %broadcast_in_dim3A_44 masked %and3A_560 {add = true} : memref<80x128xf32, #tpu.memory_space<vmem>>[vector<16xi32>, vector<16xi32>], vector<16xf32>, vector<16xi1>
        tpu.vector_store_idx %arg9[%shift_right_logical3A_578, %and3A_581], %broadcast_in_dim3A_44 masked %and3A_560 {add = true} : memref<80x128xf32, #tpu.memory_space<vmem>>[vector<16xi32>, vector<16xi32>], vector<16xf32>, vector<16xi1>
        tpu.vector_store_idx %arg10[%shift_right_logical3A_572, %and3A_575], %broadcast_in_dim3A_44 masked %and3A_565 {add = true} : memref<80x128xf32, #tpu.memory_space<vmem>>[vector<16xi32>, vector<16xi32>], vector<16xf32>, vector<16xi1>
        tpu.vector_store_idx %arg10[%shift_right_logical3A_578, %and3A_581], %broadcast_in_dim3A_44 masked %and3A_565 {add = true} : memref<80x128xf32, #tpu.memory_space<vmem>>[vector<16xi32>, vector<16xi32>], vector<16xf32>, vector<16xi1>
        %get3A_582 = arith.constant 608 : index
        %get3A_583 = tpu.vector_load %arg5[%get3A_582] {strides = array<i32>} : memref<2048xf32, #tpu.memory_space<vmem>>, vector<16xf32>,
        %get3A_584 = arith.constant 736 : index
        %get3A_585 = tpu.vector_load %arg5[%get3A_584] {strides = array<i32>} : memref<2048xf32, #tpu.memory_space<vmem>>, vector<16xf32>,
        %get3A_586 = arith.constant 864 : index
        %get3A_587 = tpu.vector_load %arg5[%get3A_586] {strides = array<i32>} : memref<2048xf32, #tpu.memory_space<vmem>>, vector<16xf32>,
        %get3A_588 = arith.constant 992 : index
        %get3A_589 = tpu.vector_load %arg5[%get3A_588] {strides = array<i32>} : memref<2048xf32, #tpu.memory_space<vmem>>, vector<16xf32>,
        %gt3A_590 = arith.cmpf ogt, %get3A_585, %get3A_583 : vector<16xf32>
        %ge3A_591 = arith.cmpf oge, %get3A_585, %get3A_587 : vector<16xf32>
        %and3A_592 = arith.andi %gt3A_590, %ge3A_591 : vector<16xi1>
        %ge3A_593 = arith.cmpf oge, %get3A_585, %get3A_589 : vector<16xf32>
        %and3A_594 = arith.andi %and3A_592, %ge3A_593 : vector<16xi1>
        %gt3A_595 = arith.cmpf ogt, %get3A_587, %get3A_583 : vector<16xf32>
        %gt3A_596 = arith.cmpf ogt, %get3A_587, %get3A_585 : vector<16xf32>
        %and3A_597 = arith.andi %gt3A_595, %gt3A_596 : vector<16xi1>
        %ge3A_598 = arith.cmpf oge, %get3A_587, %get3A_589 : vector<16xf32>
        %and3A_599 = arith.andi %and3A_597, %ge3A_598 : vector<16xi1>
        %get3A_600 = arith.constant 352 : index
        %get3A_601 = tpu.vector_load %arg7[%get3A_600] {strides = array<i32>} : memref<1024xi32, #tpu.memory_space<vmem>>, vector<16xi32>,
        %get3A_602 = arith.constant 480 : index
        %get3A_603 = tpu.vector_load %arg7[%get3A_602] {strides = array<i32>} : memref<1024xi32, #tpu.memory_space<vmem>>, vector<16xi32>,
        %shift_right_logical3A_604 = arith.constant 7 : i32
        %shift_right_logical3A_605 = vector.broadcast %shift_right_logical3A_604 : i32 to vector<16xi32>
        %shift_right_logical3A_606 = arith.shrui %get3A_601, %shift_right_logical3A_605 : vector<16xi32>
        %and3A_607 = arith.constant 127 : i32
        %and3A_608 = vector.broadcast %and3A_607 : i32 to vector<16xi32>
        %and3A_609 = arith.andi %get3A_601, %and3A_608 : vector<16xi32>
        %shift_right_logical3A_610 = arith.constant 7 : i32
        %shift_right_logical3A_611 = vector.broadcast %shift_right_logical3A_610 : i32 to vector<16xi32>
        %shift_right_logical3A_612 = arith.shrui %get3A_603, %shift_right_logical3A_611 : vector<16xi32>
        %and3A_613 = arith.constant 127 : i32
        %and3A_614 = vector.broadcast %and3A_613 : i32 to vector<16xi32>
        %and3A_615 = arith.andi %get3A_603, %and3A_614 : vector<16xi32>
        tpu.vector_store_idx %arg9[%shift_right_logical3A_606, %and3A_609], %broadcast_in_dim3A_44 masked %and3A_594 {add = true} : memref<80x128xf32, #tpu.memory_space<vmem>>[vector<16xi32>, vector<16xi32>], vector<16xf32>, vector<16xi1>
        tpu.vector_store_idx %arg9[%shift_right_logical3A_612, %and3A_615], %broadcast_in_dim3A_44 masked %and3A_594 {add = true} : memref<80x128xf32, #tpu.memory_space<vmem>>[vector<16xi32>, vector<16xi32>], vector<16xf32>, vector<16xi1>
        tpu.vector_store_idx %arg10[%shift_right_logical3A_606, %and3A_609], %broadcast_in_dim3A_44 masked %and3A_599 {add = true} : memref<80x128xf32, #tpu.memory_space<vmem>>[vector<16xi32>, vector<16xi32>], vector<16xf32>, vector<16xi1>
        tpu.vector_store_idx %arg10[%shift_right_logical3A_612, %and3A_615], %broadcast_in_dim3A_44 masked %and3A_599 {add = true} : memref<80x128xf32, #tpu.memory_space<vmem>>[vector<16xi32>, vector<16xi32>], vector<16xf32>, vector<16xi1>
        %get3A_616 = arith.constant 624 : index
        %get3A_617 = tpu.vector_load %arg5[%get3A_616] {strides = array<i32>} : memref<2048xf32, #tpu.memory_space<vmem>>, vector<16xf32>,
        %get3A_618 = arith.constant 752 : index
        %get3A_619 = tpu.vector_load %arg5[%get3A_618] {strides = array<i32>} : memref<2048xf32, #tpu.memory_space<vmem>>, vector<16xf32>,
        %get3A_620 = arith.constant 880 : index
        %get3A_621 = tpu.vector_load %arg5[%get3A_620] {strides = array<i32>} : memref<2048xf32, #tpu.memory_space<vmem>>, vector<16xf32>,
        %get3A_622 = arith.constant 1008 : index
        %get3A_623 = tpu.vector_load %arg5[%get3A_622] {strides = array<i32>} : memref<2048xf32, #tpu.memory_space<vmem>>, vector<16xf32>,
        %gt3A_624 = arith.cmpf ogt, %get3A_619, %get3A_617 : vector<16xf32>
        %ge3A_625 = arith.cmpf oge, %get3A_619, %get3A_621 : vector<16xf32>
        %and3A_626 = arith.andi %gt3A_624, %ge3A_625 : vector<16xi1>
        %ge3A_627 = arith.cmpf oge, %get3A_619, %get3A_623 : vector<16xf32>
        %and3A_628 = arith.andi %and3A_626, %ge3A_627 : vector<16xi1>
        %gt3A_629 = arith.cmpf ogt, %get3A_621, %get3A_617 : vector<16xf32>
        %gt3A_630 = arith.cmpf ogt, %get3A_621, %get3A_619 : vector<16xf32>
        %and3A_631 = arith.andi %gt3A_629, %gt3A_630 : vector<16xi1>
        %ge3A_632 = arith.cmpf oge, %get3A_621, %get3A_623 : vector<16xf32>
        %and3A_633 = arith.andi %and3A_631, %ge3A_632 : vector<16xi1>
        %get3A_634 = arith.constant 368 : index
        %get3A_635 = tpu.vector_load %arg7[%get3A_634] {strides = array<i32>} : memref<1024xi32, #tpu.memory_space<vmem>>, vector<16xi32>,
        %get3A_636 = arith.constant 496 : index
        %get3A_637 = tpu.vector_load %arg7[%get3A_636] {strides = array<i32>} : memref<1024xi32, #tpu.memory_space<vmem>>, vector<16xi32>,
        %shift_right_logical3A_638 = arith.constant 7 : i32
        %shift_right_logical3A_639 = vector.broadcast %shift_right_logical3A_638 : i32 to vector<16xi32>
        %shift_right_logical3A_640 = arith.shrui %get3A_635, %shift_right_logical3A_639 : vector<16xi32>
        %and3A_641 = arith.constant 127 : i32
        %and3A_642 = vector.broadcast %and3A_641 : i32 to vector<16xi32>
        %and3A_643 = arith.andi %get3A_635, %and3A_642 : vector<16xi32>
        %shift_right_logical3A_644 = arith.constant 7 : i32
        %shift_right_logical3A_645 = vector.broadcast %shift_right_logical3A_644 : i32 to vector<16xi32>
        %shift_right_logical3A_646 = arith.shrui %get3A_637, %shift_right_logical3A_645 : vector<16xi32>
        %and3A_647 = arith.constant 127 : i32
        %and3A_648 = vector.broadcast %and3A_647 : i32 to vector<16xi32>
        %and3A_649 = arith.andi %get3A_637, %and3A_648 : vector<16xi32>
        tpu.vector_store_idx %arg9[%shift_right_logical3A_640, %and3A_643], %broadcast_in_dim3A_44 masked %and3A_628 {add = true} : memref<80x128xf32, #tpu.memory_space<vmem>>[vector<16xi32>, vector<16xi32>], vector<16xf32>, vector<16xi1>
        tpu.vector_store_idx %arg9[%shift_right_logical3A_646, %and3A_649], %broadcast_in_dim3A_44 masked %and3A_628 {add = true} : memref<80x128xf32, #tpu.memory_space<vmem>>[vector<16xi32>, vector<16xi32>], vector<16xf32>, vector<16xi1>
        tpu.vector_store_idx %arg10[%shift_right_logical3A_640, %and3A_643], %broadcast_in_dim3A_44 masked %and3A_633 {add = true} : memref<80x128xf32, #tpu.memory_space<vmem>>[vector<16xi32>, vector<16xi32>], vector<16xf32>, vector<16xi1>
        tpu.vector_store_idx %arg10[%shift_right_logical3A_646, %and3A_649], %broadcast_in_dim3A_44 masked %and3A_633 {add = true} : memref<80x128xf32, #tpu.memory_space<vmem>>[vector<16xi32>, vector<16xi32>], vector<16xf32>, vector<16xi1>
        %get3A_650 = arith.constant 1024 : index
        %get3A_651 = tpu.vector_load %arg5[%get3A_650] {strides = array<i32>} : memref<2048xf32, #tpu.memory_space<vmem>>, vector<16xf32>,
        %get3A_652 = arith.constant 1152 : index
        %get3A_653 = tpu.vector_load %arg5[%get3A_652] {strides = array<i32>} : memref<2048xf32, #tpu.memory_space<vmem>>, vector<16xf32>,
        %get3A_654 = arith.constant 1280 : index
        %get3A_655 = tpu.vector_load %arg5[%get3A_654] {strides = array<i32>} : memref<2048xf32, #tpu.memory_space<vmem>>, vector<16xf32>,
        %get3A_656 = arith.constant 1408 : index
        %get3A_657 = tpu.vector_load %arg5[%get3A_656] {strides = array<i32>} : memref<2048xf32, #tpu.memory_space<vmem>>, vector<16xf32>,
        %gt3A_658 = arith.cmpf ogt, %get3A_653, %get3A_651 : vector<16xf32>
        %ge3A_659 = arith.cmpf oge, %get3A_653, %get3A_655 : vector<16xf32>
        %and3A_660 = arith.andi %gt3A_658, %ge3A_659 : vector<16xi1>
        %ge3A_661 = arith.cmpf oge, %get3A_653, %get3A_657 : vector<16xf32>
        %and3A_662 = arith.andi %and3A_660, %ge3A_661 : vector<16xi1>
        %gt3A_663 = arith.cmpf ogt, %get3A_655, %get3A_651 : vector<16xf32>
        %gt3A_664 = arith.cmpf ogt, %get3A_655, %get3A_653 : vector<16xf32>
        %and3A_665 = arith.andi %gt3A_663, %gt3A_664 : vector<16xi1>
        %ge3A_666 = arith.cmpf oge, %get3A_655, %get3A_657 : vector<16xf32>
        %and3A_667 = arith.andi %and3A_665, %ge3A_666 : vector<16xi1>
        %get3A_668 = arith.constant 512 : index
        %get3A_669 = tpu.vector_load %arg7[%get3A_668] {strides = array<i32>} : memref<1024xi32, #tpu.memory_space<vmem>>, vector<16xi32>,
        %get3A_670 = arith.constant 640 : index
        %get3A_671 = tpu.vector_load %arg7[%get3A_670] {strides = array<i32>} : memref<1024xi32, #tpu.memory_space<vmem>>, vector<16xi32>,
        %shift_right_logical3A_672 = arith.constant 7 : i32
        %shift_right_logical3A_673 = vector.broadcast %shift_right_logical3A_672 : i32 to vector<16xi32>
        %shift_right_logical3A_674 = arith.shrui %get3A_669, %shift_right_logical3A_673 : vector<16xi32>
        %and3A_675 = arith.constant 127 : i32
        %and3A_676 = vector.broadcast %and3A_675 : i32 to vector<16xi32>
        %and3A_677 = arith.andi %get3A_669, %and3A_676 : vector<16xi32>
        %shift_right_logical3A_678 = arith.constant 7 : i32
        %shift_right_logical3A_679 = vector.broadcast %shift_right_logical3A_678 : i32 to vector<16xi32>
        %shift_right_logical3A_680 = arith.shrui %get3A_671, %shift_right_logical3A_679 : vector<16xi32>
        %and3A_681 = arith.constant 127 : i32
        %and3A_682 = vector.broadcast %and3A_681 : i32 to vector<16xi32>
        %and3A_683 = arith.andi %get3A_671, %and3A_682 : vector<16xi32>
        tpu.vector_store_idx %arg9[%shift_right_logical3A_674, %and3A_677], %broadcast_in_dim3A_44 masked %and3A_662 {add = true} : memref<80x128xf32, #tpu.memory_space<vmem>>[vector<16xi32>, vector<16xi32>], vector<16xf32>, vector<16xi1>
        tpu.vector_store_idx %arg9[%shift_right_logical3A_680, %and3A_683], %broadcast_in_dim3A_44 masked %and3A_662 {add = true} : memref<80x128xf32, #tpu.memory_space<vmem>>[vector<16xi32>, vector<16xi32>], vector<16xf32>, vector<16xi1>
        tpu.vector_store_idx %arg10[%shift_right_logical3A_674, %and3A_677], %broadcast_in_dim3A_44 masked %and3A_667 {add = true} : memref<80x128xf32, #tpu.memory_space<vmem>>[vector<16xi32>, vector<16xi32>], vector<16xf32>, vector<16xi1>
        tpu.vector_store_idx %arg10[%shift_right_logical3A_680, %and3A_683], %broadcast_in_dim3A_44 masked %and3A_667 {add = true} : memref<80x128xf32, #tpu.memory_space<vmem>>[vector<16xi32>, vector<16xi32>], vector<16xf32>, vector<16xi1>
        %get3A_684 = arith.constant 1040 : index
        %get3A_685 = tpu.vector_load %arg5[%get3A_684] {strides = array<i32>} : memref<2048xf32, #tpu.memory_space<vmem>>, vector<16xf32>,
        %get3A_686 = arith.constant 1168 : index
        %get3A_687 = tpu.vector_load %arg5[%get3A_686] {strides = array<i32>} : memref<2048xf32, #tpu.memory_space<vmem>>, vector<16xf32>,
        %get3A_688 = arith.constant 1296 : index
        %get3A_689 = tpu.vector_load %arg5[%get3A_688] {strides = array<i32>} : memref<2048xf32, #tpu.memory_space<vmem>>, vector<16xf32>,
        %get3A_690 = arith.constant 1424 : index
        %get3A_691 = tpu.vector_load %arg5[%get3A_690] {strides = array<i32>} : memref<2048xf32, #tpu.memory_space<vmem>>, vector<16xf32>,
        %gt3A_692 = arith.cmpf ogt, %get3A_687, %get3A_685 : vector<16xf32>
        %ge3A_693 = arith.cmpf oge, %get3A_687, %get3A_689 : vector<16xf32>
        %and3A_694 = arith.andi %gt3A_692, %ge3A_693 : vector<16xi1>
        %ge3A_695 = arith.cmpf oge, %get3A_687, %get3A_691 : vector<16xf32>
        %and3A_696 = arith.andi %and3A_694, %ge3A_695 : vector<16xi1>
        %gt3A_697 = arith.cmpf ogt, %get3A_689, %get3A_685 : vector<16xf32>
        %gt3A_698 = arith.cmpf ogt, %get3A_689, %get3A_687 : vector<16xf32>
        %and3A_699 = arith.andi %gt3A_697, %gt3A_698 : vector<16xi1>
        %ge3A_700 = arith.cmpf oge, %get3A_689, %get3A_691 : vector<16xf32>
        %and3A_701 = arith.andi %and3A_699, %ge3A_700 : vector<16xi1>
        %get3A_702 = arith.constant 528 : index
        %get3A_703 = tpu.vector_load %arg7[%get3A_702] {strides = array<i32>} : memref<1024xi32, #tpu.memory_space<vmem>>, vector<16xi32>,
        %get3A_704 = arith.constant 656 : index
        %get3A_705 = tpu.vector_load %arg7[%get3A_704] {strides = array<i32>} : memref<1024xi32, #tpu.memory_space<vmem>>, vector<16xi32>,
        %shift_right_logical3A_706 = arith.constant 7 : i32
        %shift_right_logical3A_707 = vector.broadcast %shift_right_logical3A_706 : i32 to vector<16xi32>
        %shift_right_logical3A_708 = arith.shrui %get3A_703, %shift_right_logical3A_707 : vector<16xi32>
        %and3A_709 = arith.constant 127 : i32
        %and3A_710 = vector.broadcast %and3A_709 : i32 to vector<16xi32>
        %and3A_711 = arith.andi %get3A_703, %and3A_710 : vector<16xi32>
        %shift_right_logical3A_712 = arith.constant 7 : i32
        %shift_right_logical3A_713 = vector.broadcast %shift_right_logical3A_712 : i32 to vector<16xi32>
        %shift_right_logical3A_714 = arith.shrui %get3A_705, %shift_right_logical3A_713 : vector<16xi32>
        %and3A_715 = arith.constant 127 : i32
        %and3A_716 = vector.broadcast %and3A_715 : i32 to vector<16xi32>
        %and3A_717 = arith.andi %get3A_705, %and3A_716 : vector<16xi32>
        tpu.vector_store_idx %arg9[%shift_right_logical3A_708, %and3A_711], %broadcast_in_dim3A_44 masked %and3A_696 {add = true} : memref<80x128xf32, #tpu.memory_space<vmem>>[vector<16xi32>, vector<16xi32>], vector<16xf32>, vector<16xi1>
        tpu.vector_store_idx %arg9[%shift_right_logical3A_714, %and3A_717], %broadcast_in_dim3A_44 masked %and3A_696 {add = true} : memref<80x128xf32, #tpu.memory_space<vmem>>[vector<16xi32>, vector<16xi32>], vector<16xf32>, vector<16xi1>
        tpu.vector_store_idx %arg10[%shift_right_logical3A_708, %and3A_711], %broadcast_in_dim3A_44 masked %and3A_701 {add = true} : memref<80x128xf32, #tpu.memory_space<vmem>>[vector<16xi32>, vector<16xi32>], vector<16xf32>, vector<16xi1>
        tpu.vector_store_idx %arg10[%shift_right_logical3A_714, %and3A_717], %broadcast_in_dim3A_44 masked %and3A_701 {add = true} : memref<80x128xf32, #tpu.memory_space<vmem>>[vector<16xi32>, vector<16xi32>], vector<16xf32>, vector<16xi1>
        %get3A_718 = arith.constant 1056 : index
        %get3A_719 = tpu.vector_load %arg5[%get3A_718] {strides = array<i32>} : memref<2048xf32, #tpu.memory_space<vmem>>, vector<16xf32>,
        %get3A_720 = arith.constant 1184 : index
        %get3A_721 = tpu.vector_load %arg5[%get3A_720] {strides = array<i32>} : memref<2048xf32, #tpu.memory_space<vmem>>, vector<16xf32>,
        %get3A_722 = arith.constant 1312 : index
        %get3A_723 = tpu.vector_load %arg5[%get3A_722] {strides = array<i32>} : memref<2048xf32, #tpu.memory_space<vmem>>, vector<16xf32>,
        %get3A_724 = arith.constant 1440 : index
        %get3A_725 = tpu.vector_load %arg5[%get3A_724] {strides = array<i32>} : memref<2048xf32, #tpu.memory_space<vmem>>, vector<16xf32>,
        %gt3A_726 = arith.cmpf ogt, %get3A_721, %get3A_719 : vector<16xf32>
        %ge3A_727 = arith.cmpf oge, %get3A_721, %get3A_723 : vector<16xf32>
        %and3A_728 = arith.andi %gt3A_726, %ge3A_727 : vector<16xi1>
        %ge3A_729 = arith.cmpf oge, %get3A_721, %get3A_725 : vector<16xf32>
        %and3A_730 = arith.andi %and3A_728, %ge3A_729 : vector<16xi1>
        %gt3A_731 = arith.cmpf ogt, %get3A_723, %get3A_719 : vector<16xf32>
        %gt3A_732 = arith.cmpf ogt, %get3A_723, %get3A_721 : vector<16xf32>
        %and3A_733 = arith.andi %gt3A_731, %gt3A_732 : vector<16xi1>
        %ge3A_734 = arith.cmpf oge, %get3A_723, %get3A_725 : vector<16xf32>
        %and3A_735 = arith.andi %and3A_733, %ge3A_734 : vector<16xi1>
        %get3A_736 = arith.constant 544 : index
        %get3A_737 = tpu.vector_load %arg7[%get3A_736] {strides = array<i32>} : memref<1024xi32, #tpu.memory_space<vmem>>, vector<16xi32>,
        %get3A_738 = arith.constant 672 : index
        %get3A_739 = tpu.vector_load %arg7[%get3A_738] {strides = array<i32>} : memref<1024xi32, #tpu.memory_space<vmem>>, vector<16xi32>,
        %shift_right_logical3A_740 = arith.constant 7 : i32
        %shift_right_logical3A_741 = vector.broadcast %shift_right_logical3A_740 : i32 to vector<16xi32>
        %shift_right_logical3A_742 = arith.shrui %get3A_737, %shift_right_logical3A_741 : vector<16xi32>
        %and3A_743 = arith.constant 127 : i32
        %and3A_744 = vector.broadcast %and3A_743 : i32 to vector<16xi32>
        %and3A_745 = arith.andi %get3A_737, %and3A_744 : vector<16xi32>
        %shift_right_logical3A_746 = arith.constant 7 : i32
        %shift_right_logical3A_747 = vector.broadcast %shift_right_logical3A_746 : i32 to vector<16xi32>
        %shift_right_logical3A_748 = arith.shrui %get3A_739, %shift_right_logical3A_747 : vector<16xi32>
        %and3A_749 = arith.constant 127 : i32
        %and3A_750 = vector.broadcast %and3A_749 : i32 to vector<16xi32>
        %and3A_751 = arith.andi %get3A_739, %and3A_750 : vector<16xi32>
        tpu.vector_store_idx %arg9[%shift_right_logical3A_742, %and3A_745], %broadcast_in_dim3A_44 masked %and3A_730 {add = true} : memref<80x128xf32, #tpu.memory_space<vmem>>[vector<16xi32>, vector<16xi32>], vector<16xf32>, vector<16xi1>
        tpu.vector_store_idx %arg9[%shift_right_logical3A_748, %and3A_751], %broadcast_in_dim3A_44 masked %and3A_730 {add = true} : memref<80x128xf32, #tpu.memory_space<vmem>>[vector<16xi32>, vector<16xi32>], vector<16xf32>, vector<16xi1>
        tpu.vector_store_idx %arg10[%shift_right_logical3A_742, %and3A_745], %broadcast_in_dim3A_44 masked %and3A_735 {add = true} : memref<80x128xf32, #tpu.memory_space<vmem>>[vector<16xi32>, vector<16xi32>], vector<16xf32>, vector<16xi1>
        tpu.vector_store_idx %arg10[%shift_right_logical3A_748, %and3A_751], %broadcast_in_dim3A_44 masked %and3A_735 {add = true} : memref<80x128xf32, #tpu.memory_space<vmem>>[vector<16xi32>, vector<16xi32>], vector<16xf32>, vector<16xi1>
        %get3A_752 = arith.constant 1072 : index
        %get3A_753 = tpu.vector_load %arg5[%get3A_752] {strides = array<i32>} : memref<2048xf32, #tpu.memory_space<vmem>>, vector<16xf32>,
        %get3A_754 = arith.constant 1200 : index
        %get3A_755 = tpu.vector_load %arg5[%get3A_754] {strides = array<i32>} : memref<2048xf32, #tpu.memory_space<vmem>>, vector<16xf32>,
        %get3A_756 = arith.constant 1328 : index
        %get3A_757 = tpu.vector_load %arg5[%get3A_756] {strides = array<i32>} : memref<2048xf32, #tpu.memory_space<vmem>>, vector<16xf32>,
        %get3A_758 = arith.constant 1456 : index
        %get3A_759 = tpu.vector_load %arg5[%get3A_758] {strides = array<i32>} : memref<2048xf32, #tpu.memory_space<vmem>>, vector<16xf32>,
        %gt3A_760 = arith.cmpf ogt, %get3A_755, %get3A_753 : vector<16xf32>
        %ge3A_761 = arith.cmpf oge, %get3A_755, %get3A_757 : vector<16xf32>
        %and3A_762 = arith.andi %gt3A_760, %ge3A_761 : vector<16xi1>
        %ge3A_763 = arith.cmpf oge, %get3A_755, %get3A_759 : vector<16xf32>
        %and3A_764 = arith.andi %and3A_762, %ge3A_763 : vector<16xi1>
        %gt3A_765 = arith.cmpf ogt, %get3A_757, %get3A_753 : vector<16xf32>
        %gt3A_766 = arith.cmpf ogt, %get3A_757, %get3A_755 : vector<16xf32>
        %and3A_767 = arith.andi %gt3A_765, %gt3A_766 : vector<16xi1>
        %ge3A_768 = arith.cmpf oge, %get3A_757, %get3A_759 : vector<16xf32>
        %and3A_769 = arith.andi %and3A_767, %ge3A_768 : vector<16xi1>
        %get3A_770 = arith.constant 560 : index
        %get3A_771 = tpu.vector_load %arg7[%get3A_770] {strides = array<i32>} : memref<1024xi32, #tpu.memory_space<vmem>>, vector<16xi32>,
        %get3A_772 = arith.constant 688 : index
        %get3A_773 = tpu.vector_load %arg7[%get3A_772] {strides = array<i32>} : memref<1024xi32, #tpu.memory_space<vmem>>, vector<16xi32>,
        %shift_right_logical3A_774 = arith.constant 7 : i32
        %shift_right_logical3A_775 = vector.broadcast %shift_right_logical3A_774 : i32 to vector<16xi32>
        %shift_right_logical3A_776 = arith.shrui %get3A_771, %shift_right_logical3A_775 : vector<16xi32>
        %and3A_777 = arith.constant 127 : i32
        %and3A_778 = vector.broadcast %and3A_777 : i32 to vector<16xi32>
        %and3A_779 = arith.andi %get3A_771, %and3A_778 : vector<16xi32>
        %shift_right_logical3A_780 = arith.constant 7 : i32
        %shift_right_logical3A_781 = vector.broadcast %shift_right_logical3A_780 : i32 to vector<16xi32>
        %shift_right_logical3A_782 = arith.shrui %get3A_773, %shift_right_logical3A_781 : vector<16xi32>
        %and3A_783 = arith.constant 127 : i32
        %and3A_784 = vector.broadcast %and3A_783 : i32 to vector<16xi32>
        %and3A_785 = arith.andi %get3A_773, %and3A_784 : vector<16xi32>
        tpu.vector_store_idx %arg9[%shift_right_logical3A_776, %and3A_779], %broadcast_in_dim3A_44 masked %and3A_764 {add = true} : memref<80x128xf32, #tpu.memory_space<vmem>>[vector<16xi32>, vector<16xi32>], vector<16xf32>, vector<16xi1>
        tpu.vector_store_idx %arg9[%shift_right_logical3A_782, %and3A_785], %broadcast_in_dim3A_44 masked %and3A_764 {add = true} : memref<80x128xf32, #tpu.memory_space<vmem>>[vector<16xi32>, vector<16xi32>], vector<16xf32>, vector<16xi1>
        tpu.vector_store_idx %arg10[%shift_right_logical3A_776, %and3A_779], %broadcast_in_dim3A_44 masked %and3A_769 {add = true} : memref<80x128xf32, #tpu.memory_space<vmem>>[vector<16xi32>, vector<16xi32>], vector<16xf32>, vector<16xi1>
        tpu.vector_store_idx %arg10[%shift_right_logical3A_782, %and3A_785], %broadcast_in_dim3A_44 masked %and3A_769 {add = true} : memref<80x128xf32, #tpu.memory_space<vmem>>[vector<16xi32>, vector<16xi32>], vector<16xf32>, vector<16xi1>
        %get3A_786 = arith.constant 1088 : index
        %get3A_787 = tpu.vector_load %arg5[%get3A_786] {strides = array<i32>} : memref<2048xf32, #tpu.memory_space<vmem>>, vector<16xf32>,
        %get3A_788 = arith.constant 1216 : index
        %get3A_789 = tpu.vector_load %arg5[%get3A_788] {strides = array<i32>} : memref<2048xf32, #tpu.memory_space<vmem>>, vector<16xf32>,
        %get3A_790 = arith.constant 1344 : index
        %get3A_791 = tpu.vector_load %arg5[%get3A_790] {strides = array<i32>} : memref<2048xf32, #tpu.memory_space<vmem>>, vector<16xf32>,
        %get3A_792 = arith.constant 1472 : index
        %get3A_793 = tpu.vector_load %arg5[%get3A_792] {strides = array<i32>} : memref<2048xf32, #tpu.memory_space<vmem>>, vector<16xf32>,
        %gt3A_794 = arith.cmpf ogt, %get3A_789, %get3A_787 : vector<16xf32>
        %ge3A_795 = arith.cmpf oge, %get3A_789, %get3A_791 : vector<16xf32>
        %and3A_796 = arith.andi %gt3A_794, %ge3A_795 : vector<16xi1>
        %ge3A_797 = arith.cmpf oge, %get3A_789, %get3A_793 : vector<16xf32>
        %and3A_798 = arith.andi %and3A_796, %ge3A_797 : vector<16xi1>
        %gt3A_799 = arith.cmpf ogt, %get3A_791, %get3A_787 : vector<16xf32>
        %gt3A_800 = arith.cmpf ogt, %get3A_791, %get3A_789 : vector<16xf32>
        %and3A_801 = arith.andi %gt3A_799, %gt3A_800 : vector<16xi1>
        %ge3A_802 = arith.cmpf oge, %get3A_791, %get3A_793 : vector<16xf32>
        %and3A_803 = arith.andi %and3A_801, %ge3A_802 : vector<16xi1>
        %get3A_804 = arith.constant 576 : index
        %get3A_805 = tpu.vector_load %arg7[%get3A_804] {strides = array<i32>} : memref<1024xi32, #tpu.memory_space<vmem>>, vector<16xi32>,
        %get3A_806 = arith.constant 704 : index
        %get3A_807 = tpu.vector_load %arg7[%get3A_806] {strides = array<i32>} : memref<1024xi32, #tpu.memory_space<vmem>>, vector<16xi32>,
        %shift_right_logical3A_808 = arith.constant 7 : i32
        %shift_right_logical3A_809 = vector.broadcast %shift_right_logical3A_808 : i32 to vector<16xi32>
        %shift_right_logical3A_810 = arith.shrui %get3A_805, %shift_right_logical3A_809 : vector<16xi32>
        %and3A_811 = arith.constant 127 : i32
        %and3A_812 = vector.broadcast %and3A_811 : i32 to vector<16xi32>
        %and3A_813 = arith.andi %get3A_805, %and3A_812 : vector<16xi32>
        %shift_right_logical3A_814 = arith.constant 7 : i32
        %shift_right_logical3A_815 = vector.broadcast %shift_right_logical3A_814 : i32 to vector<16xi32>
        %shift_right_logical3A_816 = arith.shrui %get3A_807, %shift_right_logical3A_815 : vector<16xi32>
        %and3A_817 = arith.constant 127 : i32
        %and3A_818 = vector.broadcast %and3A_817 : i32 to vector<16xi32>
        %and3A_819 = arith.andi %get3A_807, %and3A_818 : vector<16xi32>
        tpu.vector_store_idx %arg9[%shift_right_logical3A_810, %and3A_813], %broadcast_in_dim3A_44 masked %and3A_798 {add = true} : memref<80x128xf32, #tpu.memory_space<vmem>>[vector<16xi32>, vector<16xi32>], vector<16xf32>, vector<16xi1>
        tpu.vector_store_idx %arg9[%shift_right_logical3A_816, %and3A_819], %broadcast_in_dim3A_44 masked %and3A_798 {add = true} : memref<80x128xf32, #tpu.memory_space<vmem>>[vector<16xi32>, vector<16xi32>], vector<16xf32>, vector<16xi1>
        tpu.vector_store_idx %arg10[%shift_right_logical3A_810, %and3A_813], %broadcast_in_dim3A_44 masked %and3A_803 {add = true} : memref<80x128xf32, #tpu.memory_space<vmem>>[vector<16xi32>, vector<16xi32>], vector<16xf32>, vector<16xi1>
        tpu.vector_store_idx %arg10[%shift_right_logical3A_816, %and3A_819], %broadcast_in_dim3A_44 masked %and3A_803 {add = true} : memref<80x128xf32, #tpu.memory_space<vmem>>[vector<16xi32>, vector<16xi32>], vector<16xf32>, vector<16xi1>
        %get3A_820 = arith.constant 1104 : index
        %get3A_821 = tpu.vector_load %arg5[%get3A_820] {strides = array<i32>} : memref<2048xf32, #tpu.memory_space<vmem>>, vector<16xf32>,
        %get3A_822 = arith.constant 1232 : index
        %get3A_823 = tpu.vector_load %arg5[%get3A_822] {strides = array<i32>} : memref<2048xf32, #tpu.memory_space<vmem>>, vector<16xf32>,
        %get3A_824 = arith.constant 1360 : index
        %get3A_825 = tpu.vector_load %arg5[%get3A_824] {strides = array<i32>} : memref<2048xf32, #tpu.memory_space<vmem>>, vector<16xf32>,
        %get3A_826 = arith.constant 1488 : index
        %get3A_827 = tpu.vector_load %arg5[%get3A_826] {strides = array<i32>} : memref<2048xf32, #tpu.memory_space<vmem>>, vector<16xf32>,
        %gt3A_828 = arith.cmpf ogt, %get3A_823, %get3A_821 : vector<16xf32>
        %ge3A_829 = arith.cmpf oge, %get3A_823, %get3A_825 : vector<16xf32>
        %and3A_830 = arith.andi %gt3A_828, %ge3A_829 : vector<16xi1>
        %ge3A_831 = arith.cmpf oge, %get3A_823, %get3A_827 : vector<16xf32>
        %and3A_832 = arith.andi %and3A_830, %ge3A_831 : vector<16xi1>
        %gt3A_833 = arith.cmpf ogt, %get3A_825, %get3A_821 : vector<16xf32>
        %gt3A_834 = arith.cmpf ogt, %get3A_825, %get3A_823 : vector<16xf32>
        %and3A_835 = arith.andi %gt3A_833, %gt3A_834 : vector<16xi1>
        %ge3A_836 = arith.cmpf oge, %get3A_825, %get3A_827 : vector<16xf32>
        %and3A_837 = arith.andi %and3A_835, %ge3A_836 : vector<16xi1>
        %get3A_838 = arith.constant 592 : index
        %get3A_839 = tpu.vector_load %arg7[%get3A_838] {strides = array<i32>} : memref<1024xi32, #tpu.memory_space<vmem>>, vector<16xi32>,
        %get3A_840 = arith.constant 720 : index
        %get3A_841 = tpu.vector_load %arg7[%get3A_840] {strides = array<i32>} : memref<1024xi32, #tpu.memory_space<vmem>>, vector<16xi32>,
        %shift_right_logical3A_842 = arith.constant 7 : i32
        %shift_right_logical3A_843 = vector.broadcast %shift_right_logical3A_842 : i32 to vector<16xi32>
        %shift_right_logical3A_844 = arith.shrui %get3A_839, %shift_right_logical3A_843 : vector<16xi32>
        %and3A_845 = arith.constant 127 : i32
        %and3A_846 = vector.broadcast %and3A_845 : i32 to vector<16xi32>
        %and3A_847 = arith.andi %get3A_839, %and3A_846 : vector<16xi32>
        %shift_right_logical3A_848 = arith.constant 7 : i32
        %shift_right_logical3A_849 = vector.broadcast %shift_right_logical3A_848 : i32 to vector<16xi32>
        %shift_right_logical3A_850 = arith.shrui %get3A_841, %shift_right_logical3A_849 : vector<16xi32>
        %and3A_851 = arith.constant 127 : i32
        %and3A_852 = vector.broadcast %and3A_851 : i32 to vector<16xi32>
        %and3A_853 = arith.andi %get3A_841, %and3A_852 : vector<16xi32>
        tpu.vector_store_idx %arg9[%shift_right_logical3A_844, %and3A_847], %broadcast_in_dim3A_44 masked %and3A_832 {add = true} : memref<80x128xf32, #tpu.memory_space<vmem>>[vector<16xi32>, vector<16xi32>], vector<16xf32>, vector<16xi1>
        tpu.vector_store_idx %arg9[%shift_right_logical3A_850, %and3A_853], %broadcast_in_dim3A_44 masked %and3A_832 {add = true} : memref<80x128xf32, #tpu.memory_space<vmem>>[vector<16xi32>, vector<16xi32>], vector<16xf32>, vector<16xi1>
        tpu.vector_store_idx %arg10[%shift_right_logical3A_844, %and3A_847], %broadcast_in_dim3A_44 masked %and3A_837 {add = true} : memref<80x128xf32, #tpu.memory_space<vmem>>[vector<16xi32>, vector<16xi32>], vector<16xf32>, vector<16xi1>
        tpu.vector_store_idx %arg10[%shift_right_logical3A_850, %and3A_853], %broadcast_in_dim3A_44 masked %and3A_837 {add = true} : memref<80x128xf32, #tpu.memory_space<vmem>>[vector<16xi32>, vector<16xi32>], vector<16xf32>, vector<16xi1>
        %get3A_854 = arith.constant 1120 : index
        %get3A_855 = tpu.vector_load %arg5[%get3A_854] {strides = array<i32>} : memref<2048xf32, #tpu.memory_space<vmem>>, vector<16xf32>,
        %get3A_856 = arith.constant 1248 : index
        %get3A_857 = tpu.vector_load %arg5[%get3A_856] {strides = array<i32>} : memref<2048xf32, #tpu.memory_space<vmem>>, vector<16xf32>,
        %get3A_858 = arith.constant 1376 : index
        %get3A_859 = tpu.vector_load %arg5[%get3A_858] {strides = array<i32>} : memref<2048xf32, #tpu.memory_space<vmem>>, vector<16xf32>,
        %get3A_860 = arith.constant 1504 : index
        %get3A_861 = tpu.vector_load %arg5[%get3A_860] {strides = array<i32>} : memref<2048xf32, #tpu.memory_space<vmem>>, vector<16xf32>,
        %gt3A_862 = arith.cmpf ogt, %get3A_857, %get3A_855 : vector<16xf32>
        %ge3A_863 = arith.cmpf oge, %get3A_857, %get3A_859 : vector<16xf32>
        %and3A_864 = arith.andi %gt3A_862, %ge3A_863 : vector<16xi1>
        %ge3A_865 = arith.cmpf oge, %get3A_857, %get3A_861 : vector<16xf32>
        %and3A_866 = arith.andi %and3A_864, %ge3A_865 : vector<16xi1>
        %gt3A_867 = arith.cmpf ogt, %get3A_859, %get3A_855 : vector<16xf32>
        %gt3A_868 = arith.cmpf ogt, %get3A_859, %get3A_857 : vector<16xf32>
        %and3A_869 = arith.andi %gt3A_867, %gt3A_868 : vector<16xi1>
        %ge3A_870 = arith.cmpf oge, %get3A_859, %get3A_861 : vector<16xf32>
        %and3A_871 = arith.andi %and3A_869, %ge3A_870 : vector<16xi1>
        %get3A_872 = arith.constant 608 : index
        %get3A_873 = tpu.vector_load %arg7[%get3A_872] {strides = array<i32>} : memref<1024xi32, #tpu.memory_space<vmem>>, vector<16xi32>,
        %get3A_874 = arith.constant 736 : index
        %get3A_875 = tpu.vector_load %arg7[%get3A_874] {strides = array<i32>} : memref<1024xi32, #tpu.memory_space<vmem>>, vector<16xi32>,
        %shift_right_logical3A_876 = arith.constant 7 : i32
        %shift_right_logical3A_877 = vector.broadcast %shift_right_logical3A_876 : i32 to vector<16xi32>
        %shift_right_logical3A_878 = arith.shrui %get3A_873, %shift_right_logical3A_877 : vector<16xi32>
        %and3A_879 = arith.constant 127 : i32
        %and3A_880 = vector.broadcast %and3A_879 : i32 to vector<16xi32>
        %and3A_881 = arith.andi %get3A_873, %and3A_880 : vector<16xi32>
        %shift_right_logical3A_882 = arith.constant 7 : i32
        %shift_right_logical3A_883 = vector.broadcast %shift_right_logical3A_882 : i32 to vector<16xi32>
        %shift_right_logical3A_884 = arith.shrui %get3A_875, %shift_right_logical3A_883 : vector<16xi32>
        %and3A_885 = arith.constant 127 : i32
        %and3A_886 = vector.broadcast %and3A_885 : i32 to vector<16xi32>
        %and3A_887 = arith.andi %get3A_875, %and3A_886 : vector<16xi32>
        tpu.vector_store_idx %arg9[%shift_right_logical3A_878, %and3A_881], %broadcast_in_dim3A_44 masked %and3A_866 {add = true} : memref<80x128xf32, #tpu.memory_space<vmem>>[vector<16xi32>, vector<16xi32>], vector<16xf32>, vector<16xi1>
        tpu.vector_store_idx %arg9[%shift_right_logical3A_884, %and3A_887], %broadcast_in_dim3A_44 masked %and3A_866 {add = true} : memref<80x128xf32, #tpu.memory_space<vmem>>[vector<16xi32>, vector<16xi32>], vector<16xf32>, vector<16xi1>
        tpu.vector_store_idx %arg10[%shift_right_logical3A_878, %and3A_881], %broadcast_in_dim3A_44 masked %and3A_871 {add = true} : memref<80x128xf32, #tpu.memory_space<vmem>>[vector<16xi32>, vector<16xi32>], vector<16xf32>, vector<16xi1>
        tpu.vector_store_idx %arg10[%shift_right_logical3A_884, %and3A_887], %broadcast_in_dim3A_44 masked %and3A_871 {add = true} : memref<80x128xf32, #tpu.memory_space<vmem>>[vector<16xi32>, vector<16xi32>], vector<16xf32>, vector<16xi1>
        %get3A_888 = arith.constant 1136 : index
        %get3A_889 = tpu.vector_load %arg5[%get3A_888] {strides = array<i32>} : memref<2048xf32, #tpu.memory_space<vmem>>, vector<16xf32>,
        %get3A_890 = arith.constant 1264 : index
        %get3A_891 = tpu.vector_load %arg5[%get3A_890] {strides = array<i32>} : memref<2048xf32, #tpu.memory_space<vmem>>, vector<16xf32>,
        %get3A_892 = arith.constant 1392 : index
        %get3A_893 = tpu.vector_load %arg5[%get3A_892] {strides = array<i32>} : memref<2048xf32, #tpu.memory_space<vmem>>, vector<16xf32>,
        %get3A_894 = arith.constant 1520 : index
        %get3A_895 = tpu.vector_load %arg5[%get3A_894] {strides = array<i32>} : memref<2048xf32, #tpu.memory_space<vmem>>, vector<16xf32>,
        %gt3A_896 = arith.cmpf ogt, %get3A_891, %get3A_889 : vector<16xf32>
        %ge3A_897 = arith.cmpf oge, %get3A_891, %get3A_893 : vector<16xf32>
        %and3A_898 = arith.andi %gt3A_896, %ge3A_897 : vector<16xi1>
        %ge3A_899 = arith.cmpf oge, %get3A_891, %get3A_895 : vector<16xf32>
        %and3A_900 = arith.andi %and3A_898, %ge3A_899 : vector<16xi1>
        %gt3A_901 = arith.cmpf ogt, %get3A_893, %get3A_889 : vector<16xf32>
        %gt3A_902 = arith.cmpf ogt, %get3A_893, %get3A_891 : vector<16xf32>
        %and3A_903 = arith.andi %gt3A_901, %gt3A_902 : vector<16xi1>
        %ge3A_904 = arith.cmpf oge, %get3A_893, %get3A_895 : vector<16xf32>
        %and3A_905 = arith.andi %and3A_903, %ge3A_904 : vector<16xi1>
        %get3A_906 = arith.constant 624 : index
        %get3A_907 = tpu.vector_load %arg7[%get3A_906] {strides = array<i32>} : memref<1024xi32, #tpu.memory_space<vmem>>, vector<16xi32>,
        %get3A_908 = arith.constant 752 : index
        %get3A_909 = tpu.vector_load %arg7[%get3A_908] {strides = array<i32>} : memref<1024xi32, #tpu.memory_space<vmem>>, vector<16xi32>,
        %shift_right_logical3A_910 = arith.constant 7 : i32
        %shift_right_logical3A_911 = vector.broadcast %shift_right_logical3A_910 : i32 to vector<16xi32>
        %shift_right_logical3A_912 = arith.shrui %get3A_907, %shift_right_logical3A_911 : vector<16xi32>
        %and3A_913 = arith.constant 127 : i32
        %and3A_914 = vector.broadcast %and3A_913 : i32 to vector<16xi32>
        %and3A_915 = arith.andi %get3A_907, %and3A_914 : vector<16xi32>
        %shift_right_logical3A_916 = arith.constant 7 : i32
        %shift_right_logical3A_917 = vector.broadcast %shift_right_logical3A_916 : i32 to vector<16xi32>
        %shift_right_logical3A_918 = arith.shrui %get3A_909, %shift_right_logical3A_917 : vector<16xi32>
        %and3A_919 = arith.constant 127 : i32
        %and3A_920 = vector.broadcast %and3A_919 : i32 to vector<16xi32>
        %and3A_921 = arith.andi %get3A_909, %and3A_920 : vector<16xi32>
        tpu.vector_store_idx %arg9[%shift_right_logical3A_912, %and3A_915], %broadcast_in_dim3A_44 masked %and3A_900 {add = true} : memref<80x128xf32, #tpu.memory_space<vmem>>[vector<16xi32>, vector<16xi32>], vector<16xf32>, vector<16xi1>
        tpu.vector_store_idx %arg9[%shift_right_logical3A_918, %and3A_921], %broadcast_in_dim3A_44 masked %and3A_900 {add = true} : memref<80x128xf32, #tpu.memory_space<vmem>>[vector<16xi32>, vector<16xi32>], vector<16xf32>, vector<16xi1>
        tpu.vector_store_idx %arg10[%shift_right_logical3A_912, %and3A_915], %broadcast_in_dim3A_44 masked %and3A_905 {add = true} : memref<80x128xf32, #tpu.memory_space<vmem>>[vector<16xi32>, vector<16xi32>], vector<16xf32>, vector<16xi1>
        tpu.vector_store_idx %arg10[%shift_right_logical3A_918, %and3A_921], %broadcast_in_dim3A_44 masked %and3A_905 {add = true} : memref<80x128xf32, #tpu.memory_space<vmem>>[vector<16xi32>, vector<16xi32>], vector<16xf32>, vector<16xi1>
        %get3A_922 = arith.constant 1536 : index
        %get3A_923 = tpu.vector_load %arg5[%get3A_922] {strides = array<i32>} : memref<2048xf32, #tpu.memory_space<vmem>>, vector<16xf32>,
        %get3A_924 = arith.constant 1664 : index
        %get3A_925 = tpu.vector_load %arg5[%get3A_924] {strides = array<i32>} : memref<2048xf32, #tpu.memory_space<vmem>>, vector<16xf32>,
        %get3A_926 = arith.constant 1792 : index
        %get3A_927 = tpu.vector_load %arg5[%get3A_926] {strides = array<i32>} : memref<2048xf32, #tpu.memory_space<vmem>>, vector<16xf32>,
        %get3A_928 = arith.constant 1920 : index
        %get3A_929 = tpu.vector_load %arg5[%get3A_928] {strides = array<i32>} : memref<2048xf32, #tpu.memory_space<vmem>>, vector<16xf32>,
        %gt3A_930 = arith.cmpf ogt, %get3A_925, %get3A_923 : vector<16xf32>
        %ge3A_931 = arith.cmpf oge, %get3A_925, %get3A_927 : vector<16xf32>
        %and3A_932 = arith.andi %gt3A_930, %ge3A_931 : vector<16xi1>
        %ge3A_933 = arith.cmpf oge, %get3A_925, %get3A_929 : vector<16xf32>
        %and3A_934 = arith.andi %and3A_932, %ge3A_933 : vector<16xi1>
        %gt3A_935 = arith.cmpf ogt, %get3A_927, %get3A_923 : vector<16xf32>
        %gt3A_936 = arith.cmpf ogt, %get3A_927, %get3A_925 : vector<16xf32>
        %and3A_937 = arith.andi %gt3A_935, %gt3A_936 : vector<16xi1>
        %ge3A_938 = arith.cmpf oge, %get3A_927, %get3A_929 : vector<16xf32>
        %and3A_939 = arith.andi %and3A_937, %ge3A_938 : vector<16xi1>
        %get3A_940 = arith.constant 768 : index
        %get3A_941 = tpu.vector_load %arg7[%get3A_940] {strides = array<i32>} : memref<1024xi32, #tpu.memory_space<vmem>>, vector<16xi32>,
        %get3A_942 = arith.constant 896 : index
        %get3A_943 = tpu.vector_load %arg7[%get3A_942] {strides = array<i32>} : memref<1024xi32, #tpu.memory_space<vmem>>, vector<16xi32>,
        %shift_right_logical3A_944 = arith.constant 7 : i32
        %shift_right_logical3A_945 = vector.broadcast %shift_right_logical3A_944 : i32 to vector<16xi32>
        %shift_right_logical3A_946 = arith.shrui %get3A_941, %shift_right_logical3A_945 : vector<16xi32>
        %and3A_947 = arith.constant 127 : i32
        %and3A_948 = vector.broadcast %and3A_947 : i32 to vector<16xi32>
        %and3A_949 = arith.andi %get3A_941, %and3A_948 : vector<16xi32>
        %shift_right_logical3A_950 = arith.constant 7 : i32
        %shift_right_logical3A_951 = vector.broadcast %shift_right_logical3A_950 : i32 to vector<16xi32>
        %shift_right_logical3A_952 = arith.shrui %get3A_943, %shift_right_logical3A_951 : vector<16xi32>
        %and3A_953 = arith.constant 127 : i32
        %and3A_954 = vector.broadcast %and3A_953 : i32 to vector<16xi32>
        %and3A_955 = arith.andi %get3A_943, %and3A_954 : vector<16xi32>
        tpu.vector_store_idx %arg9[%shift_right_logical3A_946, %and3A_949], %broadcast_in_dim3A_44 masked %and3A_934 {add = true} : memref<80x128xf32, #tpu.memory_space<vmem>>[vector<16xi32>, vector<16xi32>], vector<16xf32>, vector<16xi1>
        tpu.vector_store_idx %arg9[%shift_right_logical3A_952, %and3A_955], %broadcast_in_dim3A_44 masked %and3A_934 {add = true} : memref<80x128xf32, #tpu.memory_space<vmem>>[vector<16xi32>, vector<16xi32>], vector<16xf32>, vector<16xi1>
        tpu.vector_store_idx %arg10[%shift_right_logical3A_946, %and3A_949], %broadcast_in_dim3A_44 masked %and3A_939 {add = true} : memref<80x128xf32, #tpu.memory_space<vmem>>[vector<16xi32>, vector<16xi32>], vector<16xf32>, vector<16xi1>
        tpu.vector_store_idx %arg10[%shift_right_logical3A_952, %and3A_955], %broadcast_in_dim3A_44 masked %and3A_939 {add = true} : memref<80x128xf32, #tpu.memory_space<vmem>>[vector<16xi32>, vector<16xi32>], vector<16xf32>, vector<16xi1>
        %get3A_956 = arith.constant 1552 : index
        %get3A_957 = tpu.vector_load %arg5[%get3A_956] {strides = array<i32>} : memref<2048xf32, #tpu.memory_space<vmem>>, vector<16xf32>,
        %get3A_958 = arith.constant 1680 : index
        %get3A_959 = tpu.vector_load %arg5[%get3A_958] {strides = array<i32>} : memref<2048xf32, #tpu.memory_space<vmem>>, vector<16xf32>,
        %get3A_960 = arith.constant 1808 : index
        %get3A_961 = tpu.vector_load %arg5[%get3A_960] {strides = array<i32>} : memref<2048xf32, #tpu.memory_space<vmem>>, vector<16xf32>,
        %get3A_962 = arith.constant 1936 : index
        %get3A_963 = tpu.vector_load %arg5[%get3A_962] {strides = array<i32>} : memref<2048xf32, #tpu.memory_space<vmem>>, vector<16xf32>,
        %gt3A_964 = arith.cmpf ogt, %get3A_959, %get3A_957 : vector<16xf32>
        %ge3A_965 = arith.cmpf oge, %get3A_959, %get3A_961 : vector<16xf32>
        %and3A_966 = arith.andi %gt3A_964, %ge3A_965 : vector<16xi1>
        %ge3A_967 = arith.cmpf oge, %get3A_959, %get3A_963 : vector<16xf32>
        %and3A_968 = arith.andi %and3A_966, %ge3A_967 : vector<16xi1>
        %gt3A_969 = arith.cmpf ogt, %get3A_961, %get3A_957 : vector<16xf32>
        %gt3A_970 = arith.cmpf ogt, %get3A_961, %get3A_959 : vector<16xf32>
        %and3A_971 = arith.andi %gt3A_969, %gt3A_970 : vector<16xi1>
        %ge3A_972 = arith.cmpf oge, %get3A_961, %get3A_963 : vector<16xf32>
        %and3A_973 = arith.andi %and3A_971, %ge3A_972 : vector<16xi1>
        %get3A_974 = arith.constant 784 : index
        %get3A_975 = tpu.vector_load %arg7[%get3A_974] {strides = array<i32>} : memref<1024xi32, #tpu.memory_space<vmem>>, vector<16xi32>,
        %get3A_976 = arith.constant 912 : index
        %get3A_977 = tpu.vector_load %arg7[%get3A_976] {strides = array<i32>} : memref<1024xi32, #tpu.memory_space<vmem>>, vector<16xi32>,
        %shift_right_logical3A_978 = arith.constant 7 : i32
        %shift_right_logical3A_979 = vector.broadcast %shift_right_logical3A_978 : i32 to vector<16xi32>
        %shift_right_logical3A_980 = arith.shrui %get3A_975, %shift_right_logical3A_979 : vector<16xi32>
        %and3A_981 = arith.constant 127 : i32
        %and3A_982 = vector.broadcast %and3A_981 : i32 to vector<16xi32>
        %and3A_983 = arith.andi %get3A_975, %and3A_982 : vector<16xi32>
        %shift_right_logical3A_984 = arith.constant 7 : i32
        %shift_right_logical3A_985 = vector.broadcast %shift_right_logical3A_984 : i32 to vector<16xi32>
        %shift_right_logical3A_986 = arith.shrui %get3A_977, %shift_right_logical3A_985 : vector<16xi32>
        %and3A_987 = arith.constant 127 : i32
        %and3A_988 = vector.broadcast %and3A_987 : i32 to vector<16xi32>
        %and3A_989 = arith.andi %get3A_977, %and3A_988 : vector<16xi32>
        tpu.vector_store_idx %arg9[%shift_right_logical3A_980, %and3A_983], %broadcast_in_dim3A_44 masked %and3A_968 {add = true} : memref<80x128xf32, #tpu.memory_space<vmem>>[vector<16xi32>, vector<16xi32>], vector<16xf32>, vector<16xi1>
        tpu.vector_store_idx %arg9[%shift_right_logical3A_986, %and3A_989], %broadcast_in_dim3A_44 masked %and3A_968 {add = true} : memref<80x128xf32, #tpu.memory_space<vmem>>[vector<16xi32>, vector<16xi32>], vector<16xf32>, vector<16xi1>
        tpu.vector_store_idx %arg10[%shift_right_logical3A_980, %and3A_983], %broadcast_in_dim3A_44 masked %and3A_973 {add = true} : memref<80x128xf32, #tpu.memory_space<vmem>>[vector<16xi32>, vector<16xi32>], vector<16xf32>, vector<16xi1>
        tpu.vector_store_idx %arg10[%shift_right_logical3A_986, %and3A_989], %broadcast_in_dim3A_44 masked %and3A_973 {add = true} : memref<80x128xf32, #tpu.memory_space<vmem>>[vector<16xi32>, vector<16xi32>], vector<16xf32>, vector<16xi1>
        %get3A_990 = arith.constant 1568 : index
        %get3A_991 = tpu.vector_load %arg5[%get3A_990] {strides = array<i32>} : memref<2048xf32, #tpu.memory_space<vmem>>, vector<16xf32>,
        %get3A_992 = arith.constant 1696 : index
        %get3A_993 = tpu.vector_load %arg5[%get3A_992] {strides = array<i32>} : memref<2048xf32, #tpu.memory_space<vmem>>, vector<16xf32>,
        %get3A_994 = arith.constant 1824 : index
        %get3A_995 = tpu.vector_load %arg5[%get3A_994] {strides = array<i32>} : memref<2048xf32, #tpu.memory_space<vmem>>, vector<16xf32>,
        %get3A_996 = arith.constant 1952 : index
        %get3A_997 = tpu.vector_load %arg5[%get3A_996] {strides = array<i32>} : memref<2048xf32, #tpu.memory_space<vmem>>, vector<16xf32>,
        %gt3A_998 = arith.cmpf ogt, %get3A_993, %get3A_991 : vector<16xf32>
        %ge3A_999 = arith.cmpf oge, %get3A_993, %get3A_995 : vector<16xf32>
        %and3A_1000 = arith.andi %gt3A_998, %ge3A_999 : vector<16xi1>
        %ge3A_1001 = arith.cmpf oge, %get3A_993, %get3A_997 : vector<16xf32>
        %and3A_1002 = arith.andi %and3A_1000, %ge3A_1001 : vector<16xi1>
        %gt3A_1003 = arith.cmpf ogt, %get3A_995, %get3A_991 : vector<16xf32>
        %gt3A_1004 = arith.cmpf ogt, %get3A_995, %get3A_993 : vector<16xf32>
        %and3A_1005 = arith.andi %gt3A_1003, %gt3A_1004 : vector<16xi1>
        %ge3A_1006 = arith.cmpf oge, %get3A_995, %get3A_997 : vector<16xf32>
        %and3A_1007 = arith.andi %and3A_1005, %ge3A_1006 : vector<16xi1>
        %get3A_1008 = arith.constant 800 : index
        %get3A_1009 = tpu.vector_load %arg7[%get3A_1008] {strides = array<i32>} : memref<1024xi32, #tpu.memory_space<vmem>>, vector<16xi32>,
        %get3A_1010 = arith.constant 928 : index
        %get3A_1011 = tpu.vector_load %arg7[%get3A_1010] {strides = array<i32>} : memref<1024xi32, #tpu.memory_space<vmem>>, vector<16xi32>,
        %shift_right_logical3A_1012 = arith.constant 7 : i32
        %shift_right_logical3A_1013 = vector.broadcast %shift_right_logical3A_1012 : i32 to vector<16xi32>
        %shift_right_logical3A_1014 = arith.shrui %get3A_1009, %shift_right_logical3A_1013 : vector<16xi32>
        %and3A_1015 = arith.constant 127 : i32
        %and3A_1016 = vector.broadcast %and3A_1015 : i32 to vector<16xi32>
        %and3A_1017 = arith.andi %get3A_1009, %and3A_1016 : vector<16xi32>
        %shift_right_logical3A_1018 = arith.constant 7 : i32
        %shift_right_logical3A_1019 = vector.broadcast %shift_right_logical3A_1018 : i32 to vector<16xi32>
        %shift_right_logical3A_1020 = arith.shrui %get3A_1011, %shift_right_logical3A_1019 : vector<16xi32>
        %and3A_1021 = arith.constant 127 : i32
        %and3A_1022 = vector.broadcast %and3A_1021 : i32 to vector<16xi32>
        %and3A_1023 = arith.andi %get3A_1011, %and3A_1022 : vector<16xi32>
        tpu.vector_store_idx %arg9[%shift_right_logical3A_1014, %and3A_1017], %broadcast_in_dim3A_44 masked %and3A_1002 {add = true} : memref<80x128xf32, #tpu.memory_space<vmem>>[vector<16xi32>, vector<16xi32>], vector<16xf32>, vector<16xi1>
        tpu.vector_store_idx %arg9[%shift_right_logical3A_1020, %and3A_1023], %broadcast_in_dim3A_44 masked %and3A_1002 {add = true} : memref<80x128xf32, #tpu.memory_space<vmem>>[vector<16xi32>, vector<16xi32>], vector<16xf32>, vector<16xi1>
        tpu.vector_store_idx %arg10[%shift_right_logical3A_1014, %and3A_1017], %broadcast_in_dim3A_44 masked %and3A_1007 {add = true} : memref<80x128xf32, #tpu.memory_space<vmem>>[vector<16xi32>, vector<16xi32>], vector<16xf32>, vector<16xi1>
        tpu.vector_store_idx %arg10[%shift_right_logical3A_1020, %and3A_1023], %broadcast_in_dim3A_44 masked %and3A_1007 {add = true} : memref<80x128xf32, #tpu.memory_space<vmem>>[vector<16xi32>, vector<16xi32>], vector<16xf32>, vector<16xi1>
        %get3A_1024 = arith.constant 1584 : index
        %get3A_1025 = tpu.vector_load %arg5[%get3A_1024] {strides = array<i32>} : memref<2048xf32, #tpu.memory_space<vmem>>, vector<16xf32>,
        %get3A_1026 = arith.constant 1712 : index
        %get3A_1027 = tpu.vector_load %arg5[%get3A_1026] {strides = array<i32>} : memref<2048xf32, #tpu.memory_space<vmem>>, vector<16xf32>,
        %get3A_1028 = arith.constant 1840 : index
        %get3A_1029 = tpu.vector_load %arg5[%get3A_1028] {strides = array<i32>} : memref<2048xf32, #tpu.memory_space<vmem>>, vector<16xf32>,
        %get3A_1030 = arith.constant 1968 : index
        %get3A_1031 = tpu.vector_load %arg5[%get3A_1030] {strides = array<i32>} : memref<2048xf32, #tpu.memory_space<vmem>>, vector<16xf32>,
        %gt3A_1032 = arith.cmpf ogt, %get3A_1027, %get3A_1025 : vector<16xf32>
        %ge3A_1033 = arith.cmpf oge, %get3A_1027, %get3A_1029 : vector<16xf32>
        %and3A_1034 = arith.andi %gt3A_1032, %ge3A_1033 : vector<16xi1>
        %ge3A_1035 = arith.cmpf oge, %get3A_1027, %get3A_1031 : vector<16xf32>
        %and3A_1036 = arith.andi %and3A_1034, %ge3A_1035 : vector<16xi1>
        %gt3A_1037 = arith.cmpf ogt, %get3A_1029, %get3A_1025 : vector<16xf32>
        %gt3A_1038 = arith.cmpf ogt, %get3A_1029, %get3A_1027 : vector<16xf32>
        %and3A_1039 = arith.andi %gt3A_1037, %gt3A_1038 : vector<16xi1>
        %ge3A_1040 = arith.cmpf oge, %get3A_1029, %get3A_1031 : vector<16xf32>
        %and3A_1041 = arith.andi %and3A_1039, %ge3A_1040 : vector<16xi1>
        %get3A_1042 = arith.constant 816 : index
        %get3A_1043 = tpu.vector_load %arg7[%get3A_1042] {strides = array<i32>} : memref<1024xi32, #tpu.memory_space<vmem>>, vector<16xi32>,
        %get3A_1044 = arith.constant 944 : index
        %get3A_1045 = tpu.vector_load %arg7[%get3A_1044] {strides = array<i32>} : memref<1024xi32, #tpu.memory_space<vmem>>, vector<16xi32>,
        %shift_right_logical3A_1046 = arith.constant 7 : i32
        %shift_right_logical3A_1047 = vector.broadcast %shift_right_logical3A_1046 : i32 to vector<16xi32>
        %shift_right_logical3A_1048 = arith.shrui %get3A_1043, %shift_right_logical3A_1047 : vector<16xi32>
        %and3A_1049 = arith.constant 127 : i32
        %and3A_1050 = vector.broadcast %and3A_1049 : i32 to vector<16xi32>
        %and3A_1051 = arith.andi %get3A_1043, %and3A_1050 : vector<16xi32>
        %shift_right_logical3A_1052 = arith.constant 7 : i32
        %shift_right_logical3A_1053 = vector.broadcast %shift_right_logical3A_1052 : i32 to vector<16xi32>
        %shift_right_logical3A_1054 = arith.shrui %get3A_1045, %shift_right_logical3A_1053 : vector<16xi32>
        %and3A_1055 = arith.constant 127 : i32
        %and3A_1056 = vector.broadcast %and3A_1055 : i32 to vector<16xi32>
        %and3A_1057 = arith.andi %get3A_1045, %and3A_1056 : vector<16xi32>
        tpu.vector_store_idx %arg9[%shift_right_logical3A_1048, %and3A_1051], %broadcast_in_dim3A_44 masked %and3A_1036 {add = true} : memref<80x128xf32, #tpu.memory_space<vmem>>[vector<16xi32>, vector<16xi32>], vector<16xf32>, vector<16xi1>
        tpu.vector_store_idx %arg9[%shift_right_logical3A_1054, %and3A_1057], %broadcast_in_dim3A_44 masked %and3A_1036 {add = true} : memref<80x128xf32, #tpu.memory_space<vmem>>[vector<16xi32>, vector<16xi32>], vector<16xf32>, vector<16xi1>
        tpu.vector_store_idx %arg10[%shift_right_logical3A_1048, %and3A_1051], %broadcast_in_dim3A_44 masked %and3A_1041 {add = true} : memref<80x128xf32, #tpu.memory_space<vmem>>[vector<16xi32>, vector<16xi32>], vector<16xf32>, vector<16xi1>
        tpu.vector_store_idx %arg10[%shift_right_logical3A_1054, %and3A_1057], %broadcast_in_dim3A_44 masked %and3A_1041 {add = true} : memref<80x128xf32, #tpu.memory_space<vmem>>[vector<16xi32>, vector<16xi32>], vector<16xf32>, vector<16xi1>
        %get3A_1058 = arith.constant 1600 : index
        %get3A_1059 = tpu.vector_load %arg5[%get3A_1058] {strides = array<i32>} : memref<2048xf32, #tpu.memory_space<vmem>>, vector<16xf32>,
        %get3A_1060 = arith.constant 1728 : index
        %get3A_1061 = tpu.vector_load %arg5[%get3A_1060] {strides = array<i32>} : memref<2048xf32, #tpu.memory_space<vmem>>, vector<16xf32>,
        %get3A_1062 = arith.constant 1856 : index
        %get3A_1063 = tpu.vector_load %arg5[%get3A_1062] {strides = array<i32>} : memref<2048xf32, #tpu.memory_space<vmem>>, vector<16xf32>,
        %get3A_1064 = arith.constant 1984 : index
        %get3A_1065 = tpu.vector_load %arg5[%get3A_1064] {strides = array<i32>} : memref<2048xf32, #tpu.memory_space<vmem>>, vector<16xf32>,
        %gt3A_1066 = arith.cmpf ogt, %get3A_1061, %get3A_1059 : vector<16xf32>
        %ge3A_1067 = arith.cmpf oge, %get3A_1061, %get3A_1063 : vector<16xf32>
        %and3A_1068 = arith.andi %gt3A_1066, %ge3A_1067 : vector<16xi1>
        %ge3A_1069 = arith.cmpf oge, %get3A_1061, %get3A_1065 : vector<16xf32>
        %and3A_1070 = arith.andi %and3A_1068, %ge3A_1069 : vector<16xi1>
        %gt3A_1071 = arith.cmpf ogt, %get3A_1063, %get3A_1059 : vector<16xf32>
        %gt3A_1072 = arith.cmpf ogt, %get3A_1063, %get3A_1061 : vector<16xf32>
        %and3A_1073 = arith.andi %gt3A_1071, %gt3A_1072 : vector<16xi1>
        %ge3A_1074 = arith.cmpf oge, %get3A_1063, %get3A_1065 : vector<16xf32>
        %and3A_1075 = arith.andi %and3A_1073, %ge3A_1074 : vector<16xi1>
        %get3A_1076 = arith.constant 832 : index
        %get3A_1077 = tpu.vector_load %arg7[%get3A_1076] {strides = array<i32>} : memref<1024xi32, #tpu.memory_space<vmem>>, vector<16xi32>,
        %get3A_1078 = arith.constant 960 : index
        %get3A_1079 = tpu.vector_load %arg7[%get3A_1078] {strides = array<i32>} : memref<1024xi32, #tpu.memory_space<vmem>>, vector<16xi32>,
        %shift_right_logical3A_1080 = arith.constant 7 : i32
        %shift_right_logical3A_1081 = vector.broadcast %shift_right_logical3A_1080 : i32 to vector<16xi32>
        %shift_right_logical3A_1082 = arith.shrui %get3A_1077, %shift_right_logical3A_1081 : vector<16xi32>
        %and3A_1083 = arith.constant 127 : i32
        %and3A_1084 = vector.broadcast %and3A_1083 : i32 to vector<16xi32>
        %and3A_1085 = arith.andi %get3A_1077, %and3A_1084 : vector<16xi32>
        %shift_right_logical3A_1086 = arith.constant 7 : i32
        %shift_right_logical3A_1087 = vector.broadcast %shift_right_logical3A_1086 : i32 to vector<16xi32>
        %shift_right_logical3A_1088 = arith.shrui %get3A_1079, %shift_right_logical3A_1087 : vector<16xi32>
        %and3A_1089 = arith.constant 127 : i32
        %and3A_1090 = vector.broadcast %and3A_1089 : i32 to vector<16xi32>
        %and3A_1091 = arith.andi %get3A_1079, %and3A_1090 : vector<16xi32>
        tpu.vector_store_idx %arg9[%shift_right_logical3A_1082, %and3A_1085], %broadcast_in_dim3A_44 masked %and3A_1070 {add = true} : memref<80x128xf32, #tpu.memory_space<vmem>>[vector<16xi32>, vector<16xi32>], vector<16xf32>, vector<16xi1>
        tpu.vector_store_idx %arg9[%shift_right_logical3A_1088, %and3A_1091], %broadcast_in_dim3A_44 masked %and3A_1070 {add = true} : memref<80x128xf32, #tpu.memory_space<vmem>>[vector<16xi32>, vector<16xi32>], vector<16xf32>, vector<16xi1>
        tpu.vector_store_idx %arg10[%shift_right_logical3A_1082, %and3A_1085], %broadcast_in_dim3A_44 masked %and3A_1075 {add = true} : memref<80x128xf32, #tpu.memory_space<vmem>>[vector<16xi32>, vector<16xi32>], vector<16xf32>, vector<16xi1>
        tpu.vector_store_idx %arg10[%shift_right_logical3A_1088, %and3A_1091], %broadcast_in_dim3A_44 masked %and3A_1075 {add = true} : memref<80x128xf32, #tpu.memory_space<vmem>>[vector<16xi32>, vector<16xi32>], vector<16xf32>, vector<16xi1>
        %get3A_1092 = arith.constant 1616 : index
        %get3A_1093 = tpu.vector_load %arg5[%get3A_1092] {strides = array<i32>} : memref<2048xf32, #tpu.memory_space<vmem>>, vector<16xf32>,
        %get3A_1094 = arith.constant 1744 : index
        %get3A_1095 = tpu.vector_load %arg5[%get3A_1094] {strides = array<i32>} : memref<2048xf32, #tpu.memory_space<vmem>>, vector<16xf32>,
        %get3A_1096 = arith.constant 1872 : index
        %get3A_1097 = tpu.vector_load %arg5[%get3A_1096] {strides = array<i32>} : memref<2048xf32, #tpu.memory_space<vmem>>, vector<16xf32>,
        %get3A_1098 = arith.constant 2000 : index
        %get3A_1099 = tpu.vector_load %arg5[%get3A_1098] {strides = array<i32>} : memref<2048xf32, #tpu.memory_space<vmem>>, vector<16xf32>,
        %gt3A_1100 = arith.cmpf ogt, %get3A_1095, %get3A_1093 : vector<16xf32>
        %ge3A_1101 = arith.cmpf oge, %get3A_1095, %get3A_1097 : vector<16xf32>
        %and3A_1102 = arith.andi %gt3A_1100, %ge3A_1101 : vector<16xi1>
        %ge3A_1103 = arith.cmpf oge, %get3A_1095, %get3A_1099 : vector<16xf32>
        %and3A_1104 = arith.andi %and3A_1102, %ge3A_1103 : vector<16xi1>
        %gt3A_1105 = arith.cmpf ogt, %get3A_1097, %get3A_1093 : vector<16xf32>
        %gt3A_1106 = arith.cmpf ogt, %get3A_1097, %get3A_1095 : vector<16xf32>
        %and3A_1107 = arith.andi %gt3A_1105, %gt3A_1106 : vector<16xi1>
        %ge3A_1108 = arith.cmpf oge, %get3A_1097, %get3A_1099 : vector<16xf32>
        %and3A_1109 = arith.andi %and3A_1107, %ge3A_1108 : vector<16xi1>
        %get3A_1110 = arith.constant 848 : index
        %get3A_1111 = tpu.vector_load %arg7[%get3A_1110] {strides = array<i32>} : memref<1024xi32, #tpu.memory_space<vmem>>, vector<16xi32>,
        %get3A_1112 = arith.constant 976 : index
        %get3A_1113 = tpu.vector_load %arg7[%get3A_1112] {strides = array<i32>} : memref<1024xi32, #tpu.memory_space<vmem>>, vector<16xi32>,
        %shift_right_logical3A_1114 = arith.constant 7 : i32
        %shift_right_logical3A_1115 = vector.broadcast %shift_right_logical3A_1114 : i32 to vector<16xi32>
        %shift_right_logical3A_1116 = arith.shrui %get3A_1111, %shift_right_logical3A_1115 : vector<16xi32>
        %and3A_1117 = arith.constant 127 : i32
        %and3A_1118 = vector.broadcast %and3A_1117 : i32 to vector<16xi32>
        %and3A_1119 = arith.andi %get3A_1111, %and3A_1118 : vector<16xi32>
        %shift_right_logical3A_1120 = arith.constant 7 : i32
        %shift_right_logical3A_1121 = vector.broadcast %shift_right_logical3A_1120 : i32 to vector<16xi32>
        %shift_right_logical3A_1122 = arith.shrui %get3A_1113, %shift_right_logical3A_1121 : vector<16xi32>
        %and3A_1123 = arith.constant 127 : i32
        %and3A_1124 = vector.broadcast %and3A_1123 : i32 to vector<16xi32>
        %and3A_1125 = arith.andi %get3A_1113, %and3A_1124 : vector<16xi32>
        tpu.vector_store_idx %arg9[%shift_right_logical3A_1116, %and3A_1119], %broadcast_in_dim3A_44 masked %and3A_1104 {add = true} : memref<80x128xf32, #tpu.memory_space<vmem>>[vector<16xi32>, vector<16xi32>], vector<16xf32>, vector<16xi1>
        tpu.vector_store_idx %arg9[%shift_right_logical3A_1122, %and3A_1125], %broadcast_in_dim3A_44 masked %and3A_1104 {add = true} : memref<80x128xf32, #tpu.memory_space<vmem>>[vector<16xi32>, vector<16xi32>], vector<16xf32>, vector<16xi1>
        tpu.vector_store_idx %arg10[%shift_right_logical3A_1116, %and3A_1119], %broadcast_in_dim3A_44 masked %and3A_1109 {add = true} : memref<80x128xf32, #tpu.memory_space<vmem>>[vector<16xi32>, vector<16xi32>], vector<16xf32>, vector<16xi1>
        tpu.vector_store_idx %arg10[%shift_right_logical3A_1122, %and3A_1125], %broadcast_in_dim3A_44 masked %and3A_1109 {add = true} : memref<80x128xf32, #tpu.memory_space<vmem>>[vector<16xi32>, vector<16xi32>], vector<16xf32>, vector<16xi1>
        %get3A_1126 = arith.constant 1632 : index
        %get3A_1127 = tpu.vector_load %arg5[%get3A_1126] {strides = array<i32>} : memref<2048xf32, #tpu.memory_space<vmem>>, vector<16xf32>,
        %get3A_1128 = arith.constant 1760 : index
        %get3A_1129 = tpu.vector_load %arg5[%get3A_1128] {strides = array<i32>} : memref<2048xf32, #tpu.memory_space<vmem>>, vector<16xf32>,
        %get3A_1130 = arith.constant 1888 : index
        %get3A_1131 = tpu.vector_load %arg5[%get3A_1130] {strides = array<i32>} : memref<2048xf32, #tpu.memory_space<vmem>>, vector<16xf32>,
        %get3A_1132 = arith.constant 2016 : index
        %get3A_1133 = tpu.vector_load %arg5[%get3A_1132] {strides = array<i32>} : memref<2048xf32, #tpu.memory_space<vmem>>, vector<16xf32>,
        %gt3A_1134 = arith.cmpf ogt, %get3A_1129, %get3A_1127 : vector<16xf32>
        %ge3A_1135 = arith.cmpf oge, %get3A_1129, %get3A_1131 : vector<16xf32>
        %and3A_1136 = arith.andi %gt3A_1134, %ge3A_1135 : vector<16xi1>
        %ge3A_1137 = arith.cmpf oge, %get3A_1129, %get3A_1133 : vector<16xf32>
        %and3A_1138 = arith.andi %and3A_1136, %ge3A_1137 : vector<16xi1>
        %gt3A_1139 = arith.cmpf ogt, %get3A_1131, %get3A_1127 : vector<16xf32>
        %gt3A_1140 = arith.cmpf ogt, %get3A_1131, %get3A_1129 : vector<16xf32>
        %and3A_1141 = arith.andi %gt3A_1139, %gt3A_1140 : vector<16xi1>
        %ge3A_1142 = arith.cmpf oge, %get3A_1131, %get3A_1133 : vector<16xf32>
        %and3A_1143 = arith.andi %and3A_1141, %ge3A_1142 : vector<16xi1>
        %get3A_1144 = arith.constant 864 : index
        %get3A_1145 = tpu.vector_load %arg7[%get3A_1144] {strides = array<i32>} : memref<1024xi32, #tpu.memory_space<vmem>>, vector<16xi32>,
        %get3A_1146 = arith.constant 992 : index
        %get3A_1147 = tpu.vector_load %arg7[%get3A_1146] {strides = array<i32>} : memref<1024xi32, #tpu.memory_space<vmem>>, vector<16xi32>,
        %shift_right_logical3A_1148 = arith.constant 7 : i32
        %shift_right_logical3A_1149 = vector.broadcast %shift_right_logical3A_1148 : i32 to vector<16xi32>
        %shift_right_logical3A_1150 = arith.shrui %get3A_1145, %shift_right_logical3A_1149 : vector<16xi32>
        %and3A_1151 = arith.constant 127 : i32
        %and3A_1152 = vector.broadcast %and3A_1151 : i32 to vector<16xi32>
        %and3A_1153 = arith.andi %get3A_1145, %and3A_1152 : vector<16xi32>
        %shift_right_logical3A_1154 = arith.constant 7 : i32
        %shift_right_logical3A_1155 = vector.broadcast %shift_right_logical3A_1154 : i32 to vector<16xi32>
        %shift_right_logical3A_1156 = arith.shrui %get3A_1147, %shift_right_logical3A_1155 : vector<16xi32>
        %and3A_1157 = arith.constant 127 : i32
        %and3A_1158 = vector.broadcast %and3A_1157 : i32 to vector<16xi32>
        %and3A_1159 = arith.andi %get3A_1147, %and3A_1158 : vector<16xi32>
        tpu.vector_store_idx %arg9[%shift_right_logical3A_1150, %and3A_1153], %broadcast_in_dim3A_44 masked %and3A_1138 {add = true} : memref<80x128xf32, #tpu.memory_space<vmem>>[vector<16xi32>, vector<16xi32>], vector<16xf32>, vector<16xi1>
        tpu.vector_store_idx %arg9[%shift_right_logical3A_1156, %and3A_1159], %broadcast_in_dim3A_44 masked %and3A_1138 {add = true} : memref<80x128xf32, #tpu.memory_space<vmem>>[vector<16xi32>, vector<16xi32>], vector<16xf32>, vector<16xi1>
        tpu.vector_store_idx %arg10[%shift_right_logical3A_1150, %and3A_1153], %broadcast_in_dim3A_44 masked %and3A_1143 {add = true} : memref<80x128xf32, #tpu.memory_space<vmem>>[vector<16xi32>, vector<16xi32>], vector<16xf32>, vector<16xi1>
        tpu.vector_store_idx %arg10[%shift_right_logical3A_1156, %and3A_1159], %broadcast_in_dim3A_44 masked %and3A_1143 {add = true} : memref<80x128xf32, #tpu.memory_space<vmem>>[vector<16xi32>, vector<16xi32>], vector<16xf32>, vector<16xi1>
        %get3A_1160 = arith.constant 1648 : index
        %get3A_1161 = tpu.vector_load %arg5[%get3A_1160] {strides = array<i32>} : memref<2048xf32, #tpu.memory_space<vmem>>, vector<16xf32>,
        %get3A_1162 = arith.constant 1776 : index
        %get3A_1163 = tpu.vector_load %arg5[%get3A_1162] {strides = array<i32>} : memref<2048xf32, #tpu.memory_space<vmem>>, vector<16xf32>,
        %get3A_1164 = arith.constant 1904 : index
        %get3A_1165 = tpu.vector_load %arg5[%get3A_1164] {strides = array<i32>} : memref<2048xf32, #tpu.memory_space<vmem>>, vector<16xf32>,
        %get3A_1166 = arith.constant 2032 : index
        %get3A_1167 = tpu.vector_load %arg5[%get3A_1166] {strides = array<i32>} : memref<2048xf32, #tpu.memory_space<vmem>>, vector<16xf32>,
        %gt3A_1168 = arith.cmpf ogt, %get3A_1163, %get3A_1161 : vector<16xf32>
        %ge3A_1169 = arith.cmpf oge, %get3A_1163, %get3A_1165 : vector<16xf32>
        %and3A_1170 = arith.andi %gt3A_1168, %ge3A_1169 : vector<16xi1>
        %ge3A_1171 = arith.cmpf oge, %get3A_1163, %get3A_1167 : vector<16xf32>
        %and3A_1172 = arith.andi %and3A_1170, %ge3A_1171 : vector<16xi1>
        %gt3A_1173 = arith.cmpf ogt, %get3A_1165, %get3A_1161 : vector<16xf32>
        %gt3A_1174 = arith.cmpf ogt, %get3A_1165, %get3A_1163 : vector<16xf32>
        %and3A_1175 = arith.andi %gt3A_1173, %gt3A_1174 : vector<16xi1>
        %ge3A_1176 = arith.cmpf oge, %get3A_1165, %get3A_1167 : vector<16xf32>
        %and3A_1177 = arith.andi %and3A_1175, %ge3A_1176 : vector<16xi1>
        %get3A_1178 = arith.constant 880 : index
        %get3A_1179 = tpu.vector_load %arg7[%get3A_1178] {strides = array<i32>} : memref<1024xi32, #tpu.memory_space<vmem>>, vector<16xi32>,
        %get3A_1180 = arith.constant 1008 : index
        %get3A_1181 = tpu.vector_load %arg7[%get3A_1180] {strides = array<i32>} : memref<1024xi32, #tpu.memory_space<vmem>>, vector<16xi32>,
        %shift_right_logical3A_1182 = arith.constant 7 : i32
        %shift_right_logical3A_1183 = vector.broadcast %shift_right_logical3A_1182 : i32 to vector<16xi32>
        %shift_right_logical3A_1184 = arith.shrui %get3A_1179, %shift_right_logical3A_1183 : vector<16xi32>
        %and3A_1185 = arith.constant 127 : i32
        %and3A_1186 = vector.broadcast %and3A_1185 : i32 to vector<16xi32>
        %and3A_1187 = arith.andi %get3A_1179, %and3A_1186 : vector<16xi32>
        %shift_right_logical3A_1188 = arith.constant 7 : i32
        %shift_right_logical3A_1189 = vector.broadcast %shift_right_logical3A_1188 : i32 to vector<16xi32>
        %shift_right_logical3A_1190 = arith.shrui %get3A_1181, %shift_right_logical3A_1189 : vector<16xi32>
        %and3A_1191 = arith.constant 127 : i32
        %and3A_1192 = vector.broadcast %and3A_1191 : i32 to vector<16xi32>
        %and3A_1193 = arith.andi %get3A_1181, %and3A_1192 : vector<16xi32>
        tpu.vector_store_idx %arg9[%shift_right_logical3A_1184, %and3A_1187], %broadcast_in_dim3A_44 masked %and3A_1172 {add = true} : memref<80x128xf32, #tpu.memory_space<vmem>>[vector<16xi32>, vector<16xi32>], vector<16xf32>, vector<16xi1>
        tpu.vector_store_idx %arg9[%shift_right_logical3A_1190, %and3A_1193], %broadcast_in_dim3A_44 masked %and3A_1172 {add = true} : memref<80x128xf32, #tpu.memory_space<vmem>>[vector<16xi32>, vector<16xi32>], vector<16xf32>, vector<16xi1>
        tpu.vector_store_idx %arg10[%shift_right_logical3A_1184, %and3A_1187], %broadcast_in_dim3A_44 masked %and3A_1177 {add = true} : memref<80x128xf32, #tpu.memory_space<vmem>>[vector<16xi32>, vector<16xi32>], vector<16xf32>, vector<16xi1>
        tpu.vector_store_idx %arg10[%shift_right_logical3A_1190, %and3A_1193], %broadcast_in_dim3A_44 masked %and3A_1177 {add = true} : memref<80x128xf32, #tpu.memory_space<vmem>>[vector<16xi32>, vector<16xi32>], vector<16xf32>, vector<16xi1>
      } else {
      }
      %dma_wait3A_89 = arith.constant 0 : i32
      %dma_wait3A_90 = tpu.memref_slice %arg2[%dma_wait3A_89] : memref<1280000xf32, #tpu.memory_space<hbm>> -> memref<2048xf32, #tpu.memory_space<hbm>>
      %dma_wait3A_91 = arith.constant 0 : i32
      %dma_wait3A_92 = tpu.memref_slice %arg2[%dma_wait3A_91] : memref<1280000xf32, #tpu.memory_space<hbm>> -> memref<2048xf32, #tpu.memory_space<hbm>>
      tpu.wait_dma2 semaphore(%arg15 : memref<!tpu.dma_semaphore, #tpu.memory_space<semaphore_mem>>) src(%dma_wait3A_92 : memref<2048xf32, #tpu.memory_space<hbm>>) dst(%arg6 : memref<2048xf32, #tpu.memory_space<vmem>>)
      %dma_wait3A_93 = arith.constant 0 : i32
      %dma_wait3A_94 = tpu.memref_slice %arg3[%dma_wait3A_93] : memref<640000xi32, #tpu.memory_space<hbm>> -> memref<1024xi32, #tpu.memory_space<hbm>>
      %dma_wait3A_95 = arith.constant 0 : i32
      %dma_wait3A_96 = tpu.memref_slice %arg3[%dma_wait3A_95] : memref<640000xi32, #tpu.memory_space<hbm>> -> memref<1024xi32, #tpu.memory_space<hbm>>
      tpu.wait_dma2 semaphore(%arg17 : memref<!tpu.dma_semaphore, #tpu.memory_space<semaphore_mem>>) src(%dma_wait3A_96 : memref<1024xi32, #tpu.memory_space<hbm>>) dst(%arg8 : memref<1024xi32, #tpu.memory_space<vmem>>)
      %lt3A = arith.constant 9 : i32
      %lt3A_97 = arith.cmpi slt, %scan3A_57, %lt3A : i32
      %convert_element_type3A_98 = arith.extui %lt3A_97 : i1 to i32
      %cond3A_99 = arith.constant 0 : i32
      %cond3A_100 = arith.cmpi ne, %convert_element_type3A_98, %cond3A_99 : i32
      scf.if %cond3A_100 {
        %add3A_111 = arith.constant 2 : i32
        %add3A_112 = arith.addi %mul3A_59, %add3A_111 : i32
        %mul3A_113 = arith.constant 32 : i32
        %mul3A_114 = arith.muli %add3A_112, %mul3A_113 : i32
        %add3A_115 = arith.addi %mul3A_114, %add3A : i32
        %min3A_116 = arith.constant 624 : i32
        %min3A_117 = arith.minsi %add3A_115, %min3A_116 : i32
        %mul3A_118 = arith.constant 2048 : i32
        %mul3A_119 = arith.muli %min3A_117, %mul3A_118 : i32
        %dma_start3A_120 = tpu.memref_slice %arg2[%mul3A_119] : memref<1280000xf32, #tpu.memory_space<hbm>> -> memref<2048xf32, #tpu.memory_space<hbm>>
        %dma_start3A_121 = tpu.memref_slice %arg2[%mul3A_119] : memref<1280000xf32, #tpu.memory_space<hbm>> -> memref<2048xf32, #tpu.memory_space<hbm>>
        tpu.enqueue_dma source(%dma_start3A_121 : memref<2048xf32, #tpu.memory_space<hbm>>) target(%arg5 : memref<2048xf32, #tpu.memory_space<vmem>>) target_semaphore(%arg14 : memref<!tpu.dma_semaphore, #tpu.memory_space<semaphore_mem>>)
        %mul3A_122 = arith.constant 1024 : i32
        %mul3A_123 = arith.muli %min3A_117, %mul3A_122 : i32
        %dma_start3A_124 = tpu.memref_slice %arg3[%mul3A_123] : memref<640000xi32, #tpu.memory_space<hbm>> -> memref<1024xi32, #tpu.memory_space<hbm>>
        %dma_start3A_125 = tpu.memref_slice %arg3[%mul3A_123] : memref<640000xi32, #tpu.memory_space<hbm>> -> memref<1024xi32, #tpu.memory_space<hbm>>
        tpu.enqueue_dma source(%dma_start3A_125 : memref<1024xi32, #tpu.memory_space<hbm>>) target(%arg7 : memref<1024xi32, #tpu.memory_space<vmem>>) target_semaphore(%arg16 : memref<!tpu.dma_semaphore, #tpu.memory_space<semaphore_mem>>)
      } else {
      }
      %add3A_101 = arith.constant 1 : i32
      %add3A_102 = arith.addi %mul3A_59, %add3A_101 : i32
      %mul3A_103 = arith.constant 32 : i32
      %mul3A_104 = arith.muli %add3A_102, %mul3A_103 : i32
      %add3A_105 = arith.addi %mul3A_104, %add3A : i32
      %le3A_106 = arith.constant 624 : i32
      %le3A_107 = arith.cmpi sle, %add3A_105, %le3A_106 : i32
      %convert_element_type3A_108 = arith.extui %le3A_107 : i1 to i32
      %cond3A_109 = arith.constant 0 : i32
      %cond3A_110 = arith.cmpi ne, %convert_element_type3A_108, %cond3A_109 : i32
      scf.if %cond3A_110 {
        %get3A = arith.constant 0 : index
        %get3A_111 = tpu.vector_load %arg6[%get3A] {strides = array<i32>} : memref<2048xf32, #tpu.memory_space<vmem>>, vector<16xf32>,
        %get3A_112 = arith.constant 128 : index
        %get3A_113 = tpu.vector_load %arg6[%get3A_112] {strides = array<i32>} : memref<2048xf32, #tpu.memory_space<vmem>>, vector<16xf32>,
        %get3A_114 = arith.constant 256 : index
        %get3A_115 = tpu.vector_load %arg6[%get3A_114] {strides = array<i32>} : memref<2048xf32, #tpu.memory_space<vmem>>, vector<16xf32>,
        %get3A_116 = arith.constant 384 : index
        %get3A_117 = tpu.vector_load %arg6[%get3A_116] {strides = array<i32>} : memref<2048xf32, #tpu.memory_space<vmem>>, vector<16xf32>,
        %gt3A = arith.cmpf ogt, %get3A_113, %get3A_111 : vector<16xf32>
        %ge3A = arith.cmpf oge, %get3A_113, %get3A_115 : vector<16xf32>
        %and3A = arith.andi %gt3A, %ge3A : vector<16xi1>
        %ge3A_118 = arith.cmpf oge, %get3A_113, %get3A_117 : vector<16xf32>
        %and3A_119 = arith.andi %and3A, %ge3A_118 : vector<16xi1>
        %gt3A_120 = arith.cmpf ogt, %get3A_115, %get3A_111 : vector<16xf32>
        %gt3A_121 = arith.cmpf ogt, %get3A_115, %get3A_113 : vector<16xf32>
        %and3A_122 = arith.andi %gt3A_120, %gt3A_121 : vector<16xi1>
        %ge3A_123 = arith.cmpf oge, %get3A_115, %get3A_117 : vector<16xf32>
        %and3A_124 = arith.andi %and3A_122, %ge3A_123 : vector<16xi1>
        %get3A_125 = arith.constant 0 : index
        %get3A_126 = tpu.vector_load %arg8[%get3A_125] {strides = array<i32>} : memref<1024xi32, #tpu.memory_space<vmem>>, vector<16xi32>,
        %get3A_127 = arith.constant 128 : index
        %get3A_128 = tpu.vector_load %arg8[%get3A_127] {strides = array<i32>} : memref<1024xi32, #tpu.memory_space<vmem>>, vector<16xi32>,
        %shift_right_logical3A = arith.constant 7 : i32
        %shift_right_logical3A_129 = vector.broadcast %shift_right_logical3A : i32 to vector<16xi32>
        %shift_right_logical3A_130 = arith.shrui %get3A_126, %shift_right_logical3A_129 : vector<16xi32>
        %and3A_131 = arith.constant 127 : i32
        %and3A_132 = vector.broadcast %and3A_131 : i32 to vector<16xi32>
        %and3A_133 = arith.andi %get3A_126, %and3A_132 : vector<16xi32>
        %shift_right_logical3A_134 = arith.constant 7 : i32
        %shift_right_logical3A_135 = vector.broadcast %shift_right_logical3A_134 : i32 to vector<16xi32>
        %shift_right_logical3A_136 = arith.shrui %get3A_128, %shift_right_logical3A_135 : vector<16xi32>
        %and3A_137 = arith.constant 127 : i32
        %and3A_138 = vector.broadcast %and3A_137 : i32 to vector<16xi32>
        %and3A_139 = arith.andi %get3A_128, %and3A_138 : vector<16xi32>
        tpu.vector_store_idx %arg9[%shift_right_logical3A_130, %and3A_133], %broadcast_in_dim3A_44 masked %and3A_119 {add = true} : memref<80x128xf32, #tpu.memory_space<vmem>>[vector<16xi32>, vector<16xi32>], vector<16xf32>, vector<16xi1>
        tpu.vector_store_idx %arg9[%shift_right_logical3A_136, %and3A_139], %broadcast_in_dim3A_44 masked %and3A_119 {add = true} : memref<80x128xf32, #tpu.memory_space<vmem>>[vector<16xi32>, vector<16xi32>], vector<16xf32>, vector<16xi1>
        tpu.vector_store_idx %arg10[%shift_right_logical3A_130, %and3A_133], %broadcast_in_dim3A_44 masked %and3A_124 {add = true} : memref<80x128xf32, #tpu.memory_space<vmem>>[vector<16xi32>, vector<16xi32>], vector<16xf32>, vector<16xi1>
        tpu.vector_store_idx %arg10[%shift_right_logical3A_136, %and3A_139], %broadcast_in_dim3A_44 masked %and3A_124 {add = true} : memref<80x128xf32, #tpu.memory_space<vmem>>[vector<16xi32>, vector<16xi32>], vector<16xf32>, vector<16xi1>
        %get3A_140 = arith.constant 16 : index
        %get3A_141 = tpu.vector_load %arg6[%get3A_140] {strides = array<i32>} : memref<2048xf32, #tpu.memory_space<vmem>>, vector<16xf32>,
        %get3A_142 = arith.constant 144 : index
        %get3A_143 = tpu.vector_load %arg6[%get3A_142] {strides = array<i32>} : memref<2048xf32, #tpu.memory_space<vmem>>, vector<16xf32>,
        %get3A_144 = arith.constant 272 : index
        %get3A_145 = tpu.vector_load %arg6[%get3A_144] {strides = array<i32>} : memref<2048xf32, #tpu.memory_space<vmem>>, vector<16xf32>,
        %get3A_146 = arith.constant 400 : index
        %get3A_147 = tpu.vector_load %arg6[%get3A_146] {strides = array<i32>} : memref<2048xf32, #tpu.memory_space<vmem>>, vector<16xf32>,
        %gt3A_148 = arith.cmpf ogt, %get3A_143, %get3A_141 : vector<16xf32>
        %ge3A_149 = arith.cmpf oge, %get3A_143, %get3A_145 : vector<16xf32>
        %and3A_150 = arith.andi %gt3A_148, %ge3A_149 : vector<16xi1>
        %ge3A_151 = arith.cmpf oge, %get3A_143, %get3A_147 : vector<16xf32>
        %and3A_152 = arith.andi %and3A_150, %ge3A_151 : vector<16xi1>
        %gt3A_153 = arith.cmpf ogt, %get3A_145, %get3A_141 : vector<16xf32>
        %gt3A_154 = arith.cmpf ogt, %get3A_145, %get3A_143 : vector<16xf32>
        %and3A_155 = arith.andi %gt3A_153, %gt3A_154 : vector<16xi1>
        %ge3A_156 = arith.cmpf oge, %get3A_145, %get3A_147 : vector<16xf32>
        %and3A_157 = arith.andi %and3A_155, %ge3A_156 : vector<16xi1>
        %get3A_158 = arith.constant 16 : index
        %get3A_159 = tpu.vector_load %arg8[%get3A_158] {strides = array<i32>} : memref<1024xi32, #tpu.memory_space<vmem>>, vector<16xi32>,
        %get3A_160 = arith.constant 144 : index
        %get3A_161 = tpu.vector_load %arg8[%get3A_160] {strides = array<i32>} : memref<1024xi32, #tpu.memory_space<vmem>>, vector<16xi32>,
        %shift_right_logical3A_162 = arith.constant 7 : i32
        %shift_right_logical3A_163 = vector.broadcast %shift_right_logical3A_162 : i32 to vector<16xi32>
        %shift_right_logical3A_164 = arith.shrui %get3A_159, %shift_right_logical3A_163 : vector<16xi32>
        %and3A_165 = arith.constant 127 : i32
        %and3A_166 = vector.broadcast %and3A_165 : i32 to vector<16xi32>
        %and3A_167 = arith.andi %get3A_159, %and3A_166 : vector<16xi32>
        %shift_right_logical3A_168 = arith.constant 7 : i32
        %shift_right_logical3A_169 = vector.broadcast %shift_right_logical3A_168 : i32 to vector<16xi32>
        %shift_right_logical3A_170 = arith.shrui %get3A_161, %shift_right_logical3A_169 : vector<16xi32>
        %and3A_171 = arith.constant 127 : i32
        %and3A_172 = vector.broadcast %and3A_171 : i32 to vector<16xi32>
        %and3A_173 = arith.andi %get3A_161, %and3A_172 : vector<16xi32>
        tpu.vector_store_idx %arg9[%shift_right_logical3A_164, %and3A_167], %broadcast_in_dim3A_44 masked %and3A_152 {add = true} : memref<80x128xf32, #tpu.memory_space<vmem>>[vector<16xi32>, vector<16xi32>], vector<16xf32>, vector<16xi1>
        tpu.vector_store_idx %arg9[%shift_right_logical3A_170, %and3A_173], %broadcast_in_dim3A_44 masked %and3A_152 {add = true} : memref<80x128xf32, #tpu.memory_space<vmem>>[vector<16xi32>, vector<16xi32>], vector<16xf32>, vector<16xi1>
        tpu.vector_store_idx %arg10[%shift_right_logical3A_164, %and3A_167], %broadcast_in_dim3A_44 masked %and3A_157 {add = true} : memref<80x128xf32, #tpu.memory_space<vmem>>[vector<16xi32>, vector<16xi32>], vector<16xf32>, vector<16xi1>
        tpu.vector_store_idx %arg10[%shift_right_logical3A_170, %and3A_173], %broadcast_in_dim3A_44 masked %and3A_157 {add = true} : memref<80x128xf32, #tpu.memory_space<vmem>>[vector<16xi32>, vector<16xi32>], vector<16xf32>, vector<16xi1>
        %get3A_174 = arith.constant 32 : index
        %get3A_175 = tpu.vector_load %arg6[%get3A_174] {strides = array<i32>} : memref<2048xf32, #tpu.memory_space<vmem>>, vector<16xf32>,
        %get3A_176 = arith.constant 160 : index
        %get3A_177 = tpu.vector_load %arg6[%get3A_176] {strides = array<i32>} : memref<2048xf32, #tpu.memory_space<vmem>>, vector<16xf32>,
        %get3A_178 = arith.constant 288 : index
        %get3A_179 = tpu.vector_load %arg6[%get3A_178] {strides = array<i32>} : memref<2048xf32, #tpu.memory_space<vmem>>, vector<16xf32>,
        %get3A_180 = arith.constant 416 : index
        %get3A_181 = tpu.vector_load %arg6[%get3A_180] {strides = array<i32>} : memref<2048xf32, #tpu.memory_space<vmem>>, vector<16xf32>,
        %gt3A_182 = arith.cmpf ogt, %get3A_177, %get3A_175 : vector<16xf32>
        %ge3A_183 = arith.cmpf oge, %get3A_177, %get3A_179 : vector<16xf32>
        %and3A_184 = arith.andi %gt3A_182, %ge3A_183 : vector<16xi1>
        %ge3A_185 = arith.cmpf oge, %get3A_177, %get3A_181 : vector<16xf32>
        %and3A_186 = arith.andi %and3A_184, %ge3A_185 : vector<16xi1>
        %gt3A_187 = arith.cmpf ogt, %get3A_179, %get3A_175 : vector<16xf32>
        %gt3A_188 = arith.cmpf ogt, %get3A_179, %get3A_177 : vector<16xf32>
        %and3A_189 = arith.andi %gt3A_187, %gt3A_188 : vector<16xi1>
        %ge3A_190 = arith.cmpf oge, %get3A_179, %get3A_181 : vector<16xf32>
        %and3A_191 = arith.andi %and3A_189, %ge3A_190 : vector<16xi1>
        %get3A_192 = arith.constant 32 : index
        %get3A_193 = tpu.vector_load %arg8[%get3A_192] {strides = array<i32>} : memref<1024xi32, #tpu.memory_space<vmem>>, vector<16xi32>,
        %get3A_194 = arith.constant 160 : index
        %get3A_195 = tpu.vector_load %arg8[%get3A_194] {strides = array<i32>} : memref<1024xi32, #tpu.memory_space<vmem>>, vector<16xi32>,
        %shift_right_logical3A_196 = arith.constant 7 : i32
        %shift_right_logical3A_197 = vector.broadcast %shift_right_logical3A_196 : i32 to vector<16xi32>
        %shift_right_logical3A_198 = arith.shrui %get3A_193, %shift_right_logical3A_197 : vector<16xi32>
        %and3A_199 = arith.constant 127 : i32
        %and3A_200 = vector.broadcast %and3A_199 : i32 to vector<16xi32>
        %and3A_201 = arith.andi %get3A_193, %and3A_200 : vector<16xi32>
        %shift_right_logical3A_202 = arith.constant 7 : i32
        %shift_right_logical3A_203 = vector.broadcast %shift_right_logical3A_202 : i32 to vector<16xi32>
        %shift_right_logical3A_204 = arith.shrui %get3A_195, %shift_right_logical3A_203 : vector<16xi32>
        %and3A_205 = arith.constant 127 : i32
        %and3A_206 = vector.broadcast %and3A_205 : i32 to vector<16xi32>
        %and3A_207 = arith.andi %get3A_195, %and3A_206 : vector<16xi32>
        tpu.vector_store_idx %arg9[%shift_right_logical3A_198, %and3A_201], %broadcast_in_dim3A_44 masked %and3A_186 {add = true} : memref<80x128xf32, #tpu.memory_space<vmem>>[vector<16xi32>, vector<16xi32>], vector<16xf32>, vector<16xi1>
        tpu.vector_store_idx %arg9[%shift_right_logical3A_204, %and3A_207], %broadcast_in_dim3A_44 masked %and3A_186 {add = true} : memref<80x128xf32, #tpu.memory_space<vmem>>[vector<16xi32>, vector<16xi32>], vector<16xf32>, vector<16xi1>
        tpu.vector_store_idx %arg10[%shift_right_logical3A_198, %and3A_201], %broadcast_in_dim3A_44 masked %and3A_191 {add = true} : memref<80x128xf32, #tpu.memory_space<vmem>>[vector<16xi32>, vector<16xi32>], vector<16xf32>, vector<16xi1>
        tpu.vector_store_idx %arg10[%shift_right_logical3A_204, %and3A_207], %broadcast_in_dim3A_44 masked %and3A_191 {add = true} : memref<80x128xf32, #tpu.memory_space<vmem>>[vector<16xi32>, vector<16xi32>], vector<16xf32>, vector<16xi1>
        %get3A_208 = arith.constant 48 : index
        %get3A_209 = tpu.vector_load %arg6[%get3A_208] {strides = array<i32>} : memref<2048xf32, #tpu.memory_space<vmem>>, vector<16xf32>,
        %get3A_210 = arith.constant 176 : index
        %get3A_211 = tpu.vector_load %arg6[%get3A_210] {strides = array<i32>} : memref<2048xf32, #tpu.memory_space<vmem>>, vector<16xf32>,
        %get3A_212 = arith.constant 304 : index
        %get3A_213 = tpu.vector_load %arg6[%get3A_212] {strides = array<i32>} : memref<2048xf32, #tpu.memory_space<vmem>>, vector<16xf32>,
        %get3A_214 = arith.constant 432 : index
        %get3A_215 = tpu.vector_load %arg6[%get3A_214] {strides = array<i32>} : memref<2048xf32, #tpu.memory_space<vmem>>, vector<16xf32>,
        %gt3A_216 = arith.cmpf ogt, %get3A_211, %get3A_209 : vector<16xf32>
        %ge3A_217 = arith.cmpf oge, %get3A_211, %get3A_213 : vector<16xf32>
        %and3A_218 = arith.andi %gt3A_216, %ge3A_217 : vector<16xi1>
        %ge3A_219 = arith.cmpf oge, %get3A_211, %get3A_215 : vector<16xf32>
        %and3A_220 = arith.andi %and3A_218, %ge3A_219 : vector<16xi1>
        %gt3A_221 = arith.cmpf ogt, %get3A_213, %get3A_209 : vector<16xf32>
        %gt3A_222 = arith.cmpf ogt, %get3A_213, %get3A_211 : vector<16xf32>
        %and3A_223 = arith.andi %gt3A_221, %gt3A_222 : vector<16xi1>
        %ge3A_224 = arith.cmpf oge, %get3A_213, %get3A_215 : vector<16xf32>
        %and3A_225 = arith.andi %and3A_223, %ge3A_224 : vector<16xi1>
        %get3A_226 = arith.constant 48 : index
        %get3A_227 = tpu.vector_load %arg8[%get3A_226] {strides = array<i32>} : memref<1024xi32, #tpu.memory_space<vmem>>, vector<16xi32>,
        %get3A_228 = arith.constant 176 : index
        %get3A_229 = tpu.vector_load %arg8[%get3A_228] {strides = array<i32>} : memref<1024xi32, #tpu.memory_space<vmem>>, vector<16xi32>,
        %shift_right_logical3A_230 = arith.constant 7 : i32
        %shift_right_logical3A_231 = vector.broadcast %shift_right_logical3A_230 : i32 to vector<16xi32>
        %shift_right_logical3A_232 = arith.shrui %get3A_227, %shift_right_logical3A_231 : vector<16xi32>
        %and3A_233 = arith.constant 127 : i32
        %and3A_234 = vector.broadcast %and3A_233 : i32 to vector<16xi32>
        %and3A_235 = arith.andi %get3A_227, %and3A_234 : vector<16xi32>
        %shift_right_logical3A_236 = arith.constant 7 : i32
        %shift_right_logical3A_237 = vector.broadcast %shift_right_logical3A_236 : i32 to vector<16xi32>
        %shift_right_logical3A_238 = arith.shrui %get3A_229, %shift_right_logical3A_237 : vector<16xi32>
        %and3A_239 = arith.constant 127 : i32
        %and3A_240 = vector.broadcast %and3A_239 : i32 to vector<16xi32>
        %and3A_241 = arith.andi %get3A_229, %and3A_240 : vector<16xi32>
        tpu.vector_store_idx %arg9[%shift_right_logical3A_232, %and3A_235], %broadcast_in_dim3A_44 masked %and3A_220 {add = true} : memref<80x128xf32, #tpu.memory_space<vmem>>[vector<16xi32>, vector<16xi32>], vector<16xf32>, vector<16xi1>
        tpu.vector_store_idx %arg9[%shift_right_logical3A_238, %and3A_241], %broadcast_in_dim3A_44 masked %and3A_220 {add = true} : memref<80x128xf32, #tpu.memory_space<vmem>>[vector<16xi32>, vector<16xi32>], vector<16xf32>, vector<16xi1>
        tpu.vector_store_idx %arg10[%shift_right_logical3A_232, %and3A_235], %broadcast_in_dim3A_44 masked %and3A_225 {add = true} : memref<80x128xf32, #tpu.memory_space<vmem>>[vector<16xi32>, vector<16xi32>], vector<16xf32>, vector<16xi1>
        tpu.vector_store_idx %arg10[%shift_right_logical3A_238, %and3A_241], %broadcast_in_dim3A_44 masked %and3A_225 {add = true} : memref<80x128xf32, #tpu.memory_space<vmem>>[vector<16xi32>, vector<16xi32>], vector<16xf32>, vector<16xi1>
        %get3A_242 = arith.constant 64 : index
        %get3A_243 = tpu.vector_load %arg6[%get3A_242] {strides = array<i32>} : memref<2048xf32, #tpu.memory_space<vmem>>, vector<16xf32>,
        %get3A_244 = arith.constant 192 : index
        %get3A_245 = tpu.vector_load %arg6[%get3A_244] {strides = array<i32>} : memref<2048xf32, #tpu.memory_space<vmem>>, vector<16xf32>,
        %get3A_246 = arith.constant 320 : index
        %get3A_247 = tpu.vector_load %arg6[%get3A_246] {strides = array<i32>} : memref<2048xf32, #tpu.memory_space<vmem>>, vector<16xf32>,
        %get3A_248 = arith.constant 448 : index
        %get3A_249 = tpu.vector_load %arg6[%get3A_248] {strides = array<i32>} : memref<2048xf32, #tpu.memory_space<vmem>>, vector<16xf32>,
        %gt3A_250 = arith.cmpf ogt, %get3A_245, %get3A_243 : vector<16xf32>
        %ge3A_251 = arith.cmpf oge, %get3A_245, %get3A_247 : vector<16xf32>
        %and3A_252 = arith.andi %gt3A_250, %ge3A_251 : vector<16xi1>
        %ge3A_253 = arith.cmpf oge, %get3A_245, %get3A_249 : vector<16xf32>
        %and3A_254 = arith.andi %and3A_252, %ge3A_253 : vector<16xi1>
        %gt3A_255 = arith.cmpf ogt, %get3A_247, %get3A_243 : vector<16xf32>
        %gt3A_256 = arith.cmpf ogt, %get3A_247, %get3A_245 : vector<16xf32>
        %and3A_257 = arith.andi %gt3A_255, %gt3A_256 : vector<16xi1>
        %ge3A_258 = arith.cmpf oge, %get3A_247, %get3A_249 : vector<16xf32>
        %and3A_259 = arith.andi %and3A_257, %ge3A_258 : vector<16xi1>
        %get3A_260 = arith.constant 64 : index
        %get3A_261 = tpu.vector_load %arg8[%get3A_260] {strides = array<i32>} : memref<1024xi32, #tpu.memory_space<vmem>>, vector<16xi32>,
        %get3A_262 = arith.constant 192 : index
        %get3A_263 = tpu.vector_load %arg8[%get3A_262] {strides = array<i32>} : memref<1024xi32, #tpu.memory_space<vmem>>, vector<16xi32>,
        %shift_right_logical3A_264 = arith.constant 7 : i32
        %shift_right_logical3A_265 = vector.broadcast %shift_right_logical3A_264 : i32 to vector<16xi32>
        %shift_right_logical3A_266 = arith.shrui %get3A_261, %shift_right_logical3A_265 : vector<16xi32>
        %and3A_267 = arith.constant 127 : i32
        %and3A_268 = vector.broadcast %and3A_267 : i32 to vector<16xi32>
        %and3A_269 = arith.andi %get3A_261, %and3A_268 : vector<16xi32>
        %shift_right_logical3A_270 = arith.constant 7 : i32
        %shift_right_logical3A_271 = vector.broadcast %shift_right_logical3A_270 : i32 to vector<16xi32>
        %shift_right_logical3A_272 = arith.shrui %get3A_263, %shift_right_logical3A_271 : vector<16xi32>
        %and3A_273 = arith.constant 127 : i32
        %and3A_274 = vector.broadcast %and3A_273 : i32 to vector<16xi32>
        %and3A_275 = arith.andi %get3A_263, %and3A_274 : vector<16xi32>
        tpu.vector_store_idx %arg9[%shift_right_logical3A_266, %and3A_269], %broadcast_in_dim3A_44 masked %and3A_254 {add = true} : memref<80x128xf32, #tpu.memory_space<vmem>>[vector<16xi32>, vector<16xi32>], vector<16xf32>, vector<16xi1>
        tpu.vector_store_idx %arg9[%shift_right_logical3A_272, %and3A_275], %broadcast_in_dim3A_44 masked %and3A_254 {add = true} : memref<80x128xf32, #tpu.memory_space<vmem>>[vector<16xi32>, vector<16xi32>], vector<16xf32>, vector<16xi1>
        tpu.vector_store_idx %arg10[%shift_right_logical3A_266, %and3A_269], %broadcast_in_dim3A_44 masked %and3A_259 {add = true} : memref<80x128xf32, #tpu.memory_space<vmem>>[vector<16xi32>, vector<16xi32>], vector<16xf32>, vector<16xi1>
        tpu.vector_store_idx %arg10[%shift_right_logical3A_272, %and3A_275], %broadcast_in_dim3A_44 masked %and3A_259 {add = true} : memref<80x128xf32, #tpu.memory_space<vmem>>[vector<16xi32>, vector<16xi32>], vector<16xf32>, vector<16xi1>
        %get3A_276 = arith.constant 80 : index
        %get3A_277 = tpu.vector_load %arg6[%get3A_276] {strides = array<i32>} : memref<2048xf32, #tpu.memory_space<vmem>>, vector<16xf32>,
        %get3A_278 = arith.constant 208 : index
        %get3A_279 = tpu.vector_load %arg6[%get3A_278] {strides = array<i32>} : memref<2048xf32, #tpu.memory_space<vmem>>, vector<16xf32>,
        %get3A_280 = arith.constant 336 : index
        %get3A_281 = tpu.vector_load %arg6[%get3A_280] {strides = array<i32>} : memref<2048xf32, #tpu.memory_space<vmem>>, vector<16xf32>,
        %get3A_282 = arith.constant 464 : index
        %get3A_283 = tpu.vector_load %arg6[%get3A_282] {strides = array<i32>} : memref<2048xf32, #tpu.memory_space<vmem>>, vector<16xf32>,
        %gt3A_284 = arith.cmpf ogt, %get3A_279, %get3A_277 : vector<16xf32>
        %ge3A_285 = arith.cmpf oge, %get3A_279, %get3A_281 : vector<16xf32>
        %and3A_286 = arith.andi %gt3A_284, %ge3A_285 : vector<16xi1>
        %ge3A_287 = arith.cmpf oge, %get3A_279, %get3A_283 : vector<16xf32>
        %and3A_288 = arith.andi %and3A_286, %ge3A_287 : vector<16xi1>
        %gt3A_289 = arith.cmpf ogt, %get3A_281, %get3A_277 : vector<16xf32>
        %gt3A_290 = arith.cmpf ogt, %get3A_281, %get3A_279 : vector<16xf32>
        %and3A_291 = arith.andi %gt3A_289, %gt3A_290 : vector<16xi1>
        %ge3A_292 = arith.cmpf oge, %get3A_281, %get3A_283 : vector<16xf32>
        %and3A_293 = arith.andi %and3A_291, %ge3A_292 : vector<16xi1>
        %get3A_294 = arith.constant 80 : index
        %get3A_295 = tpu.vector_load %arg8[%get3A_294] {strides = array<i32>} : memref<1024xi32, #tpu.memory_space<vmem>>, vector<16xi32>,
        %get3A_296 = arith.constant 208 : index
        %get3A_297 = tpu.vector_load %arg8[%get3A_296] {strides = array<i32>} : memref<1024xi32, #tpu.memory_space<vmem>>, vector<16xi32>,
        %shift_right_logical3A_298 = arith.constant 7 : i32
        %shift_right_logical3A_299 = vector.broadcast %shift_right_logical3A_298 : i32 to vector<16xi32>
        %shift_right_logical3A_300 = arith.shrui %get3A_295, %shift_right_logical3A_299 : vector<16xi32>
        %and3A_301 = arith.constant 127 : i32
        %and3A_302 = vector.broadcast %and3A_301 : i32 to vector<16xi32>
        %and3A_303 = arith.andi %get3A_295, %and3A_302 : vector<16xi32>
        %shift_right_logical3A_304 = arith.constant 7 : i32
        %shift_right_logical3A_305 = vector.broadcast %shift_right_logical3A_304 : i32 to vector<16xi32>
        %shift_right_logical3A_306 = arith.shrui %get3A_297, %shift_right_logical3A_305 : vector<16xi32>
        %and3A_307 = arith.constant 127 : i32
        %and3A_308 = vector.broadcast %and3A_307 : i32 to vector<16xi32>
        %and3A_309 = arith.andi %get3A_297, %and3A_308 : vector<16xi32>
        tpu.vector_store_idx %arg9[%shift_right_logical3A_300, %and3A_303], %broadcast_in_dim3A_44 masked %and3A_288 {add = true} : memref<80x128xf32, #tpu.memory_space<vmem>>[vector<16xi32>, vector<16xi32>], vector<16xf32>, vector<16xi1>
        tpu.vector_store_idx %arg9[%shift_right_logical3A_306, %and3A_309], %broadcast_in_dim3A_44 masked %and3A_288 {add = true} : memref<80x128xf32, #tpu.memory_space<vmem>>[vector<16xi32>, vector<16xi32>], vector<16xf32>, vector<16xi1>
        tpu.vector_store_idx %arg10[%shift_right_logical3A_300, %and3A_303], %broadcast_in_dim3A_44 masked %and3A_293 {add = true} : memref<80x128xf32, #tpu.memory_space<vmem>>[vector<16xi32>, vector<16xi32>], vector<16xf32>, vector<16xi1>
        tpu.vector_store_idx %arg10[%shift_right_logical3A_306, %and3A_309], %broadcast_in_dim3A_44 masked %and3A_293 {add = true} : memref<80x128xf32, #tpu.memory_space<vmem>>[vector<16xi32>, vector<16xi32>], vector<16xf32>, vector<16xi1>
        %get3A_310 = arith.constant 96 : index
        %get3A_311 = tpu.vector_load %arg6[%get3A_310] {strides = array<i32>} : memref<2048xf32, #tpu.memory_space<vmem>>, vector<16xf32>,
        %get3A_312 = arith.constant 224 : index
        %get3A_313 = tpu.vector_load %arg6[%get3A_312] {strides = array<i32>} : memref<2048xf32, #tpu.memory_space<vmem>>, vector<16xf32>,
        %get3A_314 = arith.constant 352 : index
        %get3A_315 = tpu.vector_load %arg6[%get3A_314] {strides = array<i32>} : memref<2048xf32, #tpu.memory_space<vmem>>, vector<16xf32>,
        %get3A_316 = arith.constant 480 : index
        %get3A_317 = tpu.vector_load %arg6[%get3A_316] {strides = array<i32>} : memref<2048xf32, #tpu.memory_space<vmem>>, vector<16xf32>,
        %gt3A_318 = arith.cmpf ogt, %get3A_313, %get3A_311 : vector<16xf32>
        %ge3A_319 = arith.cmpf oge, %get3A_313, %get3A_315 : vector<16xf32>
        %and3A_320 = arith.andi %gt3A_318, %ge3A_319 : vector<16xi1>
        %ge3A_321 = arith.cmpf oge, %get3A_313, %get3A_317 : vector<16xf32>
        %and3A_322 = arith.andi %and3A_320, %ge3A_321 : vector<16xi1>
        %gt3A_323 = arith.cmpf ogt, %get3A_315, %get3A_311 : vector<16xf32>
        %gt3A_324 = arith.cmpf ogt, %get3A_315, %get3A_313 : vector<16xf32>
        %and3A_325 = arith.andi %gt3A_323, %gt3A_324 : vector<16xi1>
        %ge3A_326 = arith.cmpf oge, %get3A_315, %get3A_317 : vector<16xf32>
        %and3A_327 = arith.andi %and3A_325, %ge3A_326 : vector<16xi1>
        %get3A_328 = arith.constant 96 : index
        %get3A_329 = tpu.vector_load %arg8[%get3A_328] {strides = array<i32>} : memref<1024xi32, #tpu.memory_space<vmem>>, vector<16xi32>,
        %get3A_330 = arith.constant 224 : index
        %get3A_331 = tpu.vector_load %arg8[%get3A_330] {strides = array<i32>} : memref<1024xi32, #tpu.memory_space<vmem>>, vector<16xi32>,
        %shift_right_logical3A_332 = arith.constant 7 : i32
        %shift_right_logical3A_333 = vector.broadcast %shift_right_logical3A_332 : i32 to vector<16xi32>
        %shift_right_logical3A_334 = arith.shrui %get3A_329, %shift_right_logical3A_333 : vector<16xi32>
        %and3A_335 = arith.constant 127 : i32
        %and3A_336 = vector.broadcast %and3A_335 : i32 to vector<16xi32>
        %and3A_337 = arith.andi %get3A_329, %and3A_336 : vector<16xi32>
        %shift_right_logical3A_338 = arith.constant 7 : i32
        %shift_right_logical3A_339 = vector.broadcast %shift_right_logical3A_338 : i32 to vector<16xi32>
        %shift_right_logical3A_340 = arith.shrui %get3A_331, %shift_right_logical3A_339 : vector<16xi32>
        %and3A_341 = arith.constant 127 : i32
        %and3A_342 = vector.broadcast %and3A_341 : i32 to vector<16xi32>
        %and3A_343 = arith.andi %get3A_331, %and3A_342 : vector<16xi32>
        tpu.vector_store_idx %arg9[%shift_right_logical3A_334, %and3A_337], %broadcast_in_dim3A_44 masked %and3A_322 {add = true} : memref<80x128xf32, #tpu.memory_space<vmem>>[vector<16xi32>, vector<16xi32>], vector<16xf32>, vector<16xi1>
        tpu.vector_store_idx %arg9[%shift_right_logical3A_340, %and3A_343], %broadcast_in_dim3A_44 masked %and3A_322 {add = true} : memref<80x128xf32, #tpu.memory_space<vmem>>[vector<16xi32>, vector<16xi32>], vector<16xf32>, vector<16xi1>
        tpu.vector_store_idx %arg10[%shift_right_logical3A_334, %and3A_337], %broadcast_in_dim3A_44 masked %and3A_327 {add = true} : memref<80x128xf32, #tpu.memory_space<vmem>>[vector<16xi32>, vector<16xi32>], vector<16xf32>, vector<16xi1>
        tpu.vector_store_idx %arg10[%shift_right_logical3A_340, %and3A_343], %broadcast_in_dim3A_44 masked %and3A_327 {add = true} : memref<80x128xf32, #tpu.memory_space<vmem>>[vector<16xi32>, vector<16xi32>], vector<16xf32>, vector<16xi1>
        %get3A_344 = arith.constant 112 : index
        %get3A_345 = tpu.vector_load %arg6[%get3A_344] {strides = array<i32>} : memref<2048xf32, #tpu.memory_space<vmem>>, vector<16xf32>,
        %get3A_346 = arith.constant 240 : index
        %get3A_347 = tpu.vector_load %arg6[%get3A_346] {strides = array<i32>} : memref<2048xf32, #tpu.memory_space<vmem>>, vector<16xf32>,
        %get3A_348 = arith.constant 368 : index
        %get3A_349 = tpu.vector_load %arg6[%get3A_348] {strides = array<i32>} : memref<2048xf32, #tpu.memory_space<vmem>>, vector<16xf32>,
        %get3A_350 = arith.constant 496 : index
        %get3A_351 = tpu.vector_load %arg6[%get3A_350] {strides = array<i32>} : memref<2048xf32, #tpu.memory_space<vmem>>, vector<16xf32>,
        %gt3A_352 = arith.cmpf ogt, %get3A_347, %get3A_345 : vector<16xf32>
        %ge3A_353 = arith.cmpf oge, %get3A_347, %get3A_349 : vector<16xf32>
        %and3A_354 = arith.andi %gt3A_352, %ge3A_353 : vector<16xi1>
        %ge3A_355 = arith.cmpf oge, %get3A_347, %get3A_351 : vector<16xf32>
        %and3A_356 = arith.andi %and3A_354, %ge3A_355 : vector<16xi1>
        %gt3A_357 = arith.cmpf ogt, %get3A_349, %get3A_345 : vector<16xf32>
        %gt3A_358 = arith.cmpf ogt, %get3A_349, %get3A_347 : vector<16xf32>
        %and3A_359 = arith.andi %gt3A_357, %gt3A_358 : vector<16xi1>
        %ge3A_360 = arith.cmpf oge, %get3A_349, %get3A_351 : vector<16xf32>
        %and3A_361 = arith.andi %and3A_359, %ge3A_360 : vector<16xi1>
        %get3A_362 = arith.constant 112 : index
        %get3A_363 = tpu.vector_load %arg8[%get3A_362] {strides = array<i32>} : memref<1024xi32, #tpu.memory_space<vmem>>, vector<16xi32>,
        %get3A_364 = arith.constant 240 : index
        %get3A_365 = tpu.vector_load %arg8[%get3A_364] {strides = array<i32>} : memref<1024xi32, #tpu.memory_space<vmem>>, vector<16xi32>,
        %shift_right_logical3A_366 = arith.constant 7 : i32
        %shift_right_logical3A_367 = vector.broadcast %shift_right_logical3A_366 : i32 to vector<16xi32>
        %shift_right_logical3A_368 = arith.shrui %get3A_363, %shift_right_logical3A_367 : vector<16xi32>
        %and3A_369 = arith.constant 127 : i32
        %and3A_370 = vector.broadcast %and3A_369 : i32 to vector<16xi32>
        %and3A_371 = arith.andi %get3A_363, %and3A_370 : vector<16xi32>
        %shift_right_logical3A_372 = arith.constant 7 : i32
        %shift_right_logical3A_373 = vector.broadcast %shift_right_logical3A_372 : i32 to vector<16xi32>
        %shift_right_logical3A_374 = arith.shrui %get3A_365, %shift_right_logical3A_373 : vector<16xi32>
        %and3A_375 = arith.constant 127 : i32
        %and3A_376 = vector.broadcast %and3A_375 : i32 to vector<16xi32>
        %and3A_377 = arith.andi %get3A_365, %and3A_376 : vector<16xi32>
        tpu.vector_store_idx %arg9[%shift_right_logical3A_368, %and3A_371], %broadcast_in_dim3A_44 masked %and3A_356 {add = true} : memref<80x128xf32, #tpu.memory_space<vmem>>[vector<16xi32>, vector<16xi32>], vector<16xf32>, vector<16xi1>
        tpu.vector_store_idx %arg9[%shift_right_logical3A_374, %and3A_377], %broadcast_in_dim3A_44 masked %and3A_356 {add = true} : memref<80x128xf32, #tpu.memory_space<vmem>>[vector<16xi32>, vector<16xi32>], vector<16xf32>, vector<16xi1>
        tpu.vector_store_idx %arg10[%shift_right_logical3A_368, %and3A_371], %broadcast_in_dim3A_44 masked %and3A_361 {add = true} : memref<80x128xf32, #tpu.memory_space<vmem>>[vector<16xi32>, vector<16xi32>], vector<16xf32>, vector<16xi1>
        tpu.vector_store_idx %arg10[%shift_right_logical3A_374, %and3A_377], %broadcast_in_dim3A_44 masked %and3A_361 {add = true} : memref<80x128xf32, #tpu.memory_space<vmem>>[vector<16xi32>, vector<16xi32>], vector<16xf32>, vector<16xi1>
        %get3A_378 = arith.constant 512 : index
        %get3A_379 = tpu.vector_load %arg6[%get3A_378] {strides = array<i32>} : memref<2048xf32, #tpu.memory_space<vmem>>, vector<16xf32>,
        %get3A_380 = arith.constant 640 : index
        %get3A_381 = tpu.vector_load %arg6[%get3A_380] {strides = array<i32>} : memref<2048xf32, #tpu.memory_space<vmem>>, vector<16xf32>,
        %get3A_382 = arith.constant 768 : index
        %get3A_383 = tpu.vector_load %arg6[%get3A_382] {strides = array<i32>} : memref<2048xf32, #tpu.memory_space<vmem>>, vector<16xf32>,
        %get3A_384 = arith.constant 896 : index
        %get3A_385 = tpu.vector_load %arg6[%get3A_384] {strides = array<i32>} : memref<2048xf32, #tpu.memory_space<vmem>>, vector<16xf32>,
        %gt3A_386 = arith.cmpf ogt, %get3A_381, %get3A_379 : vector<16xf32>
        %ge3A_387 = arith.cmpf oge, %get3A_381, %get3A_383 : vector<16xf32>
        %and3A_388 = arith.andi %gt3A_386, %ge3A_387 : vector<16xi1>
        %ge3A_389 = arith.cmpf oge, %get3A_381, %get3A_385 : vector<16xf32>
        %and3A_390 = arith.andi %and3A_388, %ge3A_389 : vector<16xi1>
        %gt3A_391 = arith.cmpf ogt, %get3A_383, %get3A_379 : vector<16xf32>
        %gt3A_392 = arith.cmpf ogt, %get3A_383, %get3A_381 : vector<16xf32>
        %and3A_393 = arith.andi %gt3A_391, %gt3A_392 : vector<16xi1>
        %ge3A_394 = arith.cmpf oge, %get3A_383, %get3A_385 : vector<16xf32>
        %and3A_395 = arith.andi %and3A_393, %ge3A_394 : vector<16xi1>
        %get3A_396 = arith.constant 256 : index
        %get3A_397 = tpu.vector_load %arg8[%get3A_396] {strides = array<i32>} : memref<1024xi32, #tpu.memory_space<vmem>>, vector<16xi32>,
        %get3A_398 = arith.constant 384 : index
        %get3A_399 = tpu.vector_load %arg8[%get3A_398] {strides = array<i32>} : memref<1024xi32, #tpu.memory_space<vmem>>, vector<16xi32>,
        %shift_right_logical3A_400 = arith.constant 7 : i32
        %shift_right_logical3A_401 = vector.broadcast %shift_right_logical3A_400 : i32 to vector<16xi32>
        %shift_right_logical3A_402 = arith.shrui %get3A_397, %shift_right_logical3A_401 : vector<16xi32>
        %and3A_403 = arith.constant 127 : i32
        %and3A_404 = vector.broadcast %and3A_403 : i32 to vector<16xi32>
        %and3A_405 = arith.andi %get3A_397, %and3A_404 : vector<16xi32>
        %shift_right_logical3A_406 = arith.constant 7 : i32
        %shift_right_logical3A_407 = vector.broadcast %shift_right_logical3A_406 : i32 to vector<16xi32>
        %shift_right_logical3A_408 = arith.shrui %get3A_399, %shift_right_logical3A_407 : vector<16xi32>
        %and3A_409 = arith.constant 127 : i32
        %and3A_410 = vector.broadcast %and3A_409 : i32 to vector<16xi32>
        %and3A_411 = arith.andi %get3A_399, %and3A_410 : vector<16xi32>
        tpu.vector_store_idx %arg9[%shift_right_logical3A_402, %and3A_405], %broadcast_in_dim3A_44 masked %and3A_390 {add = true} : memref<80x128xf32, #tpu.memory_space<vmem>>[vector<16xi32>, vector<16xi32>], vector<16xf32>, vector<16xi1>
        tpu.vector_store_idx %arg9[%shift_right_logical3A_408, %and3A_411], %broadcast_in_dim3A_44 masked %and3A_390 {add = true} : memref<80x128xf32, #tpu.memory_space<vmem>>[vector<16xi32>, vector<16xi32>], vector<16xf32>, vector<16xi1>
        tpu.vector_store_idx %arg10[%shift_right_logical3A_402, %and3A_405], %broadcast_in_dim3A_44 masked %and3A_395 {add = true} : memref<80x128xf32, #tpu.memory_space<vmem>>[vector<16xi32>, vector<16xi32>], vector<16xf32>, vector<16xi1>
        tpu.vector_store_idx %arg10[%shift_right_logical3A_408, %and3A_411], %broadcast_in_dim3A_44 masked %and3A_395 {add = true} : memref<80x128xf32, #tpu.memory_space<vmem>>[vector<16xi32>, vector<16xi32>], vector<16xf32>, vector<16xi1>
        %get3A_412 = arith.constant 528 : index
        %get3A_413 = tpu.vector_load %arg6[%get3A_412] {strides = array<i32>} : memref<2048xf32, #tpu.memory_space<vmem>>, vector<16xf32>,
        %get3A_414 = arith.constant 656 : index
        %get3A_415 = tpu.vector_load %arg6[%get3A_414] {strides = array<i32>} : memref<2048xf32, #tpu.memory_space<vmem>>, vector<16xf32>,
        %get3A_416 = arith.constant 784 : index
        %get3A_417 = tpu.vector_load %arg6[%get3A_416] {strides = array<i32>} : memref<2048xf32, #tpu.memory_space<vmem>>, vector<16xf32>,
        %get3A_418 = arith.constant 912 : index
        %get3A_419 = tpu.vector_load %arg6[%get3A_418] {strides = array<i32>} : memref<2048xf32, #tpu.memory_space<vmem>>, vector<16xf32>,
        %gt3A_420 = arith.cmpf ogt, %get3A_415, %get3A_413 : vector<16xf32>
        %ge3A_421 = arith.cmpf oge, %get3A_415, %get3A_417 : vector<16xf32>
        %and3A_422 = arith.andi %gt3A_420, %ge3A_421 : vector<16xi1>
        %ge3A_423 = arith.cmpf oge, %get3A_415, %get3A_419 : vector<16xf32>
        %and3A_424 = arith.andi %and3A_422, %ge3A_423 : vector<16xi1>
        %gt3A_425 = arith.cmpf ogt, %get3A_417, %get3A_413 : vector<16xf32>
        %gt3A_426 = arith.cmpf ogt, %get3A_417, %get3A_415 : vector<16xf32>
        %and3A_427 = arith.andi %gt3A_425, %gt3A_426 : vector<16xi1>
        %ge3A_428 = arith.cmpf oge, %get3A_417, %get3A_419 : vector<16xf32>
        %and3A_429 = arith.andi %and3A_427, %ge3A_428 : vector<16xi1>
        %get3A_430 = arith.constant 272 : index
        %get3A_431 = tpu.vector_load %arg8[%get3A_430] {strides = array<i32>} : memref<1024xi32, #tpu.memory_space<vmem>>, vector<16xi32>,
        %get3A_432 = arith.constant 400 : index
        %get3A_433 = tpu.vector_load %arg8[%get3A_432] {strides = array<i32>} : memref<1024xi32, #tpu.memory_space<vmem>>, vector<16xi32>,
        %shift_right_logical3A_434 = arith.constant 7 : i32
        %shift_right_logical3A_435 = vector.broadcast %shift_right_logical3A_434 : i32 to vector<16xi32>
        %shift_right_logical3A_436 = arith.shrui %get3A_431, %shift_right_logical3A_435 : vector<16xi32>
        %and3A_437 = arith.constant 127 : i32
        %and3A_438 = vector.broadcast %and3A_437 : i32 to vector<16xi32>
        %and3A_439 = arith.andi %get3A_431, %and3A_438 : vector<16xi32>
        %shift_right_logical3A_440 = arith.constant 7 : i32
        %shift_right_logical3A_441 = vector.broadcast %shift_right_logical3A_440 : i32 to vector<16xi32>
        %shift_right_logical3A_442 = arith.shrui %get3A_433, %shift_right_logical3A_441 : vector<16xi32>
        %and3A_443 = arith.constant 127 : i32
        %and3A_444 = vector.broadcast %and3A_443 : i32 to vector<16xi32>
        %and3A_445 = arith.andi %get3A_433, %and3A_444 : vector<16xi32>
        tpu.vector_store_idx %arg9[%shift_right_logical3A_436, %and3A_439], %broadcast_in_dim3A_44 masked %and3A_424 {add = true} : memref<80x128xf32, #tpu.memory_space<vmem>>[vector<16xi32>, vector<16xi32>], vector<16xf32>, vector<16xi1>
        tpu.vector_store_idx %arg9[%shift_right_logical3A_442, %and3A_445], %broadcast_in_dim3A_44 masked %and3A_424 {add = true} : memref<80x128xf32, #tpu.memory_space<vmem>>[vector<16xi32>, vector<16xi32>], vector<16xf32>, vector<16xi1>
        tpu.vector_store_idx %arg10[%shift_right_logical3A_436, %and3A_439], %broadcast_in_dim3A_44 masked %and3A_429 {add = true} : memref<80x128xf32, #tpu.memory_space<vmem>>[vector<16xi32>, vector<16xi32>], vector<16xf32>, vector<16xi1>
        tpu.vector_store_idx %arg10[%shift_right_logical3A_442, %and3A_445], %broadcast_in_dim3A_44 masked %and3A_429 {add = true} : memref<80x128xf32, #tpu.memory_space<vmem>>[vector<16xi32>, vector<16xi32>], vector<16xf32>, vector<16xi1>
        %get3A_446 = arith.constant 544 : index
        %get3A_447 = tpu.vector_load %arg6[%get3A_446] {strides = array<i32>} : memref<2048xf32, #tpu.memory_space<vmem>>, vector<16xf32>,
        %get3A_448 = arith.constant 672 : index
        %get3A_449 = tpu.vector_load %arg6[%get3A_448] {strides = array<i32>} : memref<2048xf32, #tpu.memory_space<vmem>>, vector<16xf32>,
        %get3A_450 = arith.constant 800 : index
        %get3A_451 = tpu.vector_load %arg6[%get3A_450] {strides = array<i32>} : memref<2048xf32, #tpu.memory_space<vmem>>, vector<16xf32>,
        %get3A_452 = arith.constant 928 : index
        %get3A_453 = tpu.vector_load %arg6[%get3A_452] {strides = array<i32>} : memref<2048xf32, #tpu.memory_space<vmem>>, vector<16xf32>,
        %gt3A_454 = arith.cmpf ogt, %get3A_449, %get3A_447 : vector<16xf32>
        %ge3A_455 = arith.cmpf oge, %get3A_449, %get3A_451 : vector<16xf32>
        %and3A_456 = arith.andi %gt3A_454, %ge3A_455 : vector<16xi1>
        %ge3A_457 = arith.cmpf oge, %get3A_449, %get3A_453 : vector<16xf32>
        %and3A_458 = arith.andi %and3A_456, %ge3A_457 : vector<16xi1>
        %gt3A_459 = arith.cmpf ogt, %get3A_451, %get3A_447 : vector<16xf32>
        %gt3A_460 = arith.cmpf ogt, %get3A_451, %get3A_449 : vector<16xf32>
        %and3A_461 = arith.andi %gt3A_459, %gt3A_460 : vector<16xi1>
        %ge3A_462 = arith.cmpf oge, %get3A_451, %get3A_453 : vector<16xf32>
        %and3A_463 = arith.andi %and3A_461, %ge3A_462 : vector<16xi1>
        %get3A_464 = arith.constant 288 : index
        %get3A_465 = tpu.vector_load %arg8[%get3A_464] {strides = array<i32>} : memref<1024xi32, #tpu.memory_space<vmem>>, vector<16xi32>,
        %get3A_466 = arith.constant 416 : index
        %get3A_467 = tpu.vector_load %arg8[%get3A_466] {strides = array<i32>} : memref<1024xi32, #tpu.memory_space<vmem>>, vector<16xi32>,
        %shift_right_logical3A_468 = arith.constant 7 : i32
        %shift_right_logical3A_469 = vector.broadcast %shift_right_logical3A_468 : i32 to vector<16xi32>
        %shift_right_logical3A_470 = arith.shrui %get3A_465, %shift_right_logical3A_469 : vector<16xi32>
        %and3A_471 = arith.constant 127 : i32
        %and3A_472 = vector.broadcast %and3A_471 : i32 to vector<16xi32>
        %and3A_473 = arith.andi %get3A_465, %and3A_472 : vector<16xi32>
        %shift_right_logical3A_474 = arith.constant 7 : i32
        %shift_right_logical3A_475 = vector.broadcast %shift_right_logical3A_474 : i32 to vector<16xi32>
        %shift_right_logical3A_476 = arith.shrui %get3A_467, %shift_right_logical3A_475 : vector<16xi32>
        %and3A_477 = arith.constant 127 : i32
        %and3A_478 = vector.broadcast %and3A_477 : i32 to vector<16xi32>
        %and3A_479 = arith.andi %get3A_467, %and3A_478 : vector<16xi32>
        tpu.vector_store_idx %arg9[%shift_right_logical3A_470, %and3A_473], %broadcast_in_dim3A_44 masked %and3A_458 {add = true} : memref<80x128xf32, #tpu.memory_space<vmem>>[vector<16xi32>, vector<16xi32>], vector<16xf32>, vector<16xi1>
        tpu.vector_store_idx %arg9[%shift_right_logical3A_476, %and3A_479], %broadcast_in_dim3A_44 masked %and3A_458 {add = true} : memref<80x128xf32, #tpu.memory_space<vmem>>[vector<16xi32>, vector<16xi32>], vector<16xf32>, vector<16xi1>
        tpu.vector_store_idx %arg10[%shift_right_logical3A_470, %and3A_473], %broadcast_in_dim3A_44 masked %and3A_463 {add = true} : memref<80x128xf32, #tpu.memory_space<vmem>>[vector<16xi32>, vector<16xi32>], vector<16xf32>, vector<16xi1>
        tpu.vector_store_idx %arg10[%shift_right_logical3A_476, %and3A_479], %broadcast_in_dim3A_44 masked %and3A_463 {add = true} : memref<80x128xf32, #tpu.memory_space<vmem>>[vector<16xi32>, vector<16xi32>], vector<16xf32>, vector<16xi1>
        %get3A_480 = arith.constant 560 : index
        %get3A_481 = tpu.vector_load %arg6[%get3A_480] {strides = array<i32>} : memref<2048xf32, #tpu.memory_space<vmem>>, vector<16xf32>,
        %get3A_482 = arith.constant 688 : index
        %get3A_483 = tpu.vector_load %arg6[%get3A_482] {strides = array<i32>} : memref<2048xf32, #tpu.memory_space<vmem>>, vector<16xf32>,
        %get3A_484 = arith.constant 816 : index
        %get3A_485 = tpu.vector_load %arg6[%get3A_484] {strides = array<i32>} : memref<2048xf32, #tpu.memory_space<vmem>>, vector<16xf32>,
        %get3A_486 = arith.constant 944 : index
        %get3A_487 = tpu.vector_load %arg6[%get3A_486] {strides = array<i32>} : memref<2048xf32, #tpu.memory_space<vmem>>, vector<16xf32>,
        %gt3A_488 = arith.cmpf ogt, %get3A_483, %get3A_481 : vector<16xf32>
        %ge3A_489 = arith.cmpf oge, %get3A_483, %get3A_485 : vector<16xf32>
        %and3A_490 = arith.andi %gt3A_488, %ge3A_489 : vector<16xi1>
        %ge3A_491 = arith.cmpf oge, %get3A_483, %get3A_487 : vector<16xf32>
        %and3A_492 = arith.andi %and3A_490, %ge3A_491 : vector<16xi1>
        %gt3A_493 = arith.cmpf ogt, %get3A_485, %get3A_481 : vector<16xf32>
        %gt3A_494 = arith.cmpf ogt, %get3A_485, %get3A_483 : vector<16xf32>
        %and3A_495 = arith.andi %gt3A_493, %gt3A_494 : vector<16xi1>
        %ge3A_496 = arith.cmpf oge, %get3A_485, %get3A_487 : vector<16xf32>
        %and3A_497 = arith.andi %and3A_495, %ge3A_496 : vector<16xi1>
        %get3A_498 = arith.constant 304 : index
        %get3A_499 = tpu.vector_load %arg8[%get3A_498] {strides = array<i32>} : memref<1024xi32, #tpu.memory_space<vmem>>, vector<16xi32>,
        %get3A_500 = arith.constant 432 : index
        %get3A_501 = tpu.vector_load %arg8[%get3A_500] {strides = array<i32>} : memref<1024xi32, #tpu.memory_space<vmem>>, vector<16xi32>,
        %shift_right_logical3A_502 = arith.constant 7 : i32
        %shift_right_logical3A_503 = vector.broadcast %shift_right_logical3A_502 : i32 to vector<16xi32>
        %shift_right_logical3A_504 = arith.shrui %get3A_499, %shift_right_logical3A_503 : vector<16xi32>
        %and3A_505 = arith.constant 127 : i32
        %and3A_506 = vector.broadcast %and3A_505 : i32 to vector<16xi32>
        %and3A_507 = arith.andi %get3A_499, %and3A_506 : vector<16xi32>
        %shift_right_logical3A_508 = arith.constant 7 : i32
        %shift_right_logical3A_509 = vector.broadcast %shift_right_logical3A_508 : i32 to vector<16xi32>
        %shift_right_logical3A_510 = arith.shrui %get3A_501, %shift_right_logical3A_509 : vector<16xi32>
        %and3A_511 = arith.constant 127 : i32
        %and3A_512 = vector.broadcast %and3A_511 : i32 to vector<16xi32>
        %and3A_513 = arith.andi %get3A_501, %and3A_512 : vector<16xi32>
        tpu.vector_store_idx %arg9[%shift_right_logical3A_504, %and3A_507], %broadcast_in_dim3A_44 masked %and3A_492 {add = true} : memref<80x128xf32, #tpu.memory_space<vmem>>[vector<16xi32>, vector<16xi32>], vector<16xf32>, vector<16xi1>
        tpu.vector_store_idx %arg9[%shift_right_logical3A_510, %and3A_513], %broadcast_in_dim3A_44 masked %and3A_492 {add = true} : memref<80x128xf32, #tpu.memory_space<vmem>>[vector<16xi32>, vector<16xi32>], vector<16xf32>, vector<16xi1>
        tpu.vector_store_idx %arg10[%shift_right_logical3A_504, %and3A_507], %broadcast_in_dim3A_44 masked %and3A_497 {add = true} : memref<80x128xf32, #tpu.memory_space<vmem>>[vector<16xi32>, vector<16xi32>], vector<16xf32>, vector<16xi1>
        tpu.vector_store_idx %arg10[%shift_right_logical3A_510, %and3A_513], %broadcast_in_dim3A_44 masked %and3A_497 {add = true} : memref<80x128xf32, #tpu.memory_space<vmem>>[vector<16xi32>, vector<16xi32>], vector<16xf32>, vector<16xi1>
        %get3A_514 = arith.constant 576 : index
        %get3A_515 = tpu.vector_load %arg6[%get3A_514] {strides = array<i32>} : memref<2048xf32, #tpu.memory_space<vmem>>, vector<16xf32>,
        %get3A_516 = arith.constant 704 : index
        %get3A_517 = tpu.vector_load %arg6[%get3A_516] {strides = array<i32>} : memref<2048xf32, #tpu.memory_space<vmem>>, vector<16xf32>,
        %get3A_518 = arith.constant 832 : index
        %get3A_519 = tpu.vector_load %arg6[%get3A_518] {strides = array<i32>} : memref<2048xf32, #tpu.memory_space<vmem>>, vector<16xf32>,
        %get3A_520 = arith.constant 960 : index
        %get3A_521 = tpu.vector_load %arg6[%get3A_520] {strides = array<i32>} : memref<2048xf32, #tpu.memory_space<vmem>>, vector<16xf32>,
        %gt3A_522 = arith.cmpf ogt, %get3A_517, %get3A_515 : vector<16xf32>
        %ge3A_523 = arith.cmpf oge, %get3A_517, %get3A_519 : vector<16xf32>
        %and3A_524 = arith.andi %gt3A_522, %ge3A_523 : vector<16xi1>
        %ge3A_525 = arith.cmpf oge, %get3A_517, %get3A_521 : vector<16xf32>
        %and3A_526 = arith.andi %and3A_524, %ge3A_525 : vector<16xi1>
        %gt3A_527 = arith.cmpf ogt, %get3A_519, %get3A_515 : vector<16xf32>
        %gt3A_528 = arith.cmpf ogt, %get3A_519, %get3A_517 : vector<16xf32>
        %and3A_529 = arith.andi %gt3A_527, %gt3A_528 : vector<16xi1>
        %ge3A_530 = arith.cmpf oge, %get3A_519, %get3A_521 : vector<16xf32>
        %and3A_531 = arith.andi %and3A_529, %ge3A_530 : vector<16xi1>
        %get3A_532 = arith.constant 320 : index
        %get3A_533 = tpu.vector_load %arg8[%get3A_532] {strides = array<i32>} : memref<1024xi32, #tpu.memory_space<vmem>>, vector<16xi32>,
        %get3A_534 = arith.constant 448 : index
        %get3A_535 = tpu.vector_load %arg8[%get3A_534] {strides = array<i32>} : memref<1024xi32, #tpu.memory_space<vmem>>, vector<16xi32>,
        %shift_right_logical3A_536 = arith.constant 7 : i32
        %shift_right_logical3A_537 = vector.broadcast %shift_right_logical3A_536 : i32 to vector<16xi32>
        %shift_right_logical3A_538 = arith.shrui %get3A_533, %shift_right_logical3A_537 : vector<16xi32>
        %and3A_539 = arith.constant 127 : i32
        %and3A_540 = vector.broadcast %and3A_539 : i32 to vector<16xi32>
        %and3A_541 = arith.andi %get3A_533, %and3A_540 : vector<16xi32>
        %shift_right_logical3A_542 = arith.constant 7 : i32
        %shift_right_logical3A_543 = vector.broadcast %shift_right_logical3A_542 : i32 to vector<16xi32>
        %shift_right_logical3A_544 = arith.shrui %get3A_535, %shift_right_logical3A_543 : vector<16xi32>
        %and3A_545 = arith.constant 127 : i32
        %and3A_546 = vector.broadcast %and3A_545 : i32 to vector<16xi32>
        %and3A_547 = arith.andi %get3A_535, %and3A_546 : vector<16xi32>
        tpu.vector_store_idx %arg9[%shift_right_logical3A_538, %and3A_541], %broadcast_in_dim3A_44 masked %and3A_526 {add = true} : memref<80x128xf32, #tpu.memory_space<vmem>>[vector<16xi32>, vector<16xi32>], vector<16xf32>, vector<16xi1>
        tpu.vector_store_idx %arg9[%shift_right_logical3A_544, %and3A_547], %broadcast_in_dim3A_44 masked %and3A_526 {add = true} : memref<80x128xf32, #tpu.memory_space<vmem>>[vector<16xi32>, vector<16xi32>], vector<16xf32>, vector<16xi1>
        tpu.vector_store_idx %arg10[%shift_right_logical3A_538, %and3A_541], %broadcast_in_dim3A_44 masked %and3A_531 {add = true} : memref<80x128xf32, #tpu.memory_space<vmem>>[vector<16xi32>, vector<16xi32>], vector<16xf32>, vector<16xi1>
        tpu.vector_store_idx %arg10[%shift_right_logical3A_544, %and3A_547], %broadcast_in_dim3A_44 masked %and3A_531 {add = true} : memref<80x128xf32, #tpu.memory_space<vmem>>[vector<16xi32>, vector<16xi32>], vector<16xf32>, vector<16xi1>
        %get3A_548 = arith.constant 592 : index
        %get3A_549 = tpu.vector_load %arg6[%get3A_548] {strides = array<i32>} : memref<2048xf32, #tpu.memory_space<vmem>>, vector<16xf32>,
        %get3A_550 = arith.constant 720 : index
        %get3A_551 = tpu.vector_load %arg6[%get3A_550] {strides = array<i32>} : memref<2048xf32, #tpu.memory_space<vmem>>, vector<16xf32>,
        %get3A_552 = arith.constant 848 : index
        %get3A_553 = tpu.vector_load %arg6[%get3A_552] {strides = array<i32>} : memref<2048xf32, #tpu.memory_space<vmem>>, vector<16xf32>,
        %get3A_554 = arith.constant 976 : index
        %get3A_555 = tpu.vector_load %arg6[%get3A_554] {strides = array<i32>} : memref<2048xf32, #tpu.memory_space<vmem>>, vector<16xf32>,
        %gt3A_556 = arith.cmpf ogt, %get3A_551, %get3A_549 : vector<16xf32>
        %ge3A_557 = arith.cmpf oge, %get3A_551, %get3A_553 : vector<16xf32>
        %and3A_558 = arith.andi %gt3A_556, %ge3A_557 : vector<16xi1>
        %ge3A_559 = arith.cmpf oge, %get3A_551, %get3A_555 : vector<16xf32>
        %and3A_560 = arith.andi %and3A_558, %ge3A_559 : vector<16xi1>
        %gt3A_561 = arith.cmpf ogt, %get3A_553, %get3A_549 : vector<16xf32>
        %gt3A_562 = arith.cmpf ogt, %get3A_553, %get3A_551 : vector<16xf32>
        %and3A_563 = arith.andi %gt3A_561, %gt3A_562 : vector<16xi1>
        %ge3A_564 = arith.cmpf oge, %get3A_553, %get3A_555 : vector<16xf32>
        %and3A_565 = arith.andi %and3A_563, %ge3A_564 : vector<16xi1>
        %get3A_566 = arith.constant 336 : index
        %get3A_567 = tpu.vector_load %arg8[%get3A_566] {strides = array<i32>} : memref<1024xi32, #tpu.memory_space<vmem>>, vector<16xi32>,
        %get3A_568 = arith.constant 464 : index
        %get3A_569 = tpu.vector_load %arg8[%get3A_568] {strides = array<i32>} : memref<1024xi32, #tpu.memory_space<vmem>>, vector<16xi32>,
        %shift_right_logical3A_570 = arith.constant 7 : i32
        %shift_right_logical3A_571 = vector.broadcast %shift_right_logical3A_570 : i32 to vector<16xi32>
        %shift_right_logical3A_572 = arith.shrui %get3A_567, %shift_right_logical3A_571 : vector<16xi32>
        %and3A_573 = arith.constant 127 : i32
        %and3A_574 = vector.broadcast %and3A_573 : i32 to vector<16xi32>
        %and3A_575 = arith.andi %get3A_567, %and3A_574 : vector<16xi32>
        %shift_right_logical3A_576 = arith.constant 7 : i32
        %shift_right_logical3A_577 = vector.broadcast %shift_right_logical3A_576 : i32 to vector<16xi32>
        %shift_right_logical3A_578 = arith.shrui %get3A_569, %shift_right_logical3A_577 : vector<16xi32>
        %and3A_579 = arith.constant 127 : i32
        %and3A_580 = vector.broadcast %and3A_579 : i32 to vector<16xi32>
        %and3A_581 = arith.andi %get3A_569, %and3A_580 : vector<16xi32>
        tpu.vector_store_idx %arg9[%shift_right_logical3A_572, %and3A_575], %broadcast_in_dim3A_44 masked %and3A_560 {add = true} : memref<80x128xf32, #tpu.memory_space<vmem>>[vector<16xi32>, vector<16xi32>], vector<16xf32>, vector<16xi1>
        tpu.vector_store_idx %arg9[%shift_right_logical3A_578, %and3A_581], %broadcast_in_dim3A_44 masked %and3A_560 {add = true} : memref<80x128xf32, #tpu.memory_space<vmem>>[vector<16xi32>, vector<16xi32>], vector<16xf32>, vector<16xi1>
        tpu.vector_store_idx %arg10[%shift_right_logical3A_572, %and3A_575], %broadcast_in_dim3A_44 masked %and3A_565 {add = true} : memref<80x128xf32, #tpu.memory_space<vmem>>[vector<16xi32>, vector<16xi32>], vector<16xf32>, vector<16xi1>
        tpu.vector_store_idx %arg10[%shift_right_logical3A_578, %and3A_581], %broadcast_in_dim3A_44 masked %and3A_565 {add = true} : memref<80x128xf32, #tpu.memory_space<vmem>>[vector<16xi32>, vector<16xi32>], vector<16xf32>, vector<16xi1>
        %get3A_582 = arith.constant 608 : index
        %get3A_583 = tpu.vector_load %arg6[%get3A_582] {strides = array<i32>} : memref<2048xf32, #tpu.memory_space<vmem>>, vector<16xf32>,
        %get3A_584 = arith.constant 736 : index
        %get3A_585 = tpu.vector_load %arg6[%get3A_584] {strides = array<i32>} : memref<2048xf32, #tpu.memory_space<vmem>>, vector<16xf32>,
        %get3A_586 = arith.constant 864 : index
        %get3A_587 = tpu.vector_load %arg6[%get3A_586] {strides = array<i32>} : memref<2048xf32, #tpu.memory_space<vmem>>, vector<16xf32>,
        %get3A_588 = arith.constant 992 : index
        %get3A_589 = tpu.vector_load %arg6[%get3A_588] {strides = array<i32>} : memref<2048xf32, #tpu.memory_space<vmem>>, vector<16xf32>,
        %gt3A_590 = arith.cmpf ogt, %get3A_585, %get3A_583 : vector<16xf32>
        %ge3A_591 = arith.cmpf oge, %get3A_585, %get3A_587 : vector<16xf32>
        %and3A_592 = arith.andi %gt3A_590, %ge3A_591 : vector<16xi1>
        %ge3A_593 = arith.cmpf oge, %get3A_585, %get3A_589 : vector<16xf32>
        %and3A_594 = arith.andi %and3A_592, %ge3A_593 : vector<16xi1>
        %gt3A_595 = arith.cmpf ogt, %get3A_587, %get3A_583 : vector<16xf32>
        %gt3A_596 = arith.cmpf ogt, %get3A_587, %get3A_585 : vector<16xf32>
        %and3A_597 = arith.andi %gt3A_595, %gt3A_596 : vector<16xi1>
        %ge3A_598 = arith.cmpf oge, %get3A_587, %get3A_589 : vector<16xf32>
        %and3A_599 = arith.andi %and3A_597, %ge3A_598 : vector<16xi1>
        %get3A_600 = arith.constant 352 : index
        %get3A_601 = tpu.vector_load %arg8[%get3A_600] {strides = array<i32>} : memref<1024xi32, #tpu.memory_space<vmem>>, vector<16xi32>,
        %get3A_602 = arith.constant 480 : index
        %get3A_603 = tpu.vector_load %arg8[%get3A_602] {strides = array<i32>} : memref<1024xi32, #tpu.memory_space<vmem>>, vector<16xi32>,
        %shift_right_logical3A_604 = arith.constant 7 : i32
        %shift_right_logical3A_605 = vector.broadcast %shift_right_logical3A_604 : i32 to vector<16xi32>
        %shift_right_logical3A_606 = arith.shrui %get3A_601, %shift_right_logical3A_605 : vector<16xi32>
        %and3A_607 = arith.constant 127 : i32
        %and3A_608 = vector.broadcast %and3A_607 : i32 to vector<16xi32>
        %and3A_609 = arith.andi %get3A_601, %and3A_608 : vector<16xi32>
        %shift_right_logical3A_610 = arith.constant 7 : i32
        %shift_right_logical3A_611 = vector.broadcast %shift_right_logical3A_610 : i32 to vector<16xi32>
        %shift_right_logical3A_612 = arith.shrui %get3A_603, %shift_right_logical3A_611 : vector<16xi32>
        %and3A_613 = arith.constant 127 : i32
        %and3A_614 = vector.broadcast %and3A_613 : i32 to vector<16xi32>
        %and3A_615 = arith.andi %get3A_603, %and3A_614 : vector<16xi32>
        tpu.vector_store_idx %arg9[%shift_right_logical3A_606, %and3A_609], %broadcast_in_dim3A_44 masked %and3A_594 {add = true} : memref<80x128xf32, #tpu.memory_space<vmem>>[vector<16xi32>, vector<16xi32>], vector<16xf32>, vector<16xi1>
        tpu.vector_store_idx %arg9[%shift_right_logical3A_612, %and3A_615], %broadcast_in_dim3A_44 masked %and3A_594 {add = true} : memref<80x128xf32, #tpu.memory_space<vmem>>[vector<16xi32>, vector<16xi32>], vector<16xf32>, vector<16xi1>
        tpu.vector_store_idx %arg10[%shift_right_logical3A_606, %and3A_609], %broadcast_in_dim3A_44 masked %and3A_599 {add = true} : memref<80x128xf32, #tpu.memory_space<vmem>>[vector<16xi32>, vector<16xi32>], vector<16xf32>, vector<16xi1>
        tpu.vector_store_idx %arg10[%shift_right_logical3A_612, %and3A_615], %broadcast_in_dim3A_44 masked %and3A_599 {add = true} : memref<80x128xf32, #tpu.memory_space<vmem>>[vector<16xi32>, vector<16xi32>], vector<16xf32>, vector<16xi1>
        %get3A_616 = arith.constant 624 : index
        %get3A_617 = tpu.vector_load %arg6[%get3A_616] {strides = array<i32>} : memref<2048xf32, #tpu.memory_space<vmem>>, vector<16xf32>,
        %get3A_618 = arith.constant 752 : index
        %get3A_619 = tpu.vector_load %arg6[%get3A_618] {strides = array<i32>} : memref<2048xf32, #tpu.memory_space<vmem>>, vector<16xf32>,
        %get3A_620 = arith.constant 880 : index
        %get3A_621 = tpu.vector_load %arg6[%get3A_620] {strides = array<i32>} : memref<2048xf32, #tpu.memory_space<vmem>>, vector<16xf32>,
        %get3A_622 = arith.constant 1008 : index
        %get3A_623 = tpu.vector_load %arg6[%get3A_622] {strides = array<i32>} : memref<2048xf32, #tpu.memory_space<vmem>>, vector<16xf32>,
        %gt3A_624 = arith.cmpf ogt, %get3A_619, %get3A_617 : vector<16xf32>
        %ge3A_625 = arith.cmpf oge, %get3A_619, %get3A_621 : vector<16xf32>
        %and3A_626 = arith.andi %gt3A_624, %ge3A_625 : vector<16xi1>
        %ge3A_627 = arith.cmpf oge, %get3A_619, %get3A_623 : vector<16xf32>
        %and3A_628 = arith.andi %and3A_626, %ge3A_627 : vector<16xi1>
        %gt3A_629 = arith.cmpf ogt, %get3A_621, %get3A_617 : vector<16xf32>
        %gt3A_630 = arith.cmpf ogt, %get3A_621, %get3A_619 : vector<16xf32>
        %and3A_631 = arith.andi %gt3A_629, %gt3A_630 : vector<16xi1>
        %ge3A_632 = arith.cmpf oge, %get3A_621, %get3A_623 : vector<16xf32>
        %and3A_633 = arith.andi %and3A_631, %ge3A_632 : vector<16xi1>
        %get3A_634 = arith.constant 368 : index
        %get3A_635 = tpu.vector_load %arg8[%get3A_634] {strides = array<i32>} : memref<1024xi32, #tpu.memory_space<vmem>>, vector<16xi32>,
        %get3A_636 = arith.constant 496 : index
        %get3A_637 = tpu.vector_load %arg8[%get3A_636] {strides = array<i32>} : memref<1024xi32, #tpu.memory_space<vmem>>, vector<16xi32>,
        %shift_right_logical3A_638 = arith.constant 7 : i32
        %shift_right_logical3A_639 = vector.broadcast %shift_right_logical3A_638 : i32 to vector<16xi32>
        %shift_right_logical3A_640 = arith.shrui %get3A_635, %shift_right_logical3A_639 : vector<16xi32>
        %and3A_641 = arith.constant 127 : i32
        %and3A_642 = vector.broadcast %and3A_641 : i32 to vector<16xi32>
        %and3A_643 = arith.andi %get3A_635, %and3A_642 : vector<16xi32>
        %shift_right_logical3A_644 = arith.constant 7 : i32
        %shift_right_logical3A_645 = vector.broadcast %shift_right_logical3A_644 : i32 to vector<16xi32>
        %shift_right_logical3A_646 = arith.shrui %get3A_637, %shift_right_logical3A_645 : vector<16xi32>
        %and3A_647 = arith.constant 127 : i32
        %and3A_648 = vector.broadcast %and3A_647 : i32 to vector<16xi32>
        %and3A_649 = arith.andi %get3A_637, %and3A_648 : vector<16xi32>
        tpu.vector_store_idx %arg9[%shift_right_logical3A_640, %and3A_643], %broadcast_in_dim3A_44 masked %and3A_628 {add = true} : memref<80x128xf32, #tpu.memory_space<vmem>>[vector<16xi32>, vector<16xi32>], vector<16xf32>, vector<16xi1>
        tpu.vector_store_idx %arg9[%shift_right_logical3A_646, %and3A_649], %broadcast_in_dim3A_44 masked %and3A_628 {add = true} : memref<80x128xf32, #tpu.memory_space<vmem>>[vector<16xi32>, vector<16xi32>], vector<16xf32>, vector<16xi1>
        tpu.vector_store_idx %arg10[%shift_right_logical3A_640, %and3A_643], %broadcast_in_dim3A_44 masked %and3A_633 {add = true} : memref<80x128xf32, #tpu.memory_space<vmem>>[vector<16xi32>, vector<16xi32>], vector<16xf32>, vector<16xi1>
        tpu.vector_store_idx %arg10[%shift_right_logical3A_646, %and3A_649], %broadcast_in_dim3A_44 masked %and3A_633 {add = true} : memref<80x128xf32, #tpu.memory_space<vmem>>[vector<16xi32>, vector<16xi32>], vector<16xf32>, vector<16xi1>
        %get3A_650 = arith.constant 1024 : index
        %get3A_651 = tpu.vector_load %arg6[%get3A_650] {strides = array<i32>} : memref<2048xf32, #tpu.memory_space<vmem>>, vector<16xf32>,
        %get3A_652 = arith.constant 1152 : index
        %get3A_653 = tpu.vector_load %arg6[%get3A_652] {strides = array<i32>} : memref<2048xf32, #tpu.memory_space<vmem>>, vector<16xf32>,
        %get3A_654 = arith.constant 1280 : index
        %get3A_655 = tpu.vector_load %arg6[%get3A_654] {strides = array<i32>} : memref<2048xf32, #tpu.memory_space<vmem>>, vector<16xf32>,
        %get3A_656 = arith.constant 1408 : index
        %get3A_657 = tpu.vector_load %arg6[%get3A_656] {strides = array<i32>} : memref<2048xf32, #tpu.memory_space<vmem>>, vector<16xf32>,
        %gt3A_658 = arith.cmpf ogt, %get3A_653, %get3A_651 : vector<16xf32>
        %ge3A_659 = arith.cmpf oge, %get3A_653, %get3A_655 : vector<16xf32>
        %and3A_660 = arith.andi %gt3A_658, %ge3A_659 : vector<16xi1>
        %ge3A_661 = arith.cmpf oge, %get3A_653, %get3A_657 : vector<16xf32>
        %and3A_662 = arith.andi %and3A_660, %ge3A_661 : vector<16xi1>
        %gt3A_663 = arith.cmpf ogt, %get3A_655, %get3A_651 : vector<16xf32>
        %gt3A_664 = arith.cmpf ogt, %get3A_655, %get3A_653 : vector<16xf32>
        %and3A_665 = arith.andi %gt3A_663, %gt3A_664 : vector<16xi1>
        %ge3A_666 = arith.cmpf oge, %get3A_655, %get3A_657 : vector<16xf32>
        %and3A_667 = arith.andi %and3A_665, %ge3A_666 : vector<16xi1>
        %get3A_668 = arith.constant 512 : index
        %get3A_669 = tpu.vector_load %arg8[%get3A_668] {strides = array<i32>} : memref<1024xi32, #tpu.memory_space<vmem>>, vector<16xi32>,
        %get3A_670 = arith.constant 640 : index
        %get3A_671 = tpu.vector_load %arg8[%get3A_670] {strides = array<i32>} : memref<1024xi32, #tpu.memory_space<vmem>>, vector<16xi32>,
        %shift_right_logical3A_672 = arith.constant 7 : i32
        %shift_right_logical3A_673 = vector.broadcast %shift_right_logical3A_672 : i32 to vector<16xi32>
        %shift_right_logical3A_674 = arith.shrui %get3A_669, %shift_right_logical3A_673 : vector<16xi32>
        %and3A_675 = arith.constant 127 : i32
        %and3A_676 = vector.broadcast %and3A_675 : i32 to vector<16xi32>
        %and3A_677 = arith.andi %get3A_669, %and3A_676 : vector<16xi32>
        %shift_right_logical3A_678 = arith.constant 7 : i32
        %shift_right_logical3A_679 = vector.broadcast %shift_right_logical3A_678 : i32 to vector<16xi32>
        %shift_right_logical3A_680 = arith.shrui %get3A_671, %shift_right_logical3A_679 : vector<16xi32>
        %and3A_681 = arith.constant 127 : i32
        %and3A_682 = vector.broadcast %and3A_681 : i32 to vector<16xi32>
        %and3A_683 = arith.andi %get3A_671, %and3A_682 : vector<16xi32>
        tpu.vector_store_idx %arg9[%shift_right_logical3A_674, %and3A_677], %broadcast_in_dim3A_44 masked %and3A_662 {add = true} : memref<80x128xf32, #tpu.memory_space<vmem>>[vector<16xi32>, vector<16xi32>], vector<16xf32>, vector<16xi1>
        tpu.vector_store_idx %arg9[%shift_right_logical3A_680, %and3A_683], %broadcast_in_dim3A_44 masked %and3A_662 {add = true} : memref<80x128xf32, #tpu.memory_space<vmem>>[vector<16xi32>, vector<16xi32>], vector<16xf32>, vector<16xi1>
        tpu.vector_store_idx %arg10[%shift_right_logical3A_674, %and3A_677], %broadcast_in_dim3A_44 masked %and3A_667 {add = true} : memref<80x128xf32, #tpu.memory_space<vmem>>[vector<16xi32>, vector<16xi32>], vector<16xf32>, vector<16xi1>
        tpu.vector_store_idx %arg10[%shift_right_logical3A_680, %and3A_683], %broadcast_in_dim3A_44 masked %and3A_667 {add = true} : memref<80x128xf32, #tpu.memory_space<vmem>>[vector<16xi32>, vector<16xi32>], vector<16xf32>, vector<16xi1>
        %get3A_684 = arith.constant 1040 : index
        %get3A_685 = tpu.vector_load %arg6[%get3A_684] {strides = array<i32>} : memref<2048xf32, #tpu.memory_space<vmem>>, vector<16xf32>,
        %get3A_686 = arith.constant 1168 : index
        %get3A_687 = tpu.vector_load %arg6[%get3A_686] {strides = array<i32>} : memref<2048xf32, #tpu.memory_space<vmem>>, vector<16xf32>,
        %get3A_688 = arith.constant 1296 : index
        %get3A_689 = tpu.vector_load %arg6[%get3A_688] {strides = array<i32>} : memref<2048xf32, #tpu.memory_space<vmem>>, vector<16xf32>,
        %get3A_690 = arith.constant 1424 : index
        %get3A_691 = tpu.vector_load %arg6[%get3A_690] {strides = array<i32>} : memref<2048xf32, #tpu.memory_space<vmem>>, vector<16xf32>,
        %gt3A_692 = arith.cmpf ogt, %get3A_687, %get3A_685 : vector<16xf32>
        %ge3A_693 = arith.cmpf oge, %get3A_687, %get3A_689 : vector<16xf32>
        %and3A_694 = arith.andi %gt3A_692, %ge3A_693 : vector<16xi1>
        %ge3A_695 = arith.cmpf oge, %get3A_687, %get3A_691 : vector<16xf32>
        %and3A_696 = arith.andi %and3A_694, %ge3A_695 : vector<16xi1>
        %gt3A_697 = arith.cmpf ogt, %get3A_689, %get3A_685 : vector<16xf32>
        %gt3A_698 = arith.cmpf ogt, %get3A_689, %get3A_687 : vector<16xf32>
        %and3A_699 = arith.andi %gt3A_697, %gt3A_698 : vector<16xi1>
        %ge3A_700 = arith.cmpf oge, %get3A_689, %get3A_691 : vector<16xf32>
        %and3A_701 = arith.andi %and3A_699, %ge3A_700 : vector<16xi1>
        %get3A_702 = arith.constant 528 : index
        %get3A_703 = tpu.vector_load %arg8[%get3A_702] {strides = array<i32>} : memref<1024xi32, #tpu.memory_space<vmem>>, vector<16xi32>,
        %get3A_704 = arith.constant 656 : index
        %get3A_705 = tpu.vector_load %arg8[%get3A_704] {strides = array<i32>} : memref<1024xi32, #tpu.memory_space<vmem>>, vector<16xi32>,
        %shift_right_logical3A_706 = arith.constant 7 : i32
        %shift_right_logical3A_707 = vector.broadcast %shift_right_logical3A_706 : i32 to vector<16xi32>
        %shift_right_logical3A_708 = arith.shrui %get3A_703, %shift_right_logical3A_707 : vector<16xi32>
        %and3A_709 = arith.constant 127 : i32
        %and3A_710 = vector.broadcast %and3A_709 : i32 to vector<16xi32>
        %and3A_711 = arith.andi %get3A_703, %and3A_710 : vector<16xi32>
        %shift_right_logical3A_712 = arith.constant 7 : i32
        %shift_right_logical3A_713 = vector.broadcast %shift_right_logical3A_712 : i32 to vector<16xi32>
        %shift_right_logical3A_714 = arith.shrui %get3A_705, %shift_right_logical3A_713 : vector<16xi32>
        %and3A_715 = arith.constant 127 : i32
        %and3A_716 = vector.broadcast %and3A_715 : i32 to vector<16xi32>
        %and3A_717 = arith.andi %get3A_705, %and3A_716 : vector<16xi32>
        tpu.vector_store_idx %arg9[%shift_right_logical3A_708, %and3A_711], %broadcast_in_dim3A_44 masked %and3A_696 {add = true} : memref<80x128xf32, #tpu.memory_space<vmem>>[vector<16xi32>, vector<16xi32>], vector<16xf32>, vector<16xi1>
        tpu.vector_store_idx %arg9[%shift_right_logical3A_714, %and3A_717], %broadcast_in_dim3A_44 masked %and3A_696 {add = true} : memref<80x128xf32, #tpu.memory_space<vmem>>[vector<16xi32>, vector<16xi32>], vector<16xf32>, vector<16xi1>
        tpu.vector_store_idx %arg10[%shift_right_logical3A_708, %and3A_711], %broadcast_in_dim3A_44 masked %and3A_701 {add = true} : memref<80x128xf32, #tpu.memory_space<vmem>>[vector<16xi32>, vector<16xi32>], vector<16xf32>, vector<16xi1>
        tpu.vector_store_idx %arg10[%shift_right_logical3A_714, %and3A_717], %broadcast_in_dim3A_44 masked %and3A_701 {add = true} : memref<80x128xf32, #tpu.memory_space<vmem>>[vector<16xi32>, vector<16xi32>], vector<16xf32>, vector<16xi1>
        %get3A_718 = arith.constant 1056 : index
        %get3A_719 = tpu.vector_load %arg6[%get3A_718] {strides = array<i32>} : memref<2048xf32, #tpu.memory_space<vmem>>, vector<16xf32>,
        %get3A_720 = arith.constant 1184 : index
        %get3A_721 = tpu.vector_load %arg6[%get3A_720] {strides = array<i32>} : memref<2048xf32, #tpu.memory_space<vmem>>, vector<16xf32>,
        %get3A_722 = arith.constant 1312 : index
        %get3A_723 = tpu.vector_load %arg6[%get3A_722] {strides = array<i32>} : memref<2048xf32, #tpu.memory_space<vmem>>, vector<16xf32>,
        %get3A_724 = arith.constant 1440 : index
        %get3A_725 = tpu.vector_load %arg6[%get3A_724] {strides = array<i32>} : memref<2048xf32, #tpu.memory_space<vmem>>, vector<16xf32>,
        %gt3A_726 = arith.cmpf ogt, %get3A_721, %get3A_719 : vector<16xf32>
        %ge3A_727 = arith.cmpf oge, %get3A_721, %get3A_723 : vector<16xf32>
        %and3A_728 = arith.andi %gt3A_726, %ge3A_727 : vector<16xi1>
        %ge3A_729 = arith.cmpf oge, %get3A_721, %get3A_725 : vector<16xf32>
        %and3A_730 = arith.andi %and3A_728, %ge3A_729 : vector<16xi1>
        %gt3A_731 = arith.cmpf ogt, %get3A_723, %get3A_719 : vector<16xf32>
        %gt3A_732 = arith.cmpf ogt, %get3A_723, %get3A_721 : vector<16xf32>
        %and3A_733 = arith.andi %gt3A_731, %gt3A_732 : vector<16xi1>
        %ge3A_734 = arith.cmpf oge, %get3A_723, %get3A_725 : vector<16xf32>
        %and3A_735 = arith.andi %and3A_733, %ge3A_734 : vector<16xi1>
        %get3A_736 = arith.constant 544 : index
        %get3A_737 = tpu.vector_load %arg8[%get3A_736] {strides = array<i32>} : memref<1024xi32, #tpu.memory_space<vmem>>, vector<16xi32>,
        %get3A_738 = arith.constant 672 : index
        %get3A_739 = tpu.vector_load %arg8[%get3A_738] {strides = array<i32>} : memref<1024xi32, #tpu.memory_space<vmem>>, vector<16xi32>,
        %shift_right_logical3A_740 = arith.constant 7 : i32
        %shift_right_logical3A_741 = vector.broadcast %shift_right_logical3A_740 : i32 to vector<16xi32>
        %shift_right_logical3A_742 = arith.shrui %get3A_737, %shift_right_logical3A_741 : vector<16xi32>
        %and3A_743 = arith.constant 127 : i32
        %and3A_744 = vector.broadcast %and3A_743 : i32 to vector<16xi32>
        %and3A_745 = arith.andi %get3A_737, %and3A_744 : vector<16xi32>
        %shift_right_logical3A_746 = arith.constant 7 : i32
        %shift_right_logical3A_747 = vector.broadcast %shift_right_logical3A_746 : i32 to vector<16xi32>
        %shift_right_logical3A_748 = arith.shrui %get3A_739, %shift_right_logical3A_747 : vector<16xi32>
        %and3A_749 = arith.constant 127 : i32
        %and3A_750 = vector.broadcast %and3A_749 : i32 to vector<16xi32>
        %and3A_751 = arith.andi %get3A_739, %and3A_750 : vector<16xi32>
        tpu.vector_store_idx %arg9[%shift_right_logical3A_742, %and3A_745], %broadcast_in_dim3A_44 masked %and3A_730 {add = true} : memref<80x128xf32, #tpu.memory_space<vmem>>[vector<16xi32>, vector<16xi32>], vector<16xf32>, vector<16xi1>
        tpu.vector_store_idx %arg9[%shift_right_logical3A_748, %and3A_751], %broadcast_in_dim3A_44 masked %and3A_730 {add = true} : memref<80x128xf32, #tpu.memory_space<vmem>>[vector<16xi32>, vector<16xi32>], vector<16xf32>, vector<16xi1>
        tpu.vector_store_idx %arg10[%shift_right_logical3A_742, %and3A_745], %broadcast_in_dim3A_44 masked %and3A_735 {add = true} : memref<80x128xf32, #tpu.memory_space<vmem>>[vector<16xi32>, vector<16xi32>], vector<16xf32>, vector<16xi1>
        tpu.vector_store_idx %arg10[%shift_right_logical3A_748, %and3A_751], %broadcast_in_dim3A_44 masked %and3A_735 {add = true} : memref<80x128xf32, #tpu.memory_space<vmem>>[vector<16xi32>, vector<16xi32>], vector<16xf32>, vector<16xi1>
        %get3A_752 = arith.constant 1072 : index
        %get3A_753 = tpu.vector_load %arg6[%get3A_752] {strides = array<i32>} : memref<2048xf32, #tpu.memory_space<vmem>>, vector<16xf32>,
        %get3A_754 = arith.constant 1200 : index
        %get3A_755 = tpu.vector_load %arg6[%get3A_754] {strides = array<i32>} : memref<2048xf32, #tpu.memory_space<vmem>>, vector<16xf32>,
        %get3A_756 = arith.constant 1328 : index
        %get3A_757 = tpu.vector_load %arg6[%get3A_756] {strides = array<i32>} : memref<2048xf32, #tpu.memory_space<vmem>>, vector<16xf32>,
        %get3A_758 = arith.constant 1456 : index
        %get3A_759 = tpu.vector_load %arg6[%get3A_758] {strides = array<i32>} : memref<2048xf32, #tpu.memory_space<vmem>>, vector<16xf32>,
        %gt3A_760 = arith.cmpf ogt, %get3A_755, %get3A_753 : vector<16xf32>
        %ge3A_761 = arith.cmpf oge, %get3A_755, %get3A_757 : vector<16xf32>
        %and3A_762 = arith.andi %gt3A_760, %ge3A_761 : vector<16xi1>
        %ge3A_763 = arith.cmpf oge, %get3A_755, %get3A_759 : vector<16xf32>
        %and3A_764 = arith.andi %and3A_762, %ge3A_763 : vector<16xi1>
        %gt3A_765 = arith.cmpf ogt, %get3A_757, %get3A_753 : vector<16xf32>
        %gt3A_766 = arith.cmpf ogt, %get3A_757, %get3A_755 : vector<16xf32>
        %and3A_767 = arith.andi %gt3A_765, %gt3A_766 : vector<16xi1>
        %ge3A_768 = arith.cmpf oge, %get3A_757, %get3A_759 : vector<16xf32>
        %and3A_769 = arith.andi %and3A_767, %ge3A_768 : vector<16xi1>
        %get3A_770 = arith.constant 560 : index
        %get3A_771 = tpu.vector_load %arg8[%get3A_770] {strides = array<i32>} : memref<1024xi32, #tpu.memory_space<vmem>>, vector<16xi32>,
        %get3A_772 = arith.constant 688 : index
        %get3A_773 = tpu.vector_load %arg8[%get3A_772] {strides = array<i32>} : memref<1024xi32, #tpu.memory_space<vmem>>, vector<16xi32>,
        %shift_right_logical3A_774 = arith.constant 7 : i32
        %shift_right_logical3A_775 = vector.broadcast %shift_right_logical3A_774 : i32 to vector<16xi32>
        %shift_right_logical3A_776 = arith.shrui %get3A_771, %shift_right_logical3A_775 : vector<16xi32>
        %and3A_777 = arith.constant 127 : i32
        %and3A_778 = vector.broadcast %and3A_777 : i32 to vector<16xi32>
        %and3A_779 = arith.andi %get3A_771, %and3A_778 : vector<16xi32>
        %shift_right_logical3A_780 = arith.constant 7 : i32
        %shift_right_logical3A_781 = vector.broadcast %shift_right_logical3A_780 : i32 to vector<16xi32>
        %shift_right_logical3A_782 = arith.shrui %get3A_773, %shift_right_logical3A_781 : vector<16xi32>
        %and3A_783 = arith.constant 127 : i32
        %and3A_784 = vector.broadcast %and3A_783 : i32 to vector<16xi32>
        %and3A_785 = arith.andi %get3A_773, %and3A_784 : vector<16xi32>
        tpu.vector_store_idx %arg9[%shift_right_logical3A_776, %and3A_779], %broadcast_in_dim3A_44 masked %and3A_764 {add = true} : memref<80x128xf32, #tpu.memory_space<vmem>>[vector<16xi32>, vector<16xi32>], vector<16xf32>, vector<16xi1>
        tpu.vector_store_idx %arg9[%shift_right_logical3A_782, %and3A_785], %broadcast_in_dim3A_44 masked %and3A_764 {add = true} : memref<80x128xf32, #tpu.memory_space<vmem>>[vector<16xi32>, vector<16xi32>], vector<16xf32>, vector<16xi1>
        tpu.vector_store_idx %arg10[%shift_right_logical3A_776, %and3A_779], %broadcast_in_dim3A_44 masked %and3A_769 {add = true} : memref<80x128xf32, #tpu.memory_space<vmem>>[vector<16xi32>, vector<16xi32>], vector<16xf32>, vector<16xi1>
        tpu.vector_store_idx %arg10[%shift_right_logical3A_782, %and3A_785], %broadcast_in_dim3A_44 masked %and3A_769 {add = true} : memref<80x128xf32, #tpu.memory_space<vmem>>[vector<16xi32>, vector<16xi32>], vector<16xf32>, vector<16xi1>
        %get3A_786 = arith.constant 1088 : index
        %get3A_787 = tpu.vector_load %arg6[%get3A_786] {strides = array<i32>} : memref<2048xf32, #tpu.memory_space<vmem>>, vector<16xf32>,
        %get3A_788 = arith.constant 1216 : index
        %get3A_789 = tpu.vector_load %arg6[%get3A_788] {strides = array<i32>} : memref<2048xf32, #tpu.memory_space<vmem>>, vector<16xf32>,
        %get3A_790 = arith.constant 1344 : index
        %get3A_791 = tpu.vector_load %arg6[%get3A_790] {strides = array<i32>} : memref<2048xf32, #tpu.memory_space<vmem>>, vector<16xf32>,
        %get3A_792 = arith.constant 1472 : index
        %get3A_793 = tpu.vector_load %arg6[%get3A_792] {strides = array<i32>} : memref<2048xf32, #tpu.memory_space<vmem>>, vector<16xf32>,
        %gt3A_794 = arith.cmpf ogt, %get3A_789, %get3A_787 : vector<16xf32>
        %ge3A_795 = arith.cmpf oge, %get3A_789, %get3A_791 : vector<16xf32>
        %and3A_796 = arith.andi %gt3A_794, %ge3A_795 : vector<16xi1>
        %ge3A_797 = arith.cmpf oge, %get3A_789, %get3A_793 : vector<16xf32>
        %and3A_798 = arith.andi %and3A_796, %ge3A_797 : vector<16xi1>
        %gt3A_799 = arith.cmpf ogt, %get3A_791, %get3A_787 : vector<16xf32>
        %gt3A_800 = arith.cmpf ogt, %get3A_791, %get3A_789 : vector<16xf32>
        %and3A_801 = arith.andi %gt3A_799, %gt3A_800 : vector<16xi1>
        %ge3A_802 = arith.cmpf oge, %get3A_791, %get3A_793 : vector<16xf32>
        %and3A_803 = arith.andi %and3A_801, %ge3A_802 : vector<16xi1>
        %get3A_804 = arith.constant 576 : index
        %get3A_805 = tpu.vector_load %arg8[%get3A_804] {strides = array<i32>} : memref<1024xi32, #tpu.memory_space<vmem>>, vector<16xi32>,
        %get3A_806 = arith.constant 704 : index
        %get3A_807 = tpu.vector_load %arg8[%get3A_806] {strides = array<i32>} : memref<1024xi32, #tpu.memory_space<vmem>>, vector<16xi32>,
        %shift_right_logical3A_808 = arith.constant 7 : i32
        %shift_right_logical3A_809 = vector.broadcast %shift_right_logical3A_808 : i32 to vector<16xi32>
        %shift_right_logical3A_810 = arith.shrui %get3A_805, %shift_right_logical3A_809 : vector<16xi32>
        %and3A_811 = arith.constant 127 : i32
        %and3A_812 = vector.broadcast %and3A_811 : i32 to vector<16xi32>
        %and3A_813 = arith.andi %get3A_805, %and3A_812 : vector<16xi32>
        %shift_right_logical3A_814 = arith.constant 7 : i32
        %shift_right_logical3A_815 = vector.broadcast %shift_right_logical3A_814 : i32 to vector<16xi32>
        %shift_right_logical3A_816 = arith.shrui %get3A_807, %shift_right_logical3A_815 : vector<16xi32>
        %and3A_817 = arith.constant 127 : i32
        %and3A_818 = vector.broadcast %and3A_817 : i32 to vector<16xi32>
        %and3A_819 = arith.andi %get3A_807, %and3A_818 : vector<16xi32>
        tpu.vector_store_idx %arg9[%shift_right_logical3A_810, %and3A_813], %broadcast_in_dim3A_44 masked %and3A_798 {add = true} : memref<80x128xf32, #tpu.memory_space<vmem>>[vector<16xi32>, vector<16xi32>], vector<16xf32>, vector<16xi1>
        tpu.vector_store_idx %arg9[%shift_right_logical3A_816, %and3A_819], %broadcast_in_dim3A_44 masked %and3A_798 {add = true} : memref<80x128xf32, #tpu.memory_space<vmem>>[vector<16xi32>, vector<16xi32>], vector<16xf32>, vector<16xi1>
        tpu.vector_store_idx %arg10[%shift_right_logical3A_810, %and3A_813], %broadcast_in_dim3A_44 masked %and3A_803 {add = true} : memref<80x128xf32, #tpu.memory_space<vmem>>[vector<16xi32>, vector<16xi32>], vector<16xf32>, vector<16xi1>
        tpu.vector_store_idx %arg10[%shift_right_logical3A_816, %and3A_819], %broadcast_in_dim3A_44 masked %and3A_803 {add = true} : memref<80x128xf32, #tpu.memory_space<vmem>>[vector<16xi32>, vector<16xi32>], vector<16xf32>, vector<16xi1>
        %get3A_820 = arith.constant 1104 : index
        %get3A_821 = tpu.vector_load %arg6[%get3A_820] {strides = array<i32>} : memref<2048xf32, #tpu.memory_space<vmem>>, vector<16xf32>,
        %get3A_822 = arith.constant 1232 : index
        %get3A_823 = tpu.vector_load %arg6[%get3A_822] {strides = array<i32>} : memref<2048xf32, #tpu.memory_space<vmem>>, vector<16xf32>,
        %get3A_824 = arith.constant 1360 : index
        %get3A_825 = tpu.vector_load %arg6[%get3A_824] {strides = array<i32>} : memref<2048xf32, #tpu.memory_space<vmem>>, vector<16xf32>,
        %get3A_826 = arith.constant 1488 : index
        %get3A_827 = tpu.vector_load %arg6[%get3A_826] {strides = array<i32>} : memref<2048xf32, #tpu.memory_space<vmem>>, vector<16xf32>,
        %gt3A_828 = arith.cmpf ogt, %get3A_823, %get3A_821 : vector<16xf32>
        %ge3A_829 = arith.cmpf oge, %get3A_823, %get3A_825 : vector<16xf32>
        %and3A_830 = arith.andi %gt3A_828, %ge3A_829 : vector<16xi1>
        %ge3A_831 = arith.cmpf oge, %get3A_823, %get3A_827 : vector<16xf32>
        %and3A_832 = arith.andi %and3A_830, %ge3A_831 : vector<16xi1>
        %gt3A_833 = arith.cmpf ogt, %get3A_825, %get3A_821 : vector<16xf32>
        %gt3A_834 = arith.cmpf ogt, %get3A_825, %get3A_823 : vector<16xf32>
        %and3A_835 = arith.andi %gt3A_833, %gt3A_834 : vector<16xi1>
        %ge3A_836 = arith.cmpf oge, %get3A_825, %get3A_827 : vector<16xf32>
        %and3A_837 = arith.andi %and3A_835, %ge3A_836 : vector<16xi1>
        %get3A_838 = arith.constant 592 : index
        %get3A_839 = tpu.vector_load %arg8[%get3A_838] {strides = array<i32>} : memref<1024xi32, #tpu.memory_space<vmem>>, vector<16xi32>,
        %get3A_840 = arith.constant 720 : index
        %get3A_841 = tpu.vector_load %arg8[%get3A_840] {strides = array<i32>} : memref<1024xi32, #tpu.memory_space<vmem>>, vector<16xi32>,
        %shift_right_logical3A_842 = arith.constant 7 : i32
        %shift_right_logical3A_843 = vector.broadcast %shift_right_logical3A_842 : i32 to vector<16xi32>
        %shift_right_logical3A_844 = arith.shrui %get3A_839, %shift_right_logical3A_843 : vector<16xi32>
        %and3A_845 = arith.constant 127 : i32
        %and3A_846 = vector.broadcast %and3A_845 : i32 to vector<16xi32>
        %and3A_847 = arith.andi %get3A_839, %and3A_846 : vector<16xi32>
        %shift_right_logical3A_848 = arith.constant 7 : i32
        %shift_right_logical3A_849 = vector.broadcast %shift_right_logical3A_848 : i32 to vector<16xi32>
        %shift_right_logical3A_850 = arith.shrui %get3A_841, %shift_right_logical3A_849 : vector<16xi32>
        %and3A_851 = arith.constant 127 : i32
        %and3A_852 = vector.broadcast %and3A_851 : i32 to vector<16xi32>
        %and3A_853 = arith.andi %get3A_841, %and3A_852 : vector<16xi32>
        tpu.vector_store_idx %arg9[%shift_right_logical3A_844, %and3A_847], %broadcast_in_dim3A_44 masked %and3A_832 {add = true} : memref<80x128xf32, #tpu.memory_space<vmem>>[vector<16xi32>, vector<16xi32>], vector<16xf32>, vector<16xi1>
        tpu.vector_store_idx %arg9[%shift_right_logical3A_850, %and3A_853], %broadcast_in_dim3A_44 masked %and3A_832 {add = true} : memref<80x128xf32, #tpu.memory_space<vmem>>[vector<16xi32>, vector<16xi32>], vector<16xf32>, vector<16xi1>
        tpu.vector_store_idx %arg10[%shift_right_logical3A_844, %and3A_847], %broadcast_in_dim3A_44 masked %and3A_837 {add = true} : memref<80x128xf32, #tpu.memory_space<vmem>>[vector<16xi32>, vector<16xi32>], vector<16xf32>, vector<16xi1>
        tpu.vector_store_idx %arg10[%shift_right_logical3A_850, %and3A_853], %broadcast_in_dim3A_44 masked %and3A_837 {add = true} : memref<80x128xf32, #tpu.memory_space<vmem>>[vector<16xi32>, vector<16xi32>], vector<16xf32>, vector<16xi1>
        %get3A_854 = arith.constant 1120 : index
        %get3A_855 = tpu.vector_load %arg6[%get3A_854] {strides = array<i32>} : memref<2048xf32, #tpu.memory_space<vmem>>, vector<16xf32>,
        %get3A_856 = arith.constant 1248 : index
        %get3A_857 = tpu.vector_load %arg6[%get3A_856] {strides = array<i32>} : memref<2048xf32, #tpu.memory_space<vmem>>, vector<16xf32>,
        %get3A_858 = arith.constant 1376 : index
        %get3A_859 = tpu.vector_load %arg6[%get3A_858] {strides = array<i32>} : memref<2048xf32, #tpu.memory_space<vmem>>, vector<16xf32>,
        %get3A_860 = arith.constant 1504 : index
        %get3A_861 = tpu.vector_load %arg6[%get3A_860] {strides = array<i32>} : memref<2048xf32, #tpu.memory_space<vmem>>, vector<16xf32>,
        %gt3A_862 = arith.cmpf ogt, %get3A_857, %get3A_855 : vector<16xf32>
        %ge3A_863 = arith.cmpf oge, %get3A_857, %get3A_859 : vector<16xf32>
        %and3A_864 = arith.andi %gt3A_862, %ge3A_863 : vector<16xi1>
        %ge3A_865 = arith.cmpf oge, %get3A_857, %get3A_861 : vector<16xf32>
        %and3A_866 = arith.andi %and3A_864, %ge3A_865 : vector<16xi1>
        %gt3A_867 = arith.cmpf ogt, %get3A_859, %get3A_855 : vector<16xf32>
        %gt3A_868 = arith.cmpf ogt, %get3A_859, %get3A_857 : vector<16xf32>
        %and3A_869 = arith.andi %gt3A_867, %gt3A_868 : vector<16xi1>
        %ge3A_870 = arith.cmpf oge, %get3A_859, %get3A_861 : vector<16xf32>
        %and3A_871 = arith.andi %and3A_869, %ge3A_870 : vector<16xi1>
        %get3A_872 = arith.constant 608 : index
        %get3A_873 = tpu.vector_load %arg8[%get3A_872] {strides = array<i32>} : memref<1024xi32, #tpu.memory_space<vmem>>, vector<16xi32>,
        %get3A_874 = arith.constant 736 : index
        %get3A_875 = tpu.vector_load %arg8[%get3A_874] {strides = array<i32>} : memref<1024xi32, #tpu.memory_space<vmem>>, vector<16xi32>,
        %shift_right_logical3A_876 = arith.constant 7 : i32
        %shift_right_logical3A_877 = vector.broadcast %shift_right_logical3A_876 : i32 to vector<16xi32>
        %shift_right_logical3A_878 = arith.shrui %get3A_873, %shift_right_logical3A_877 : vector<16xi32>
        %and3A_879 = arith.constant 127 : i32
        %and3A_880 = vector.broadcast %and3A_879 : i32 to vector<16xi32>
        %and3A_881 = arith.andi %get3A_873, %and3A_880 : vector<16xi32>
        %shift_right_logical3A_882 = arith.constant 7 : i32
        %shift_right_logical3A_883 = vector.broadcast %shift_right_logical3A_882 : i32 to vector<16xi32>
        %shift_right_logical3A_884 = arith.shrui %get3A_875, %shift_right_logical3A_883 : vector<16xi32>
        %and3A_885 = arith.constant 127 : i32
        %and3A_886 = vector.broadcast %and3A_885 : i32 to vector<16xi32>
        %and3A_887 = arith.andi %get3A_875, %and3A_886 : vector<16xi32>
        tpu.vector_store_idx %arg9[%shift_right_logical3A_878, %and3A_881], %broadcast_in_dim3A_44 masked %and3A_866 {add = true} : memref<80x128xf32, #tpu.memory_space<vmem>>[vector<16xi32>, vector<16xi32>], vector<16xf32>, vector<16xi1>
        tpu.vector_store_idx %arg9[%shift_right_logical3A_884, %and3A_887], %broadcast_in_dim3A_44 masked %and3A_866 {add = true} : memref<80x128xf32, #tpu.memory_space<vmem>>[vector<16xi32>, vector<16xi32>], vector<16xf32>, vector<16xi1>
        tpu.vector_store_idx %arg10[%shift_right_logical3A_878, %and3A_881], %broadcast_in_dim3A_44 masked %and3A_871 {add = true} : memref<80x128xf32, #tpu.memory_space<vmem>>[vector<16xi32>, vector<16xi32>], vector<16xf32>, vector<16xi1>
        tpu.vector_store_idx %arg10[%shift_right_logical3A_884, %and3A_887], %broadcast_in_dim3A_44 masked %and3A_871 {add = true} : memref<80x128xf32, #tpu.memory_space<vmem>>[vector<16xi32>, vector<16xi32>], vector<16xf32>, vector<16xi1>
        %get3A_888 = arith.constant 1136 : index
        %get3A_889 = tpu.vector_load %arg6[%get3A_888] {strides = array<i32>} : memref<2048xf32, #tpu.memory_space<vmem>>, vector<16xf32>,
        %get3A_890 = arith.constant 1264 : index
        %get3A_891 = tpu.vector_load %arg6[%get3A_890] {strides = array<i32>} : memref<2048xf32, #tpu.memory_space<vmem>>, vector<16xf32>,
        %get3A_892 = arith.constant 1392 : index
        %get3A_893 = tpu.vector_load %arg6[%get3A_892] {strides = array<i32>} : memref<2048xf32, #tpu.memory_space<vmem>>, vector<16xf32>,
        %get3A_894 = arith.constant 1520 : index
        %get3A_895 = tpu.vector_load %arg6[%get3A_894] {strides = array<i32>} : memref<2048xf32, #tpu.memory_space<vmem>>, vector<16xf32>,
        %gt3A_896 = arith.cmpf ogt, %get3A_891, %get3A_889 : vector<16xf32>
        %ge3A_897 = arith.cmpf oge, %get3A_891, %get3A_893 : vector<16xf32>
        %and3A_898 = arith.andi %gt3A_896, %ge3A_897 : vector<16xi1>
        %ge3A_899 = arith.cmpf oge, %get3A_891, %get3A_895 : vector<16xf32>
        %and3A_900 = arith.andi %and3A_898, %ge3A_899 : vector<16xi1>
        %gt3A_901 = arith.cmpf ogt, %get3A_893, %get3A_889 : vector<16xf32>
        %gt3A_902 = arith.cmpf ogt, %get3A_893, %get3A_891 : vector<16xf32>
        %and3A_903 = arith.andi %gt3A_901, %gt3A_902 : vector<16xi1>
        %ge3A_904 = arith.cmpf oge, %get3A_893, %get3A_895 : vector<16xf32>
        %and3A_905 = arith.andi %and3A_903, %ge3A_904 : vector<16xi1>
        %get3A_906 = arith.constant 624 : index
        %get3A_907 = tpu.vector_load %arg8[%get3A_906] {strides = array<i32>} : memref<1024xi32, #tpu.memory_space<vmem>>, vector<16xi32>,
        %get3A_908 = arith.constant 752 : index
        %get3A_909 = tpu.vector_load %arg8[%get3A_908] {strides = array<i32>} : memref<1024xi32, #tpu.memory_space<vmem>>, vector<16xi32>,
        %shift_right_logical3A_910 = arith.constant 7 : i32
        %shift_right_logical3A_911 = vector.broadcast %shift_right_logical3A_910 : i32 to vector<16xi32>
        %shift_right_logical3A_912 = arith.shrui %get3A_907, %shift_right_logical3A_911 : vector<16xi32>
        %and3A_913 = arith.constant 127 : i32
        %and3A_914 = vector.broadcast %and3A_913 : i32 to vector<16xi32>
        %and3A_915 = arith.andi %get3A_907, %and3A_914 : vector<16xi32>
        %shift_right_logical3A_916 = arith.constant 7 : i32
        %shift_right_logical3A_917 = vector.broadcast %shift_right_logical3A_916 : i32 to vector<16xi32>
        %shift_right_logical3A_918 = arith.shrui %get3A_909, %shift_right_logical3A_917 : vector<16xi32>
        %and3A_919 = arith.constant 127 : i32
        %and3A_920 = vector.broadcast %and3A_919 : i32 to vector<16xi32>
        %and3A_921 = arith.andi %get3A_909, %and3A_920 : vector<16xi32>
        tpu.vector_store_idx %arg9[%shift_right_logical3A_912, %and3A_915], %broadcast_in_dim3A_44 masked %and3A_900 {add = true} : memref<80x128xf32, #tpu.memory_space<vmem>>[vector<16xi32>, vector<16xi32>], vector<16xf32>, vector<16xi1>
        tpu.vector_store_idx %arg9[%shift_right_logical3A_918, %and3A_921], %broadcast_in_dim3A_44 masked %and3A_900 {add = true} : memref<80x128xf32, #tpu.memory_space<vmem>>[vector<16xi32>, vector<16xi32>], vector<16xf32>, vector<16xi1>
        tpu.vector_store_idx %arg10[%shift_right_logical3A_912, %and3A_915], %broadcast_in_dim3A_44 masked %and3A_905 {add = true} : memref<80x128xf32, #tpu.memory_space<vmem>>[vector<16xi32>, vector<16xi32>], vector<16xf32>, vector<16xi1>
        tpu.vector_store_idx %arg10[%shift_right_logical3A_918, %and3A_921], %broadcast_in_dim3A_44 masked %and3A_905 {add = true} : memref<80x128xf32, #tpu.memory_space<vmem>>[vector<16xi32>, vector<16xi32>], vector<16xf32>, vector<16xi1>
        %get3A_922 = arith.constant 1536 : index
        %get3A_923 = tpu.vector_load %arg6[%get3A_922] {strides = array<i32>} : memref<2048xf32, #tpu.memory_space<vmem>>, vector<16xf32>,
        %get3A_924 = arith.constant 1664 : index
        %get3A_925 = tpu.vector_load %arg6[%get3A_924] {strides = array<i32>} : memref<2048xf32, #tpu.memory_space<vmem>>, vector<16xf32>,
        %get3A_926 = arith.constant 1792 : index
        %get3A_927 = tpu.vector_load %arg6[%get3A_926] {strides = array<i32>} : memref<2048xf32, #tpu.memory_space<vmem>>, vector<16xf32>,
        %get3A_928 = arith.constant 1920 : index
        %get3A_929 = tpu.vector_load %arg6[%get3A_928] {strides = array<i32>} : memref<2048xf32, #tpu.memory_space<vmem>>, vector<16xf32>,
        %gt3A_930 = arith.cmpf ogt, %get3A_925, %get3A_923 : vector<16xf32>
        %ge3A_931 = arith.cmpf oge, %get3A_925, %get3A_927 : vector<16xf32>
        %and3A_932 = arith.andi %gt3A_930, %ge3A_931 : vector<16xi1>
        %ge3A_933 = arith.cmpf oge, %get3A_925, %get3A_929 : vector<16xf32>
        %and3A_934 = arith.andi %and3A_932, %ge3A_933 : vector<16xi1>
        %gt3A_935 = arith.cmpf ogt, %get3A_927, %get3A_923 : vector<16xf32>
        %gt3A_936 = arith.cmpf ogt, %get3A_927, %get3A_925 : vector<16xf32>
        %and3A_937 = arith.andi %gt3A_935, %gt3A_936 : vector<16xi1>
        %ge3A_938 = arith.cmpf oge, %get3A_927, %get3A_929 : vector<16xf32>
        %and3A_939 = arith.andi %and3A_937, %ge3A_938 : vector<16xi1>
        %get3A_940 = arith.constant 768 : index
        %get3A_941 = tpu.vector_load %arg8[%get3A_940] {strides = array<i32>} : memref<1024xi32, #tpu.memory_space<vmem>>, vector<16xi32>,
        %get3A_942 = arith.constant 896 : index
        %get3A_943 = tpu.vector_load %arg8[%get3A_942] {strides = array<i32>} : memref<1024xi32, #tpu.memory_space<vmem>>, vector<16xi32>,
        %shift_right_logical3A_944 = arith.constant 7 : i32
        %shift_right_logical3A_945 = vector.broadcast %shift_right_logical3A_944 : i32 to vector<16xi32>
        %shift_right_logical3A_946 = arith.shrui %get3A_941, %shift_right_logical3A_945 : vector<16xi32>
        %and3A_947 = arith.constant 127 : i32
        %and3A_948 = vector.broadcast %and3A_947 : i32 to vector<16xi32>
        %and3A_949 = arith.andi %get3A_941, %and3A_948 : vector<16xi32>
        %shift_right_logical3A_950 = arith.constant 7 : i32
        %shift_right_logical3A_951 = vector.broadcast %shift_right_logical3A_950 : i32 to vector<16xi32>
        %shift_right_logical3A_952 = arith.shrui %get3A_943, %shift_right_logical3A_951 : vector<16xi32>
        %and3A_953 = arith.constant 127 : i32
        %and3A_954 = vector.broadcast %and3A_953 : i32 to vector<16xi32>
        %and3A_955 = arith.andi %get3A_943, %and3A_954 : vector<16xi32>
        tpu.vector_store_idx %arg9[%shift_right_logical3A_946, %and3A_949], %broadcast_in_dim3A_44 masked %and3A_934 {add = true} : memref<80x128xf32, #tpu.memory_space<vmem>>[vector<16xi32>, vector<16xi32>], vector<16xf32>, vector<16xi1>
        tpu.vector_store_idx %arg9[%shift_right_logical3A_952, %and3A_955], %broadcast_in_dim3A_44 masked %and3A_934 {add = true} : memref<80x128xf32, #tpu.memory_space<vmem>>[vector<16xi32>, vector<16xi32>], vector<16xf32>, vector<16xi1>
        tpu.vector_store_idx %arg10[%shift_right_logical3A_946, %and3A_949], %broadcast_in_dim3A_44 masked %and3A_939 {add = true} : memref<80x128xf32, #tpu.memory_space<vmem>>[vector<16xi32>, vector<16xi32>], vector<16xf32>, vector<16xi1>
        tpu.vector_store_idx %arg10[%shift_right_logical3A_952, %and3A_955], %broadcast_in_dim3A_44 masked %and3A_939 {add = true} : memref<80x128xf32, #tpu.memory_space<vmem>>[vector<16xi32>, vector<16xi32>], vector<16xf32>, vector<16xi1>
        %get3A_956 = arith.constant 1552 : index
        %get3A_957 = tpu.vector_load %arg6[%get3A_956] {strides = array<i32>} : memref<2048xf32, #tpu.memory_space<vmem>>, vector<16xf32>,
        %get3A_958 = arith.constant 1680 : index
        %get3A_959 = tpu.vector_load %arg6[%get3A_958] {strides = array<i32>} : memref<2048xf32, #tpu.memory_space<vmem>>, vector<16xf32>,
        %get3A_960 = arith.constant 1808 : index
        %get3A_961 = tpu.vector_load %arg6[%get3A_960] {strides = array<i32>} : memref<2048xf32, #tpu.memory_space<vmem>>, vector<16xf32>,
        %get3A_962 = arith.constant 1936 : index
        %get3A_963 = tpu.vector_load %arg6[%get3A_962] {strides = array<i32>} : memref<2048xf32, #tpu.memory_space<vmem>>, vector<16xf32>,
        %gt3A_964 = arith.cmpf ogt, %get3A_959, %get3A_957 : vector<16xf32>
        %ge3A_965 = arith.cmpf oge, %get3A_959, %get3A_961 : vector<16xf32>
        %and3A_966 = arith.andi %gt3A_964, %ge3A_965 : vector<16xi1>
        %ge3A_967 = arith.cmpf oge, %get3A_959, %get3A_963 : vector<16xf32>
        %and3A_968 = arith.andi %and3A_966, %ge3A_967 : vector<16xi1>
        %gt3A_969 = arith.cmpf ogt, %get3A_961, %get3A_957 : vector<16xf32>
        %gt3A_970 = arith.cmpf ogt, %get3A_961, %get3A_959 : vector<16xf32>
        %and3A_971 = arith.andi %gt3A_969, %gt3A_970 : vector<16xi1>
        %ge3A_972 = arith.cmpf oge, %get3A_961, %get3A_963 : vector<16xf32>
        %and3A_973 = arith.andi %and3A_971, %ge3A_972 : vector<16xi1>
        %get3A_974 = arith.constant 784 : index
        %get3A_975 = tpu.vector_load %arg8[%get3A_974] {strides = array<i32>} : memref<1024xi32, #tpu.memory_space<vmem>>, vector<16xi32>,
        %get3A_976 = arith.constant 912 : index
        %get3A_977 = tpu.vector_load %arg8[%get3A_976] {strides = array<i32>} : memref<1024xi32, #tpu.memory_space<vmem>>, vector<16xi32>,
        %shift_right_logical3A_978 = arith.constant 7 : i32
        %shift_right_logical3A_979 = vector.broadcast %shift_right_logical3A_978 : i32 to vector<16xi32>
        %shift_right_logical3A_980 = arith.shrui %get3A_975, %shift_right_logical3A_979 : vector<16xi32>
        %and3A_981 = arith.constant 127 : i32
        %and3A_982 = vector.broadcast %and3A_981 : i32 to vector<16xi32>
        %and3A_983 = arith.andi %get3A_975, %and3A_982 : vector<16xi32>
        %shift_right_logical3A_984 = arith.constant 7 : i32
        %shift_right_logical3A_985 = vector.broadcast %shift_right_logical3A_984 : i32 to vector<16xi32>
        %shift_right_logical3A_986 = arith.shrui %get3A_977, %shift_right_logical3A_985 : vector<16xi32>
        %and3A_987 = arith.constant 127 : i32
        %and3A_988 = vector.broadcast %and3A_987 : i32 to vector<16xi32>
        %and3A_989 = arith.andi %get3A_977, %and3A_988 : vector<16xi32>
        tpu.vector_store_idx %arg9[%shift_right_logical3A_980, %and3A_983], %broadcast_in_dim3A_44 masked %and3A_968 {add = true} : memref<80x128xf32, #tpu.memory_space<vmem>>[vector<16xi32>, vector<16xi32>], vector<16xf32>, vector<16xi1>
        tpu.vector_store_idx %arg9[%shift_right_logical3A_986, %and3A_989], %broadcast_in_dim3A_44 masked %and3A_968 {add = true} : memref<80x128xf32, #tpu.memory_space<vmem>>[vector<16xi32>, vector<16xi32>], vector<16xf32>, vector<16xi1>
        tpu.vector_store_idx %arg10[%shift_right_logical3A_980, %and3A_983], %broadcast_in_dim3A_44 masked %and3A_973 {add = true} : memref<80x128xf32, #tpu.memory_space<vmem>>[vector<16xi32>, vector<16xi32>], vector<16xf32>, vector<16xi1>
        tpu.vector_store_idx %arg10[%shift_right_logical3A_986, %and3A_989], %broadcast_in_dim3A_44 masked %and3A_973 {add = true} : memref<80x128xf32, #tpu.memory_space<vmem>>[vector<16xi32>, vector<16xi32>], vector<16xf32>, vector<16xi1>
        %get3A_990 = arith.constant 1568 : index
        %get3A_991 = tpu.vector_load %arg6[%get3A_990] {strides = array<i32>} : memref<2048xf32, #tpu.memory_space<vmem>>, vector<16xf32>,
        %get3A_992 = arith.constant 1696 : index
        %get3A_993 = tpu.vector_load %arg6[%get3A_992] {strides = array<i32>} : memref<2048xf32, #tpu.memory_space<vmem>>, vector<16xf32>,
        %get3A_994 = arith.constant 1824 : index
        %get3A_995 = tpu.vector_load %arg6[%get3A_994] {strides = array<i32>} : memref<2048xf32, #tpu.memory_space<vmem>>, vector<16xf32>,
        %get3A_996 = arith.constant 1952 : index
        %get3A_997 = tpu.vector_load %arg6[%get3A_996] {strides = array<i32>} : memref<2048xf32, #tpu.memory_space<vmem>>, vector<16xf32>,
        %gt3A_998 = arith.cmpf ogt, %get3A_993, %get3A_991 : vector<16xf32>
        %ge3A_999 = arith.cmpf oge, %get3A_993, %get3A_995 : vector<16xf32>
        %and3A_1000 = arith.andi %gt3A_998, %ge3A_999 : vector<16xi1>
        %ge3A_1001 = arith.cmpf oge, %get3A_993, %get3A_997 : vector<16xf32>
        %and3A_1002 = arith.andi %and3A_1000, %ge3A_1001 : vector<16xi1>
        %gt3A_1003 = arith.cmpf ogt, %get3A_995, %get3A_991 : vector<16xf32>
        %gt3A_1004 = arith.cmpf ogt, %get3A_995, %get3A_993 : vector<16xf32>
        %and3A_1005 = arith.andi %gt3A_1003, %gt3A_1004 : vector<16xi1>
        %ge3A_1006 = arith.cmpf oge, %get3A_995, %get3A_997 : vector<16xf32>
        %and3A_1007 = arith.andi %and3A_1005, %ge3A_1006 : vector<16xi1>
        %get3A_1008 = arith.constant 800 : index
        %get3A_1009 = tpu.vector_load %arg8[%get3A_1008] {strides = array<i32>} : memref<1024xi32, #tpu.memory_space<vmem>>, vector<16xi32>,
        %get3A_1010 = arith.constant 928 : index
        %get3A_1011 = tpu.vector_load %arg8[%get3A_1010] {strides = array<i32>} : memref<1024xi32, #tpu.memory_space<vmem>>, vector<16xi32>,
        %shift_right_logical3A_1012 = arith.constant 7 : i32
        %shift_right_logical3A_1013 = vector.broadcast %shift_right_logical3A_1012 : i32 to vector<16xi32>
        %shift_right_logical3A_1014 = arith.shrui %get3A_1009, %shift_right_logical3A_1013 : vector<16xi32>
        %and3A_1015 = arith.constant 127 : i32
        %and3A_1016 = vector.broadcast %and3A_1015 : i32 to vector<16xi32>
        %and3A_1017 = arith.andi %get3A_1009, %and3A_1016 : vector<16xi32>
        %shift_right_logical3A_1018 = arith.constant 7 : i32
        %shift_right_logical3A_1019 = vector.broadcast %shift_right_logical3A_1018 : i32 to vector<16xi32>
        %shift_right_logical3A_1020 = arith.shrui %get3A_1011, %shift_right_logical3A_1019 : vector<16xi32>
        %and3A_1021 = arith.constant 127 : i32
        %and3A_1022 = vector.broadcast %and3A_1021 : i32 to vector<16xi32>
        %and3A_1023 = arith.andi %get3A_1011, %and3A_1022 : vector<16xi32>
        tpu.vector_store_idx %arg9[%shift_right_logical3A_1014, %and3A_1017], %broadcast_in_dim3A_44 masked %and3A_1002 {add = true} : memref<80x128xf32, #tpu.memory_space<vmem>>[vector<16xi32>, vector<16xi32>], vector<16xf32>, vector<16xi1>
        tpu.vector_store_idx %arg9[%shift_right_logical3A_1020, %and3A_1023], %broadcast_in_dim3A_44 masked %and3A_1002 {add = true} : memref<80x128xf32, #tpu.memory_space<vmem>>[vector<16xi32>, vector<16xi32>], vector<16xf32>, vector<16xi1>
        tpu.vector_store_idx %arg10[%shift_right_logical3A_1014, %and3A_1017], %broadcast_in_dim3A_44 masked %and3A_1007 {add = true} : memref<80x128xf32, #tpu.memory_space<vmem>>[vector<16xi32>, vector<16xi32>], vector<16xf32>, vector<16xi1>
        tpu.vector_store_idx %arg10[%shift_right_logical3A_1020, %and3A_1023], %broadcast_in_dim3A_44 masked %and3A_1007 {add = true} : memref<80x128xf32, #tpu.memory_space<vmem>>[vector<16xi32>, vector<16xi32>], vector<16xf32>, vector<16xi1>
        %get3A_1024 = arith.constant 1584 : index
        %get3A_1025 = tpu.vector_load %arg6[%get3A_1024] {strides = array<i32>} : memref<2048xf32, #tpu.memory_space<vmem>>, vector<16xf32>,
        %get3A_1026 = arith.constant 1712 : index
        %get3A_1027 = tpu.vector_load %arg6[%get3A_1026] {strides = array<i32>} : memref<2048xf32, #tpu.memory_space<vmem>>, vector<16xf32>,
        %get3A_1028 = arith.constant 1840 : index
        %get3A_1029 = tpu.vector_load %arg6[%get3A_1028] {strides = array<i32>} : memref<2048xf32, #tpu.memory_space<vmem>>, vector<16xf32>,
        %get3A_1030 = arith.constant 1968 : index
        %get3A_1031 = tpu.vector_load %arg6[%get3A_1030] {strides = array<i32>} : memref<2048xf32, #tpu.memory_space<vmem>>, vector<16xf32>,
        %gt3A_1032 = arith.cmpf ogt, %get3A_1027, %get3A_1025 : vector<16xf32>
        %ge3A_1033 = arith.cmpf oge, %get3A_1027, %get3A_1029 : vector<16xf32>
        %and3A_1034 = arith.andi %gt3A_1032, %ge3A_1033 : vector<16xi1>
        %ge3A_1035 = arith.cmpf oge, %get3A_1027, %get3A_1031 : vector<16xf32>
        %and3A_1036 = arith.andi %and3A_1034, %ge3A_1035 : vector<16xi1>
        %gt3A_1037 = arith.cmpf ogt, %get3A_1029, %get3A_1025 : vector<16xf32>
        %gt3A_1038 = arith.cmpf ogt, %get3A_1029, %get3A_1027 : vector<16xf32>
        %and3A_1039 = arith.andi %gt3A_1037, %gt3A_1038 : vector<16xi1>
        %ge3A_1040 = arith.cmpf oge, %get3A_1029, %get3A_1031 : vector<16xf32>
        %and3A_1041 = arith.andi %and3A_1039, %ge3A_1040 : vector<16xi1>
        %get3A_1042 = arith.constant 816 : index
        %get3A_1043 = tpu.vector_load %arg8[%get3A_1042] {strides = array<i32>} : memref<1024xi32, #tpu.memory_space<vmem>>, vector<16xi32>,
        %get3A_1044 = arith.constant 944 : index
        %get3A_1045 = tpu.vector_load %arg8[%get3A_1044] {strides = array<i32>} : memref<1024xi32, #tpu.memory_space<vmem>>, vector<16xi32>,
        %shift_right_logical3A_1046 = arith.constant 7 : i32
        %shift_right_logical3A_1047 = vector.broadcast %shift_right_logical3A_1046 : i32 to vector<16xi32>
        %shift_right_logical3A_1048 = arith.shrui %get3A_1043, %shift_right_logical3A_1047 : vector<16xi32>
        %and3A_1049 = arith.constant 127 : i32
        %and3A_1050 = vector.broadcast %and3A_1049 : i32 to vector<16xi32>
        %and3A_1051 = arith.andi %get3A_1043, %and3A_1050 : vector<16xi32>
        %shift_right_logical3A_1052 = arith.constant 7 : i32
        %shift_right_logical3A_1053 = vector.broadcast %shift_right_logical3A_1052 : i32 to vector<16xi32>
        %shift_right_logical3A_1054 = arith.shrui %get3A_1045, %shift_right_logical3A_1053 : vector<16xi32>
        %and3A_1055 = arith.constant 127 : i32
        %and3A_1056 = vector.broadcast %and3A_1055 : i32 to vector<16xi32>
        %and3A_1057 = arith.andi %get3A_1045, %and3A_1056 : vector<16xi32>
        tpu.vector_store_idx %arg9[%shift_right_logical3A_1048, %and3A_1051], %broadcast_in_dim3A_44 masked %and3A_1036 {add = true} : memref<80x128xf32, #tpu.memory_space<vmem>>[vector<16xi32>, vector<16xi32>], vector<16xf32>, vector<16xi1>
        tpu.vector_store_idx %arg9[%shift_right_logical3A_1054, %and3A_1057], %broadcast_in_dim3A_44 masked %and3A_1036 {add = true} : memref<80x128xf32, #tpu.memory_space<vmem>>[vector<16xi32>, vector<16xi32>], vector<16xf32>, vector<16xi1>
        tpu.vector_store_idx %arg10[%shift_right_logical3A_1048, %and3A_1051], %broadcast_in_dim3A_44 masked %and3A_1041 {add = true} : memref<80x128xf32, #tpu.memory_space<vmem>>[vector<16xi32>, vector<16xi32>], vector<16xf32>, vector<16xi1>
        tpu.vector_store_idx %arg10[%shift_right_logical3A_1054, %and3A_1057], %broadcast_in_dim3A_44 masked %and3A_1041 {add = true} : memref<80x128xf32, #tpu.memory_space<vmem>>[vector<16xi32>, vector<16xi32>], vector<16xf32>, vector<16xi1>
        %get3A_1058 = arith.constant 1600 : index
        %get3A_1059 = tpu.vector_load %arg6[%get3A_1058] {strides = array<i32>} : memref<2048xf32, #tpu.memory_space<vmem>>, vector<16xf32>,
        %get3A_1060 = arith.constant 1728 : index
        %get3A_1061 = tpu.vector_load %arg6[%get3A_1060] {strides = array<i32>} : memref<2048xf32, #tpu.memory_space<vmem>>, vector<16xf32>,
        %get3A_1062 = arith.constant 1856 : index
        %get3A_1063 = tpu.vector_load %arg6[%get3A_1062] {strides = array<i32>} : memref<2048xf32, #tpu.memory_space<vmem>>, vector<16xf32>,
        %get3A_1064 = arith.constant 1984 : index
        %get3A_1065 = tpu.vector_load %arg6[%get3A_1064] {strides = array<i32>} : memref<2048xf32, #tpu.memory_space<vmem>>, vector<16xf32>,
        %gt3A_1066 = arith.cmpf ogt, %get3A_1061, %get3A_1059 : vector<16xf32>
        %ge3A_1067 = arith.cmpf oge, %get3A_1061, %get3A_1063 : vector<16xf32>
        %and3A_1068 = arith.andi %gt3A_1066, %ge3A_1067 : vector<16xi1>
        %ge3A_1069 = arith.cmpf oge, %get3A_1061, %get3A_1065 : vector<16xf32>
        %and3A_1070 = arith.andi %and3A_1068, %ge3A_1069 : vector<16xi1>
        %gt3A_1071 = arith.cmpf ogt, %get3A_1063, %get3A_1059 : vector<16xf32>
        %gt3A_1072 = arith.cmpf ogt, %get3A_1063, %get3A_1061 : vector<16xf32>
        %and3A_1073 = arith.andi %gt3A_1071, %gt3A_1072 : vector<16xi1>
        %ge3A_1074 = arith.cmpf oge, %get3A_1063, %get3A_1065 : vector<16xf32>
        %and3A_1075 = arith.andi %and3A_1073, %ge3A_1074 : vector<16xi1>
        %get3A_1076 = arith.constant 832 : index
        %get3A_1077 = tpu.vector_load %arg8[%get3A_1076] {strides = array<i32>} : memref<1024xi32, #tpu.memory_space<vmem>>, vector<16xi32>,
        %get3A_1078 = arith.constant 960 : index
        %get3A_1079 = tpu.vector_load %arg8[%get3A_1078] {strides = array<i32>} : memref<1024xi32, #tpu.memory_space<vmem>>, vector<16xi32>,
        %shift_right_logical3A_1080 = arith.constant 7 : i32
        %shift_right_logical3A_1081 = vector.broadcast %shift_right_logical3A_1080 : i32 to vector<16xi32>
        %shift_right_logical3A_1082 = arith.shrui %get3A_1077, %shift_right_logical3A_1081 : vector<16xi32>
        %and3A_1083 = arith.constant 127 : i32
        %and3A_1084 = vector.broadcast %and3A_1083 : i32 to vector<16xi32>
        %and3A_1085 = arith.andi %get3A_1077, %and3A_1084 : vector<16xi32>
        %shift_right_logical3A_1086 = arith.constant 7 : i32
        %shift_right_logical3A_1087 = vector.broadcast %shift_right_logical3A_1086 : i32 to vector<16xi32>
        %shift_right_logical3A_1088 = arith.shrui %get3A_1079, %shift_right_logical3A_1087 : vector<16xi32>
        %and3A_1089 = arith.constant 127 : i32
        %and3A_1090 = vector.broadcast %and3A_1089 : i32 to vector<16xi32>
        %and3A_1091 = arith.andi %get3A_1079, %and3A_1090 : vector<16xi32>
        tpu.vector_store_idx %arg9[%shift_right_logical3A_1082, %and3A_1085], %broadcast_in_dim3A_44 masked %and3A_1070 {add = true} : memref<80x128xf32, #tpu.memory_space<vmem>>[vector<16xi32>, vector<16xi32>], vector<16xf32>, vector<16xi1>
        tpu.vector_store_idx %arg9[%shift_right_logical3A_1088, %and3A_1091], %broadcast_in_dim3A_44 masked %and3A_1070 {add = true} : memref<80x128xf32, #tpu.memory_space<vmem>>[vector<16xi32>, vector<16xi32>], vector<16xf32>, vector<16xi1>
        tpu.vector_store_idx %arg10[%shift_right_logical3A_1082, %and3A_1085], %broadcast_in_dim3A_44 masked %and3A_1075 {add = true} : memref<80x128xf32, #tpu.memory_space<vmem>>[vector<16xi32>, vector<16xi32>], vector<16xf32>, vector<16xi1>
        tpu.vector_store_idx %arg10[%shift_right_logical3A_1088, %and3A_1091], %broadcast_in_dim3A_44 masked %and3A_1075 {add = true} : memref<80x128xf32, #tpu.memory_space<vmem>>[vector<16xi32>, vector<16xi32>], vector<16xf32>, vector<16xi1>
        %get3A_1092 = arith.constant 1616 : index
        %get3A_1093 = tpu.vector_load %arg6[%get3A_1092] {strides = array<i32>} : memref<2048xf32, #tpu.memory_space<vmem>>, vector<16xf32>,
        %get3A_1094 = arith.constant 1744 : index
        %get3A_1095 = tpu.vector_load %arg6[%get3A_1094] {strides = array<i32>} : memref<2048xf32, #tpu.memory_space<vmem>>, vector<16xf32>,
        %get3A_1096 = arith.constant 1872 : index
        %get3A_1097 = tpu.vector_load %arg6[%get3A_1096] {strides = array<i32>} : memref<2048xf32, #tpu.memory_space<vmem>>, vector<16xf32>,
        %get3A_1098 = arith.constant 2000 : index
        %get3A_1099 = tpu.vector_load %arg6[%get3A_1098] {strides = array<i32>} : memref<2048xf32, #tpu.memory_space<vmem>>, vector<16xf32>,
        %gt3A_1100 = arith.cmpf ogt, %get3A_1095, %get3A_1093 : vector<16xf32>
        %ge3A_1101 = arith.cmpf oge, %get3A_1095, %get3A_1097 : vector<16xf32>
        %and3A_1102 = arith.andi %gt3A_1100, %ge3A_1101 : vector<16xi1>
        %ge3A_1103 = arith.cmpf oge, %get3A_1095, %get3A_1099 : vector<16xf32>
        %and3A_1104 = arith.andi %and3A_1102, %ge3A_1103 : vector<16xi1>
        %gt3A_1105 = arith.cmpf ogt, %get3A_1097, %get3A_1093 : vector<16xf32>
        %gt3A_1106 = arith.cmpf ogt, %get3A_1097, %get3A_1095 : vector<16xf32>
        %and3A_1107 = arith.andi %gt3A_1105, %gt3A_1106 : vector<16xi1>
        %ge3A_1108 = arith.cmpf oge, %get3A_1097, %get3A_1099 : vector<16xf32>
        %and3A_1109 = arith.andi %and3A_1107, %ge3A_1108 : vector<16xi1>
        %get3A_1110 = arith.constant 848 : index
        %get3A_1111 = tpu.vector_load %arg8[%get3A_1110] {strides = array<i32>} : memref<1024xi32, #tpu.memory_space<vmem>>, vector<16xi32>,
        %get3A_1112 = arith.constant 976 : index
        %get3A_1113 = tpu.vector_load %arg8[%get3A_1112] {strides = array<i32>} : memref<1024xi32, #tpu.memory_space<vmem>>, vector<16xi32>,
        %shift_right_logical3A_1114 = arith.constant 7 : i32
        %shift_right_logical3A_1115 = vector.broadcast %shift_right_logical3A_1114 : i32 to vector<16xi32>
        %shift_right_logical3A_1116 = arith.shrui %get3A_1111, %shift_right_logical3A_1115 : vector<16xi32>
        %and3A_1117 = arith.constant 127 : i32
        %and3A_1118 = vector.broadcast %and3A_1117 : i32 to vector<16xi32>
        %and3A_1119 = arith.andi %get3A_1111, %and3A_1118 : vector<16xi32>
        %shift_right_logical3A_1120 = arith.constant 7 : i32
        %shift_right_logical3A_1121 = vector.broadcast %shift_right_logical3A_1120 : i32 to vector<16xi32>
        %shift_right_logical3A_1122 = arith.shrui %get3A_1113, %shift_right_logical3A_1121 : vector<16xi32>
        %and3A_1123 = arith.constant 127 : i32
        %and3A_1124 = vector.broadcast %and3A_1123 : i32 to vector<16xi32>
        %and3A_1125 = arith.andi %get3A_1113, %and3A_1124 : vector<16xi32>
        tpu.vector_store_idx %arg9[%shift_right_logical3A_1116, %and3A_1119], %broadcast_in_dim3A_44 masked %and3A_1104 {add = true} : memref<80x128xf32, #tpu.memory_space<vmem>>[vector<16xi32>, vector<16xi32>], vector<16xf32>, vector<16xi1>
        tpu.vector_store_idx %arg9[%shift_right_logical3A_1122, %and3A_1125], %broadcast_in_dim3A_44 masked %and3A_1104 {add = true} : memref<80x128xf32, #tpu.memory_space<vmem>>[vector<16xi32>, vector<16xi32>], vector<16xf32>, vector<16xi1>
        tpu.vector_store_idx %arg10[%shift_right_logical3A_1116, %and3A_1119], %broadcast_in_dim3A_44 masked %and3A_1109 {add = true} : memref<80x128xf32, #tpu.memory_space<vmem>>[vector<16xi32>, vector<16xi32>], vector<16xf32>, vector<16xi1>
        tpu.vector_store_idx %arg10[%shift_right_logical3A_1122, %and3A_1125], %broadcast_in_dim3A_44 masked %and3A_1109 {add = true} : memref<80x128xf32, #tpu.memory_space<vmem>>[vector<16xi32>, vector<16xi32>], vector<16xf32>, vector<16xi1>
        %get3A_1126 = arith.constant 1632 : index
        %get3A_1127 = tpu.vector_load %arg6[%get3A_1126] {strides = array<i32>} : memref<2048xf32, #tpu.memory_space<vmem>>, vector<16xf32>,
        %get3A_1128 = arith.constant 1760 : index
        %get3A_1129 = tpu.vector_load %arg6[%get3A_1128] {strides = array<i32>} : memref<2048xf32, #tpu.memory_space<vmem>>, vector<16xf32>,
        %get3A_1130 = arith.constant 1888 : index
        %get3A_1131 = tpu.vector_load %arg6[%get3A_1130] {strides = array<i32>} : memref<2048xf32, #tpu.memory_space<vmem>>, vector<16xf32>,
        %get3A_1132 = arith.constant 2016 : index
        %get3A_1133 = tpu.vector_load %arg6[%get3A_1132] {strides = array<i32>} : memref<2048xf32, #tpu.memory_space<vmem>>, vector<16xf32>,
        %gt3A_1134 = arith.cmpf ogt, %get3A_1129, %get3A_1127 : vector<16xf32>
        %ge3A_1135 = arith.cmpf oge, %get3A_1129, %get3A_1131 : vector<16xf32>
        %and3A_1136 = arith.andi %gt3A_1134, %ge3A_1135 : vector<16xi1>
        %ge3A_1137 = arith.cmpf oge, %get3A_1129, %get3A_1133 : vector<16xf32>
        %and3A_1138 = arith.andi %and3A_1136, %ge3A_1137 : vector<16xi1>
        %gt3A_1139 = arith.cmpf ogt, %get3A_1131, %get3A_1127 : vector<16xf32>
        %gt3A_1140 = arith.cmpf ogt, %get3A_1131, %get3A_1129 : vector<16xf32>
        %and3A_1141 = arith.andi %gt3A_1139, %gt3A_1140 : vector<16xi1>
        %ge3A_1142 = arith.cmpf oge, %get3A_1131, %get3A_1133 : vector<16xf32>
        %and3A_1143 = arith.andi %and3A_1141, %ge3A_1142 : vector<16xi1>
        %get3A_1144 = arith.constant 864 : index
        %get3A_1145 = tpu.vector_load %arg8[%get3A_1144] {strides = array<i32>} : memref<1024xi32, #tpu.memory_space<vmem>>, vector<16xi32>,
        %get3A_1146 = arith.constant 992 : index
        %get3A_1147 = tpu.vector_load %arg8[%get3A_1146] {strides = array<i32>} : memref<1024xi32, #tpu.memory_space<vmem>>, vector<16xi32>,
        %shift_right_logical3A_1148 = arith.constant 7 : i32
        %shift_right_logical3A_1149 = vector.broadcast %shift_right_logical3A_1148 : i32 to vector<16xi32>
        %shift_right_logical3A_1150 = arith.shrui %get3A_1145, %shift_right_logical3A_1149 : vector<16xi32>
        %and3A_1151 = arith.constant 127 : i32
        %and3A_1152 = vector.broadcast %and3A_1151 : i32 to vector<16xi32>
        %and3A_1153 = arith.andi %get3A_1145, %and3A_1152 : vector<16xi32>
        %shift_right_logical3A_1154 = arith.constant 7 : i32
        %shift_right_logical3A_1155 = vector.broadcast %shift_right_logical3A_1154 : i32 to vector<16xi32>
        %shift_right_logical3A_1156 = arith.shrui %get3A_1147, %shift_right_logical3A_1155 : vector<16xi32>
        %and3A_1157 = arith.constant 127 : i32
        %and3A_1158 = vector.broadcast %and3A_1157 : i32 to vector<16xi32>
        %and3A_1159 = arith.andi %get3A_1147, %and3A_1158 : vector<16xi32>
        tpu.vector_store_idx %arg9[%shift_right_logical3A_1150, %and3A_1153], %broadcast_in_dim3A_44 masked %and3A_1138 {add = true} : memref<80x128xf32, #tpu.memory_space<vmem>>[vector<16xi32>, vector<16xi32>], vector<16xf32>, vector<16xi1>
        tpu.vector_store_idx %arg9[%shift_right_logical3A_1156, %and3A_1159], %broadcast_in_dim3A_44 masked %and3A_1138 {add = true} : memref<80x128xf32, #tpu.memory_space<vmem>>[vector<16xi32>, vector<16xi32>], vector<16xf32>, vector<16xi1>
        tpu.vector_store_idx %arg10[%shift_right_logical3A_1150, %and3A_1153], %broadcast_in_dim3A_44 masked %and3A_1143 {add = true} : memref<80x128xf32, #tpu.memory_space<vmem>>[vector<16xi32>, vector<16xi32>], vector<16xf32>, vector<16xi1>
        tpu.vector_store_idx %arg10[%shift_right_logical3A_1156, %and3A_1159], %broadcast_in_dim3A_44 masked %and3A_1143 {add = true} : memref<80x128xf32, #tpu.memory_space<vmem>>[vector<16xi32>, vector<16xi32>], vector<16xf32>, vector<16xi1>
        %get3A_1160 = arith.constant 1648 : index
        %get3A_1161 = tpu.vector_load %arg6[%get3A_1160] {strides = array<i32>} : memref<2048xf32, #tpu.memory_space<vmem>>, vector<16xf32>,
        %get3A_1162 = arith.constant 1776 : index
        %get3A_1163 = tpu.vector_load %arg6[%get3A_1162] {strides = array<i32>} : memref<2048xf32, #tpu.memory_space<vmem>>, vector<16xf32>,
        %get3A_1164 = arith.constant 1904 : index
        %get3A_1165 = tpu.vector_load %arg6[%get3A_1164] {strides = array<i32>} : memref<2048xf32, #tpu.memory_space<vmem>>, vector<16xf32>,
        %get3A_1166 = arith.constant 2032 : index
        %get3A_1167 = tpu.vector_load %arg6[%get3A_1166] {strides = array<i32>} : memref<2048xf32, #tpu.memory_space<vmem>>, vector<16xf32>,
        %gt3A_1168 = arith.cmpf ogt, %get3A_1163, %get3A_1161 : vector<16xf32>
        %ge3A_1169 = arith.cmpf oge, %get3A_1163, %get3A_1165 : vector<16xf32>
        %and3A_1170 = arith.andi %gt3A_1168, %ge3A_1169 : vector<16xi1>
        %ge3A_1171 = arith.cmpf oge, %get3A_1163, %get3A_1167 : vector<16xf32>
        %and3A_1172 = arith.andi %and3A_1170, %ge3A_1171 : vector<16xi1>
        %gt3A_1173 = arith.cmpf ogt, %get3A_1165, %get3A_1161 : vector<16xf32>
        %gt3A_1174 = arith.cmpf ogt, %get3A_1165, %get3A_1163 : vector<16xf32>
        %and3A_1175 = arith.andi %gt3A_1173, %gt3A_1174 : vector<16xi1>
        %ge3A_1176 = arith.cmpf oge, %get3A_1165, %get3A_1167 : vector<16xf32>
        %and3A_1177 = arith.andi %and3A_1175, %ge3A_1176 : vector<16xi1>
        %get3A_1178 = arith.constant 880 : index
        %get3A_1179 = tpu.vector_load %arg8[%get3A_1178] {strides = array<i32>} : memref<1024xi32, #tpu.memory_space<vmem>>, vector<16xi32>,
        %get3A_1180 = arith.constant 1008 : index
        %get3A_1181 = tpu.vector_load %arg8[%get3A_1180] {strides = array<i32>} : memref<1024xi32, #tpu.memory_space<vmem>>, vector<16xi32>,
        %shift_right_logical3A_1182 = arith.constant 7 : i32
        %shift_right_logical3A_1183 = vector.broadcast %shift_right_logical3A_1182 : i32 to vector<16xi32>
        %shift_right_logical3A_1184 = arith.shrui %get3A_1179, %shift_right_logical3A_1183 : vector<16xi32>
        %and3A_1185 = arith.constant 127 : i32
        %and3A_1186 = vector.broadcast %and3A_1185 : i32 to vector<16xi32>
        %and3A_1187 = arith.andi %get3A_1179, %and3A_1186 : vector<16xi32>
        %shift_right_logical3A_1188 = arith.constant 7 : i32
        %shift_right_logical3A_1189 = vector.broadcast %shift_right_logical3A_1188 : i32 to vector<16xi32>
        %shift_right_logical3A_1190 = arith.shrui %get3A_1181, %shift_right_logical3A_1189 : vector<16xi32>
        %and3A_1191 = arith.constant 127 : i32
        %and3A_1192 = vector.broadcast %and3A_1191 : i32 to vector<16xi32>
        %and3A_1193 = arith.andi %get3A_1181, %and3A_1192 : vector<16xi32>
        tpu.vector_store_idx %arg9[%shift_right_logical3A_1184, %and3A_1187], %broadcast_in_dim3A_44 masked %and3A_1172 {add = true} : memref<80x128xf32, #tpu.memory_space<vmem>>[vector<16xi32>, vector<16xi32>], vector<16xf32>, vector<16xi1>
        tpu.vector_store_idx %arg9[%shift_right_logical3A_1190, %and3A_1193], %broadcast_in_dim3A_44 masked %and3A_1172 {add = true} : memref<80x128xf32, #tpu.memory_space<vmem>>[vector<16xi32>, vector<16xi32>], vector<16xf32>, vector<16xi1>
        tpu.vector_store_idx %arg10[%shift_right_logical3A_1184, %and3A_1187], %broadcast_in_dim3A_44 masked %and3A_1177 {add = true} : memref<80x128xf32, #tpu.memory_space<vmem>>[vector<16xi32>, vector<16xi32>], vector<16xf32>, vector<16xi1>
        tpu.vector_store_idx %arg10[%shift_right_logical3A_1190, %and3A_1193], %broadcast_in_dim3A_44 masked %and3A_1177 {add = true} : memref<80x128xf32, #tpu.memory_space<vmem>>[vector<16xi32>, vector<16xi32>], vector<16xf32>, vector<16xi1>
      } else {
      }
    }
    %scan3A_50 = arith.constant 10 : i32
    %barrier3A = arith.constant 0 : index
    tpu.barrier barrier_id(%barrier3A)
    "tpu.region"() ({
      %run_scoped3A = tpu.sem_alloc : memref<!tpu.dma_semaphore, #tpu.memory_space<semaphore_mem>>
      %dma_start3A_57 = arith.constant 0 : i32
      %dma_start3A_58 = arith.constant 0 : i32
      %dma_start3A_59 = tpu.memref_slice %arg12[%dma_start3A_57, %dma_start3A_58] : memref<80x128xf32, #tpu.memory_space<vmem_shared>> -> memref<80x128xf32, #tpu.memory_space<vmem_shared>>
      tpu.enqueue_indirect_dma source(%arg9 : memref<80x128xf32, #tpu.memory_space<vmem>>) target(%dma_start3A_59 : memref<80x128xf32, #tpu.memory_space<vmem_shared>>) offsets(%arg11 : memref<80xi32, #tpu.memory_space<vmem>>) semaphore(%run_scoped3A : memref<!tpu.dma_semaphore, #tpu.memory_space<semaphore_mem>>) {add = true}
      %dma_wait3A = arith.constant 0 : i32
      %dma_wait3A_60 = arith.constant 0 : i32
      %dma_wait3A_61 = tpu.memref_slice %arg12[%dma_wait3A, %dma_wait3A_60] : memref<80x128xf32, #tpu.memory_space<vmem_shared>> -> memref<80x128xf32, #tpu.memory_space<vmem_shared>>
      tpu.wait_indirect_dma semaphore(%run_scoped3A : memref<!tpu.dma_semaphore, #tpu.memory_space<semaphore_mem>>) src(%arg9 : memref<80x128xf32, #tpu.memory_space<vmem>>) dst(%dma_wait3A_61 : memref<80x128xf32, #tpu.memory_space<vmem_shared>>)
      tpu.yield
    }) : () -> ()
    "tpu.region"() ({
      %run_scoped3A = tpu.sem_alloc : memref<!tpu.dma_semaphore, #tpu.memory_space<semaphore_mem>>
      %dma_start3A_57 = arith.constant 0 : i32
      %dma_start3A_58 = arith.constant 0 : i32
      %dma_start3A_59 = tpu.memref_slice %arg13[%dma_start3A_57, %dma_start3A_58] : memref<80x128xf32, #tpu.memory_space<vmem_shared>> -> memref<80x128xf32, #tpu.memory_space<vmem_shared>>
      tpu.enqueue_indirect_dma source(%arg10 : memref<80x128xf32, #tpu.memory_space<vmem>>) target(%dma_start3A_59 : memref<80x128xf32, #tpu.memory_space<vmem_shared>>) offsets(%arg11 : memref<80xi32, #tpu.memory_space<vmem>>) semaphore(%run_scoped3A : memref<!tpu.dma_semaphore, #tpu.memory_space<semaphore_mem>>) {add = true}
      %dma_wait3A = arith.constant 0 : i32
      %dma_wait3A_60 = arith.constant 0 : i32
      %dma_wait3A_61 = tpu.memref_slice %arg13[%dma_wait3A, %dma_wait3A_60] : memref<80x128xf32, #tpu.memory_space<vmem_shared>> -> memref<80x128xf32, #tpu.memory_space<vmem_shared>>
      tpu.wait_indirect_dma semaphore(%run_scoped3A : memref<!tpu.dma_semaphore, #tpu.memory_space<semaphore_mem>>) src(%arg10 : memref<80x128xf32, #tpu.memory_space<vmem>>) dst(%dma_wait3A_61 : memref<80x128xf32, #tpu.memory_space<vmem_shared>>)
      tpu.yield
    }) : () -> ()
    %barrier3A_51 = arith.constant 0 : index
    tpu.barrier barrier_id(%barrier3A_51)
    %eq3A_52 = arith.constant 0 : i32
    %eq3A_53 = arith.cmpi eq, %arg1, %eq3A_52 : i32
    %convert_element_type3A_54 = arith.extui %eq3A_53 : i1 to i32
    %cond3A_55 = arith.constant 0 : i32
    %cond3A_56 = arith.cmpi ne, %convert_element_type3A_54, %cond3A_55 : i32
    scf.if %cond3A_56 {
      %run_scoped3A = arith.constant 0 : i32
      "tpu.region"() ({
        %run_scoped3A_58 = tpu.sem_alloc : memref<!tpu.dma_semaphore, #tpu.memory_space<semaphore_mem>>
        %dma_start3A_59 = arith.constant 0 : i32
        %dma_start3A_60 = arith.constant 0 : i32
        %dma_start3A_61 = tpu.memref_slice %arg4[%arg0, %run_scoped3A, %dma_start3A_59, %dma_start3A_60] : memref<2x2x80x128xf32, #tpu.memory_space<hbm>> -> memref<1x1x80x128xf32, #tpu.memory_space<hbm>>
        %dma_start3A_62 = tpu.memref_squeeze %dma_start3A_61 : memref<1x1x80x128xf32, #tpu.memory_space<hbm>> -> memref<80x128xf32, #tpu.memory_space<hbm>>
        tpu.enqueue_dma source(%arg12 : memref<80x128xf32, #tpu.memory_space<vmem_shared>>) target(%dma_start3A_62 : memref<80x128xf32, #tpu.memory_space<hbm>>) target_semaphore(%run_scoped3A_58 : memref<!tpu.dma_semaphore, #tpu.memory_space<semaphore_mem>>)
        %dma_wait3A = arith.constant 0 : i32
        %dma_wait3A_63 = arith.constant 0 : i32
        %dma_wait3A_64 = tpu.memref_slice %arg4[%arg0, %run_scoped3A, %dma_wait3A, %dma_wait3A_63] : memref<2x2x80x128xf32, #tpu.memory_space<hbm>> -> memref<1x1x80x128xf32, #tpu.memory_space<hbm>>
        %dma_wait3A_65 = tpu.memref_squeeze %dma_wait3A_64 : memref<1x1x80x128xf32, #tpu.memory_space<hbm>> -> memref<80x128xf32, #tpu.memory_space<hbm>>
        tpu.wait_dma2 semaphore(%run_scoped3A_58 : memref<!tpu.dma_semaphore, #tpu.memory_space<semaphore_mem>>) src(%arg12 : memref<80x128xf32, #tpu.memory_space<vmem_shared>>) dst(%dma_wait3A_65 : memref<80x128xf32, #tpu.memory_space<hbm>>)
        tpu.yield
      }) : () -> ()
      %run_scoped3A_57 = arith.constant 1 : i32
      "tpu.region"() ({
        %run_scoped3A_58 = tpu.sem_alloc : memref<!tpu.dma_semaphore, #tpu.memory_space<semaphore_mem>>
        %dma_start3A_59 = arith.constant 0 : i32
        %dma_start3A_60 = arith.constant 0 : i32
        %dma_start3A_61 = tpu.memref_slice %arg4[%arg0, %run_scoped3A_57, %dma_start3A_59, %dma_start3A_60] : memref<2x2x80x128xf32, #tpu.memory_space<hbm>> -> memref<1x1x80x128xf32, #tpu.memory_space<hbm>>
        %dma_start3A_62 = tpu.memref_squeeze %dma_start3A_61 : memref<1x1x80x128xf32, #tpu.memory_space<hbm>> -> memref<80x128xf32, #tpu.memory_space<hbm>>
        tpu.enqueue_dma source(%arg13 : memref<80x128xf32, #tpu.memory_space<vmem_shared>>) target(%dma_start3A_62 : memref<80x128xf32, #tpu.memory_space<hbm>>) target_semaphore(%run_scoped3A_58 : memref<!tpu.dma_semaphore, #tpu.memory_space<semaphore_mem>>)
        %dma_wait3A = arith.constant 0 : i32
        %dma_wait3A_63 = arith.constant 0 : i32
        %dma_wait3A_64 = tpu.memref_slice %arg4[%arg0, %run_scoped3A_57, %dma_wait3A, %dma_wait3A_63] : memref<2x2x80x128xf32, #tpu.memory_space<hbm>> -> memref<1x1x80x128xf32, #tpu.memory_space<hbm>>
        %dma_wait3A_65 = tpu.memref_squeeze %dma_wait3A_64 : memref<1x1x80x128xf32, #tpu.memory_space<hbm>> -> memref<80x128xf32, #tpu.memory_space<hbm>>
        tpu.wait_dma2 semaphore(%run_scoped3A_58 : memref<!tpu.dma_semaphore, #tpu.memory_space<semaphore_mem>>) src(%arg13 : memref<80x128xf32, #tpu.memory_space<vmem_shared>>) dst(%dma_wait3A_65 : memref<80x128xf32, #tpu.memory_space<hbm>>)
        tpu.yield
      }) : () -> ()
    } else {
    }
    return
  }
}

#map = affine_map<(d0, d1) -> (0)>
module attributes {stable_mosaic.version = 14 : i64} {
  func.func @_energy_kernel(%arg0: i32, %arg1: i32, %arg2: memref<40960xf32, #tpu.memory_space<hbm>>, %arg3: memref<16xf32, #tpu.memory_space<hbm>>, %arg4: memref<1280xf32, #tpu.memory_space<vmem>>, %arg5: memref<1280xf32, #tpu.memory_space<vmem>>, %arg6: memref<1x16xf32, #tpu.memory_space<vmem>>, %arg7: memref<1xi32, #tpu.memory_space<smem>>, %arg8: memref<!tpu.dma_semaphore, #tpu.memory_space<semaphore_mem>>, %arg9: memref<!tpu.dma_semaphore, #tpu.memory_space<semaphore_mem>>) attributes {dimension_semantics = [#tpu.dimension_semantics<core_parallel>, #tpu.dimension_semantics<subcore_parallel>], iteration_bounds = array<i64: 2, 16>, scalar_prefetch = 0 : i64, scratch_operands = 6 : i64, tpu.core_type = #tpu.core_type<sc_vector_subcore>, window_params = [{transform_indices = #map}, {transform_indices = #map}]} {
    %eq3A = arith.constant 0 : i32
    %eq3A_0 = arith.cmpi eq, %arg0, %eq3A : i32
    %eq3A_1 = arith.constant 0 : i32
    %eq3A_2 = arith.cmpi eq, %arg1, %eq3A_1 : i32
    %and3A = arith.andi %eq3A_0, %eq3A_2 : i1
    %convert_element_type3A = arith.extui %and3A : i1 to i32
    %cond3A = arith.constant 0 : i32
    %cond3A_3 = arith.cmpi ne, %convert_element_type3A, %cond3A : i32
    scf.if %cond3A_3 {
      %swap3A = arith.constant 0 : i32
      %swap3A_18 = arith.constant 0 : i32
      %swap3A_19 = arith.index_cast %swap3A_18 : i32 to index
      %swap3A_20 = memref.load %arg7[%swap3A_19] : memref<1xi32, #tpu.memory_space<smem>>
      memref.store %swap3A, %arg7[%swap3A_19] : memref<1xi32, #tpu.memory_space<smem>>
    } else {
    }
    %barrier3A = arith.constant 0 : index
    tpu.barrier barrier_id(%barrier3A)
    %eq3A_4 = arith.constant 0 : i32
    %eq3A_5 = arith.cmpi eq, %arg0, %eq3A_4 : i32
    %convert_element_type3A_6 = arith.extui %eq3A_5 : i1 to i32
    %cond3A_7 = arith.constant 0 : i32
    %cond3A_8 = arith.cmpi ne, %convert_element_type3A_6, %cond3A_7 : i32
    scf.if %cond3A_8 {
      %mul3A = arith.constant 1280 : i32
      %mul3A_18 = arith.muli %arg1, %mul3A : i32
      %dma_start3A = tpu.memref_slice %arg2[%mul3A_18] : memref<40960xf32, #tpu.memory_space<hbm>> -> memref<1280xf32, #tpu.memory_space<hbm>>
      %dma_start3A_19 = tpu.memref_slice %arg2[%mul3A_18] : memref<40960xf32, #tpu.memory_space<hbm>> -> memref<1280xf32, #tpu.memory_space<hbm>>
      tpu.enqueue_dma source(%dma_start3A_19 : memref<1280xf32, #tpu.memory_space<hbm>>) target(%arg4 : memref<1280xf32, #tpu.memory_space<vmem>>) target_semaphore(%arg8 : memref<!tpu.dma_semaphore, #tpu.memory_space<semaphore_mem>>)
      %add3A = arith.constant 20480 : i32
      %add3A_20 = arith.addi %add3A, %mul3A_18 : i32
      %dma_start3A_21 = tpu.memref_slice %arg2[%add3A_20] : memref<40960xf32, #tpu.memory_space<hbm>> -> memref<1280xf32, #tpu.memory_space<hbm>>
      %dma_start3A_22 = tpu.memref_slice %arg2[%add3A_20] : memref<40960xf32, #tpu.memory_space<hbm>> -> memref<1280xf32, #tpu.memory_space<hbm>>
      tpu.enqueue_dma source(%dma_start3A_22 : memref<1280xf32, #tpu.memory_space<hbm>>) target(%arg5 : memref<1280xf32, #tpu.memory_space<vmem>>) target_semaphore(%arg9 : memref<!tpu.dma_semaphore, #tpu.memory_space<semaphore_mem>>)
      %dma_wait3A = tpu.memref_slice %arg2[%mul3A_18] : memref<40960xf32, #tpu.memory_space<hbm>> -> memref<1280xf32, #tpu.memory_space<hbm>>
      %dma_wait3A_23 = tpu.memref_slice %arg2[%mul3A_18] : memref<40960xf32, #tpu.memory_space<hbm>> -> memref<1280xf32, #tpu.memory_space<hbm>>
      tpu.wait_dma2 semaphore(%arg8 : memref<!tpu.dma_semaphore, #tpu.memory_space<semaphore_mem>>) src(%dma_wait3A_23 : memref<1280xf32, #tpu.memory_space<hbm>>) dst(%arg4 : memref<1280xf32, #tpu.memory_space<vmem>>)
      %dma_wait3A_24 = tpu.memref_slice %arg2[%add3A_20] : memref<40960xf32, #tpu.memory_space<hbm>> -> memref<1280xf32, #tpu.memory_space<hbm>>
      %dma_wait3A_25 = tpu.memref_slice %arg2[%add3A_20] : memref<40960xf32, #tpu.memory_space<hbm>> -> memref<1280xf32, #tpu.memory_space<hbm>>
      tpu.wait_dma2 semaphore(%arg9 : memref<!tpu.dma_semaphore, #tpu.memory_space<semaphore_mem>>) src(%dma_wait3A_25 : memref<1280xf32, #tpu.memory_space<hbm>>) dst(%arg5 : memref<1280xf32, #tpu.memory_space<vmem>>)
      %broadcast_in_dim3A = arith.constant 0.000000e+00 : f32
      %broadcast_in_dim3A_26 = vector.broadcast %broadcast_in_dim3A : f32 to vector<16xf32>
      %get3A = arith.constant 0 : index
      %get3A_27 = tpu.vector_load %arg4[%get3A] {strides = array<i32>} : memref<1280xf32, #tpu.memory_space<vmem>>, vector<16xf32>,
      %get3A_28 = arith.constant 0 : index
      %get3A_29 = tpu.vector_load %arg5[%get3A_28] {strides = array<i32>} : memref<1280xf32, #tpu.memory_space<vmem>>, vector<16xf32>,
      %add3A_30 = arith.addf %get3A_27, %get3A_29 : vector<16xf32>
      %mul3A_31 = arith.mulf %add3A_30, %add3A_30 : vector<16xf32>
      %add3A_32 = arith.addf %broadcast_in_dim3A_26, %mul3A_31 : vector<16xf32>
      %get3A_33 = arith.constant 16 : index
      %get3A_34 = tpu.vector_load %arg4[%get3A_33] {strides = array<i32>} : memref<1280xf32, #tpu.memory_space<vmem>>, vector<16xf32>,
      %get3A_35 = arith.constant 16 : index
      %get3A_36 = tpu.vector_load %arg5[%get3A_35] {strides = array<i32>} : memref<1280xf32, #tpu.memory_space<vmem>>, vector<16xf32>,
      %add3A_37 = arith.addf %get3A_34, %get3A_36 : vector<16xf32>
      %mul3A_38 = arith.mulf %add3A_37, %add3A_37 : vector<16xf32>
      %add3A_39 = arith.addf %add3A_32, %mul3A_38 : vector<16xf32>
      %get3A_40 = arith.constant 32 : index
      %get3A_41 = tpu.vector_load %arg4[%get3A_40] {strides = array<i32>} : memref<1280xf32, #tpu.memory_space<vmem>>, vector<16xf32>,
      %get3A_42 = arith.constant 32 : index
      %get3A_43 = tpu.vector_load %arg5[%get3A_42] {strides = array<i32>} : memref<1280xf32, #tpu.memory_space<vmem>>, vector<16xf32>,
      %add3A_44 = arith.addf %get3A_41, %get3A_43 : vector<16xf32>
      %mul3A_45 = arith.mulf %add3A_44, %add3A_44 : vector<16xf32>
      %add3A_46 = arith.addf %add3A_39, %mul3A_45 : vector<16xf32>
      %get3A_47 = arith.constant 48 : index
      %get3A_48 = tpu.vector_load %arg4[%get3A_47] {strides = array<i32>} : memref<1280xf32, #tpu.memory_space<vmem>>, vector<16xf32>,
      %get3A_49 = arith.constant 48 : index
      %get3A_50 = tpu.vector_load %arg5[%get3A_49] {strides = array<i32>} : memref<1280xf32, #tpu.memory_space<vmem>>, vector<16xf32>,
      %add3A_51 = arith.addf %get3A_48, %get3A_50 : vector<16xf32>
      %mul3A_52 = arith.mulf %add3A_51, %add3A_51 : vector<16xf32>
      %add3A_53 = arith.addf %add3A_46, %mul3A_52 : vector<16xf32>
      %get3A_54 = arith.constant 64 : index
      %get3A_55 = tpu.vector_load %arg4[%get3A_54] {strides = array<i32>} : memref<1280xf32, #tpu.memory_space<vmem>>, vector<16xf32>,
      %get3A_56 = arith.constant 64 : index
      %get3A_57 = tpu.vector_load %arg5[%get3A_56] {strides = array<i32>} : memref<1280xf32, #tpu.memory_space<vmem>>, vector<16xf32>,
      %add3A_58 = arith.addf %get3A_55, %get3A_57 : vector<16xf32>
      %mul3A_59 = arith.mulf %add3A_58, %add3A_58 : vector<16xf32>
      %add3A_60 = arith.addf %add3A_53, %mul3A_59 : vector<16xf32>
      %get3A_61 = arith.constant 80 : index
      %get3A_62 = tpu.vector_load %arg4[%get3A_61] {strides = array<i32>} : memref<1280xf32, #tpu.memory_space<vmem>>, vector<16xf32>,
      %get3A_63 = arith.constant 80 : index
      %get3A_64 = tpu.vector_load %arg5[%get3A_63] {strides = array<i32>} : memref<1280xf32, #tpu.memory_space<vmem>>, vector<16xf32>,
      %add3A_65 = arith.addf %get3A_62, %get3A_64 : vector<16xf32>
      %mul3A_66 = arith.mulf %add3A_65, %add3A_65 : vector<16xf32>
      %add3A_67 = arith.addf %add3A_60, %mul3A_66 : vector<16xf32>
      %get3A_68 = arith.constant 96 : index
      %get3A_69 = tpu.vector_load %arg4[%get3A_68] {strides = array<i32>} : memref<1280xf32, #tpu.memory_space<vmem>>, vector<16xf32>,
      %get3A_70 = arith.constant 96 : index
      %get3A_71 = tpu.vector_load %arg5[%get3A_70] {strides = array<i32>} : memref<1280xf32, #tpu.memory_space<vmem>>, vector<16xf32>,
      %add3A_72 = arith.addf %get3A_69, %get3A_71 : vector<16xf32>
      %mul3A_73 = arith.mulf %add3A_72, %add3A_72 : vector<16xf32>
      %add3A_74 = arith.addf %add3A_67, %mul3A_73 : vector<16xf32>
      %get3A_75 = arith.constant 112 : index
      %get3A_76 = tpu.vector_load %arg4[%get3A_75] {strides = array<i32>} : memref<1280xf32, #tpu.memory_space<vmem>>, vector<16xf32>,
      %get3A_77 = arith.constant 112 : index
      %get3A_78 = tpu.vector_load %arg5[%get3A_77] {strides = array<i32>} : memref<1280xf32, #tpu.memory_space<vmem>>, vector<16xf32>,
      %add3A_79 = arith.addf %get3A_76, %get3A_78 : vector<16xf32>
      %mul3A_80 = arith.mulf %add3A_79, %add3A_79 : vector<16xf32>
      %add3A_81 = arith.addf %add3A_74, %mul3A_80 : vector<16xf32>
      %get3A_82 = arith.constant 128 : index
      %get3A_83 = tpu.vector_load %arg4[%get3A_82] {strides = array<i32>} : memref<1280xf32, #tpu.memory_space<vmem>>, vector<16xf32>,
      %get3A_84 = arith.constant 128 : index
      %get3A_85 = tpu.vector_load %arg5[%get3A_84] {strides = array<i32>} : memref<1280xf32, #tpu.memory_space<vmem>>, vector<16xf32>,
      %add3A_86 = arith.addf %get3A_83, %get3A_85 : vector<16xf32>
      %mul3A_87 = arith.mulf %add3A_86, %add3A_86 : vector<16xf32>
      %add3A_88 = arith.addf %add3A_81, %mul3A_87 : vector<16xf32>
      %get3A_89 = arith.constant 144 : index
      %get3A_90 = tpu.vector_load %arg4[%get3A_89] {strides = array<i32>} : memref<1280xf32, #tpu.memory_space<vmem>>, vector<16xf32>,
      %get3A_91 = arith.constant 144 : index
      %get3A_92 = tpu.vector_load %arg5[%get3A_91] {strides = array<i32>} : memref<1280xf32, #tpu.memory_space<vmem>>, vector<16xf32>,
      %add3A_93 = arith.addf %get3A_90, %get3A_92 : vector<16xf32>
      %mul3A_94 = arith.mulf %add3A_93, %add3A_93 : vector<16xf32>
      %add3A_95 = arith.addf %add3A_88, %mul3A_94 : vector<16xf32>
      %get3A_96 = arith.constant 160 : index
      %get3A_97 = tpu.vector_load %arg4[%get3A_96] {strides = array<i32>} : memref<1280xf32, #tpu.memory_space<vmem>>, vector<16xf32>,
      %get3A_98 = arith.constant 160 : index
      %get3A_99 = tpu.vector_load %arg5[%get3A_98] {strides = array<i32>} : memref<1280xf32, #tpu.memory_space<vmem>>, vector<16xf32>,
      %add3A_100 = arith.addf %get3A_97, %get3A_99 : vector<16xf32>
      %mul3A_101 = arith.mulf %add3A_100, %add3A_100 : vector<16xf32>
      %add3A_102 = arith.addf %add3A_95, %mul3A_101 : vector<16xf32>
      %get3A_103 = arith.constant 176 : index
      %get3A_104 = tpu.vector_load %arg4[%get3A_103] {strides = array<i32>} : memref<1280xf32, #tpu.memory_space<vmem>>, vector<16xf32>,
      %get3A_105 = arith.constant 176 : index
      %get3A_106 = tpu.vector_load %arg5[%get3A_105] {strides = array<i32>} : memref<1280xf32, #tpu.memory_space<vmem>>, vector<16xf32>,
      %add3A_107 = arith.addf %get3A_104, %get3A_106 : vector<16xf32>
      %mul3A_108 = arith.mulf %add3A_107, %add3A_107 : vector<16xf32>
      %add3A_109 = arith.addf %add3A_102, %mul3A_108 : vector<16xf32>
      %get3A_110 = arith.constant 192 : index
      %get3A_111 = tpu.vector_load %arg4[%get3A_110] {strides = array<i32>} : memref<1280xf32, #tpu.memory_space<vmem>>, vector<16xf32>,
      %get3A_112 = arith.constant 192 : index
      %get3A_113 = tpu.vector_load %arg5[%get3A_112] {strides = array<i32>} : memref<1280xf32, #tpu.memory_space<vmem>>, vector<16xf32>,
      %add3A_114 = arith.addf %get3A_111, %get3A_113 : vector<16xf32>
      %mul3A_115 = arith.mulf %add3A_114, %add3A_114 : vector<16xf32>
      %add3A_116 = arith.addf %add3A_109, %mul3A_115 : vector<16xf32>
      %get3A_117 = arith.constant 208 : index
      %get3A_118 = tpu.vector_load %arg4[%get3A_117] {strides = array<i32>} : memref<1280xf32, #tpu.memory_space<vmem>>, vector<16xf32>,
      %get3A_119 = arith.constant 208 : index
      %get3A_120 = tpu.vector_load %arg5[%get3A_119] {strides = array<i32>} : memref<1280xf32, #tpu.memory_space<vmem>>, vector<16xf32>,
      %add3A_121 = arith.addf %get3A_118, %get3A_120 : vector<16xf32>
      %mul3A_122 = arith.mulf %add3A_121, %add3A_121 : vector<16xf32>
      %add3A_123 = arith.addf %add3A_116, %mul3A_122 : vector<16xf32>
      %get3A_124 = arith.constant 224 : index
      %get3A_125 = tpu.vector_load %arg4[%get3A_124] {strides = array<i32>} : memref<1280xf32, #tpu.memory_space<vmem>>, vector<16xf32>,
      %get3A_126 = arith.constant 224 : index
      %get3A_127 = tpu.vector_load %arg5[%get3A_126] {strides = array<i32>} : memref<1280xf32, #tpu.memory_space<vmem>>, vector<16xf32>,
      %add3A_128 = arith.addf %get3A_125, %get3A_127 : vector<16xf32>
      %mul3A_129 = arith.mulf %add3A_128, %add3A_128 : vector<16xf32>
      %add3A_130 = arith.addf %add3A_123, %mul3A_129 : vector<16xf32>
      %get3A_131 = arith.constant 240 : index
      %get3A_132 = tpu.vector_load %arg4[%get3A_131] {strides = array<i32>} : memref<1280xf32, #tpu.memory_space<vmem>>, vector<16xf32>,
      %get3A_133 = arith.constant 240 : index
      %get3A_134 = tpu.vector_load %arg5[%get3A_133] {strides = array<i32>} : memref<1280xf32, #tpu.memory_space<vmem>>, vector<16xf32>,
      %add3A_135 = arith.addf %get3A_132, %get3A_134 : vector<16xf32>
      %mul3A_136 = arith.mulf %add3A_135, %add3A_135 : vector<16xf32>
      %add3A_137 = arith.addf %add3A_130, %mul3A_136 : vector<16xf32>
      %get3A_138 = arith.constant 256 : index
      %get3A_139 = tpu.vector_load %arg4[%get3A_138] {strides = array<i32>} : memref<1280xf32, #tpu.memory_space<vmem>>, vector<16xf32>,
      %get3A_140 = arith.constant 256 : index
      %get3A_141 = tpu.vector_load %arg5[%get3A_140] {strides = array<i32>} : memref<1280xf32, #tpu.memory_space<vmem>>, vector<16xf32>,
      %add3A_142 = arith.addf %get3A_139, %get3A_141 : vector<16xf32>
      %mul3A_143 = arith.mulf %add3A_142, %add3A_142 : vector<16xf32>
      %add3A_144 = arith.addf %add3A_137, %mul3A_143 : vector<16xf32>
      %get3A_145 = arith.constant 272 : index
      %get3A_146 = tpu.vector_load %arg4[%get3A_145] {strides = array<i32>} : memref<1280xf32, #tpu.memory_space<vmem>>, vector<16xf32>,
      %get3A_147 = arith.constant 272 : index
      %get3A_148 = tpu.vector_load %arg5[%get3A_147] {strides = array<i32>} : memref<1280xf32, #tpu.memory_space<vmem>>, vector<16xf32>,
      %add3A_149 = arith.addf %get3A_146, %get3A_148 : vector<16xf32>
      %mul3A_150 = arith.mulf %add3A_149, %add3A_149 : vector<16xf32>
      %add3A_151 = arith.addf %add3A_144, %mul3A_150 : vector<16xf32>
      %get3A_152 = arith.constant 288 : index
      %get3A_153 = tpu.vector_load %arg4[%get3A_152] {strides = array<i32>} : memref<1280xf32, #tpu.memory_space<vmem>>, vector<16xf32>,
      %get3A_154 = arith.constant 288 : index
      %get3A_155 = tpu.vector_load %arg5[%get3A_154] {strides = array<i32>} : memref<1280xf32, #tpu.memory_space<vmem>>, vector<16xf32>,
      %add3A_156 = arith.addf %get3A_153, %get3A_155 : vector<16xf32>
      %mul3A_157 = arith.mulf %add3A_156, %add3A_156 : vector<16xf32>
      %add3A_158 = arith.addf %add3A_151, %mul3A_157 : vector<16xf32>
      %get3A_159 = arith.constant 304 : index
      %get3A_160 = tpu.vector_load %arg4[%get3A_159] {strides = array<i32>} : memref<1280xf32, #tpu.memory_space<vmem>>, vector<16xf32>,
      %get3A_161 = arith.constant 304 : index
      %get3A_162 = tpu.vector_load %arg5[%get3A_161] {strides = array<i32>} : memref<1280xf32, #tpu.memory_space<vmem>>, vector<16xf32>,
      %add3A_163 = arith.addf %get3A_160, %get3A_162 : vector<16xf32>
      %mul3A_164 = arith.mulf %add3A_163, %add3A_163 : vector<16xf32>
      %add3A_165 = arith.addf %add3A_158, %mul3A_164 : vector<16xf32>
      %get3A_166 = arith.constant 320 : index
      %get3A_167 = tpu.vector_load %arg4[%get3A_166] {strides = array<i32>} : memref<1280xf32, #tpu.memory_space<vmem>>, vector<16xf32>,
      %get3A_168 = arith.constant 320 : index
      %get3A_169 = tpu.vector_load %arg5[%get3A_168] {strides = array<i32>} : memref<1280xf32, #tpu.memory_space<vmem>>, vector<16xf32>,
      %add3A_170 = arith.addf %get3A_167, %get3A_169 : vector<16xf32>
      %mul3A_171 = arith.mulf %add3A_170, %add3A_170 : vector<16xf32>
      %add3A_172 = arith.addf %add3A_165, %mul3A_171 : vector<16xf32>
      %get3A_173 = arith.constant 336 : index
      %get3A_174 = tpu.vector_load %arg4[%get3A_173] {strides = array<i32>} : memref<1280xf32, #tpu.memory_space<vmem>>, vector<16xf32>,
      %get3A_175 = arith.constant 336 : index
      %get3A_176 = tpu.vector_load %arg5[%get3A_175] {strides = array<i32>} : memref<1280xf32, #tpu.memory_space<vmem>>, vector<16xf32>,
      %add3A_177 = arith.addf %get3A_174, %get3A_176 : vector<16xf32>
      %mul3A_178 = arith.mulf %add3A_177, %add3A_177 : vector<16xf32>
      %add3A_179 = arith.addf %add3A_172, %mul3A_178 : vector<16xf32>
      %get3A_180 = arith.constant 352 : index
      %get3A_181 = tpu.vector_load %arg4[%get3A_180] {strides = array<i32>} : memref<1280xf32, #tpu.memory_space<vmem>>, vector<16xf32>,
      %get3A_182 = arith.constant 352 : index
      %get3A_183 = tpu.vector_load %arg5[%get3A_182] {strides = array<i32>} : memref<1280xf32, #tpu.memory_space<vmem>>, vector<16xf32>,
      %add3A_184 = arith.addf %get3A_181, %get3A_183 : vector<16xf32>
      %mul3A_185 = arith.mulf %add3A_184, %add3A_184 : vector<16xf32>
      %add3A_186 = arith.addf %add3A_179, %mul3A_185 : vector<16xf32>
      %get3A_187 = arith.constant 368 : index
      %get3A_188 = tpu.vector_load %arg4[%get3A_187] {strides = array<i32>} : memref<1280xf32, #tpu.memory_space<vmem>>, vector<16xf32>,
      %get3A_189 = arith.constant 368 : index
      %get3A_190 = tpu.vector_load %arg5[%get3A_189] {strides = array<i32>} : memref<1280xf32, #tpu.memory_space<vmem>>, vector<16xf32>,
      %add3A_191 = arith.addf %get3A_188, %get3A_190 : vector<16xf32>
      %mul3A_192 = arith.mulf %add3A_191, %add3A_191 : vector<16xf32>
      %add3A_193 = arith.addf %add3A_186, %mul3A_192 : vector<16xf32>
      %get3A_194 = arith.constant 384 : index
      %get3A_195 = tpu.vector_load %arg4[%get3A_194] {strides = array<i32>} : memref<1280xf32, #tpu.memory_space<vmem>>, vector<16xf32>,
      %get3A_196 = arith.constant 384 : index
      %get3A_197 = tpu.vector_load %arg5[%get3A_196] {strides = array<i32>} : memref<1280xf32, #tpu.memory_space<vmem>>, vector<16xf32>,
      %add3A_198 = arith.addf %get3A_195, %get3A_197 : vector<16xf32>
      %mul3A_199 = arith.mulf %add3A_198, %add3A_198 : vector<16xf32>
      %add3A_200 = arith.addf %add3A_193, %mul3A_199 : vector<16xf32>
      %get3A_201 = arith.constant 400 : index
      %get3A_202 = tpu.vector_load %arg4[%get3A_201] {strides = array<i32>} : memref<1280xf32, #tpu.memory_space<vmem>>, vector<16xf32>,
      %get3A_203 = arith.constant 400 : index
      %get3A_204 = tpu.vector_load %arg5[%get3A_203] {strides = array<i32>} : memref<1280xf32, #tpu.memory_space<vmem>>, vector<16xf32>,
      %add3A_205 = arith.addf %get3A_202, %get3A_204 : vector<16xf32>
      %mul3A_206 = arith.mulf %add3A_205, %add3A_205 : vector<16xf32>
      %add3A_207 = arith.addf %add3A_200, %mul3A_206 : vector<16xf32>
      %get3A_208 = arith.constant 416 : index
      %get3A_209 = tpu.vector_load %arg4[%get3A_208] {strides = array<i32>} : memref<1280xf32, #tpu.memory_space<vmem>>, vector<16xf32>,
      %get3A_210 = arith.constant 416 : index
      %get3A_211 = tpu.vector_load %arg5[%get3A_210] {strides = array<i32>} : memref<1280xf32, #tpu.memory_space<vmem>>, vector<16xf32>,
      %add3A_212 = arith.addf %get3A_209, %get3A_211 : vector<16xf32>
      %mul3A_213 = arith.mulf %add3A_212, %add3A_212 : vector<16xf32>
      %add3A_214 = arith.addf %add3A_207, %mul3A_213 : vector<16xf32>
      %get3A_215 = arith.constant 432 : index
      %get3A_216 = tpu.vector_load %arg4[%get3A_215] {strides = array<i32>} : memref<1280xf32, #tpu.memory_space<vmem>>, vector<16xf32>,
      %get3A_217 = arith.constant 432 : index
      %get3A_218 = tpu.vector_load %arg5[%get3A_217] {strides = array<i32>} : memref<1280xf32, #tpu.memory_space<vmem>>, vector<16xf32>,
      %add3A_219 = arith.addf %get3A_216, %get3A_218 : vector<16xf32>
      %mul3A_220 = arith.mulf %add3A_219, %add3A_219 : vector<16xf32>
      %add3A_221 = arith.addf %add3A_214, %mul3A_220 : vector<16xf32>
      %get3A_222 = arith.constant 448 : index
      %get3A_223 = tpu.vector_load %arg4[%get3A_222] {strides = array<i32>} : memref<1280xf32, #tpu.memory_space<vmem>>, vector<16xf32>,
      %get3A_224 = arith.constant 448 : index
      %get3A_225 = tpu.vector_load %arg5[%get3A_224] {strides = array<i32>} : memref<1280xf32, #tpu.memory_space<vmem>>, vector<16xf32>,
      %add3A_226 = arith.addf %get3A_223, %get3A_225 : vector<16xf32>
      %mul3A_227 = arith.mulf %add3A_226, %add3A_226 : vector<16xf32>
      %add3A_228 = arith.addf %add3A_221, %mul3A_227 : vector<16xf32>
      %get3A_229 = arith.constant 464 : index
      %get3A_230 = tpu.vector_load %arg4[%get3A_229] {strides = array<i32>} : memref<1280xf32, #tpu.memory_space<vmem>>, vector<16xf32>,
      %get3A_231 = arith.constant 464 : index
      %get3A_232 = tpu.vector_load %arg5[%get3A_231] {strides = array<i32>} : memref<1280xf32, #tpu.memory_space<vmem>>, vector<16xf32>,
      %add3A_233 = arith.addf %get3A_230, %get3A_232 : vector<16xf32>
      %mul3A_234 = arith.mulf %add3A_233, %add3A_233 : vector<16xf32>
      %add3A_235 = arith.addf %add3A_228, %mul3A_234 : vector<16xf32>
      %get3A_236 = arith.constant 480 : index
      %get3A_237 = tpu.vector_load %arg4[%get3A_236] {strides = array<i32>} : memref<1280xf32, #tpu.memory_space<vmem>>, vector<16xf32>,
      %get3A_238 = arith.constant 480 : index
      %get3A_239 = tpu.vector_load %arg5[%get3A_238] {strides = array<i32>} : memref<1280xf32, #tpu.memory_space<vmem>>, vector<16xf32>,
      %add3A_240 = arith.addf %get3A_237, %get3A_239 : vector<16xf32>
      %mul3A_241 = arith.mulf %add3A_240, %add3A_240 : vector<16xf32>
      %add3A_242 = arith.addf %add3A_235, %mul3A_241 : vector<16xf32>
      %get3A_243 = arith.constant 496 : index
      %get3A_244 = tpu.vector_load %arg4[%get3A_243] {strides = array<i32>} : memref<1280xf32, #tpu.memory_space<vmem>>, vector<16xf32>,
      %get3A_245 = arith.constant 496 : index
      %get3A_246 = tpu.vector_load %arg5[%get3A_245] {strides = array<i32>} : memref<1280xf32, #tpu.memory_space<vmem>>, vector<16xf32>,
      %add3A_247 = arith.addf %get3A_244, %get3A_246 : vector<16xf32>
      %mul3A_248 = arith.mulf %add3A_247, %add3A_247 : vector<16xf32>
      %add3A_249 = arith.addf %add3A_242, %mul3A_248 : vector<16xf32>
      %get3A_250 = arith.constant 512 : index
      %get3A_251 = tpu.vector_load %arg4[%get3A_250] {strides = array<i32>} : memref<1280xf32, #tpu.memory_space<vmem>>, vector<16xf32>,
      %get3A_252 = arith.constant 512 : index
      %get3A_253 = tpu.vector_load %arg5[%get3A_252] {strides = array<i32>} : memref<1280xf32, #tpu.memory_space<vmem>>, vector<16xf32>,
      %add3A_254 = arith.addf %get3A_251, %get3A_253 : vector<16xf32>
      %mul3A_255 = arith.mulf %add3A_254, %add3A_254 : vector<16xf32>
      %add3A_256 = arith.addf %add3A_249, %mul3A_255 : vector<16xf32>
      %get3A_257 = arith.constant 528 : index
      %get3A_258 = tpu.vector_load %arg4[%get3A_257] {strides = array<i32>} : memref<1280xf32, #tpu.memory_space<vmem>>, vector<16xf32>,
      %get3A_259 = arith.constant 528 : index
      %get3A_260 = tpu.vector_load %arg5[%get3A_259] {strides = array<i32>} : memref<1280xf32, #tpu.memory_space<vmem>>, vector<16xf32>,
      %add3A_261 = arith.addf %get3A_258, %get3A_260 : vector<16xf32>
      %mul3A_262 = arith.mulf %add3A_261, %add3A_261 : vector<16xf32>
      %add3A_263 = arith.addf %add3A_256, %mul3A_262 : vector<16xf32>
      %get3A_264 = arith.constant 544 : index
      %get3A_265 = tpu.vector_load %arg4[%get3A_264] {strides = array<i32>} : memref<1280xf32, #tpu.memory_space<vmem>>, vector<16xf32>,
      %get3A_266 = arith.constant 544 : index
      %get3A_267 = tpu.vector_load %arg5[%get3A_266] {strides = array<i32>} : memref<1280xf32, #tpu.memory_space<vmem>>, vector<16xf32>,
      %add3A_268 = arith.addf %get3A_265, %get3A_267 : vector<16xf32>
      %mul3A_269 = arith.mulf %add3A_268, %add3A_268 : vector<16xf32>
      %add3A_270 = arith.addf %add3A_263, %mul3A_269 : vector<16xf32>
      %get3A_271 = arith.constant 560 : index
      %get3A_272 = tpu.vector_load %arg4[%get3A_271] {strides = array<i32>} : memref<1280xf32, #tpu.memory_space<vmem>>, vector<16xf32>,
      %get3A_273 = arith.constant 560 : index
      %get3A_274 = tpu.vector_load %arg5[%get3A_273] {strides = array<i32>} : memref<1280xf32, #tpu.memory_space<vmem>>, vector<16xf32>,
      %add3A_275 = arith.addf %get3A_272, %get3A_274 : vector<16xf32>
      %mul3A_276 = arith.mulf %add3A_275, %add3A_275 : vector<16xf32>
      %add3A_277 = arith.addf %add3A_270, %mul3A_276 : vector<16xf32>
      %get3A_278 = arith.constant 576 : index
      %get3A_279 = tpu.vector_load %arg4[%get3A_278] {strides = array<i32>} : memref<1280xf32, #tpu.memory_space<vmem>>, vector<16xf32>,
      %get3A_280 = arith.constant 576 : index
      %get3A_281 = tpu.vector_load %arg5[%get3A_280] {strides = array<i32>} : memref<1280xf32, #tpu.memory_space<vmem>>, vector<16xf32>,
      %add3A_282 = arith.addf %get3A_279, %get3A_281 : vector<16xf32>
      %mul3A_283 = arith.mulf %add3A_282, %add3A_282 : vector<16xf32>
      %add3A_284 = arith.addf %add3A_277, %mul3A_283 : vector<16xf32>
      %get3A_285 = arith.constant 592 : index
      %get3A_286 = tpu.vector_load %arg4[%get3A_285] {strides = array<i32>} : memref<1280xf32, #tpu.memory_space<vmem>>, vector<16xf32>,
      %get3A_287 = arith.constant 592 : index
      %get3A_288 = tpu.vector_load %arg5[%get3A_287] {strides = array<i32>} : memref<1280xf32, #tpu.memory_space<vmem>>, vector<16xf32>,
      %add3A_289 = arith.addf %get3A_286, %get3A_288 : vector<16xf32>
      %mul3A_290 = arith.mulf %add3A_289, %add3A_289 : vector<16xf32>
      %add3A_291 = arith.addf %add3A_284, %mul3A_290 : vector<16xf32>
      %get3A_292 = arith.constant 608 : index
      %get3A_293 = tpu.vector_load %arg4[%get3A_292] {strides = array<i32>} : memref<1280xf32, #tpu.memory_space<vmem>>, vector<16xf32>,
      %get3A_294 = arith.constant 608 : index
      %get3A_295 = tpu.vector_load %arg5[%get3A_294] {strides = array<i32>} : memref<1280xf32, #tpu.memory_space<vmem>>, vector<16xf32>,
      %add3A_296 = arith.addf %get3A_293, %get3A_295 : vector<16xf32>
      %mul3A_297 = arith.mulf %add3A_296, %add3A_296 : vector<16xf32>
      %add3A_298 = arith.addf %add3A_291, %mul3A_297 : vector<16xf32>
      %get3A_299 = arith.constant 624 : index
      %get3A_300 = tpu.vector_load %arg4[%get3A_299] {strides = array<i32>} : memref<1280xf32, #tpu.memory_space<vmem>>, vector<16xf32>,
      %get3A_301 = arith.constant 624 : index
      %get3A_302 = tpu.vector_load %arg5[%get3A_301] {strides = array<i32>} : memref<1280xf32, #tpu.memory_space<vmem>>, vector<16xf32>,
      %add3A_303 = arith.addf %get3A_300, %get3A_302 : vector<16xf32>
      %mul3A_304 = arith.mulf %add3A_303, %add3A_303 : vector<16xf32>
      %add3A_305 = arith.addf %add3A_298, %mul3A_304 : vector<16xf32>
      %get3A_306 = arith.constant 640 : index
      %get3A_307 = tpu.vector_load %arg4[%get3A_306] {strides = array<i32>} : memref<1280xf32, #tpu.memory_space<vmem>>, vector<16xf32>,
      %get3A_308 = arith.constant 640 : index
      %get3A_309 = tpu.vector_load %arg5[%get3A_308] {strides = array<i32>} : memref<1280xf32, #tpu.memory_space<vmem>>, vector<16xf32>,
      %add3A_310 = arith.addf %get3A_307, %get3A_309 : vector<16xf32>
      %mul3A_311 = arith.mulf %add3A_310, %add3A_310 : vector<16xf32>
      %add3A_312 = arith.addf %add3A_305, %mul3A_311 : vector<16xf32>
      %get3A_313 = arith.constant 656 : index
      %get3A_314 = tpu.vector_load %arg4[%get3A_313] {strides = array<i32>} : memref<1280xf32, #tpu.memory_space<vmem>>, vector<16xf32>,
      %get3A_315 = arith.constant 656 : index
      %get3A_316 = tpu.vector_load %arg5[%get3A_315] {strides = array<i32>} : memref<1280xf32, #tpu.memory_space<vmem>>, vector<16xf32>,
      %add3A_317 = arith.addf %get3A_314, %get3A_316 : vector<16xf32>
      %mul3A_318 = arith.mulf %add3A_317, %add3A_317 : vector<16xf32>
      %add3A_319 = arith.addf %add3A_312, %mul3A_318 : vector<16xf32>
      %get3A_320 = arith.constant 672 : index
      %get3A_321 = tpu.vector_load %arg4[%get3A_320] {strides = array<i32>} : memref<1280xf32, #tpu.memory_space<vmem>>, vector<16xf32>,
      %get3A_322 = arith.constant 672 : index
      %get3A_323 = tpu.vector_load %arg5[%get3A_322] {strides = array<i32>} : memref<1280xf32, #tpu.memory_space<vmem>>, vector<16xf32>,
      %add3A_324 = arith.addf %get3A_321, %get3A_323 : vector<16xf32>
      %mul3A_325 = arith.mulf %add3A_324, %add3A_324 : vector<16xf32>
      %add3A_326 = arith.addf %add3A_319, %mul3A_325 : vector<16xf32>
      %get3A_327 = arith.constant 688 : index
      %get3A_328 = tpu.vector_load %arg4[%get3A_327] {strides = array<i32>} : memref<1280xf32, #tpu.memory_space<vmem>>, vector<16xf32>,
      %get3A_329 = arith.constant 688 : index
      %get3A_330 = tpu.vector_load %arg5[%get3A_329] {strides = array<i32>} : memref<1280xf32, #tpu.memory_space<vmem>>, vector<16xf32>,
      %add3A_331 = arith.addf %get3A_328, %get3A_330 : vector<16xf32>
      %mul3A_332 = arith.mulf %add3A_331, %add3A_331 : vector<16xf32>
      %add3A_333 = arith.addf %add3A_326, %mul3A_332 : vector<16xf32>
      %get3A_334 = arith.constant 704 : index
      %get3A_335 = tpu.vector_load %arg4[%get3A_334] {strides = array<i32>} : memref<1280xf32, #tpu.memory_space<vmem>>, vector<16xf32>,
      %get3A_336 = arith.constant 704 : index
      %get3A_337 = tpu.vector_load %arg5[%get3A_336] {strides = array<i32>} : memref<1280xf32, #tpu.memory_space<vmem>>, vector<16xf32>,
      %add3A_338 = arith.addf %get3A_335, %get3A_337 : vector<16xf32>
      %mul3A_339 = arith.mulf %add3A_338, %add3A_338 : vector<16xf32>
      %add3A_340 = arith.addf %add3A_333, %mul3A_339 : vector<16xf32>
      %get3A_341 = arith.constant 720 : index
      %get3A_342 = tpu.vector_load %arg4[%get3A_341] {strides = array<i32>} : memref<1280xf32, #tpu.memory_space<vmem>>, vector<16xf32>,
      %get3A_343 = arith.constant 720 : index
      %get3A_344 = tpu.vector_load %arg5[%get3A_343] {strides = array<i32>} : memref<1280xf32, #tpu.memory_space<vmem>>, vector<16xf32>,
      %add3A_345 = arith.addf %get3A_342, %get3A_344 : vector<16xf32>
      %mul3A_346 = arith.mulf %add3A_345, %add3A_345 : vector<16xf32>
      %add3A_347 = arith.addf %add3A_340, %mul3A_346 : vector<16xf32>
      %get3A_348 = arith.constant 736 : index
      %get3A_349 = tpu.vector_load %arg4[%get3A_348] {strides = array<i32>} : memref<1280xf32, #tpu.memory_space<vmem>>, vector<16xf32>,
      %get3A_350 = arith.constant 736 : index
      %get3A_351 = tpu.vector_load %arg5[%get3A_350] {strides = array<i32>} : memref<1280xf32, #tpu.memory_space<vmem>>, vector<16xf32>,
      %add3A_352 = arith.addf %get3A_349, %get3A_351 : vector<16xf32>
      %mul3A_353 = arith.mulf %add3A_352, %add3A_352 : vector<16xf32>
      %add3A_354 = arith.addf %add3A_347, %mul3A_353 : vector<16xf32>
      %get3A_355 = arith.constant 752 : index
      %get3A_356 = tpu.vector_load %arg4[%get3A_355] {strides = array<i32>} : memref<1280xf32, #tpu.memory_space<vmem>>, vector<16xf32>,
      %get3A_357 = arith.constant 752 : index
      %get3A_358 = tpu.vector_load %arg5[%get3A_357] {strides = array<i32>} : memref<1280xf32, #tpu.memory_space<vmem>>, vector<16xf32>,
      %add3A_359 = arith.addf %get3A_356, %get3A_358 : vector<16xf32>
      %mul3A_360 = arith.mulf %add3A_359, %add3A_359 : vector<16xf32>
      %add3A_361 = arith.addf %add3A_354, %mul3A_360 : vector<16xf32>
      %get3A_362 = arith.constant 768 : index
      %get3A_363 = tpu.vector_load %arg4[%get3A_362] {strides = array<i32>} : memref<1280xf32, #tpu.memory_space<vmem>>, vector<16xf32>,
      %get3A_364 = arith.constant 768 : index
      %get3A_365 = tpu.vector_load %arg5[%get3A_364] {strides = array<i32>} : memref<1280xf32, #tpu.memory_space<vmem>>, vector<16xf32>,
      %add3A_366 = arith.addf %get3A_363, %get3A_365 : vector<16xf32>
      %mul3A_367 = arith.mulf %add3A_366, %add3A_366 : vector<16xf32>
      %add3A_368 = arith.addf %add3A_361, %mul3A_367 : vector<16xf32>
      %get3A_369 = arith.constant 784 : index
      %get3A_370 = tpu.vector_load %arg4[%get3A_369] {strides = array<i32>} : memref<1280xf32, #tpu.memory_space<vmem>>, vector<16xf32>,
      %get3A_371 = arith.constant 784 : index
      %get3A_372 = tpu.vector_load %arg5[%get3A_371] {strides = array<i32>} : memref<1280xf32, #tpu.memory_space<vmem>>, vector<16xf32>,
      %add3A_373 = arith.addf %get3A_370, %get3A_372 : vector<16xf32>
      %mul3A_374 = arith.mulf %add3A_373, %add3A_373 : vector<16xf32>
      %add3A_375 = arith.addf %add3A_368, %mul3A_374 : vector<16xf32>
      %get3A_376 = arith.constant 800 : index
      %get3A_377 = tpu.vector_load %arg4[%get3A_376] {strides = array<i32>} : memref<1280xf32, #tpu.memory_space<vmem>>, vector<16xf32>,
      %get3A_378 = arith.constant 800 : index
      %get3A_379 = tpu.vector_load %arg5[%get3A_378] {strides = array<i32>} : memref<1280xf32, #tpu.memory_space<vmem>>, vector<16xf32>,
      %add3A_380 = arith.addf %get3A_377, %get3A_379 : vector<16xf32>
      %mul3A_381 = arith.mulf %add3A_380, %add3A_380 : vector<16xf32>
      %add3A_382 = arith.addf %add3A_375, %mul3A_381 : vector<16xf32>
      %get3A_383 = arith.constant 816 : index
      %get3A_384 = tpu.vector_load %arg4[%get3A_383] {strides = array<i32>} : memref<1280xf32, #tpu.memory_space<vmem>>, vector<16xf32>,
      %get3A_385 = arith.constant 816 : index
      %get3A_386 = tpu.vector_load %arg5[%get3A_385] {strides = array<i32>} : memref<1280xf32, #tpu.memory_space<vmem>>, vector<16xf32>,
      %add3A_387 = arith.addf %get3A_384, %get3A_386 : vector<16xf32>
      %mul3A_388 = arith.mulf %add3A_387, %add3A_387 : vector<16xf32>
      %add3A_389 = arith.addf %add3A_382, %mul3A_388 : vector<16xf32>
      %get3A_390 = arith.constant 832 : index
      %get3A_391 = tpu.vector_load %arg4[%get3A_390] {strides = array<i32>} : memref<1280xf32, #tpu.memory_space<vmem>>, vector<16xf32>,
      %get3A_392 = arith.constant 832 : index
      %get3A_393 = tpu.vector_load %arg5[%get3A_392] {strides = array<i32>} : memref<1280xf32, #tpu.memory_space<vmem>>, vector<16xf32>,
      %add3A_394 = arith.addf %get3A_391, %get3A_393 : vector<16xf32>
      %mul3A_395 = arith.mulf %add3A_394, %add3A_394 : vector<16xf32>
      %add3A_396 = arith.addf %add3A_389, %mul3A_395 : vector<16xf32>
      %get3A_397 = arith.constant 848 : index
      %get3A_398 = tpu.vector_load %arg4[%get3A_397] {strides = array<i32>} : memref<1280xf32, #tpu.memory_space<vmem>>, vector<16xf32>,
      %get3A_399 = arith.constant 848 : index
      %get3A_400 = tpu.vector_load %arg5[%get3A_399] {strides = array<i32>} : memref<1280xf32, #tpu.memory_space<vmem>>, vector<16xf32>,
      %add3A_401 = arith.addf %get3A_398, %get3A_400 : vector<16xf32>
      %mul3A_402 = arith.mulf %add3A_401, %add3A_401 : vector<16xf32>
      %add3A_403 = arith.addf %add3A_396, %mul3A_402 : vector<16xf32>
      %get3A_404 = arith.constant 864 : index
      %get3A_405 = tpu.vector_load %arg4[%get3A_404] {strides = array<i32>} : memref<1280xf32, #tpu.memory_space<vmem>>, vector<16xf32>,
      %get3A_406 = arith.constant 864 : index
      %get3A_407 = tpu.vector_load %arg5[%get3A_406] {strides = array<i32>} : memref<1280xf32, #tpu.memory_space<vmem>>, vector<16xf32>,
      %add3A_408 = arith.addf %get3A_405, %get3A_407 : vector<16xf32>
      %mul3A_409 = arith.mulf %add3A_408, %add3A_408 : vector<16xf32>
      %add3A_410 = arith.addf %add3A_403, %mul3A_409 : vector<16xf32>
      %get3A_411 = arith.constant 880 : index
      %get3A_412 = tpu.vector_load %arg4[%get3A_411] {strides = array<i32>} : memref<1280xf32, #tpu.memory_space<vmem>>, vector<16xf32>,
      %get3A_413 = arith.constant 880 : index
      %get3A_414 = tpu.vector_load %arg5[%get3A_413] {strides = array<i32>} : memref<1280xf32, #tpu.memory_space<vmem>>, vector<16xf32>,
      %add3A_415 = arith.addf %get3A_412, %get3A_414 : vector<16xf32>
      %mul3A_416 = arith.mulf %add3A_415, %add3A_415 : vector<16xf32>
      %add3A_417 = arith.addf %add3A_410, %mul3A_416 : vector<16xf32>
      %get3A_418 = arith.constant 896 : index
      %get3A_419 = tpu.vector_load %arg4[%get3A_418] {strides = array<i32>} : memref<1280xf32, #tpu.memory_space<vmem>>, vector<16xf32>,
      %get3A_420 = arith.constant 896 : index
      %get3A_421 = tpu.vector_load %arg5[%get3A_420] {strides = array<i32>} : memref<1280xf32, #tpu.memory_space<vmem>>, vector<16xf32>,
      %add3A_422 = arith.addf %get3A_419, %get3A_421 : vector<16xf32>
      %mul3A_423 = arith.mulf %add3A_422, %add3A_422 : vector<16xf32>
      %add3A_424 = arith.addf %add3A_417, %mul3A_423 : vector<16xf32>
      %get3A_425 = arith.constant 912 : index
      %get3A_426 = tpu.vector_load %arg4[%get3A_425] {strides = array<i32>} : memref<1280xf32, #tpu.memory_space<vmem>>, vector<16xf32>,
      %get3A_427 = arith.constant 912 : index
      %get3A_428 = tpu.vector_load %arg5[%get3A_427] {strides = array<i32>} : memref<1280xf32, #tpu.memory_space<vmem>>, vector<16xf32>,
      %add3A_429 = arith.addf %get3A_426, %get3A_428 : vector<16xf32>
      %mul3A_430 = arith.mulf %add3A_429, %add3A_429 : vector<16xf32>
      %add3A_431 = arith.addf %add3A_424, %mul3A_430 : vector<16xf32>
      %get3A_432 = arith.constant 928 : index
      %get3A_433 = tpu.vector_load %arg4[%get3A_432] {strides = array<i32>} : memref<1280xf32, #tpu.memory_space<vmem>>, vector<16xf32>,
      %get3A_434 = arith.constant 928 : index
      %get3A_435 = tpu.vector_load %arg5[%get3A_434] {strides = array<i32>} : memref<1280xf32, #tpu.memory_space<vmem>>, vector<16xf32>,
      %add3A_436 = arith.addf %get3A_433, %get3A_435 : vector<16xf32>
      %mul3A_437 = arith.mulf %add3A_436, %add3A_436 : vector<16xf32>
      %add3A_438 = arith.addf %add3A_431, %mul3A_437 : vector<16xf32>
      %get3A_439 = arith.constant 944 : index
      %get3A_440 = tpu.vector_load %arg4[%get3A_439] {strides = array<i32>} : memref<1280xf32, #tpu.memory_space<vmem>>, vector<16xf32>,
      %get3A_441 = arith.constant 944 : index
      %get3A_442 = tpu.vector_load %arg5[%get3A_441] {strides = array<i32>} : memref<1280xf32, #tpu.memory_space<vmem>>, vector<16xf32>,
      %add3A_443 = arith.addf %get3A_440, %get3A_442 : vector<16xf32>
      %mul3A_444 = arith.mulf %add3A_443, %add3A_443 : vector<16xf32>
      %add3A_445 = arith.addf %add3A_438, %mul3A_444 : vector<16xf32>
      %get3A_446 = arith.constant 960 : index
      %get3A_447 = tpu.vector_load %arg4[%get3A_446] {strides = array<i32>} : memref<1280xf32, #tpu.memory_space<vmem>>, vector<16xf32>,
      %get3A_448 = arith.constant 960 : index
      %get3A_449 = tpu.vector_load %arg5[%get3A_448] {strides = array<i32>} : memref<1280xf32, #tpu.memory_space<vmem>>, vector<16xf32>,
      %add3A_450 = arith.addf %get3A_447, %get3A_449 : vector<16xf32>
      %mul3A_451 = arith.mulf %add3A_450, %add3A_450 : vector<16xf32>
      %add3A_452 = arith.addf %add3A_445, %mul3A_451 : vector<16xf32>
      %get3A_453 = arith.constant 976 : index
      %get3A_454 = tpu.vector_load %arg4[%get3A_453] {strides = array<i32>} : memref<1280xf32, #tpu.memory_space<vmem>>, vector<16xf32>,
      %get3A_455 = arith.constant 976 : index
      %get3A_456 = tpu.vector_load %arg5[%get3A_455] {strides = array<i32>} : memref<1280xf32, #tpu.memory_space<vmem>>, vector<16xf32>,
      %add3A_457 = arith.addf %get3A_454, %get3A_456 : vector<16xf32>
      %mul3A_458 = arith.mulf %add3A_457, %add3A_457 : vector<16xf32>
      %add3A_459 = arith.addf %add3A_452, %mul3A_458 : vector<16xf32>
      %get3A_460 = arith.constant 992 : index
      %get3A_461 = tpu.vector_load %arg4[%get3A_460] {strides = array<i32>} : memref<1280xf32, #tpu.memory_space<vmem>>, vector<16xf32>,
      %get3A_462 = arith.constant 992 : index
      %get3A_463 = tpu.vector_load %arg5[%get3A_462] {strides = array<i32>} : memref<1280xf32, #tpu.memory_space<vmem>>, vector<16xf32>,
      %add3A_464 = arith.addf %get3A_461, %get3A_463 : vector<16xf32>
      %mul3A_465 = arith.mulf %add3A_464, %add3A_464 : vector<16xf32>
      %add3A_466 = arith.addf %add3A_459, %mul3A_465 : vector<16xf32>
      %get3A_467 = arith.constant 1008 : index
      %get3A_468 = tpu.vector_load %arg4[%get3A_467] {strides = array<i32>} : memref<1280xf32, #tpu.memory_space<vmem>>, vector<16xf32>,
      %get3A_469 = arith.constant 1008 : index
      %get3A_470 = tpu.vector_load %arg5[%get3A_469] {strides = array<i32>} : memref<1280xf32, #tpu.memory_space<vmem>>, vector<16xf32>,
      %add3A_471 = arith.addf %get3A_468, %get3A_470 : vector<16xf32>
      %mul3A_472 = arith.mulf %add3A_471, %add3A_471 : vector<16xf32>
      %add3A_473 = arith.addf %add3A_466, %mul3A_472 : vector<16xf32>
      %get3A_474 = arith.constant 1024 : index
      %get3A_475 = tpu.vector_load %arg4[%get3A_474] {strides = array<i32>} : memref<1280xf32, #tpu.memory_space<vmem>>, vector<16xf32>,
      %get3A_476 = arith.constant 1024 : index
      %get3A_477 = tpu.vector_load %arg5[%get3A_476] {strides = array<i32>} : memref<1280xf32, #tpu.memory_space<vmem>>, vector<16xf32>,
      %add3A_478 = arith.addf %get3A_475, %get3A_477 : vector<16xf32>
      %mul3A_479 = arith.mulf %add3A_478, %add3A_478 : vector<16xf32>
      %add3A_480 = arith.addf %add3A_473, %mul3A_479 : vector<16xf32>
      %get3A_481 = arith.constant 1040 : index
      %get3A_482 = tpu.vector_load %arg4[%get3A_481] {strides = array<i32>} : memref<1280xf32, #tpu.memory_space<vmem>>, vector<16xf32>,
      %get3A_483 = arith.constant 1040 : index
      %get3A_484 = tpu.vector_load %arg5[%get3A_483] {strides = array<i32>} : memref<1280xf32, #tpu.memory_space<vmem>>, vector<16xf32>,
      %add3A_485 = arith.addf %get3A_482, %get3A_484 : vector<16xf32>
      %mul3A_486 = arith.mulf %add3A_485, %add3A_485 : vector<16xf32>
      %add3A_487 = arith.addf %add3A_480, %mul3A_486 : vector<16xf32>
      %get3A_488 = arith.constant 1056 : index
      %get3A_489 = tpu.vector_load %arg4[%get3A_488] {strides = array<i32>} : memref<1280xf32, #tpu.memory_space<vmem>>, vector<16xf32>,
      %get3A_490 = arith.constant 1056 : index
      %get3A_491 = tpu.vector_load %arg5[%get3A_490] {strides = array<i32>} : memref<1280xf32, #tpu.memory_space<vmem>>, vector<16xf32>,
      %add3A_492 = arith.addf %get3A_489, %get3A_491 : vector<16xf32>
      %mul3A_493 = arith.mulf %add3A_492, %add3A_492 : vector<16xf32>
      %add3A_494 = arith.addf %add3A_487, %mul3A_493 : vector<16xf32>
      %get3A_495 = arith.constant 1072 : index
      %get3A_496 = tpu.vector_load %arg4[%get3A_495] {strides = array<i32>} : memref<1280xf32, #tpu.memory_space<vmem>>, vector<16xf32>,
      %get3A_497 = arith.constant 1072 : index
      %get3A_498 = tpu.vector_load %arg5[%get3A_497] {strides = array<i32>} : memref<1280xf32, #tpu.memory_space<vmem>>, vector<16xf32>,
      %add3A_499 = arith.addf %get3A_496, %get3A_498 : vector<16xf32>
      %mul3A_500 = arith.mulf %add3A_499, %add3A_499 : vector<16xf32>
      %add3A_501 = arith.addf %add3A_494, %mul3A_500 : vector<16xf32>
      %get3A_502 = arith.constant 1088 : index
      %get3A_503 = tpu.vector_load %arg4[%get3A_502] {strides = array<i32>} : memref<1280xf32, #tpu.memory_space<vmem>>, vector<16xf32>,
      %get3A_504 = arith.constant 1088 : index
      %get3A_505 = tpu.vector_load %arg5[%get3A_504] {strides = array<i32>} : memref<1280xf32, #tpu.memory_space<vmem>>, vector<16xf32>,
      %add3A_506 = arith.addf %get3A_503, %get3A_505 : vector<16xf32>
      %mul3A_507 = arith.mulf %add3A_506, %add3A_506 : vector<16xf32>
      %add3A_508 = arith.addf %add3A_501, %mul3A_507 : vector<16xf32>
      %get3A_509 = arith.constant 1104 : index
      %get3A_510 = tpu.vector_load %arg4[%get3A_509] {strides = array<i32>} : memref<1280xf32, #tpu.memory_space<vmem>>, vector<16xf32>,
      %get3A_511 = arith.constant 1104 : index
      %get3A_512 = tpu.vector_load %arg5[%get3A_511] {strides = array<i32>} : memref<1280xf32, #tpu.memory_space<vmem>>, vector<16xf32>,
      %add3A_513 = arith.addf %get3A_510, %get3A_512 : vector<16xf32>
      %mul3A_514 = arith.mulf %add3A_513, %add3A_513 : vector<16xf32>
      %add3A_515 = arith.addf %add3A_508, %mul3A_514 : vector<16xf32>
      %get3A_516 = arith.constant 1120 : index
      %get3A_517 = tpu.vector_load %arg4[%get3A_516] {strides = array<i32>} : memref<1280xf32, #tpu.memory_space<vmem>>, vector<16xf32>,
      %get3A_518 = arith.constant 1120 : index
      %get3A_519 = tpu.vector_load %arg5[%get3A_518] {strides = array<i32>} : memref<1280xf32, #tpu.memory_space<vmem>>, vector<16xf32>,
      %add3A_520 = arith.addf %get3A_517, %get3A_519 : vector<16xf32>
      %mul3A_521 = arith.mulf %add3A_520, %add3A_520 : vector<16xf32>
      %add3A_522 = arith.addf %add3A_515, %mul3A_521 : vector<16xf32>
      %get3A_523 = arith.constant 1136 : index
      %get3A_524 = tpu.vector_load %arg4[%get3A_523] {strides = array<i32>} : memref<1280xf32, #tpu.memory_space<vmem>>, vector<16xf32>,
      %get3A_525 = arith.constant 1136 : index
      %get3A_526 = tpu.vector_load %arg5[%get3A_525] {strides = array<i32>} : memref<1280xf32, #tpu.memory_space<vmem>>, vector<16xf32>,
      %add3A_527 = arith.addf %get3A_524, %get3A_526 : vector<16xf32>
      %mul3A_528 = arith.mulf %add3A_527, %add3A_527 : vector<16xf32>
      %add3A_529 = arith.addf %add3A_522, %mul3A_528 : vector<16xf32>
      %get3A_530 = arith.constant 1152 : index
      %get3A_531 = tpu.vector_load %arg4[%get3A_530] {strides = array<i32>} : memref<1280xf32, #tpu.memory_space<vmem>>, vector<16xf32>,
      %get3A_532 = arith.constant 1152 : index
      %get3A_533 = tpu.vector_load %arg5[%get3A_532] {strides = array<i32>} : memref<1280xf32, #tpu.memory_space<vmem>>, vector<16xf32>,
      %add3A_534 = arith.addf %get3A_531, %get3A_533 : vector<16xf32>
      %mul3A_535 = arith.mulf %add3A_534, %add3A_534 : vector<16xf32>
      %add3A_536 = arith.addf %add3A_529, %mul3A_535 : vector<16xf32>
      %get3A_537 = arith.constant 1168 : index
      %get3A_538 = tpu.vector_load %arg4[%get3A_537] {strides = array<i32>} : memref<1280xf32, #tpu.memory_space<vmem>>, vector<16xf32>,
      %get3A_539 = arith.constant 1168 : index
      %get3A_540 = tpu.vector_load %arg5[%get3A_539] {strides = array<i32>} : memref<1280xf32, #tpu.memory_space<vmem>>, vector<16xf32>,
      %add3A_541 = arith.addf %get3A_538, %get3A_540 : vector<16xf32>
      %mul3A_542 = arith.mulf %add3A_541, %add3A_541 : vector<16xf32>
      %add3A_543 = arith.addf %add3A_536, %mul3A_542 : vector<16xf32>
      %get3A_544 = arith.constant 1184 : index
      %get3A_545 = tpu.vector_load %arg4[%get3A_544] {strides = array<i32>} : memref<1280xf32, #tpu.memory_space<vmem>>, vector<16xf32>,
      %get3A_546 = arith.constant 1184 : index
      %get3A_547 = tpu.vector_load %arg5[%get3A_546] {strides = array<i32>} : memref<1280xf32, #tpu.memory_space<vmem>>, vector<16xf32>,
      %add3A_548 = arith.addf %get3A_545, %get3A_547 : vector<16xf32>
      %mul3A_549 = arith.mulf %add3A_548, %add3A_548 : vector<16xf32>
      %add3A_550 = arith.addf %add3A_543, %mul3A_549 : vector<16xf32>
      %get3A_551 = arith.constant 1200 : index
      %get3A_552 = tpu.vector_load %arg4[%get3A_551] {strides = array<i32>} : memref<1280xf32, #tpu.memory_space<vmem>>, vector<16xf32>,
      %get3A_553 = arith.constant 1200 : index
      %get3A_554 = tpu.vector_load %arg5[%get3A_553] {strides = array<i32>} : memref<1280xf32, #tpu.memory_space<vmem>>, vector<16xf32>,
      %add3A_555 = arith.addf %get3A_552, %get3A_554 : vector<16xf32>
      %mul3A_556 = arith.mulf %add3A_555, %add3A_555 : vector<16xf32>
      %add3A_557 = arith.addf %add3A_550, %mul3A_556 : vector<16xf32>
      %get3A_558 = arith.constant 1216 : index
      %get3A_559 = tpu.vector_load %arg4[%get3A_558] {strides = array<i32>} : memref<1280xf32, #tpu.memory_space<vmem>>, vector<16xf32>,
      %get3A_560 = arith.constant 1216 : index
      %get3A_561 = tpu.vector_load %arg5[%get3A_560] {strides = array<i32>} : memref<1280xf32, #tpu.memory_space<vmem>>, vector<16xf32>,
      %add3A_562 = arith.addf %get3A_559, %get3A_561 : vector<16xf32>
      %mul3A_563 = arith.mulf %add3A_562, %add3A_562 : vector<16xf32>
      %add3A_564 = arith.addf %add3A_557, %mul3A_563 : vector<16xf32>
      %get3A_565 = arith.constant 1232 : index
      %get3A_566 = tpu.vector_load %arg4[%get3A_565] {strides = array<i32>} : memref<1280xf32, #tpu.memory_space<vmem>>, vector<16xf32>,
      %get3A_567 = arith.constant 1232 : index
      %get3A_568 = tpu.vector_load %arg5[%get3A_567] {strides = array<i32>} : memref<1280xf32, #tpu.memory_space<vmem>>, vector<16xf32>,
      %add3A_569 = arith.addf %get3A_566, %get3A_568 : vector<16xf32>
      %mul3A_570 = arith.mulf %add3A_569, %add3A_569 : vector<16xf32>
      %add3A_571 = arith.addf %add3A_564, %mul3A_570 : vector<16xf32>
      %get3A_572 = arith.constant 1248 : index
      %get3A_573 = tpu.vector_load %arg4[%get3A_572] {strides = array<i32>} : memref<1280xf32, #tpu.memory_space<vmem>>, vector<16xf32>,
      %get3A_574 = arith.constant 1248 : index
      %get3A_575 = tpu.vector_load %arg5[%get3A_574] {strides = array<i32>} : memref<1280xf32, #tpu.memory_space<vmem>>, vector<16xf32>,
      %add3A_576 = arith.addf %get3A_573, %get3A_575 : vector<16xf32>
      %mul3A_577 = arith.mulf %add3A_576, %add3A_576 : vector<16xf32>
      %add3A_578 = arith.addf %add3A_571, %mul3A_577 : vector<16xf32>
      %get3A_579 = arith.constant 1264 : index
      %get3A_580 = tpu.vector_load %arg4[%get3A_579] {strides = array<i32>} : memref<1280xf32, #tpu.memory_space<vmem>>, vector<16xf32>,
      %get3A_581 = arith.constant 1264 : index
      %get3A_582 = tpu.vector_load %arg5[%get3A_581] {strides = array<i32>} : memref<1280xf32, #tpu.memory_space<vmem>>, vector<16xf32>,
      %add3A_583 = arith.addf %get3A_580, %get3A_582 : vector<16xf32>
      %mul3A_584 = arith.mulf %add3A_583, %add3A_583 : vector<16xf32>
      %add3A_585 = arith.addf %add3A_578, %mul3A_584 : vector<16xf32>
      %reduce_sum3A = arith.constant true
      %reduce_sum3A_586 = vector.broadcast %reduce_sum3A : i1 to vector<16xi1>
      %reduce_sum3A_587 = tpu.scan <sum>, %add3A_585 masked %reduce_sum3A_586 : vector<16xf32>, vector<16xi1> -> vector<16xf32>
      %reduce_sum3A_588 = vector.extract %reduce_sum3A_587[15] : f32 from vector<16xf32>
      %convert_element_type3A_589 = arith.fptosi %reduce_sum3A_588 : f32 to i32
      %sc_fetch_and_add3A = arith.constant 0 : i32
      %sc_fetch_and_add3A_590 = arith.constant 0 : i32
      %sc_fetch_and_add3A_591 = tpu.fetch_and_add_sync %arg7[%sc_fetch_and_add3A], %convert_element_type3A_589, %sc_fetch_and_add3A_590 : memref<1xi32, #tpu.memory_space<smem>>, i32 -> i32
    } else {
    }
    %barrier3A_9 = arith.constant 0 : index
    tpu.barrier barrier_id(%barrier3A_9)
    %eq3A_10 = arith.constant 0 : i32
    %eq3A_11 = arith.cmpi eq, %arg0, %eq3A_10 : i32
    %eq3A_12 = arith.constant 0 : i32
    %eq3A_13 = arith.cmpi eq, %arg1, %eq3A_12 : i32
    %and3A_14 = arith.andi %eq3A_11, %eq3A_13 : i1
    %convert_element_type3A_15 = arith.extui %and3A_14 : i1 to i32
    %cond3A_16 = arith.constant 0 : i32
    %cond3A_17 = arith.cmpi ne, %convert_element_type3A_15, %cond3A_16 : i32
    scf.if %cond3A_17 {
      %get3A = arith.constant 0 : i32
      %get3A_18 = arith.index_cast %get3A : i32 to index
      %get3A_19 = memref.load %arg7[%get3A_18] : memref<1xi32, #tpu.memory_space<smem>>
      %convert_element_type3A_20 = arith.sitofp %get3A_19 : i32 to f32
      %broadcast_in_dim3A = vector.broadcast %convert_element_type3A_20 : f32 to vector<16xf32>
      %swap3A = arith.constant 0 : i32
      %swap3A_21 = arith.index_cast %swap3A : i32 to index
      %swap3A_22 = arith.constant 0 : index
      %swap3A_23 = tpu.vector_load %arg6[%swap3A_21, %swap3A_22] {strides = array<i32>} : memref<1x16xf32, #tpu.memory_space<vmem>>, vector<16xf32>,
      tpu.vector_store %arg6[%swap3A_21, %swap3A_22], %broadcast_in_dim3A {strides = array<i32>} : memref<1x16xf32, #tpu.memory_space<vmem>>, vector<16xf32>,
      %run_scoped3A = arith.constant 0 : i32
      "tpu.region"() ({
        %run_scoped3A_24 = tpu.sem_alloc : memref<!tpu.dma_semaphore, #tpu.memory_space<semaphore_mem>>
        %dma_start3A = arith.constant 0 : i32
        %dma_start3A_25 = tpu.memref_slice %arg6[%run_scoped3A, %dma_start3A] : memref<1x16xf32, #tpu.memory_space<vmem>> -> memref<1x16xf32, #tpu.memory_space<vmem>>
        %dma_start3A_26 = tpu.memref_squeeze %dma_start3A_25 : memref<1x16xf32, #tpu.memory_space<vmem>> -> memref<16xf32, #tpu.memory_space<vmem>>
        %dma_start3A_27 = arith.constant 0 : i32
        %dma_start3A_28 = tpu.memref_slice %arg6[%run_scoped3A, %dma_start3A_27] : memref<1x16xf32, #tpu.memory_space<vmem>> -> memref<1x16xf32, #tpu.memory_space<vmem>>
        %dma_start3A_29 = tpu.memref_squeeze %dma_start3A_28 : memref<1x16xf32, #tpu.memory_space<vmem>> -> memref<16xf32, #tpu.memory_space<vmem>>
        tpu.enqueue_dma source(%dma_start3A_29 : memref<16xf32, #tpu.memory_space<vmem>>) target(%arg3 : memref<16xf32, #tpu.memory_space<hbm>>) target_semaphore(%run_scoped3A_24 : memref<!tpu.dma_semaphore, #tpu.memory_space<semaphore_mem>>)
        %dma_wait3A = arith.constant 0 : i32
        %dma_wait3A_30 = tpu.memref_slice %arg6[%run_scoped3A, %dma_wait3A] : memref<1x16xf32, #tpu.memory_space<vmem>> -> memref<1x16xf32, #tpu.memory_space<vmem>>
        %dma_wait3A_31 = tpu.memref_squeeze %dma_wait3A_30 : memref<1x16xf32, #tpu.memory_space<vmem>> -> memref<16xf32, #tpu.memory_space<vmem>>
        %dma_wait3A_32 = arith.constant 0 : i32
        %dma_wait3A_33 = tpu.memref_slice %arg6[%run_scoped3A, %dma_wait3A_32] : memref<1x16xf32, #tpu.memory_space<vmem>> -> memref<1x16xf32, #tpu.memory_space<vmem>>
        %dma_wait3A_34 = tpu.memref_squeeze %dma_wait3A_33 : memref<1x16xf32, #tpu.memory_space<vmem>> -> memref<16xf32, #tpu.memory_space<vmem>>
        tpu.wait_dma2 semaphore(%run_scoped3A_24 : memref<!tpu.dma_semaphore, #tpu.memory_space<semaphore_mem>>) src(%dma_wait3A_34 : memref<16xf32, #tpu.memory_space<vmem>>) dst(%arg3 : memref<16xf32, #tpu.memory_space<hbm>>)
        tpu.yield
      }) : () -> ()
    } else {
    }
    return
  }
}

</mosaic_0001>

<sc_bundles>
// kernel: kernel.4.cloned.1.call-start
scs
__scs_entry_jumppad:
0x0: {  	(pc) =	sbr.rel $0x88, $3  }
0x1: {  	(tag) =	ssettag $0x0;
	lr =	simm.s32 $0x1  }
0x2: {  	[smem:$0x3F9E] =	sst lr;
	_ =	strace $0xD0000000  }
0x3: {  	_ = 	snop  }
0x4: {  	_ = 	snop  }
0x5: {  	_ = 	snop  }
0x6: {  	_ = 	snop  }
0x7: {  	_ = 	snop  }
__scs_overlays_trampoline_lowered:
0x8: {  	[smem:$0x3FAD] =	sst s0  }
0x9: {  	[smem:$0x3FAE] =	sst s1  }
0xa: {  	[smem:$0x3FAF] =	sst s2  }
0xb: {  	[smem:$0x3FB0] =	sst s3  }
0xc: {  	[smem:$0x3FB1] =	sst s4  }
0xd: {  	[smem:$0x3FB2] =	sst s5  }
0xe: {  	[smem:$0x3FB3] =	sst s6  }
0xf: {  	[smem:$0x3FB4] =	sst s7  }
0x10: {  	[smem:$0x3FB5] =	sst s8  }
0x11: {  	[smem:$0x3FB6] =	sst s9;
	s0 =	simm.s32 @!p0 $0x0  }
0x12: {  	s1 =	sld [smem:$0x3F9C];
	s0 =	simm.s32 @p0 $0x1  }
0x13: {  	[smem:$0x3FB7] =	sst s0;
	s0 =	simm.s32 @!p1 $0x0  }
0x14: {  	s2 =	sld [smem:$0x3F9B];
	s0 =	simm.s32 @p1 $0x1  }
0x15: {  	[smem:$0x3FB8] =	sst s0;
	s0 =	simm.s32 @!p2 $0x0  }
0x16: {  	s3 =	sld [smem:$0x3FDB];
	s0 =	simm.s32 @p2 $0x1  }
0x17: {  	s4 =	simm.s32 $0x1BF5;
	[smem:$0x3FBA] =	sst s0  }
0x18: {  	s0 =	sld [smem:$0x3F9D];
	_ =	swait.ge [sflag:s4], $0x0  }
0x19: {  	s7 =	sld [smem:$0x3F9E]  }
0x1a: {  	s8 =	sadd.s32 $0xFFFFE003, lr  }
0x1b: {  	s9 =	sadd.s32 $0xFFFFFEF7, lr;
	s5 =	simm.s32 $0xFFFFFFFF;
	p2 =	slt.u32 s8, $0xFFFFF086  }
0x1c: {  	p1 =	slt.u32 s9, $0xF7A;
	s5 =	simm.s32 @!p2 $0x0  }
0x1d: {  	s5 =	simm.s32 @p1 $0x1;
	p0 =	seq.s32 s7, s2  }
0x1e: {  	s7 =	smul.u32 @!p0 $0xF7A, s2;
	p2 =	seq.s32 @!p0 s5, $0x0  }
0x1f: {  	s9 =	smul.u32 $0xF7A, s1;
	s8 =	simm.s32 @!p0 $0x1BF5;
	p2 =	por !p2, p0  }
0x20: {  	[sflag:s8] =	ssyncset.s32 @!p0 $0xFFFFF086;
	s6 =	sadd.s32 @!p0 s3, s7;
	s7 =	simm.s32 @!p0 $0x108  }
0x21: {  	s3 =	sadd.s32 s3, s9;
	s6 =	sadd.s32 @!p0 $0x88, s6;
	s7 =	simm.s32 @p2 $0x1082  }
0x22: {  	[simem:s7], [sflag:s8] =	dma.local @!p0 [hbm:s6], $0xF7A  }
0x23: {  	s9 =	sor.u32 $0xD0000000, s2;
	s6 =	simm.s32 $0x108;
	_ =	swait.ge @!p0 [sflag:s8], $0x0  }
0x24: {  	s3 =	sadd.s32 $0x88, s3;
	s6 =	simm.s32 @!p1 $0x1082;
	[sflag:s4] =	ssyncset.s32 $0xFFFFF086  }
0x25: {  	[simem:s6], [sflag:s4] =	dma.local [hbm:s3], $0xF7A  }
0x26: {  	[smem:$0x3F9E] =	sst s1;
	(tag) =	ssettag s2;
	_ =	strace s9  }
0x27: {  	s1 =	sld [smem:$0x3FAE]  }
0x28: {  	s2 =	sld [smem:$0x3FAF]  }
0x29: {  	s4 =	sld [smem:$0x3FB1]  }
0x2a: {  	p0 =	seq.s32 s5, $0x0;
	s5 =	sld [smem:$0x3FB2]  }
0x2b: {  	s6 =	sld [smem:$0x3FB3]  }
0x2c: {  	s7 =	sld [smem:$0x3FB4]  }
0x2d: {  	s3 =	simm.s32 $0x108;
	s8 =	sld [smem:$0x3FB5]  }
0x2e: {  	s3 =	simm.s32 @!p0 $0x1082;
	s9 =	sld [smem:$0x3FB6]  }
0x2f: {  	lr =	sadd.s32 s0, s3;
	s0 =	sld [smem:$0x3FAD]  }
0x30: {  	s3 =	sld [smem:$0x3FB0]  }
0x31: {  	[smem:$0x3FB9] =	sst s10  }
0x32: {  	s10 =	sld [smem:$0x3FB7];
	_ =	sdelay $0x3  }
0x33: {  	p0 =	seq.s32 s10, $0x1;
	s10 =	sld [smem:$0x3FB9];
	_ =	sdelay $0x3  }
0x34: {  	[smem:$0x3FB9] =	sst s10  }
0x35: {  	s10 =	sld [smem:$0x3FB8];
	_ =	sdelay $0x3  }
0x36: {  	p1 =	seq.s32 s10, $0x1;
	s10 =	sld [smem:$0x3FB9];
	_ =	sdelay $0x3  }
0x37: {  	[smem:$0x3FB9] =	sst s10  }
0x38: {  	s10 =	sld [smem:$0x3FBA]  }
0x39: {  	_ = 	snop;
	(pc) =	sbr.ind lr, $3  }
0x3a: {  	_ = 	snop  }
0x3b: {  	_ = 	snop  }
0x3c: {  	p2 =	seq.s32 s10, $0x1;
	s10 =	sld [smem:$0x3FB9]  }
0x3d: {  	_ =	shalt  }
0x3e: {  	_ =	shalt  }
0x3f: {  	_ =	shalt  }
0x40: {  	_ =	shalt  }
0x41: {  	_ =	shalt  }
0x42: {  	_ =	shalt  }
0x43: {  	_ =	shalt  }
0x44: {  	_ =	shalt  }
0x45: {  	_ =	shalt  }
0x46: {  	_ =	shalt  }
0x47: {  	_ =	shalt  }
0x48: {  	_ =	shalt  }
0x49: {  	_ =	shalt  }
0x4a: {  	_ =	shalt  }
0x4b: {  	_ =	shalt  }
0x4c: {  	_ =	shalt  }
0x4d: {  	_ =	shalt  }
0x4e: {  	_ =	shalt  }
0x4f: {  	_ =	shalt  }
0x50: {  	_ =	shalt  }
0x51: {  	_ =	shalt  }
0x52: {  	_ =	shalt  }
0x53: {  	_ =	shalt  }
0x54: {  	_ =	shalt  }
0x55: {  	_ =	shalt  }
0x56: {  	_ =	shalt  }
0x57: {  	_ =	shalt  }
0x58: {  	_ =	shalt  }
0x59: {  	_ =	shalt  }
0x5a: {  	_ =	shalt  }
0x5b: {  	_ =	shalt  }
0x5c: {  	_ =	shalt  }
0x5d: {  	_ =	shalt  }
0x5e: {  	_ =	shalt  }
0x5f: {  	_ =	shalt  }
0x60: {  	_ =	shalt  }
0x61: {  	_ =	shalt  }
0x62: {  	_ =	shalt  }
0x63: {  	_ =	shalt  }
0x64: {  	_ =	shalt  }
0x65: {  	_ =	shalt  }
0x66: {  	_ =	shalt  }
0x67: {  	_ =	shalt  }
0x68: {  	_ =	shalt  }
0x69: {  	_ =	shalt  }
0x6a: {  	_ =	shalt  }
0x6b: {  	_ =	shalt  }
0x6c: {  	_ =	shalt  }
0x6d: {  	_ =	shalt  }
0x6e: {  	_ =	shalt  }
0x6f: {  	_ =	shalt  }
0x70: {  	_ =	shalt  }
0x71: {  	_ =	shalt  }
0x72: {  	_ =	shalt  }
0x73: {  	_ =	shalt  }
0x74: {  	_ =	shalt  }
0x75: {  	_ =	shalt  }
0x76: {  	_ =	shalt  }
0x77: {  	_ =	shalt  }
0x78: {  	_ =	shalt  }
0x79: {  	_ =	shalt  }
0x7a: {  	_ =	shalt  }
0x7b: {  	_ =	shalt  }
0x7c: {  	_ =	shalt  }
0x7d: {  	_ =	shalt  }
0x7e: {  	_ =	shalt  }
0x7f: {  	_ =	shalt  }
0x80: {  	_ =	shalt  }
0x81: {  	_ =	shalt  }
0x82: {  	_ =	shalt  }
0x83: {  	_ =	shalt  }
0x84: {  	_ =	shalt  }
0x85: {  	_ =	shalt  }
0x86: {  	_ =	shalt  }
0x87: {  	_ =	shalt  }
.Lfunc_end0:
.L_simem_size_0:
called_computation_lowered:
.L_overlay_start_0:
0x88: {  	s2 =	sld [smem:$0x3FD9]  }
0x89: {  	s3 =	sld [smem:$0x3FFE];
	_ =	sdelay $0x1  }
0x8a: {  	s1 =	srdreg.scid  }
0x8b: {  	s0 =	sand.u32 $0x1, s1  }
0x8c: {  	s16 =	sshll.u32 s0, $0xA;
	s2 =	sadd.s32 s3, s2  }
0x8d: {  	s2 =	sadd.s32 s2, s16  }
0x8e: {  	[smem:$0x3FC5] =	sst s2  }
0x8f: {  	_ = 	snop  }
0x90: {  	(tm) =	ssettm $0x1  }
0x91: {  	s17 =	sld [smem:$0x3FFB];
	_ =	sdelay $0x3  }
0x92: {  	_ =	strace s17  }
0x93: {  	s2 =	sld [smem:$0x3FFC];
	_ =	sdelay $0x3  }
0x94: {  	_ =	strace s2  }
0x95: {  	s2 =	sld [smem:$0x3FFD];
	_ =	sdelay $0x3  }
0x96: {  	_ =	strace s2  }
0x97: {  	_ =	strace $0x8FFFFFFF  }
0x98: {  	s18 =	sld [smem:$0x3FDB];
	_ =	sdelay $0x1  }
0x99: {  	s19 =	simm.s32 $_scs_section_size  }
0x9a: {  	s4 =	simm.s32 $_size__tile_overlayer_lowered;
	s5 =	simm.s32 $_tile_overlayer_lowered  }
0x9b: {  	s22 =	simm.s32 $0x1BFF;
	s21 =	sshll.u32 s5, $0x1;
	s2 =	sadd.s32 s19, s18  }
0x9c: {  	s6 =	simm.s32 $0x0;
	s20 =	sshll.u32 s4, $0x1;
	s4 =	sadd.s32 s21, s2  }
0x9d: {  	[timem:s6], [sflag:s22] =	dma.local [hbm:s4], s20  }
0x9e: {  	_ =	swait.ge [sflag:s22], s20  }
0x9f: {  	s3 =	ssub.s32 $0x0, s20;
	[sflag:s22] =	ssyncset.done $0x0  }
0xa0: {  	[sflag:s22] =	ssyncadd.s32 s3;
	_ =	sdelay $0x1  }
0xa1: {  	s23 =	simm.s32 $0x1B8B  }
0xa2: {  	_ =	swait.ge [sflag:s23], $0x1  }
0xa3: {  	[sflag:s23] =	ssyncset.done $0x0  }
0xa4: {  	s25 =	simm.s32 $0x1B8E;
	s24 =	sld [smem:$0x3FFE];
	[sflag:s23] =	ssyncadd.s32 $0xFFFFFFFF  }
0xa5: {  	s26 =	simm.s32 $execute0_lowered;
	[smem:$0x3FD2] =	sst s25  }
0xa6: {  	s4 =	sshll.u32 s26, $0x1;
	_ =	strace $0x80000046;
	[dreg:$0x1] =	wrdreg $0xFFFFFFFF  }
0xa7: {  	s28 =	simm.s32 $_size_execute0_lowered;
	s2 =	sadd.s32 s2, s4;
	[dreg:$0x0] =	wrdreg $0x0  }
0xa8: {  	s4 =	sshll.u32 s28, $0x1;
	[dreg:$0x2] =	wrdreg s2  }
0xa9: {  	[dreg:$0x3] =	wrdreg s4  }
0xaa: {  	[dreg:$0x4] =	wrdreg $0xC0  }
0xab: {  	_ =	task [dreg:s6], $0x5FFFF  }
0xac: {  	[dreg:$0x1] =	wrdreg $0xFFFFFFFF  }
0xad: {  	[dreg:$0x0] =	wrdreg $0x60  }
0xae: {  	[dreg:$0x2] =	wrdreg s24  }
0xaf: {  	[dreg:$0x3] =	wrdreg $0x68800  }
0xb0: {  	[dreg:$0x4] =	wrdreg $0x6B000  }
0xb1: {  	[dreg:$0x5] =	wrdreg $0x9  }
0xb2: {  	_ =	task.clear_ibuf [dreg:s6], $0x6FFFF;
	_ =	strace $0x90000046  }
0xb3: {  	s29 =	simm.s32 $0x9;
	_ =	strace $0x80000048  }
0xb4: {  	_ =	swait.ge [sflag:s29], $0x1  }
0xb5: {  	[sflag:s29] =	ssyncadd.s32 $0xFFFFFFFF  }
0xb6: {  	_ =	strace $0x90000048  }
0xb7: {  	_ =	sfence  }
0xb8: {  	s30 =	sld [smem:$0x0];
	_ =	sdelay $0x2  }
0xb9: {  	s31 =	sshll.u32 s1, $0xD;
	s1 =	sshrl.u32 s1, $0x2  }
0xba: {  	s3 =	sand.u32 $0x4000, s31;
	s1 =	sadd.s32 s1, s30  }
0xbb: {  	s0 =	sor.u32 s3, s0;
	s1 =	sshll.u32 s1, $0x11  }
0xbc: {  	s0 =	sor.u32 s1, s0  }
0xbd: {  	s0 =	sadd.s32 $0x8F2B, s0  }
0xbe: {  	[sflag:s0] =	ssyncadd.remote.s32 $0x1  }
0xbf: {  	_ =	sfence.sel $0xFFFF  }
0xc0: {  	[dreg:$0x0] =	wrdreg $0xFFFFFFFF;
	(pc) =	sbr.abs _section_cstart, $3  }
0xc1: {  	[dreg:$0x1] =	wrdreg $0xFFFFFFFF  }
0xc2: {  	_ =	task.clear_ibuf [dreg:s6], $0x2FFFF;
	_ =	strace $0x9FFFFFFF  }
0xc3: {  	(tm) =	ssettm $0x7FFFFFFF  }
tec
execute0_lowered:
.L_overlay_start_1:
0x0: {  	(tag) =	ssettag $0x1  }
0x1: {  	s7 =	rddreg [dreg:$0x0]  }
0x2: {  	s1 =	rddreg [dreg:$0x1]  }
0x3: {  	s2 =	rddreg [dreg:$0x2]  }
0x4: {  	s0 =	rddreg [dreg:$0x3];
	s3 =	simm.s32 $0x0;
	s4 =	srdreg.scid  }
0x5: {  	s13 =	stileid.u32;
	s14 =	simm.s32 $0x3;
	s15 =	simm.s32 $0x800  }
0x6: {  	s16 =	simm.s32 $0x1400;
	s17 =	simm.s32 $0x1800;
	s18 =	simm.s32 $0x4000  }
0x7: {  	s19 =	simm.s32 $0x2;
	s20 =	simm.s32 $0x4;
	s21 =	simm.s32 $0x50  }
0x8: {  	s22 =	simm.s32 $0x6800;
	s23 =	simm.s32 $0x5;
	s24 =	simm.s32 $0x0  }
0x9: {  	[smem:$0x7FF] =	sst s3;
	s6 =	sand.u32 $0x1, s4;
	s4 =	sadd.s32 $0xA00, s7  }
0xa: {  	s5 =	sadd.s32 $0x27C00, s7;
	s9 =	sshll.u32 s13, $0x1;
	p0 =	sne.s32 s13, $0x0  }
0xb: {  	s13 =	simm.s32 $0x1;
	_ =	strace $0x80000047;
	s8 =	smul.u32 $0x5000, s6  }
.Ltmp0:
0xc: {  	s10 =	ssub.s32 $0x2, s6;
	s6 =	sor.u32 s6, s9;
	(pc) =	sbr.rel .LBB2_1-.Ltmp0, $4  }
0xd: {  	s29 =	sshrl.u32 s10, $0x1;
	s30 =	sshll.u32 s6, $0x8;
	s8 =	sshrl.u32 s8, $0x3  }
0xe: {  	v0 =	vlaneseq.u32;
	s31 =	sshll.u32 s6, $0x7;
	s12 =	ssub.s32 s10, s29;
	s11 =	sadd.s32 s8, s7  }
0xf: {  	v1 =	vimm.f32 $0.0e+00;
	v6 =	vimm.f32 $1.000000000e+00;
	v2 =	vor.u32 $0x10, v0;
	s7 =	sadd.s32 s4, s30;
	s8 =	sadd.s32 s5, s31;
	s9 =	sadd.s32 $0x3B600, s11  }
0x10: {  	v3 =	vor.u32 $0x20, v0;
	v4 =	vor.u32 $0x30, v0;
	v5 =	vor.u32 $0x40, v0;
	s10 =	sadd.s32 $0x3BB00, s11;
	s11 =	smax.u32 s12, $0x1;
	s12 =	simm.s32 $0x1000  }
.LBB2_7:
0x11: {  	[bflag:$0x0] =	sbarrier.arrive $0xFFFF  }
0x12: {  	[spmem:s1] =	stream.indirect.scatter.add.f32 [tilespmem:s17], [sflag:$0x5], $0x80, s22, s21, $0xb8;
	[tilespmem:$0x6D80] =	vst v63  }
0x13: {  	_ =	swait.ge [sflag:s23], $0x2800  }
0x14: {  	[sflag:s23] =	ssyncset.done $0x0  }
0x15: {  	[sflag:s23] =	ssyncadd.s32 $0xFFFFD800  }
0x16: {  	[spmem:s2] =	stream.indirect.scatter.add.f32 [tilespmem:s18], [sflag:$0x5], $0x80, s22, s21, $0xb8;
	[tilespmem:$0x6D80] =	vst v63  }
0x17: {  	_ =	swait.ge [sflag:s23], $0x2800  }
0x18: {  	[sflag:s23] =	ssyncset.done $0x0  }
0x19: {  	[sflag:s23] =	ssyncadd.s32 $0xFFFFD800  }
0x1a: {  	s25 =	sshrl.u32 @!p0 s1, $0x3;
	s26 =	simm.s32 @!p0 $0x1C05;
	[bflag:$0x0] =	sbarrier.arrive $0xFFFF  }
0x1b: {  	[hbm:s9], [sflag:s26] =	dma.local @!p0 [spmem:s25], $0x500  }
0x1c: {  	s25 =	simm.s32 @!p0 $0x5  }
0x1d: {  	s24 =	sadd.s32 $0x1, s24;
	_ =	swait.ge @!p0 [sflag:s25], $0x500  }
0x1e: {  	p1 =	sne.s32 s24, s11;
	[sflag:s25] =	ssyncset.done @!p0 $0x0  }
.Ltmp1:
0x1f: {  	s28 =	sshrl.u32 @!p0 s2, $0x3;
	[sflag:s25] =	ssyncadd.s32 @!p0 $0xFFFFFB00;
	(pc) =	sbr.rel @!p1 .LBB2_8-.Ltmp1, $4  }
0x20: {  	[hbm:s10], [sflag:s26] =	dma.local @!p0 [spmem:s28], $0x500  }
0x21: {  	_ =	swait.ge @!p0 [sflag:s25], $0x500  }
0x22: {  	[sflag:s25] =	ssyncset.done @!p0 $0x0  }
0x23: {  	[sflag:s25] =	ssyncadd.s32 @!p0 $0xFFFFFB00  }
.LBB2_1:
0x24: {  	[tilespmem:s3], [sflag:$0x1] =	stream.linear.gather [hbm4b:s7+s3], $0x800, $0x38;
	[tilespmem:$0x6D80] =	vst v63  }
0x25: {  	s25 =	simm.s32 $0x0;
	s26 =	simm.s32 $0x200  }
0x26: {  	[tilespmem:s12], [sflag:$0x3] =	stream.linear.gather [hbm4b:s8+s3], $0x400, $0x38;
	[tilespmem:$0x6D80] =	vst v63  }
.LBB2_2:
0x27: {  	p1 =	sne.s32 s26, $0x9E00;
	[tilespmem:s25+$0x4070] =	vst v1  }
0x28: {  	[tilespmem:s25+$0x1800] =	vst v1  }
0x29: {  	[tilespmem:s25+$0x4000] =	vst v1  }
0x2a: {  	[tilespmem:s25+$0x1810] =	vst v1  }
0x2b: {  	[tilespmem:s25+$0x4010] =	vst v1  }
0x2c: {  	[tilespmem:s25+$0x1820] =	vst v1  }
0x2d: {  	[tilespmem:s25+$0x4020] =	vst v1  }
0x2e: {  	[tilespmem:s25+$0x1830] =	vst v1  }
0x2f: {  	[tilespmem:s25+$0x4030] =	vst v1  }
0x30: {  	[tilespmem:s25+$0x1840] =	vst v1  }
0x31: {  	[tilespmem:s25+$0x4040] =	vst v1  }
.Ltmp2:
0x32: {  	[tilespmem:s25+$0x1850] =	vst v1;
	(pc) =	sbr.rel @p1 .LBB2_2-.Ltmp2, $4  }
0x33: {  	[tilespmem:s25+$0x4050] =	vst v1  }
0x34: {  	[tilespmem:s25+$0x1860] =	vst v1  }
0x35: {  	[tilespmem:s25+$0x4060] =	vst v1  }
0x36: {  	[tilespmem:s25+$0x1870] =	vst v1;
	s25 =	sshra.s32 s26, $0x2;
	s26 =	sadd.s32 $0x200, s26  }
0x37: {  	[tilespmem:s25+$0x4070] =	vst v1  }
0x38: {  	[tilespmem:s25+$0x1800] =	vst v1  }
0x39: {  	[tilespmem:s25+$0x4000] =	vst v1  }
0x3a: {  	[tilespmem:s25+$0x1810] =	vst v1  }
0x3b: {  	[tilespmem:s25+$0x4010] =	vst v1  }
0x3c: {  	[tilespmem:s25+$0x1820] =	vst v1  }
0x3d: {  	[tilespmem:s25+$0x4020] =	vst v1  }
0x3e: {  	[tilespmem:s25+$0x1830] =	vst v1  }
0x3f: {  	[tilespmem:s25+$0x4030] =	vst v1  }
0x40: {  	[tilespmem:s25+$0x1840] =	vst v1  }
0x41: {  	[tilespmem:s25+$0x4040] =	vst v1  }
0x42: {  	[tilespmem:s25+$0x1850] =	vst v1  }
0x43: {  	[tilespmem:s25+$0x4050] =	vst v1  }
0x44: {  	[tilespmem:s25+$0x1860] =	vst v1  }
0x45: {  	[tilespmem:s25+$0x4060] =	vst v1  }
0x46: {  	[tilespmem:s25+$0x1870] =	vst v1  }
0x47: {  	[tilespmem:$0x6800] =	vst v0  }
0x48: {  	[tilespmem:$0x6810] =	vst v2  }
0x49: {  	[tilespmem:$0x6820] =	vst v3  }
0x4a: {  	[tilespmem:$0x6830] =	vst v4  }
0x4b: {  	s25 =	simm.s32 @!p0 $0x1800;
	[tilespmem:$0x6840] =	vst v5  }
0x4c: {  	[spmem:s1] =	stream.linear.scatter @!p0 [tilespmem:s25], [sflag:$0x5], $0x2800, $0x38;
	[tilespmem:$0x6D80] =	vst v63  }
0x4d: {  	s25 =	simm.s32 @!p0 $0x5  }
0x4e: {  	_ =	swait.ge @!p0 [sflag:s25], $0x2800  }
0x4f: {  	[sflag:s25] =	ssyncset.done @!p0 $0x0  }
.Ltmp3:
0x50: {  	s26 =	simm.s32 @!p0 $0x4000;
	[sflag:s25] =	ssyncadd.s32 @!p0 $0xFFFFD800;
	(pc) =	sbr.rel .LBB2_4-.Ltmp3, $4  }
0x51: {  	[spmem:s2] =	stream.linear.scatter @!p0 [tilespmem:s26], [sflag:$0x5], $0x2800, $0x38;
	[tilespmem:$0x6D80] =	vst v63  }
0x52: {  	_ =	swait.ge @!p0 [sflag:s25], $0x2800  }
0x53: {  	[sflag:s25] =	ssyncset.done @!p0 $0x0  }
0x54: {  	[sflag:s25] =	ssyncadd.s32 @!p0 $0xFFFFD800;
	s25 =	simm.s32 $0xFFFFFD80  }
.LBB2_6:
0x55: {  	s25 =	sadd.s32 $0x40, s25  }
0x56: {  	p1 =	sne.s32 s25, $0x0  }
.Ltmp4:
0x57: {  	_ = 	snop;
	(pc) =	sbr.rel @!p1 .LBB2_7-.Ltmp4, $1  }
0x58: {  	_ =	sdelay $0x3  }
.LBB2_4:
0x59: {  	s26 =	sadd.s32 s25, s6  }
0x5a: {  	_ =	swait.ge [sflag:s13], $0x800;
	s26 =	sadd.s32 $0x2A0, s26  }
0x5b: {  	[sflag:s13] =	ssyncset.done $0x0;
	p1 =	slt.s32 s26, $0x270;
	s28 =	smov.u32 s26  }
0x5c: {  	[sflag:s13] =	ssyncadd.s32 $0xFFFFF800;
	s28 =	simm.s32 @!p1 $0x270  }
0x5d: {  	_ =	swait.ge [sflag:s14], $0x400;
	s29 =	sshll.u32 s28, $0x8  }
0x5e: {  	[sflag:s14] =	ssyncset.done $0x0;
	s28 =	sshll.u32 s28, $0x7;
	s29 =	sand.u32 $0x1FFFFF00, s29  }
0x5f: {  	[sflag:s14] =	ssyncadd.s32 $0xFFFFFC00;
	s28 =	sand.u32 $0x1FFFFF80, s28;
	s29 =	sadd.s32 s4, s29  }
0x60: {  	[tilespmem:s15], [sflag:$0x2] =	stream.linear.gather [hbm4b:s29+s3], $0x800, $0x38;
	[tilespmem:$0x6D80] =	vst v63  }
0x61: {  	s28 =	sadd.s32 s5, s28  }
0x62: {  	[tilespmem:s16], [sflag:$0x4] =	stream.linear.gather [hbm4b:s28+s3], $0x400, $0x38;
	[tilespmem:$0x6D80] =	vst v63  }
0x63: {  	v7 =	vld [tilespmem:$0x80]  }
0x64: {  	v8 =	vld [tilespmem:$0x100]  }
0x65: {  	v9 =	vld [tilespmem:$0x180]  }
0x66: {  	v10 =	vld [tilespmem:$0x0];
	_ =	sdelay $0x3  }
0x67: {  	v11 =	vld [tilespmem:$0x1000];
	vm0 =	vge.f32 v7, v8;
	vm1 =	vge.f32 v7, v9  }
0x68: {  	v12 =	vld [tilespmem:$0x1080];
	vm2 =	vgt.f32 v7, v10;
	vm0 =	vmand vm0, vm1  }
0x69: {  	vm7 =	vgt.f32 v8, v10;
	vm8 =	vgt.f32 v8, v7;
	vm0 =	vmand vm0, vm2  }
0x6a: {  	vm9 =	vge.f32 v8, v9;
	vm1 =	vmand vm7, vm8  }
0x6b: {  	vm1 =	vmand vm1, vm9;
	_ =	sdelay $0x3  }
0x6c: {  	[tilespmem:v11+s17+$0x0] =	vst.idx.add.f32.msk vm0, v6  }
0x6d: {  	[tilespmem:v12+s17+$0x0] =	vst.idx.add.f32.msk vm0, v6  }
0x6e: {  	[tilespmem:v11+s18+$0x0] =	vst.idx.add.f32.msk vm1, v6  }
0x6f: {  	[tilespmem:v12+s18+$0x0] =	vst.idx.add.f32.msk vm1, v6  }
0x70: {  	v7 =	vld [tilespmem:$0x90]  }
0x71: {  	v8 =	vld [tilespmem:$0x110]  }
0x72: {  	v50 =	vld [tilespmem:$0x190]  }
0x73: {  	v51 =	vld [tilespmem:$0x10];
	_ =	sdelay $0x3  }
0x74: {  	v11 =	vld [tilespmem:$0x1010];
	vm10 =	vge.f32 v7, v8;
	vm11 =	vge.f32 v7, v50  }
0x75: {  	v12 =	vld [tilespmem:$0x1090];
	vm12 =	vgt.f32 v7, v51;
	vm0 =	vmand vm10, vm11  }
0x76: {  	vm13 =	vgt.f32 v8, v51;
	vm14 =	vgt.f32 v8, v7;
	vm0 =	vmand vm0, vm12  }
0x77: {  	vm15 =	vge.f32 v8, v50;
	vm1 =	vmand vm13, vm14  }
0x78: {  	vm1 =	vmand vm1, vm15;
	_ =	sdelay $0x3  }
0x79: {  	[tilespmem:v11+s17+$0x0] =	vst.idx.add.f32.msk vm0, v6  }
0x7a: {  	[tilespmem:v12+s17+$0x0] =	vst.idx.add.f32.msk vm0, v6  }
0x7b: {  	[tilespmem:v11+s18+$0x0] =	vst.idx.add.f32.msk vm1, v6  }
0x7c: {  	[tilespmem:v12+s18+$0x0] =	vst.idx.add.f32.msk vm1, v6  }
0x7d: {  	v7 =	vld [tilespmem:$0xA0]  }
0x7e: {  	v8 =	vld [tilespmem:$0x120]  }
0x7f: {  	v52 =	vld [tilespmem:$0x1A0]  }
0x80: {  	v53 =	vld [tilespmem:$0x20];
	_ =	sdelay $0x3  }
0x81: {  	v11 =	vld [tilespmem:$0x1020];
	vm4 =	vge.f32 v7, v8;
	vm5 =	vge.f32 v7, v52  }
0x82: {  	v12 =	vld [tilespmem:$0x10A0];
	vm6 =	vgt.f32 v7, v53;
	vm0 =	vmand vm4, vm5  }
0x83: {  	vm7 =	vgt.f32 v8, v53;
	vm8 =	vgt.f32 v8, v7;
	vm0 =	vmand vm0, vm6  }
0x84: {  	vm9 =	vge.f32 v8, v52;
	vm1 =	vmand vm7, vm8  }
0x85: {  	vm1 =	vmand vm1, vm9;
	_ =	sdelay $0x3  }
0x86: {  	[tilespmem:v11+s17+$0x0] =	vst.idx.add.f32.msk vm0, v6  }
0x87: {  	[tilespmem:v12+s17+$0x0] =	vst.idx.add.f32.msk vm0, v6  }
0x88: {  	[tilespmem:v11+s18+$0x0] =	vst.idx.add.f32.msk vm1, v6  }
0x89: {  	[tilespmem:v12+s18+$0x0] =	vst.idx.add.f32.msk vm1, v6  }
0x8a: {  	v7 =	vld [tilespmem:$0xB0]  }
0x8b: {  	v8 =	vld [tilespmem:$0x130]  }
0x8c: {  	v54 =	vld [tilespmem:$0x1B0]  }
0x8d: {  	v55 =	vld [tilespmem:$0x30];
	_ =	sdelay $0x3  }
0x8e: {  	v11 =	vld [tilespmem:$0x1030];
	vm10 =	vge.f32 v7, v8;
	vm11 =	vge.f32 v7, v54  }
0x8f: {  	v12 =	vld [tilespmem:$0x10B0];
	vm12 =	vgt.f32 v7, v55;
	vm0 =	vmand vm10, vm11  }
0x90: {  	vm13 =	vgt.f32 v8, v55;
	vm14 =	vgt.f32 v8, v7;
	vm0 =	vmand vm0, vm12  }
0x91: {  	vm15 =	vge.f32 v8, v54;
	vm1 =	vmand vm13, vm14  }
0x92: {  	vm1 =	vmand vm1, vm15;
	_ =	sdelay $0x3  }
0x93: {  	[tilespmem:v11+s17+$0x0] =	vst.idx.add.f32.msk vm0, v6  }
0x94: {  	[tilespmem:v12+s17+$0x0] =	vst.idx.add.f32.msk vm0, v6  }
0x95: {  	[tilespmem:v11+s18+$0x0] =	vst.idx.add.f32.msk vm1, v6  }
0x96: {  	[tilespmem:v12+s18+$0x0] =	vst.idx.add.f32.msk vm1, v6  }
0x97: {  	v7 =	vld [tilespmem:$0xC0]  }
0x98: {  	v8 =	vld [tilespmem:$0x140]  }
0x99: {  	v56 =	vld [tilespmem:$0x1C0]  }
0x9a: {  	v57 =	vld [tilespmem:$0x40];
	_ =	sdelay $0x3  }
0x9b: {  	v11 =	vld [tilespmem:$0x1040];
	vm4 =	vge.f32 v7, v8;
	vm5 =	vge.f32 v7, v56  }
0x9c: {  	v12 =	vld [tilespmem:$0x10C0];
	vm6 =	vgt.f32 v7, v57;
	vm0 =	vmand vm4, vm5  }
0x9d: {  	vm7 =	vgt.f32 v8, v57;
	vm8 =	vgt.f32 v8, v7;
	vm0 =	vmand vm0, vm6  }
0x9e: {  	vm9 =	vge.f32 v8, v56;
	vm1 =	vmand vm7, vm8  }
0x9f: {  	vm1 =	vmand vm1, vm9;
	_ =	sdelay $0x3  }
0xa0: {  	[tilespmem:v11+s17+$0x0] =	vst.idx.add.f32.msk vm0, v6  }
0xa1: {  	[tilespmem:v12+s17+$0x0] =	vst.idx.add.f32.msk vm0, v6  }
0xa2: {  	[tilespmem:v11+s18+$0x0] =	vst.idx.add.f32.msk vm1, v6  }
0xa3: {  	[tilespmem:v12+s18+$0x0] =	vst.idx.add.f32.msk vm1, v6  }
0xa4: {  	v7 =	vld [tilespmem:$0xD0]  }
0xa5: {  	v8 =	vld [tilespmem:$0x150]  }
0xa6: {  	v58 =	vld [tilespmem:$0x1D0]  }
0xa7: {  	v59 =	vld [tilespmem:$0x50];
	_ =	sdelay $0x3  }
0xa8: {  	v11 =	vld [tilespmem:$0x1050];
	vm10 =	vge.f32 v7, v8;
	vm11 =	vge.f32 v7, v58  }
0xa9: {  	v12 =	vld [tilespmem:$0x10D0];
	vm12 =	vgt.f32 v7, v59;
	vm0 =	vmand vm10, vm11  }
0xaa: {  	vm13 =	vgt.f32 v8, v59;
	vm14 =	vgt.f32 v8, v7;
	vm0 =	vmand vm0, vm12  }
0xab: {  	vm15 =	vge.f32 v8, v58;
	vm1 =	vmand vm13, vm14  }
0xac: {  	vm1 =	vmand vm1, vm15;
	_ =	sdelay $0x3  }
0xad: {  	[tilespmem:v11+s17+$0x0] =	vst.idx.add.f32.msk vm0, v6  }
0xae: {  	[tilespmem:v12+s17+$0x0] =	vst.idx.add.f32.msk vm0, v6  }
0xaf: {  	[tilespmem:v11+s18+$0x0] =	vst.idx.add.f32.msk vm1, v6  }
0xb0: {  	[tilespmem:v12+s18+$0x0] =	vst.idx.add.f32.msk vm1, v6  }
0xb1: {  	v7 =	vld [tilespmem:$0xE0]  }
0xb2: {  	v8 =	vld [tilespmem:$0x160]  }
0xb3: {  	v60 =	vld [tilespmem:$0x1E0]  }
0xb4: {  	v61 =	vld [tilespmem:$0x60];
	_ =	sdelay $0x3  }
0xb5: {  	v11 =	vld [tilespmem:$0x1060];
	vm4 =	vge.f32 v7, v8;
	vm5 =	vge.f32 v7, v60  }
0xb6: {  	v12 =	vld [tilespmem:$0x10E0];
	vm6 =	vgt.f32 v7, v61;
	vm0 =	vmand vm4, vm5  }
0xb7: {  	vm7 =	vgt.f32 v8, v61;
	vm8 =	vgt.f32 v8, v7;
	vm0 =	vmand vm0, vm6  }
0xb8: {  	vm9 =	vge.f32 v8, v60;
	vm1 =	vmand vm7, vm8  }
0xb9: {  	vm1 =	vmand vm1, vm9;
	_ =	sdelay $0x3  }
0xba: {  	[tilespmem:v11+s17+$0x0] =	vst.idx.add.f32.msk vm0, v6  }
0xbb: {  	[tilespmem:v12+s17+$0x0] =	vst.idx.add.f32.msk vm0, v6  }
0xbc: {  	[tilespmem:v11+s18+$0x0] =	vst.idx.add.f32.msk vm1, v6  }
0xbd: {  	[tilespmem:v12+s18+$0x0] =	vst.idx.add.f32.msk vm1, v6  }
0xbe: {  	v7 =	vld [tilespmem:$0xF0]  }
0xbf: {  	v8 =	vld [tilespmem:$0x170]  }
0xc0: {  	v62 =	vld [tilespmem:$0x1F0]  }
0xc1: {  	v63 =	vld [tilespmem:$0x70];
	_ =	sdelay $0x3  }
0xc2: {  	v11 =	vld [tilespmem:$0x1070];
	vm10 =	vge.f32 v7, v8;
	vm11 =	vge.f32 v7, v62  }
0xc3: {  	v12 =	vld [tilespmem:$0x10F0];
	vm12 =	vgt.f32 v7, v63;
	vm0 =	vmand vm10, vm11  }
0xc4: {  	vm13 =	vgt.f32 v8, v63;
	vm14 =	vgt.f32 v8, v7;
	vm0 =	vmand vm0, vm12  }
0xc5: {  	vm15 =	vge.f32 v8, v62;
	vm1 =	vmand vm13, vm14  }
0xc6: {  	vm1 =	vmand vm1, vm15;
	_ =	sdelay $0x3  }
0xc7: {  	[tilespmem:v11+s17+$0x0] =	vst.idx.add.f32.msk vm0, v6  }
0xc8: {  	[tilespmem:v12+s17+$0x0] =	vst.idx.add.f32.msk vm0, v6  }
0xc9: {  	[tilespmem:v11+s18+$0x0] =	vst.idx.add.f32.msk vm1, v6  }
0xca: {  	[tilespmem:v12+s18+$0x0] =	vst.idx.add.f32.msk vm1, v6  }
0xcb: {  	v7 =	vld [tilespmem:$0x280]  }
0xcc: {  	v8 =	vld [tilespmem:$0x300]  }
0xcd: {  	v16 =	vld [tilespmem:$0x380]  }
0xce: {  	v17 =	vld [tilespmem:$0x200];
	_ =	sdelay $0x3  }
0xcf: {  	v11 =	vld [tilespmem:$0x1100];
	vm4 =	vge.f32 v7, v8;
	vm5 =	vge.f32 v7, v16  }
0xd0: {  	v12 =	vld [tilespmem:$0x1180];
	vm6 =	vgt.f32 v7, v17;
	vm0 =	vmand vm4, vm5  }
0xd1: {  	vm7 =	vgt.f32 v8, v17;
	vm8 =	vgt.f32 v8, v7;
	vm0 =	vmand vm0, vm6  }
0xd2: {  	vm9 =	vge.f32 v8, v16;
	vm1 =	vmand vm7, vm8  }
0xd3: {  	vm1 =	vmand vm1, vm9;
	_ =	sdelay $0x3  }
0xd4: {  	[tilespmem:v11+s17+$0x0] =	vst.idx.add.f32.msk vm0, v6  }
0xd5: {  	[tilespmem:v12+s17+$0x0] =	vst.idx.add.f32.msk vm0, v6  }
0xd6: {  	[tilespmem:v11+s18+$0x0] =	vst.idx.add.f32.msk vm1, v6  }
0xd7: {  	[tilespmem:v12+s18+$0x0] =	vst.idx.add.f32.msk vm1, v6  }
0xd8: {  	v7 =	vld [tilespmem:$0x290]  }
0xd9: {  	v8 =	vld [tilespmem:$0x310]  }
0xda: {  	v18 =	vld [tilespmem:$0x390]  }
0xdb: {  	v19 =	vld [tilespmem:$0x210];
	_ =	sdelay $0x3  }
0xdc: {  	v11 =	vld [tilespmem:$0x1110];
	vm10 =	vge.f32 v7, v8;
	vm11 =	vge.f32 v7, v18  }
0xdd: {  	v12 =	vld [tilespmem:$0x1190];
	vm12 =	vgt.f32 v7, v19;
	vm0 =	vmand vm10, vm11  }
0xde: {  	vm13 =	vgt.f32 v8, v19;
	vm14 =	vgt.f32 v8, v7;
	vm0 =	vmand vm0, vm12  }
0xdf: {  	vm15 =	vge.f32 v8, v18;
	vm1 =	vmand vm13, vm14  }
0xe0: {  	vm1 =	vmand vm1, vm15;
	_ =	sdelay $0x3  }
0xe1: {  	[tilespmem:v11+s17+$0x0] =	vst.idx.add.f32.msk vm0, v6  }
0xe2: {  	[tilespmem:v12+s17+$0x0] =	vst.idx.add.f32.msk vm0, v6  }
0xe3: {  	[tilespmem:v11+s18+$0x0] =	vst.idx.add.f32.msk vm1, v6  }
0xe4: {  	[tilespmem:v12+s18+$0x0] =	vst.idx.add.f32.msk vm1, v6  }
0xe5: {  	v7 =	vld [tilespmem:$0x2A0]  }
0xe6: {  	v8 =	vld [tilespmem:$0x320]  }
0xe7: {  	v20 =	vld [tilespmem:$0x3A0]  }
0xe8: {  	v21 =	vld [tilespmem:$0x220];
	_ =	sdelay $0x3  }
0xe9: {  	v11 =	vld [tilespmem:$0x1120];
	vm4 =	vge.f32 v7, v8;
	vm5 =	vge.f32 v7, v20  }
0xea: {  	v12 =	vld [tilespmem:$0x11A0];
	vm6 =	vgt.f32 v7, v21;
	vm0 =	vmand vm4, vm5  }
0xeb: {  	vm7 =	vgt.f32 v8, v21;
	vm8 =	vgt.f32 v8, v7;
	vm0 =	vmand vm0, vm6  }
0xec: {  	vm9 =	vge.f32 v8, v20;
	vm1 =	vmand vm7, vm8  }
0xed: {  	vm1 =	vmand vm1, vm9;
	_ =	sdelay $0x3  }
0xee: {  	[tilespmem:v11+s17+$0x0] =	vst.idx.add.f32.msk vm0, v6  }
0xef: {  	[tilespmem:v12+s17+$0x0] =	vst.idx.add.f32.msk vm0, v6  }
0xf0: {  	[tilespmem:v11+s18+$0x0] =	vst.idx.add.f32.msk vm1, v6  }
0xf1: {  	[tilespmem:v12+s18+$0x0] =	vst.idx.add.f32.msk vm1, v6  }
0xf2: {  	v7 =	vld [tilespmem:$0x2B0]  }
0xf3: {  	v8 =	vld [tilespmem:$0x330]  }
0xf4: {  	v22 =	vld [tilespmem:$0x3B0]  }
0xf5: {  	v23 =	vld [tilespmem:$0x230];
	_ =	sdelay $0x3  }
0xf6: {  	v11 =	vld [tilespmem:$0x1130];
	vm10 =	vge.f32 v7, v8;
	vm11 =	vge.f32 v7, v22  }
0xf7: {  	v12 =	vld [tilespmem:$0x11B0];
	vm12 =	vgt.f32 v7, v23;
	vm0 =	vmand vm10, vm11  }
0xf8: {  	vm13 =	vgt.f32 v8, v23;
	vm14 =	vgt.f32 v8, v7;
	vm0 =	vmand vm0, vm12  }
0xf9: {  	vm15 =	vge.f32 v8, v22;
	vm1 =	vmand vm13, vm14  }
0xfa: {  	vm1 =	vmand vm1, vm15;
	_ =	sdelay $0x3  }
0xfb: {  	[tilespmem:v11+s17+$0x0] =	vst.idx.add.f32.msk vm0, v6  }
0xfc: {  	[tilespmem:v12+s17+$0x0] =	vst.idx.add.f32.msk vm0, v6  }
0xfd: {  	[tilespmem:v11+s18+$0x0] =	vst.idx.add.f32.msk vm1, v6  }
0xfe: {  	[tilespmem:v12+s18+$0x0] =	vst.idx.add.f32.msk vm1, v6  }
0xff: {  	v7 =	vld [tilespmem:$0x2C0]  }
0x100: {  	v8 =	vld [tilespmem:$0x340]  }
0x101: {  	v24 =	vld [tilespmem:$0x3C0]  }
0x102: {  	v25 =	vld [tilespmem:$0x240];
	_ =	sdelay $0x3  }
0x103: {  	v11 =	vld [tilespmem:$0x1140];
	vm4 =	vge.f32 v7, v8;
	vm5 =	vge.f32 v7, v24  }
0x104: {  	v12 =	vld [tilespmem:$0x11C0];
	vm6 =	vgt.f32 v7, v25;
	vm0 =	vmand vm4, vm5  }
0x105: {  	vm7 =	vgt.f32 v8, v25;
	vm8 =	vgt.f32 v8, v7;
	vm0 =	vmand vm0, vm6  }
0x106: {  	vm9 =	vge.f32 v8, v24;
	vm1 =	vmand vm7, vm8  }
0x107: {  	vm1 =	vmand vm1, vm9;
	_ =	sdelay $0x3  }
0x108: {  	[tilespmem:v11+s17+$0x0] =	vst.idx.add.f32.msk vm0, v6  }
0x109: {  	[tilespmem:v12+s17+$0x0] =	vst.idx.add.f32.msk vm0, v6  }
0x10a: {  	[tilespmem:v11+s18+$0x0] =	vst.idx.add.f32.msk vm1, v6  }
0x10b: {  	[tilespmem:v12+s18+$0x0] =	vst.idx.add.f32.msk vm1, v6  }
0x10c: {  	v7 =	vld [tilespmem:$0x2D0]  }
0x10d: {  	v8 =	vld [tilespmem:$0x350]  }
0x10e: {  	v26 =	vld [tilespmem:$0x3D0]  }
0x10f: {  	v27 =	vld [tilespmem:$0x250];
	_ =	sdelay $0x3  }
0x110: {  	v11 =	vld [tilespmem:$0x1150];
	vm10 =	vge.f32 v7, v8;
	vm11 =	vge.f32 v7, v26  }
0x111: {  	v12 =	vld [tilespmem:$0x11D0];
	vm12 =	vgt.f32 v7, v27;
	vm0 =	vmand vm10, vm11  }
0x112: {  	vm13 =	vgt.f32 v8, v27;
	vm14 =	vgt.f32 v8, v7;
	vm0 =	vmand vm0, vm12  }
0x113: {  	vm15 =	vge.f32 v8, v26;
	vm1 =	vmand vm13, vm14  }
0x114: {  	vm1 =	vmand vm1, vm15;
	_ =	sdelay $0x3  }
0x115: {  	[tilespmem:v11+s17+$0x0] =	vst.idx.add.f32.msk vm0, v6  }
0x116: {  	[tilespmem:v12+s17+$0x0] =	vst.idx.add.f32.msk vm0, v6  }
0x117: {  	[tilespmem:v11+s18+$0x0] =	vst.idx.add.f32.msk vm1, v6  }
0x118: {  	[tilespmem:v12+s18+$0x0] =	vst.idx.add.f32.msk vm1, v6  }
0x119: {  	v7 =	vld [tilespmem:$0x2E0]  }
0x11a: {  	v8 =	vld [tilespmem:$0x360]  }
0x11b: {  	v28 =	vld [tilespmem:$0x3E0]  }
0x11c: {  	v29 =	vld [tilespmem:$0x260];
	_ =	sdelay $0x3  }
0x11d: {  	v11 =	vld [tilespmem:$0x1160];
	vm4 =	vge.f32 v7, v8;
	vm5 =	vge.f32 v7, v28  }
0x11e: {  	v12 =	vld [tilespmem:$0x11E0];
	vm6 =	vgt.f32 v7, v29;
	vm0 =	vmand vm4, vm5  }
0x11f: {  	vm7 =	vgt.f32 v8, v29;
	vm8 =	vgt.f32 v8, v7;
	vm0 =	vmand vm0, vm6  }
0x120: {  	vm9 =	vge.f32 v8, v28;
	vm1 =	vmand vm7, vm8  }
0x121: {  	vm1 =	vmand vm1, vm9;
	_ =	sdelay $0x3  }
0x122: {  	[tilespmem:v11+s17+$0x0] =	vst.idx.add.f32.msk vm0, v6  }
0x123: {  	[tilespmem:v12+s17+$0x0] =	vst.idx.add.f32.msk vm0, v6  }
0x124: {  	[tilespmem:v11+s18+$0x0] =	vst.idx.add.f32.msk vm1, v6  }
0x125: {  	[tilespmem:v12+s18+$0x0] =	vst.idx.add.f32.msk vm1, v6  }
0x126: {  	v7 =	vld [tilespmem:$0x2F0]  }
0x127: {  	v8 =	vld [tilespmem:$0x370]  }
0x128: {  	v30 =	vld [tilespmem:$0x3F0]  }
0x129: {  	v31 =	vld [tilespmem:$0x270];
	_ =	sdelay $0x3  }
0x12a: {  	v11 =	vld [tilespmem:$0x1170];
	vm10 =	vge.f32 v7, v8;
	vm11 =	vge.f32 v7, v30  }
0x12b: {  	v12 =	vld [tilespmem:$0x11F0];
	vm12 =	vgt.f32 v7, v31;
	vm0 =	vmand vm10, vm11  }
0x12c: {  	vm13 =	vgt.f32 v8, v31;
	vm14 =	vgt.f32 v8, v7;
	vm0 =	vmand vm0, vm12  }
0x12d: {  	vm15 =	vge.f32 v8, v30;
	vm1 =	vmand vm13, vm14  }
0x12e: {  	vm1 =	vmand vm1, vm15;
	_ =	sdelay $0x3  }
0x12f: {  	[tilespmem:v11+s17+$0x0] =	vst.idx.add.f32.msk vm0, v6  }
0x130: {  	[tilespmem:v12+s17+$0x0] =	vst.idx.add.f32.msk vm0, v6  }
0x131: {  	[tilespmem:v11+s18+$0x0] =	vst.idx.add.f32.msk vm1, v6  }
0x132: {  	[tilespmem:v12+s18+$0x0] =	vst.idx.add.f32.msk vm1, v6  }
0x133: {  	v7 =	vld [tilespmem:$0x480]  }
0x134: {  	v8 =	vld [tilespmem:$0x500]  }
0x135: {  	v32 =	vld [tilespmem:$0x580]  }
0x136: {  	v33 =	vld [tilespmem:$0x400];
	_ =	sdelay $0x3  }
0x137: {  	v11 =	vld [tilespmem:$0x1200];
	vm4 =	vge.f32 v7, v8;
	vm5 =	vge.f32 v7, v32  }
0x138: {  	v12 =	vld [tilespmem:$0x1280];
	vm6 =	vgt.f32 v7, v33;
	vm0 =	vmand vm4, vm5  }
0x139: {  	vm7 =	vgt.f32 v8, v33;
	vm8 =	vgt.f32 v8, v7;
	vm0 =	vmand vm0, vm6  }
0x13a: {  	vm9 =	vge.f32 v8, v32;
	vm1 =	vmand vm7, vm8  }
0x13b: {  	vm1 =	vmand vm1, vm9;
	_ =	sdelay $0x3  }
0x13c: {  	[tilespmem:v11+s17+$0x0] =	vst.idx.add.f32.msk vm0, v6  }
0x13d: {  	[tilespmem:v12+s17+$0x0] =	vst.idx.add.f32.msk vm0, v6  }
0x13e: {  	[tilespmem:v11+s18+$0x0] =	vst.idx.add.f32.msk vm1, v6  }
0x13f: {  	[tilespmem:v12+s18+$0x0] =	vst.idx.add.f32.msk vm1, v6  }
0x140: {  	v7 =	vld [tilespmem:$0x490]  }
0x141: {  	v8 =	vld [tilespmem:$0x510]  }
0x142: {  	v34 =	vld [tilespmem:$0x590]  }
0x143: {  	v35 =	vld [tilespmem:$0x410];
	_ =	sdelay $0x3  }
0x144: {  	v11 =	vld [tilespmem:$0x1210];
	vm10 =	vge.f32 v7, v8;
	vm11 =	vge.f32 v7, v34  }
0x145: {  	v12 =	vld [tilespmem:$0x1290];
	vm12 =	vgt.f32 v7, v35;
	vm0 =	vmand vm10, vm11  }
0x146: {  	vm13 =	vgt.f32 v8, v35;
	vm14 =	vgt.f32 v8, v7;
	vm0 =	vmand vm0, vm12  }
0x147: {  	vm15 =	vge.f32 v8, v34;
	vm1 =	vmand vm13, vm14  }
0x148: {  	vm1 =	vmand vm1, vm15;
	_ =	sdelay $0x3  }
0x149: {  	[tilespmem:v11+s17+$0x0] =	vst.idx.add.f32.msk vm0, v6  }
0x14a: {  	[tilespmem:v12+s17+$0x0] =	vst.idx.add.f32.msk vm0, v6  }
0x14b: {  	[tilespmem:v11+s18+$0x0] =	vst.idx.add.f32.msk vm1, v6  }
0x14c: {  	[tilespmem:v12+s18+$0x0] =	vst.idx.add.f32.msk vm1, v6  }
0x14d: {  	v7 =	vld [tilespmem:$0x4A0]  }
0x14e: {  	v8 =	vld [tilespmem:$0x520]  }
0x14f: {  	v36 =	vld [tilespmem:$0x5A0]  }
0x150: {  	v37 =	vld [tilespmem:$0x420];
	_ =	sdelay $0x3  }
0x151: {  	v11 =	vld [tilespmem:$0x1220];
	vm4 =	vge.f32 v7, v8;
	vm5 =	vge.f32 v7, v36  }
0x152: {  	v12 =	vld [tilespmem:$0x12A0];
	vm6 =	vgt.f32 v7, v37;
	vm0 =	vmand vm4, vm5  }
0x153: {  	vm7 =	vgt.f32 v8, v37;
	vm8 =	vgt.f32 v8, v7;
	vm0 =	vmand vm0, vm6  }
0x154: {  	vm9 =	vge.f32 v8, v36;
	vm1 =	vmand vm7, vm8  }
0x155: {  	vm1 =	vmand vm1, vm9;
	_ =	sdelay $0x3  }
0x156: {  	[tilespmem:v11+s17+$0x0] =	vst.idx.add.f32.msk vm0, v6  }
0x157: {  	[tilespmem:v12+s17+$0x0] =	vst.idx.add.f32.msk vm0, v6  }
0x158: {  	[tilespmem:v11+s18+$0x0] =	vst.idx.add.f32.msk vm1, v6  }
0x159: {  	[tilespmem:v12+s18+$0x0] =	vst.idx.add.f32.msk vm1, v6  }
0x15a: {  	v7 =	vld [tilespmem:$0x4B0]  }
0x15b: {  	v8 =	vld [tilespmem:$0x530]  }
0x15c: {  	v38 =	vld [tilespmem:$0x5B0]  }
0x15d: {  	v39 =	vld [tilespmem:$0x430];
	_ =	sdelay $0x3  }
0x15e: {  	v11 =	vld [tilespmem:$0x1230];
	vm10 =	vge.f32 v7, v8;
	vm11 =	vge.f32 v7, v38  }
0x15f: {  	v12 =	vld [tilespmem:$0x12B0];
	vm12 =	vgt.f32 v7, v39;
	vm0 =	vmand vm10, vm11  }
0x160: {  	vm13 =	vgt.f32 v8, v39;
	vm14 =	vgt.f32 v8, v7;
	vm0 =	vmand vm0, vm12  }
0x161: {  	vm15 =	vge.f32 v8, v38;
	vm1 =	vmand vm13, vm14  }
0x162: {  	vm1 =	vmand vm1, vm15;
	_ =	sdelay $0x3  }
0x163: {  	[tilespmem:v11+s17+$0x0] =	vst.idx.add.f32.msk vm0, v6  }
0x164: {  	[tilespmem:v12+s17+$0x0] =	vst.idx.add.f32.msk vm0, v6  }
0x165: {  	[tilespmem:v11+s18+$0x0] =	vst.idx.add.f32.msk vm1, v6  }
0x166: {  	[tilespmem:v12+s18+$0x0] =	vst.idx.add.f32.msk vm1, v6  }
0x167: {  	v7 =	vld [tilespmem:$0x4C0]  }
0x168: {  	v8 =	vld [tilespmem:$0x540]  }
0x169: {  	v40 =	vld [tilespmem:$0x5C0]  }
0x16a: {  	v41 =	vld [tilespmem:$0x440];
	_ =	sdelay $0x3  }
0x16b: {  	v11 =	vld [tilespmem:$0x1240];
	vm4 =	vge.f32 v7, v8;
	vm5 =	vge.f32 v7, v40  }
0x16c: {  	v12 =	vld [tilespmem:$0x12C0];
	vm6 =	vgt.f32 v7, v41;
	vm0 =	vmand vm4, vm5  }
0x16d: {  	vm7 =	vgt.f32 v8, v41;
	vm8 =	vgt.f32 v8, v7;
	vm0 =	vmand vm0, vm6  }
0x16e: {  	vm9 =	vge.f32 v8, v40;
	vm1 =	vmand vm7, vm8  }
0x16f: {  	vm1 =	vmand vm1, vm9;
	_ =	sdelay $0x3  }
0x170: {  	[tilespmem:v11+s17+$0x0] =	vst.idx.add.f32.msk vm0, v6  }
0x171: {  	[tilespmem:v12+s17+$0x0] =	vst.idx.add.f32.msk vm0, v6  }
0x172: {  	[tilespmem:v11+s18+$0x0] =	vst.idx.add.f32.msk vm1, v6  }
0x173: {  	[tilespmem:v12+s18+$0x0] =	vst.idx.add.f32.msk vm1, v6  }
0x174: {  	v7 =	vld [tilespmem:$0x4D0]  }
0x175: {  	v8 =	vld [tilespmem:$0x550]  }
0x176: {  	v42 =	vld [tilespmem:$0x5D0]  }
0x177: {  	v43 =	vld [tilespmem:$0x450];
	_ =	sdelay $0x3  }
0x178: {  	v11 =	vld [tilespmem:$0x1250];
	vm10 =	vge.f32 v7, v8;
	vm11 =	vge.f32 v7, v42  }
0x179: {  	v12 =	vld [tilespmem:$0x12D0];
	vm12 =	vgt.f32 v7, v43;
	vm0 =	vmand vm10, vm11  }
0x17a: {  	vm13 =	vgt.f32 v8, v43;
	vm14 =	vgt.f32 v8, v7;
	vm0 =	vmand vm0, vm12  }
0x17b: {  	vm15 =	vge.f32 v8, v42;
	vm1 =	vmand vm13, vm14  }
0x17c: {  	vm1 =	vmand vm1, vm15;
	_ =	sdelay $0x3  }
0x17d: {  	[tilespmem:v11+s17+$0x0] =	vst.idx.add.f32.msk vm0, v6  }
0x17e: {  	[tilespmem:v12+s17+$0x0] =	vst.idx.add.f32.msk vm0, v6  }
0x17f: {  	[tilespmem:v11+s18+$0x0] =	vst.idx.add.f32.msk vm1, v6  }
0x180: {  	[tilespmem:v12+s18+$0x0] =	vst.idx.add.f32.msk vm1, v6  }
0x181: {  	v7 =	vld [tilespmem:$0x4E0]  }
0x182: {  	v8 =	vld [tilespmem:$0x560]  }
0x183: {  	v44 =	vld [tilespmem:$0x5E0]  }
0x184: {  	v45 =	vld [tilespmem:$0x460];
	_ =	sdelay $0x3  }
0x185: {  	v11 =	vld [tilespmem:$0x1260];
	vm4 =	vge.f32 v7, v8;
	vm5 =	vge.f32 v7, v44  }
0x186: {  	v12 =	vld [tilespmem:$0x12E0];
	vm6 =	vgt.f32 v7, v45;
	vm0 =	vmand vm4, vm5  }
0x187: {  	vm7 =	vgt.f32 v8, v45;
	vm8 =	vgt.f32 v8, v7;
	vm0 =	vmand vm0, vm6  }
0x188: {  	vm9 =	vge.f32 v8, v44;
	vm1 =	vmand vm7, vm8  }
0x189: {  	vm1 =	vmand vm1, vm9;
	_ =	sdelay $0x3  }
0x18a: {  	[tilespmem:v11+s17+$0x0] =	vst.idx.add.f32.msk vm0, v6  }
0x18b: {  	[tilespmem:v12+s17+$0x0] =	vst.idx.add.f32.msk vm0, v6  }
0x18c: {  	[tilespmem:v11+s18+$0x0] =	vst.idx.add.f32.msk vm1, v6  }
0x18d: {  	[tilespmem:v12+s18+$0x0] =	vst.idx.add.f32.msk vm1, v6  }
0x18e: {  	v7 =	vld [tilespmem:$0x4F0]  }
0x18f: {  	v8 =	vld [tilespmem:$0x570]  }
0x190: {  	v46 =	vld [tilespmem:$0x5F0]  }
0x191: {  	v47 =	vld [tilespmem:$0x470];
	_ =	sdelay $0x3  }
0x192: {  	v11 =	vld [tilespmem:$0x1270];
	vm10 =	vge.f32 v7, v8;
	vm11 =	vge.f32 v7, v46  }
0x193: {  	v12 =	vld [tilespmem:$0x12F0];
	vm12 =	vgt.f32 v7, v47;
	vm0 =	vmand vm10, vm11  }
0x194: {  	vm13 =	vgt.f32 v8, v47;
	vm14 =	vgt.f32 v8, v7;
	vm0 =	vmand vm0, vm12  }
0x195: {  	vm15 =	vge.f32 v8, v46;
	vm1 =	vmand vm13, vm14  }
0x196: {  	vm1 =	vmand vm1, vm15;
	_ =	sdelay $0x3  }
0x197: {  	[tilespmem:v11+s17+$0x0] =	vst.idx.add.f32.msk vm0, v6  }
0x198: {  	[tilespmem:v12+s17+$0x0] =	vst.idx.add.f32.msk vm0, v6  }
0x199: {  	[tilespmem:v11+s18+$0x0] =	vst.idx.add.f32.msk vm1, v6  }
0x19a: {  	[tilespmem:v12+s18+$0x0] =	vst.idx.add.f32.msk vm1, v6  }
0x19b: {  	v7 =	vld [tilespmem:$0x680]  }
0x19c: {  	v8 =	vld [tilespmem:$0x700]  }
0x19d: {  	v48 =	vld [tilespmem:$0x780]  }
0x19e: {  	v49 =	vld [tilespmem:$0x600];
	_ =	sdelay $0x3  }
0x19f: {  	v11 =	vld [tilespmem:$0x1300];
	vm4 =	vge.f32 v7, v8;
	vm5 =	vge.f32 v7, v48  }
0x1a0: {  	v12 =	vld [tilespmem:$0x1380];
	vm6 =	vgt.f32 v7, v49;
	vm0 =	vmand vm4, vm5  }
0x1a1: {  	vm7 =	vgt.f32 v8, v49;
	vm8 =	vgt.f32 v8, v7;
	vm0 =	vmand vm0, vm6  }
0x1a2: {  	vm9 =	vge.f32 v8, v48;
	vm1 =	vmand vm7, vm8  }
0x1a3: {  	vm1 =	vmand vm1, vm9;
	_ =	sdelay $0x3  }
0x1a4: {  	[tilespmem:v11+s17+$0x0] =	vst.idx.add.f32.msk vm0, v6  }
0x1a5: {  	[tilespmem:v12+s17+$0x0] =	vst.idx.add.f32.msk vm0, v6  }
0x1a6: {  	[tilespmem:v11+s18+$0x0] =	vst.idx.add.f32.msk vm1, v6  }
0x1a7: {  	[tilespmem:v12+s18+$0x0] =	vst.idx.add.f32.msk vm1, v6  }
0x1a8: {  	v7 =	vld [tilespmem:$0x690]  }
0x1a9: {  	v8 =	vld [tilespmem:$0x710]  }
0x1aa: {  	v50 =	vld [tilespmem:$0x790]  }
0x1ab: {  	v51 =	vld [tilespmem:$0x610];
	_ =	sdelay $0x3  }
0x1ac: {  	v11 =	vld [tilespmem:$0x1310];
	vm10 =	vge.f32 v7, v8;
	vm11 =	vge.f32 v7, v50  }
0x1ad: {  	v12 =	vld [tilespmem:$0x1390];
	vm12 =	vgt.f32 v7, v51;
	vm0 =	vmand vm10, vm11  }
0x1ae: {  	vm13 =	vgt.f32 v8, v51;
	vm14 =	vgt.f32 v8, v7;
	vm0 =	vmand vm0, vm12  }
0x1af: {  	vm15 =	vge.f32 v8, v50;
	vm1 =	vmand vm13, vm14  }
0x1b0: {  	vm1 =	vmand vm1, vm15;
	_ =	sdelay $0x3  }
0x1b1: {  	[tilespmem:v11+s17+$0x0] =	vst.idx.add.f32.msk vm0, v6  }
0x1b2: {  	[tilespmem:v12+s17+$0x0] =	vst.idx.add.f32.msk vm0, v6  }
0x1b3: {  	[tilespmem:v11+s18+$0x0] =	vst.idx.add.f32.msk vm1, v6  }
0x1b4: {  	[tilespmem:v12+s18+$0x0] =	vst.idx.add.f32.msk vm1, v6  }
0x1b5: {  	v7 =	vld [tilespmem:$0x6A0]  }
0x1b6: {  	v8 =	vld [tilespmem:$0x720]  }
0x1b7: {  	v52 =	vld [tilespmem:$0x7A0]  }
0x1b8: {  	v53 =	vld [tilespmem:$0x620];
	_ =	sdelay $0x3  }
0x1b9: {  	v11 =	vld [tilespmem:$0x1320];
	vm4 =	vge.f32 v7, v8;
	vm5 =	vge.f32 v7, v52  }
0x1ba: {  	v12 =	vld [tilespmem:$0x13A0];
	vm6 =	vgt.f32 v7, v53;
	vm0 =	vmand vm4, vm5  }
0x1bb: {  	vm7 =	vgt.f32 v8, v53;
	vm8 =	vgt.f32 v8, v7;
	vm0 =	vmand vm0, vm6  }
0x1bc: {  	vm9 =	vge.f32 v8, v52;
	vm1 =	vmand vm7, vm8  }
0x1bd: {  	vm1 =	vmand vm1, vm9;
	_ =	sdelay $0x3  }
0x1be: {  	[tilespmem:v11+s17+$0x0] =	vst.idx.add.f32.msk vm0, v6  }
0x1bf: {  	[tilespmem:v12+s17+$0x0] =	vst.idx.add.f32.msk vm0, v6  }
0x1c0: {  	[tilespmem:v11+s18+$0x0] =	vst.idx.add.f32.msk vm1, v6  }
0x1c1: {  	[tilespmem:v12+s18+$0x0] =	vst.idx.add.f32.msk vm1, v6  }
0x1c2: {  	v7 =	vld [tilespmem:$0x6B0]  }
0x1c3: {  	v8 =	vld [tilespmem:$0x730]  }
0x1c4: {  	v54 =	vld [tilespmem:$0x7B0]  }
0x1c5: {  	v55 =	vld [tilespmem:$0x630];
	_ =	sdelay $0x3  }
0x1c6: {  	v11 =	vld [tilespmem:$0x1330];
	vm10 =	vge.f32 v7, v8;
	vm11 =	vge.f32 v7, v54  }
0x1c7: {  	v12 =	vld [tilespmem:$0x13B0];
	vm12 =	vgt.f32 v7, v55;
	vm0 =	vmand vm10, vm11  }
0x1c8: {  	vm13 =	vgt.f32 v8, v55;
	vm14 =	vgt.f32 v8, v7;
	vm0 =	vmand vm0, vm12  }
0x1c9: {  	vm15 =	vge.f32 v8, v54;
	vm1 =	vmand vm13, vm14  }
0x1ca: {  	vm1 =	vmand vm1, vm15;
	_ =	sdelay $0x3  }
0x1cb: {  	[tilespmem:v11+s17+$0x0] =	vst.idx.add.f32.msk vm0, v6  }
0x1cc: {  	[tilespmem:v12+s17+$0x0] =	vst.idx.add.f32.msk vm0, v6  }
0x1cd: {  	[tilespmem:v11+s18+$0x0] =	vst.idx.add.f32.msk vm1, v6  }
0x1ce: {  	[tilespmem:v12+s18+$0x0] =	vst.idx.add.f32.msk vm1, v6  }
0x1cf: {  	v7 =	vld [tilespmem:$0x6C0]  }
0x1d0: {  	v8 =	vld [tilespmem:$0x740]  }
0x1d1: {  	v56 =	vld [tilespmem:$0x7C0]  }
0x1d2: {  	v57 =	vld [tilespmem:$0x640];
	_ =	sdelay $0x3  }
0x1d3: {  	v11 =	vld [tilespmem:$0x1340];
	vm4 =	vge.f32 v7, v8;
	vm5 =	vge.f32 v7, v56  }
0x1d4: {  	v12 =	vld [tilespmem:$0x13C0];
	vm6 =	vgt.f32 v7, v57;
	vm0 =	vmand vm4, vm5  }
0x1d5: {  	vm7 =	vgt.f32 v8, v57;
	vm8 =	vgt.f32 v8, v7;
	vm0 =	vmand vm0, vm6  }
0x1d6: {  	vm9 =	vge.f32 v8, v56;
	vm1 =	vmand vm7, vm8  }
0x1d7: {  	vm1 =	vmand vm1, vm9;
	_ =	sdelay $0x3  }
0x1d8: {  	[tilespmem:v11+s17+$0x0] =	vst.idx.add.f32.msk vm0, v6  }
0x1d9: {  	[tilespmem:v12+s17+$0x0] =	vst.idx.add.f32.msk vm0, v6  }
0x1da: {  	[tilespmem:v11+s18+$0x0] =	vst.idx.add.f32.msk vm1, v6  }
0x1db: {  	[tilespmem:v12+s18+$0x0] =	vst.idx.add.f32.msk vm1, v6  }
0x1dc: {  	v7 =	vld [tilespmem:$0x6D0]  }
0x1dd: {  	v8 =	vld [tilespmem:$0x750]  }
0x1de: {  	v58 =	vld [tilespmem:$0x7D0]  }
0x1df: {  	v59 =	vld [tilespmem:$0x650];
	_ =	sdelay $0x3  }
0x1e0: {  	v11 =	vld [tilespmem:$0x1350];
	vm10 =	vge.f32 v7, v8;
	vm11 =	vge.f32 v7, v58  }
0x1e1: {  	v12 =	vld [tilespmem:$0x13D0];
	vm12 =	vgt.f32 v7, v59;
	vm0 =	vmand vm10, vm11  }
0x1e2: {  	vm13 =	vgt.f32 v8, v59;
	vm14 =	vgt.f32 v8, v7;
	vm0 =	vmand vm0, vm12  }
0x1e3: {  	vm15 =	vge.f32 v8, v58;
	vm1 =	vmand vm13, vm14  }
0x1e4: {  	vm1 =	vmand vm1, vm15;
	_ =	sdelay $0x3  }
0x1e5: {  	[tilespmem:v11+s17+$0x0] =	vst.idx.add.f32.msk vm0, v6  }
0x1e6: {  	[tilespmem:v12+s17+$0x0] =	vst.idx.add.f32.msk vm0, v6  }
0x1e7: {  	[tilespmem:v11+s18+$0x0] =	vst.idx.add.f32.msk vm1, v6  }
0x1e8: {  	[tilespmem:v12+s18+$0x0] =	vst.idx.add.f32.msk vm1, v6  }
0x1e9: {  	v7 =	vld [tilespmem:$0x6E0]  }
0x1ea: {  	v8 =	vld [tilespmem:$0x760]  }
0x1eb: {  	v60 =	vld [tilespmem:$0x7E0]  }
0x1ec: {  	v61 =	vld [tilespmem:$0x660];
	_ =	sdelay $0x3  }
0x1ed: {  	v11 =	vld [tilespmem:$0x1360];
	vm4 =	vge.f32 v7, v8;
	vm5 =	vge.f32 v7, v60  }
0x1ee: {  	v12 =	vld [tilespmem:$0x13E0];
	vm6 =	vgt.f32 v7, v61;
	vm0 =	vmand vm4, vm5  }
0x1ef: {  	vm7 =	vgt.f32 v8, v61;
	vm8 =	vgt.f32 v8, v7;
	vm0 =	vmand vm0, vm6  }
0x1f0: {  	vm9 =	vge.f32 v8, v60;
	vm1 =	vmand vm7, vm8  }
0x1f1: {  	vm1 =	vmand vm1, vm9;
	_ =	sdelay $0x3  }
0x1f2: {  	[tilespmem:v11+s17+$0x0] =	vst.idx.add.f32.msk vm0, v6  }
0x1f3: {  	[tilespmem:v12+s17+$0x0] =	vst.idx.add.f32.msk vm0, v6  }
0x1f4: {  	[tilespmem:v11+s18+$0x0] =	vst.idx.add.f32.msk vm1, v6  }
0x1f5: {  	[tilespmem:v12+s18+$0x0] =	vst.idx.add.f32.msk vm1, v6  }
0x1f6: {  	v7 =	vld [tilespmem:$0x6F0]  }
0x1f7: {  	v8 =	vld [tilespmem:$0x770]  }
0x1f8: {  	v62 =	vld [tilespmem:$0x7F0]  }
0x1f9: {  	v63 =	vld [tilespmem:$0x670];
	_ =	sdelay $0x3  }
0x1fa: {  	v11 =	vld [tilespmem:$0x1370];
	vm10 =	vge.f32 v7, v8;
	vm11 =	vge.f32 v7, v62  }
0x1fb: {  	v12 =	vld [tilespmem:$0x13F0];
	vm12 =	vgt.f32 v7, v63;
	vm0 =	vmand vm10, vm11  }
0x1fc: {  	vm13 =	vgt.f32 v8, v63;
	vm14 =	vgt.f32 v8, v7;
	vm0 =	vmand vm0, vm12  }
0x1fd: {  	vm15 =	vge.f32 v8, v62;
	vm1 =	vmand vm13, vm14  }
0x1fe: {  	vm1 =	vmand vm1, vm15;
	_ =	sdelay $0x3  }
0x1ff: {  	[tilespmem:v11+s17+$0x0] =	vst.idx.add.f32.msk vm0, v6  }
0x200: {  	[tilespmem:v12+s17+$0x0] =	vst.idx.add.f32.msk vm0, v6  }
0x201: {  	p1 =	seq.s32 s25, $0xFFFFFFC0;
	[tilespmem:v11+s18+$0x0] =	vst.idx.add.f32.msk vm1, v6  }
0x202: {  	s28 =	sadd.s32 @!p1 s25, s6;
	[tilespmem:v12+s18+$0x0] =	vst.idx.add.f32.msk vm1, v6  }
0x203: {  	s28 =	sadd.s32 @!p1 $0x2C0, s28;
	_ =	swait.ge [sflag:s19], $0x800  }
0x204: {  	p2 =	slt.s32 @!p1 s28, $0x270;
	[sflag:s19] =	ssyncset.done $0x0  }
0x205: {  	p2 =	por !p2, p1;
	[sflag:s19] =	ssyncadd.s32 $0xFFFFF800  }
0x206: {  	s28 =	simm.s32 @p2 $0x270;
	_ =	swait.ge [sflag:s20], $0x400  }
0x207: {  	s30 =	simm.s32 @!p1 $0x0;
	s29 =	sshll.u32 @!p1 s28, $0x8;
	[sflag:s20] =	ssyncset.done $0x0  }
0x208: {  	s28 =	sshll.u32 @!p1 s28, $0x7;
	s29 =	sadd.s32 @!p1 s4, s29;
	[sflag:s20] =	ssyncadd.s32 $0xFFFFFC00  }
0x209: {  	[tilespmem:s30], [sflag:$0x1] =	stream.linear.gather @!p1 [hbm4b:s29+s30], $0x800, $0x38;
	[tilespmem:$0x6D80] =	vst v63  }
0x20a: {  	s28 =	sadd.s32 @!p1 s5, s28;
	s29 =	simm.s32 @!p1 $0x1000  }
0x20b: {  	[tilespmem:s29], [sflag:$0x3] =	stream.linear.gather @!p1 [hbm4b:s28+s30], $0x400, $0x38;
	[tilespmem:$0x6D80] =	vst v63  }
0x20c: {  	p1 =	sgt.u32 s26, $0x270  }
.Ltmp5:
0x20d: {  	_ = 	snop;
	(pc) =	sbr.rel @p1 .LBB2_6-.Ltmp5, $1  }
0x20e: {  	_ =	sdelay $0x3  }
0x20f: {  	v7 =	vld [tilespmem:$0x880]  }
0x210: {  	v8 =	vld [tilespmem:$0x900]  }
0x211: {  	v9 =	vld [tilespmem:$0x980]  }
0x212: {  	v10 =	vld [tilespmem:$0x800];
	_ =	sdelay $0x3  }
0x213: {  	v11 =	vld [tilespmem:$0x1400];
	vm0 =	vge.f32 v7, v8;
	vm1 =	vge.f32 v7, v9  }
0x214: {  	v12 =	vld [tilespmem:$0x1480];
	vm2 =	vgt.f32 v7, v10;
	vm0 =	vmand vm0, vm1  }
0x215: {  	vm7 =	vgt.f32 v8, v10;
	vm8 =	vgt.f32 v8, v7;
	vm0 =	vmand vm0, vm2  }
0x216: {  	vm9 =	vge.f32 v8, v9;
	vm1 =	vmand vm7, vm8  }
0x217: {  	vm1 =	vmand vm1, vm9;
	_ =	sdelay $0x3  }
0x218: {  	[tilespmem:v11+s17+$0x0] =	vst.idx.add.f32.msk vm0, v6  }
0x219: {  	[tilespmem:v12+s17+$0x0] =	vst.idx.add.f32.msk vm0, v6  }
0x21a: {  	[tilespmem:v11+s18+$0x0] =	vst.idx.add.f32.msk vm1, v6  }
0x21b: {  	[tilespmem:v12+s18+$0x0] =	vst.idx.add.f32.msk vm1, v6  }
0x21c: {  	v7 =	vld [tilespmem:$0x890]  }
0x21d: {  	v8 =	vld [tilespmem:$0x910]  }
0x21e: {  	v50 =	vld [tilespmem:$0x990]  }
0x21f: {  	v51 =	vld [tilespmem:$0x810];
	_ =	sdelay $0x3  }
0x220: {  	v11 =	vld [tilespmem:$0x1410];
	vm10 =	vge.f32 v7, v8;
	vm11 =	vge.f32 v7, v50  }
0x221: {  	v12 =	vld [tilespmem:$0x1490];
	vm12 =	vgt.f32 v7, v51;
	vm0 =	vmand vm10, vm11  }
0x222: {  	vm13 =	vgt.f32 v8, v51;
	vm14 =	vgt.f32 v8, v7;
	vm0 =	vmand vm0, vm12  }
0x223: {  	vm15 =	vge.f32 v8, v50;
	vm1 =	vmand vm13, vm14  }
0x224: {  	vm1 =	vmand vm1, vm15;
	_ =	sdelay $0x3  }
0x225: {  	[tilespmem:v11+s17+$0x0] =	vst.idx.add.f32.msk vm0, v6  }
0x226: {  	[tilespmem:v12+s17+$0x0] =	vst.idx.add.f32.msk vm0, v6  }
0x227: {  	[tilespmem:v11+s18+$0x0] =	vst.idx.add.f32.msk vm1, v6  }
0x228: {  	[tilespmem:v12+s18+$0x0] =	vst.idx.add.f32.msk vm1, v6  }
0x229: {  	v7 =	vld [tilespmem:$0x8A0]  }
0x22a: {  	v8 =	vld [tilespmem:$0x920]  }
0x22b: {  	v52 =	vld [tilespmem:$0x9A0]  }
0x22c: {  	v53 =	vld [tilespmem:$0x820];
	_ =	sdelay $0x3  }
0x22d: {  	v11 =	vld [tilespmem:$0x1420];
	vm4 =	vge.f32 v7, v8;
	vm5 =	vge.f32 v7, v52  }
0x22e: {  	v12 =	vld [tilespmem:$0x14A0];
	vm6 =	vgt.f32 v7, v53;
	vm0 =	vmand vm4, vm5  }
0x22f: {  	vm7 =	vgt.f32 v8, v53;
	vm8 =	vgt.f32 v8, v7;
	vm0 =	vmand vm0, vm6  }
0x230: {  	vm9 =	vge.f32 v8, v52;
	vm1 =	vmand vm7, vm8  }
0x231: {  	vm1 =	vmand vm1, vm9;
	_ =	sdelay $0x3  }
0x232: {  	[tilespmem:v11+s17+$0x0] =	vst.idx.add.f32.msk vm0, v6  }
0x233: {  	[tilespmem:v12+s17+$0x0] =	vst.idx.add.f32.msk vm0, v6  }
0x234: {  	[tilespmem:v11+s18+$0x0] =	vst.idx.add.f32.msk vm1, v6  }
0x235: {  	[tilespmem:v12+s18+$0x0] =	vst.idx.add.f32.msk vm1, v6  }
0x236: {  	v7 =	vld [tilespmem:$0x8B0]  }
0x237: {  	v8 =	vld [tilespmem:$0x930]  }
0x238: {  	v54 =	vld [tilespmem:$0x9B0]  }
0x239: {  	v55 =	vld [tilespmem:$0x830];
	_ =	sdelay $0x3  }
0x23a: {  	v11 =	vld [tilespmem:$0x1430];
	vm10 =	vge.f32 v7, v8;
	vm11 =	vge.f32 v7, v54  }
0x23b: {  	v12 =	vld [tilespmem:$0x14B0];
	vm12 =	vgt.f32 v7, v55;
	vm0 =	vmand vm10, vm11  }
0x23c: {  	vm13 =	vgt.f32 v8, v55;
	vm14 =	vgt.f32 v8, v7;
	vm0 =	vmand vm0, vm12  }
0x23d: {  	vm15 =	vge.f32 v8, v54;
	vm1 =	vmand vm13, vm14  }
0x23e: {  	vm1 =	vmand vm1, vm15;
	_ =	sdelay $0x3  }
0x23f: {  	[tilespmem:v11+s17+$0x0] =	vst.idx.add.f32.msk vm0, v6  }
0x240: {  	[tilespmem:v12+s17+$0x0] =	vst.idx.add.f32.msk vm0, v6  }
0x241: {  	[tilespmem:v11+s18+$0x0] =	vst.idx.add.f32.msk vm1, v6  }
0x242: {  	[tilespmem:v12+s18+$0x0] =	vst.idx.add.f32.msk vm1, v6  }
0x243: {  	v7 =	vld [tilespmem:$0x8C0]  }
0x244: {  	v8 =	vld [tilespmem:$0x940]  }
0x245: {  	v56 =	vld [tilespmem:$0x9C0]  }
0x246: {  	v57 =	vld [tilespmem:$0x840];
	_ =	sdelay $0x3  }
0x247: {  	v11 =	vld [tilespmem:$0x1440];
	vm4 =	vge.f32 v7, v8;
	vm5 =	vge.f32 v7, v56  }
0x248: {  	v12 =	vld [tilespmem:$0x14C0];
	vm6 =	vgt.f32 v7, v57;
	vm0 =	vmand vm4, vm5  }
0x249: {  	vm7 =	vgt.f32 v8, v57;
	vm8 =	vgt.f32 v8, v7;
	vm0 =	vmand vm0, vm6  }
0x24a: {  	vm9 =	vge.f32 v8, v56;
	vm1 =	vmand vm7, vm8  }
0x24b: {  	vm1 =	vmand vm1, vm9;
	_ =	sdelay $0x3  }
0x24c: {  	[tilespmem:v11+s17+$0x0] =	vst.idx.add.f32.msk vm0, v6  }
0x24d: {  	[tilespmem:v12+s17+$0x0] =	vst.idx.add.f32.msk vm0, v6  }
0x24e: {  	[tilespmem:v11+s18+$0x0] =	vst.idx.add.f32.msk vm1, v6  }
0x24f: {  	[tilespmem:v12+s18+$0x0] =	vst.idx.add.f32.msk vm1, v6  }
0x250: {  	v7 =	vld [tilespmem:$0x8D0]  }
0x251: {  	v8 =	vld [tilespmem:$0x950]  }
0x252: {  	v58 =	vld [tilespmem:$0x9D0]  }
0x253: {  	v59 =	vld [tilespmem:$0x850];
	_ =	sdelay $0x3  }
0x254: {  	v11 =	vld [tilespmem:$0x1450];
	vm10 =	vge.f32 v7, v8;
	vm11 =	vge.f32 v7, v58  }
0x255: {  	v12 =	vld [tilespmem:$0x14D0];
	vm12 =	vgt.f32 v7, v59;
	vm0 =	vmand vm10, vm11  }
0x256: {  	vm13 =	vgt.f32 v8, v59;
	vm14 =	vgt.f32 v8, v7;
	vm0 =	vmand vm0, vm12  }
0x257: {  	vm15 =	vge.f32 v8, v58;
	vm1 =	vmand vm13, vm14  }
0x258: {  	vm1 =	vmand vm1, vm15;
	_ =	sdelay $0x3  }
0x259: {  	[tilespmem:v11+s17+$0x0] =	vst.idx.add.f32.msk vm0, v6  }
0x25a: {  	[tilespmem:v12+s17+$0x0] =	vst.idx.add.f32.msk vm0, v6  }
0x25b: {  	[tilespmem:v11+s18+$0x0] =	vst.idx.add.f32.msk vm1, v6  }
0x25c: {  	[tilespmem:v12+s18+$0x0] =	vst.idx.add.f32.msk vm1, v6  }
0x25d: {  	v7 =	vld [tilespmem:$0x8E0]  }
0x25e: {  	v8 =	vld [tilespmem:$0x960]  }
0x25f: {  	v60 =	vld [tilespmem:$0x9E0]  }
0x260: {  	v61 =	vld [tilespmem:$0x860];
	_ =	sdelay $0x3  }
0x261: {  	v11 =	vld [tilespmem:$0x1460];
	vm4 =	vge.f32 v7, v8;
	vm5 =	vge.f32 v7, v60  }
0x262: {  	v12 =	vld [tilespmem:$0x14E0];
	vm6 =	vgt.f32 v7, v61;
	vm0 =	vmand vm4, vm5  }
0x263: {  	vm7 =	vgt.f32 v8, v61;
	vm8 =	vgt.f32 v8, v7;
	vm0 =	vmand vm0, vm6  }
0x264: {  	vm9 =	vge.f32 v8, v60;
	vm1 =	vmand vm7, vm8  }
0x265: {  	vm1 =	vmand vm1, vm9;
	_ =	sdelay $0x3  }
0x266: {  	[tilespmem:v11+s17+$0x0] =	vst.idx.add.f32.msk vm0, v6  }
0x267: {  	[tilespmem:v12+s17+$0x0] =	vst.idx.add.f32.msk vm0, v6  }
0x268: {  	[tilespmem:v11+s18+$0x0] =	vst.idx.add.f32.msk vm1, v6  }
0x269: {  	[tilespmem:v12+s18+$0x0] =	vst.idx.add.f32.msk vm1, v6  }
0x26a: {  	v7 =	vld [tilespmem:$0x8F0]  }
0x26b: {  	v8 =	vld [tilespmem:$0x970]  }
0x26c: {  	v62 =	vld [tilespmem:$0x9F0]  }
0x26d: {  	v63 =	vld [tilespmem:$0x870];
	_ =	sdelay $0x3  }
0x26e: {  	v11 =	vld [tilespmem:$0x1470];
	vm10 =	vge.f32 v7, v8;
	vm11 =	vge.f32 v7, v62  }
0x26f: {  	v12 =	vld [tilespmem:$0x14F0];
	vm12 =	vgt.f32 v7, v63;
	vm0 =	vmand vm10, vm11  }
0x270: {  	vm13 =	vgt.f32 v8, v63;
	vm14 =	vgt.f32 v8, v7;
	vm0 =	vmand vm0, vm12  }
0x271: {  	vm15 =	vge.f32 v8, v62;
	vm1 =	vmand vm13, vm14  }
0x272: {  	vm1 =	vmand vm1, vm15;
	_ =	sdelay $0x3  }
0x273: {  	[tilespmem:v11+s17+$0x0] =	vst.idx.add.f32.msk vm0, v6  }
0x274: {  	[tilespmem:v12+s17+$0x0] =	vst.idx.add.f32.msk vm0, v6  }
0x275: {  	[tilespmem:v11+s18+$0x0] =	vst.idx.add.f32.msk vm1, v6  }
0x276: {  	[tilespmem:v12+s18+$0x0] =	vst.idx.add.f32.msk vm1, v6  }
0x277: {  	v7 =	vld [tilespmem:$0xA80]  }
0x278: {  	v8 =	vld [tilespmem:$0xB00]  }
0x279: {  	v16 =	vld [tilespmem:$0xB80]  }
0x27a: {  	v17 =	vld [tilespmem:$0xA00];
	_ =	sdelay $0x3  }
0x27b: {  	v11 =	vld [tilespmem:$0x1500];
	vm4 =	vge.f32 v7, v8;
	vm5 =	vge.f32 v7, v16  }
0x27c: {  	v12 =	vld [tilespmem:$0x1580];
	vm6 =	vgt.f32 v7, v17;
	vm0 =	vmand vm4, vm5  }
0x27d: {  	vm7 =	vgt.f32 v8, v17;
	vm8 =	vgt.f32 v8, v7;
	vm0 =	vmand vm0, vm6  }
0x27e: {  	vm9 =	vge.f32 v8, v16;
	vm1 =	vmand vm7, vm8  }
0x27f: {  	vm1 =	vmand vm1, vm9;
	_ =	sdelay $0x3  }
0x280: {  	[tilespmem:v11+s17+$0x0] =	vst.idx.add.f32.msk vm0, v6  }
0x281: {  	[tilespmem:v12+s17+$0x0] =	vst.idx.add.f32.msk vm0, v6  }
0x282: {  	[tilespmem:v11+s18+$0x0] =	vst.idx.add.f32.msk vm1, v6  }
0x283: {  	[tilespmem:v12+s18+$0x0] =	vst.idx.add.f32.msk vm1, v6  }
0x284: {  	v7 =	vld [tilespmem:$0xA90]  }
0x285: {  	v8 =	vld [tilespmem:$0xB10]  }
0x286: {  	v18 =	vld [tilespmem:$0xB90]  }
0x287: {  	v19 =	vld [tilespmem:$0xA10];
	_ =	sdelay $0x3  }
0x288: {  	v11 =	vld [tilespmem:$0x1510];
	vm10 =	vge.f32 v7, v8;
	vm11 =	vge.f32 v7, v18  }
0x289: {  	v12 =	vld [tilespmem:$0x1590];
	vm12 =	vgt.f32 v7, v19;
	vm0 =	vmand vm10, vm11  }
0x28a: {  	vm13 =	vgt.f32 v8, v19;
	vm14 =	vgt.f32 v8, v7;
	vm0 =	vmand vm0, vm12  }
0x28b: {  	vm15 =	vge.f32 v8, v18;
	vm1 =	vmand vm13, vm14  }
0x28c: {  	vm1 =	vmand vm1, vm15;
	_ =	sdelay $0x3  }
0x28d: {  	[tilespmem:v11+s17+$0x0] =	vst.idx.add.f32.msk vm0, v6  }
0x28e: {  	[tilespmem:v12+s17+$0x0] =	vst.idx.add.f32.msk vm0, v6  }
0x28f: {  	[tilespmem:v11+s18+$0x0] =	vst.idx.add.f32.msk vm1, v6  }
0x290: {  	[tilespmem:v12+s18+$0x0] =	vst.idx.add.f32.msk vm1, v6  }
0x291: {  	v7 =	vld [tilespmem:$0xAA0]  }
0x292: {  	v8 =	vld [tilespmem:$0xB20]  }
0x293: {  	v20 =	vld [tilespmem:$0xBA0]  }
0x294: {  	v21 =	vld [tilespmem:$0xA20];
	_ =	sdelay $0x3  }
0x295: {  	v11 =	vld [tilespmem:$0x1520];
	vm4 =	vge.f32 v7, v8;
	vm5 =	vge.f32 v7, v20  }
0x296: {  	v12 =	vld [tilespmem:$0x15A0];
	vm6 =	vgt.f32 v7, v21;
	vm0 =	vmand vm4, vm5  }
0x297: {  	vm7 =	vgt.f32 v8, v21;
	vm8 =	vgt.f32 v8, v7;
	vm0 =	vmand vm0, vm6  }
0x298: {  	vm9 =	vge.f32 v8, v20;
	vm1 =	vmand vm7, vm8  }
0x299: {  	vm1 =	vmand vm1, vm9;
	_ =	sdelay $0x3  }
0x29a: {  	[tilespmem:v11+s17+$0x0] =	vst.idx.add.f32.msk vm0, v6  }
0x29b: {  	[tilespmem:v12+s17+$0x0] =	vst.idx.add.f32.msk vm0, v6  }
0x29c: {  	[tilespmem:v11+s18+$0x0] =	vst.idx.add.f32.msk vm1, v6  }
0x29d: {  	[tilespmem:v12+s18+$0x0] =	vst.idx.add.f32.msk vm1, v6  }
0x29e: {  	v7 =	vld [tilespmem:$0xAB0]  }
0x29f: {  	v8 =	vld [tilespmem:$0xB30]  }
0x2a0: {  	v22 =	vld [tilespmem:$0xBB0]  }
0x2a1: {  	v23 =	vld [tilespmem:$0xA30];
	_ =	sdelay $0x3  }
0x2a2: {  	v11 =	vld [tilespmem:$0x1530];
	vm10 =	vge.f32 v7, v8;
	vm11 =	vge.f32 v7, v22  }
0x2a3: {  	v12 =	vld [tilespmem:$0x15B0];
	vm12 =	vgt.f32 v7, v23;
	vm0 =	vmand vm10, vm11  }
0x2a4: {  	vm13 =	vgt.f32 v8, v23;
	vm14 =	vgt.f32 v8, v7;
	vm0 =	vmand vm0, vm12  }
0x2a5: {  	vm15 =	vge.f32 v8, v22;
	vm1 =	vmand vm13, vm14  }
0x2a6: {  	vm1 =	vmand vm1, vm15;
	_ =	sdelay $0x3  }
0x2a7: {  	[tilespmem:v11+s17+$0x0] =	vst.idx.add.f32.msk vm0, v6  }
0x2a8: {  	[tilespmem:v12+s17+$0x0] =	vst.idx.add.f32.msk vm0, v6  }
0x2a9: {  	[tilespmem:v11+s18+$0x0] =	vst.idx.add.f32.msk vm1, v6  }
0x2aa: {  	[tilespmem:v12+s18+$0x0] =	vst.idx.add.f32.msk vm1, v6  }
0x2ab: {  	v7 =	vld [tilespmem:$0xAC0]  }
0x2ac: {  	v8 =	vld [tilespmem:$0xB40]  }
0x2ad: {  	v24 =	vld [tilespmem:$0xBC0]  }
0x2ae: {  	v25 =	vld [tilespmem:$0xA40];
	_ =	sdelay $0x3  }
0x2af: {  	v11 =	vld [tilespmem:$0x1540];
	vm4 =	vge.f32 v7, v8;
	vm5 =	vge.f32 v7, v24  }
0x2b0: {  	v12 =	vld [tilespmem:$0x15C0];
	vm6 =	vgt.f32 v7, v25;
	vm0 =	vmand vm4, vm5  }
0x2b1: {  	vm7 =	vgt.f32 v8, v25;
	vm8 =	vgt.f32 v8, v7;
	vm0 =	vmand vm0, vm6  }
0x2b2: {  	vm9 =	vge.f32 v8, v24;
	vm1 =	vmand vm7, vm8  }
0x2b3: {  	vm1 =	vmand vm1, vm9;
	_ =	sdelay $0x3  }
0x2b4: {  	[tilespmem:v11+s17+$0x0] =	vst.idx.add.f32.msk vm0, v6  }
0x2b5: {  	[tilespmem:v12+s17+$0x0] =	vst.idx.add.f32.msk vm0, v6  }
0x2b6: {  	[tilespmem:v11+s18+$0x0] =	vst.idx.add.f32.msk vm1, v6  }
0x2b7: {  	[tilespmem:v12+s18+$0x0] =	vst.idx.add.f32.msk vm1, v6  }
0x2b8: {  	v7 =	vld [tilespmem:$0xAD0]  }
0x2b9: {  	v8 =	vld [tilespmem:$0xB50]  }
0x2ba: {  	v26 =	vld [tilespmem:$0xBD0]  }
0x2bb: {  	v27 =	vld [tilespmem:$0xA50];
	_ =	sdelay $0x3  }
0x2bc: {  	v11 =	vld [tilespmem:$0x1550];
	vm10 =	vge.f32 v7, v8;
	vm11 =	vge.f32 v7, v26  }
0x2bd: {  	v12 =	vld [tilespmem:$0x15D0];
	vm12 =	vgt.f32 v7, v27;
	vm0 =	vmand vm10, vm11  }
0x2be: {  	vm13 =	vgt.f32 v8, v27;
	vm14 =	vgt.f32 v8, v7;
	vm0 =	vmand vm0, vm12  }
0x2bf: {  	vm15 =	vge.f32 v8, v26;
	vm1 =	vmand vm13, vm14  }
0x2c0: {  	vm1 =	vmand vm1, vm15;
	_ =	sdelay $0x3  }
0x2c1: {  	[tilespmem:v11+s17+$0x0] =	vst.idx.add.f32.msk vm0, v6  }
0x2c2: {  	[tilespmem:v12+s17+$0x0] =	vst.idx.add.f32.msk vm0, v6  }
0x2c3: {  	[tilespmem:v11+s18+$0x0] =	vst.idx.add.f32.msk vm1, v6  }
0x2c4: {  	[tilespmem:v12+s18+$0x0] =	vst.idx.add.f32.msk vm1, v6  }
0x2c5: {  	v7 =	vld [tilespmem:$0xAE0]  }
0x2c6: {  	v8 =	vld [tilespmem:$0xB60]  }
0x2c7: {  	v28 =	vld [tilespmem:$0xBE0]  }
0x2c8: {  	v29 =	vld [tilespmem:$0xA60];
	_ =	sdelay $0x3  }
0x2c9: {  	v11 =	vld [tilespmem:$0x1560];
	vm4 =	vge.f32 v7, v8;
	vm5 =	vge.f32 v7, v28  }
0x2ca: {  	v12 =	vld [tilespmem:$0x15E0];
	vm6 =	vgt.f32 v7, v29;
	vm0 =	vmand vm4, vm5  }
0x2cb: {  	vm7 =	vgt.f32 v8, v29;
	vm8 =	vgt.f32 v8, v7;
	vm0 =	vmand vm0, vm6  }
0x2cc: {  	vm9 =	vge.f32 v8, v28;
	vm1 =	vmand vm7, vm8  }
0x2cd: {  	vm1 =	vmand vm1, vm9;
	_ =	sdelay $0x3  }
0x2ce: {  	[tilespmem:v11+s17+$0x0] =	vst.idx.add.f32.msk vm0, v6  }
0x2cf: {  	[tilespmem:v12+s17+$0x0] =	vst.idx.add.f32.msk vm0, v6  }
0x2d0: {  	[tilespmem:v11+s18+$0x0] =	vst.idx.add.f32.msk vm1, v6  }
0x2d1: {  	[tilespmem:v12+s18+$0x0] =	vst.idx.add.f32.msk vm1, v6  }
0x2d2: {  	v7 =	vld [tilespmem:$0xAF0]  }
0x2d3: {  	v8 =	vld [tilespmem:$0xB70]  }
0x2d4: {  	v30 =	vld [tilespmem:$0xBF0]  }
0x2d5: {  	v31 =	vld [tilespmem:$0xA70];
	_ =	sdelay $0x3  }
0x2d6: {  	v11 =	vld [tilespmem:$0x1570];
	vm10 =	vge.f32 v7, v8;
	vm11 =	vge.f32 v7, v30  }
0x2d7: {  	v12 =	vld [tilespmem:$0x15F0];
	vm12 =	vgt.f32 v7, v31;
	vm0 =	vmand vm10, vm11  }
0x2d8: {  	vm13 =	vgt.f32 v8, v31;
	vm14 =	vgt.f32 v8, v7;
	vm0 =	vmand vm0, vm12  }
0x2d9: {  	vm15 =	vge.f32 v8, v30;
	vm1 =	vmand vm13, vm14  }
0x2da: {  	vm1 =	vmand vm1, vm15;
	_ =	sdelay $0x3  }
0x2db: {  	[tilespmem:v11+s17+$0x0] =	vst.idx.add.f32.msk vm0, v6  }
0x2dc: {  	[tilespmem:v12+s17+$0x0] =	vst.idx.add.f32.msk vm0, v6  }
0x2dd: {  	[tilespmem:v11+s18+$0x0] =	vst.idx.add.f32.msk vm1, v6  }
0x2de: {  	[tilespmem:v12+s18+$0x0] =	vst.idx.add.f32.msk vm1, v6  }
0x2df: {  	v7 =	vld [tilespmem:$0xC80]  }
0x2e0: {  	v8 =	vld [tilespmem:$0xD00]  }
0x2e1: {  	v32 =	vld [tilespmem:$0xD80]  }
0x2e2: {  	v33 =	vld [tilespmem:$0xC00];
	_ =	sdelay $0x3  }
0x2e3: {  	v11 =	vld [tilespmem:$0x1600];
	vm4 =	vge.f32 v7, v8;
	vm5 =	vge.f32 v7, v32  }
0x2e4: {  	v12 =	vld [tilespmem:$0x1680];
	vm6 =	vgt.f32 v7, v33;
	vm0 =	vmand vm4, vm5  }
0x2e5: {  	vm7 =	vgt.f32 v8, v33;
	vm8 =	vgt.f32 v8, v7;
	vm0 =	vmand vm0, vm6  }
0x2e6: {  	vm9 =	vge.f32 v8, v32;
	vm1 =	vmand vm7, vm8  }
0x2e7: {  	vm1 =	vmand vm1, vm9;
	_ =	sdelay $0x3  }
0x2e8: {  	[tilespmem:v11+s17+$0x0] =	vst.idx.add.f32.msk vm0, v6  }
0x2e9: {  	[tilespmem:v12+s17+$0x0] =	vst.idx.add.f32.msk vm0, v6  }
0x2ea: {  	[tilespmem:v11+s18+$0x0] =	vst.idx.add.f32.msk vm1, v6  }
0x2eb: {  	[tilespmem:v12+s18+$0x0] =	vst.idx.add.f32.msk vm1, v6  }
0x2ec: {  	v7 =	vld [tilespmem:$0xC90]  }
0x2ed: {  	v8 =	vld [tilespmem:$0xD10]  }
0x2ee: {  	v34 =	vld [tilespmem:$0xD90]  }
0x2ef: {  	v35 =	vld [tilespmem:$0xC10];
	_ =	sdelay $0x3  }
0x2f0: {  	v11 =	vld [tilespmem:$0x1610];
	vm10 =	vge.f32 v7, v8;
	vm11 =	vge.f32 v7, v34  }
0x2f1: {  	v12 =	vld [tilespmem:$0x1690];
	vm12 =	vgt.f32 v7, v35;
	vm0 =	vmand vm10, vm11  }
0x2f2: {  	vm13 =	vgt.f32 v8, v35;
	vm14 =	vgt.f32 v8, v7;
	vm0 =	vmand vm0, vm12  }
0x2f3: {  	vm15 =	vge.f32 v8, v34;
	vm1 =	vmand vm13, vm14  }
0x2f4: {  	vm1 =	vmand vm1, vm15;
	_ =	sdelay $0x3  }
0x2f5: {  	[tilespmem:v11+s17+$0x0] =	vst.idx.add.f32.msk vm0, v6  }
0x2f6: {  	[tilespmem:v12+s17+$0x0] =	vst.idx.add.f32.msk vm0, v6  }
0x2f7: {  	[tilespmem:v11+s18+$0x0] =	vst.idx.add.f32.msk vm1, v6  }
0x2f8: {  	[tilespmem:v12+s18+$0x0] =	vst.idx.add.f32.msk vm1, v6  }
0x2f9: {  	v7 =	vld [tilespmem:$0xCA0]  }
0x2fa: {  	v8 =	vld [tilespmem:$0xD20]  }
0x2fb: {  	v36 =	vld [tilespmem:$0xDA0]  }
0x2fc: {  	v37 =	vld [tilespmem:$0xC20];
	_ =	sdelay $0x3  }
0x2fd: {  	v11 =	vld [tilespmem:$0x1620];
	vm4 =	vge.f32 v7, v8;
	vm5 =	vge.f32 v7, v36  }
0x2fe: {  	v12 =	vld [tilespmem:$0x16A0];
	vm6 =	vgt.f32 v7, v37;
	vm0 =	vmand vm4, vm5  }
0x2ff: {  	vm7 =	vgt.f32 v8, v37;
	vm8 =	vgt.f32 v8, v7;
	vm0 =	vmand vm0, vm6  }
0x300: {  	vm9 =	vge.f32 v8, v36;
	vm1 =	vmand vm7, vm8  }
0x301: {  	vm1 =	vmand vm1, vm9;
	_ =	sdelay $0x3  }
0x302: {  	[tilespmem:v11+s17+$0x0] =	vst.idx.add.f32.msk vm0, v6  }
0x303: {  	[tilespmem:v12+s17+$0x0] =	vst.idx.add.f32.msk vm0, v6  }
0x304: {  	[tilespmem:v11+s18+$0x0] =	vst.idx.add.f32.msk vm1, v6  }
0x305: {  	[tilespmem:v12+s18+$0x0] =	vst.idx.add.f32.msk vm1, v6  }
0x306: {  	v7 =	vld [tilespmem:$0xCB0]  }
0x307: {  	v8 =	vld [tilespmem:$0xD30]  }
0x308: {  	v38 =	vld [tilespmem:$0xDB0]  }
0x309: {  	v39 =	vld [tilespmem:$0xC30];
	_ =	sdelay $0x3  }
0x30a: {  	v11 =	vld [tilespmem:$0x1630];
	vm10 =	vge.f32 v7, v8;
	vm11 =	vge.f32 v7, v38  }
0x30b: {  	v12 =	vld [tilespmem:$0x16B0];
	vm12 =	vgt.f32 v7, v39;
	vm0 =	vmand vm10, vm11  }
0x30c: {  	vm13 =	vgt.f32 v8, v39;
	vm14 =	vgt.f32 v8, v7;
	vm0 =	vmand vm0, vm12  }
0x30d: {  	vm15 =	vge.f32 v8, v38;
	vm1 =	vmand vm13, vm14  }
0x30e: {  	vm1 =	vmand vm1, vm15;
	_ =	sdelay $0x3  }
0x30f: {  	[tilespmem:v11+s17+$0x0] =	vst.idx.add.f32.msk vm0, v6  }
0x310: {  	[tilespmem:v12+s17+$0x0] =	vst.idx.add.f32.msk vm0, v6  }
0x311: {  	[tilespmem:v11+s18+$0x0] =	vst.idx.add.f32.msk vm1, v6  }
0x312: {  	[tilespmem:v12+s18+$0x0] =	vst.idx.add.f32.msk vm1, v6  }
0x313: {  	v7 =	vld [tilespmem:$0xCC0]  }
0x314: {  	v8 =	vld [tilespmem:$0xD40]  }
0x315: {  	v40 =	vld [tilespmem:$0xDC0]  }
0x316: {  	v41 =	vld [tilespmem:$0xC40];
	_ =	sdelay $0x3  }
0x317: {  	v11 =	vld [tilespmem:$0x1640];
	vm4 =	vge.f32 v7, v8;
	vm5 =	vge.f32 v7, v40  }
0x318: {  	v12 =	vld [tilespmem:$0x16C0];
	vm6 =	vgt.f32 v7, v41;
	vm0 =	vmand vm4, vm5  }
0x319: {  	vm7 =	vgt.f32 v8, v41;
	vm8 =	vgt.f32 v8, v7;
	vm0 =	vmand vm0, vm6  }
0x31a: {  	vm9 =	vge.f32 v8, v40;
	vm1 =	vmand vm7, vm8  }
0x31b: {  	vm1 =	vmand vm1, vm9;
	_ =	sdelay $0x3  }
0x31c: {  	[tilespmem:v11+s17+$0x0] =	vst.idx.add.f32.msk vm0, v6  }
0x31d: {  	[tilespmem:v12+s17+$0x0] =	vst.idx.add.f32.msk vm0, v6  }
0x31e: {  	[tilespmem:v11+s18+$0x0] =	vst.idx.add.f32.msk vm1, v6  }
0x31f: {  	[tilespmem:v12+s18+$0x0] =	vst.idx.add.f32.msk vm1, v6  }
0x320: {  	v7 =	vld [tilespmem:$0xCD0]  }
0x321: {  	v8 =	vld [tilespmem:$0xD50]  }
0x322: {  	v42 =	vld [tilespmem:$0xDD0]  }
0x323: {  	v43 =	vld [tilespmem:$0xC50];
	_ =	sdelay $0x3  }
0x324: {  	v11 =	vld [tilespmem:$0x1650];
	vm10 =	vge.f32 v7, v8;
	vm11 =	vge.f32 v7, v42  }
0x325: {  	v12 =	vld [tilespmem:$0x16D0];
	vm12 =	vgt.f32 v7, v43;
	vm0 =	vmand vm10, vm11  }
0x326: {  	vm13 =	vgt.f32 v8, v43;
	vm14 =	vgt.f32 v8, v7;
	vm0 =	vmand vm0, vm12  }
0x327: {  	vm15 =	vge.f32 v8, v42;
	vm1 =	vmand vm13, vm14  }
0x328: {  	vm1 =	vmand vm1, vm15;
	_ =	sdelay $0x3  }
0x329: {  	[tilespmem:v11+s17+$0x0] =	vst.idx.add.f32.msk vm0, v6  }
0x32a: {  	[tilespmem:v12+s17+$0x0] =	vst.idx.add.f32.msk vm0, v6  }
0x32b: {  	[tilespmem:v11+s18+$0x0] =	vst.idx.add.f32.msk vm1, v6  }
0x32c: {  	[tilespmem:v12+s18+$0x0] =	vst.idx.add.f32.msk vm1, v6  }
0x32d: {  	v7 =	vld [tilespmem:$0xCE0]  }
0x32e: {  	v8 =	vld [tilespmem:$0xD60]  }
0x32f: {  	v44 =	vld [tilespmem:$0xDE0]  }
0x330: {  	v45 =	vld [tilespmem:$0xC60];
	_ =	sdelay $0x3  }
0x331: {  	v11 =	vld [tilespmem:$0x1660];
	vm4 =	vge.f32 v7, v8;
	vm5 =	vge.f32 v7, v44  }
0x332: {  	v12 =	vld [tilespmem:$0x16E0];
	vm6 =	vgt.f32 v7, v45;
	vm0 =	vmand vm4, vm5  }
0x333: {  	vm7 =	vgt.f32 v8, v45;
	vm8 =	vgt.f32 v8, v7;
	vm0 =	vmand vm0, vm6  }
0x334: {  	vm9 =	vge.f32 v8, v44;
	vm1 =	vmand vm7, vm8  }
0x335: {  	vm1 =	vmand vm1, vm9;
	_ =	sdelay $0x3  }
0x336: {  	[tilespmem:v11+s17+$0x0] =	vst.idx.add.f32.msk vm0, v6  }
0x337: {  	[tilespmem:v12+s17+$0x0] =	vst.idx.add.f32.msk vm0, v6  }
0x338: {  	[tilespmem:v11+s18+$0x0] =	vst.idx.add.f32.msk vm1, v6  }
0x339: {  	[tilespmem:v12+s18+$0x0] =	vst.idx.add.f32.msk vm1, v6  }
0x33a: {  	v7 =	vld [tilespmem:$0xCF0]  }
0x33b: {  	v8 =	vld [tilespmem:$0xD70]  }
0x33c: {  	v46 =	vld [tilespmem:$0xDF0]  }
0x33d: {  	v47 =	vld [tilespmem:$0xC70];
	_ =	sdelay $0x3  }
0x33e: {  	v11 =	vld [tilespmem:$0x1670];
	vm10 =	vge.f32 v7, v8;
	vm11 =	vge.f32 v7, v46  }
0x33f: {  	v12 =	vld [tilespmem:$0x16F0];
	vm12 =	vgt.f32 v7, v47;
	vm0 =	vmand vm10, vm11  }
0x340: {  	vm13 =	vgt.f32 v8, v47;
	vm14 =	vgt.f32 v8, v7;
	vm0 =	vmand vm0, vm12  }
0x341: {  	vm15 =	vge.f32 v8, v46;
	vm1 =	vmand vm13, vm14  }
0x342: {  	vm1 =	vmand vm1, vm15;
	_ =	sdelay $0x3  }
0x343: {  	[tilespmem:v11+s17+$0x0] =	vst.idx.add.f32.msk vm0, v6  }
0x344: {  	[tilespmem:v12+s17+$0x0] =	vst.idx.add.f32.msk vm0, v6  }
0x345: {  	[tilespmem:v11+s18+$0x0] =	vst.idx.add.f32.msk vm1, v6  }
0x346: {  	[tilespmem:v12+s18+$0x0] =	vst.idx.add.f32.msk vm1, v6  }
0x347: {  	v7 =	vld [tilespmem:$0xE80]  }
0x348: {  	v8 =	vld [tilespmem:$0xF00]  }
0x349: {  	v48 =	vld [tilespmem:$0xF80]  }
0x34a: {  	v49 =	vld [tilespmem:$0xE00];
	_ =	sdelay $0x3  }
0x34b: {  	v11 =	vld [tilespmem:$0x1700];
	vm4 =	vge.f32 v7, v8;
	vm5 =	vge.f32 v7, v48  }
0x34c: {  	v12 =	vld [tilespmem:$0x1780];
	vm6 =	vgt.f32 v7, v49;
	vm0 =	vmand vm4, vm5  }
0x34d: {  	vm7 =	vgt.f32 v8, v49;
	vm8 =	vgt.f32 v8, v7;
	vm0 =	vmand vm0, vm6  }
0x34e: {  	vm9 =	vge.f32 v8, v48;
	vm1 =	vmand vm7, vm8  }
0x34f: {  	vm1 =	vmand vm1, vm9;
	_ =	sdelay $0x3  }
0x350: {  	[tilespmem:v11+s17+$0x0] =	vst.idx.add.f32.msk vm0, v6  }
0x351: {  	[tilespmem:v12+s17+$0x0] =	vst.idx.add.f32.msk vm0, v6  }
0x352: {  	[tilespmem:v11+s18+$0x0] =	vst.idx.add.f32.msk vm1, v6  }
0x353: {  	[tilespmem:v12+s18+$0x0] =	vst.idx.add.f32.msk vm1, v6  }
0x354: {  	v7 =	vld [tilespmem:$0xE90]  }
0x355: {  	v8 =	vld [tilespmem:$0xF10]  }
0x356: {  	v50 =	vld [tilespmem:$0xF90]  }
0x357: {  	v51 =	vld [tilespmem:$0xE10];
	_ =	sdelay $0x3  }
0x358: {  	v11 =	vld [tilespmem:$0x1710];
	vm10 =	vge.f32 v7, v8;
	vm11 =	vge.f32 v7, v50  }
0x359: {  	v12 =	vld [tilespmem:$0x1790];
	vm12 =	vgt.f32 v7, v51;
	vm0 =	vmand vm10, vm11  }
0x35a: {  	vm13 =	vgt.f32 v8, v51;
	vm14 =	vgt.f32 v8, v7;
	vm0 =	vmand vm0, vm12  }
0x35b: {  	vm15 =	vge.f32 v8, v50;
	vm1 =	vmand vm13, vm14  }
0x35c: {  	vm1 =	vmand vm1, vm15;
	_ =	sdelay $0x3  }
0x35d: {  	[tilespmem:v11+s17+$0x0] =	vst.idx.add.f32.msk vm0, v6  }
0x35e: {  	[tilespmem:v12+s17+$0x0] =	vst.idx.add.f32.msk vm0, v6  }
0x35f: {  	[tilespmem:v11+s18+$0x0] =	vst.idx.add.f32.msk vm1, v6  }
0x360: {  	[tilespmem:v12+s18+$0x0] =	vst.idx.add.f32.msk vm1, v6  }
0x361: {  	v7 =	vld [tilespmem:$0xEA0]  }
0x362: {  	v8 =	vld [tilespmem:$0xF20]  }
0x363: {  	v52 =	vld [tilespmem:$0xFA0]  }
0x364: {  	v53 =	vld [tilespmem:$0xE20];
	_ =	sdelay $0x3  }
0x365: {  	v11 =	vld [tilespmem:$0x1720];
	vm4 =	vge.f32 v7, v8;
	vm5 =	vge.f32 v7, v52  }
0x366: {  	v12 =	vld [tilespmem:$0x17A0];
	vm6 =	vgt.f32 v7, v53;
	vm0 =	vmand vm4, vm5  }
0x367: {  	vm7 =	vgt.f32 v8, v53;
	vm8 =	vgt.f32 v8, v7;
	vm0 =	vmand vm0, vm6  }
0x368: {  	vm9 =	vge.f32 v8, v52;
	vm1 =	vmand vm7, vm8  }
0x369: {  	vm1 =	vmand vm1, vm9;
	_ =	sdelay $0x3  }
0x36a: {  	[tilespmem:v11+s17+$0x0] =	vst.idx.add.f32.msk vm0, v6  }
0x36b: {  	[tilespmem:v12+s17+$0x0] =	vst.idx.add.f32.msk vm0, v6  }
0x36c: {  	[tilespmem:v11+s18+$0x0] =	vst.idx.add.f32.msk vm1, v6  }
0x36d: {  	[tilespmem:v12+s18+$0x0] =	vst.idx.add.f32.msk vm1, v6  }
0x36e: {  	v7 =	vld [tilespmem:$0xEB0]  }
0x36f: {  	v8 =	vld [tilespmem:$0xF30]  }
0x370: {  	v54 =	vld [tilespmem:$0xFB0]  }
0x371: {  	v55 =	vld [tilespmem:$0xE30];
	_ =	sdelay $0x3  }
0x372: {  	v11 =	vld [tilespmem:$0x1730];
	vm10 =	vge.f32 v7, v8;
	vm11 =	vge.f32 v7, v54  }
0x373: {  	v12 =	vld [tilespmem:$0x17B0];
	vm12 =	vgt.f32 v7, v55;
	vm0 =	vmand vm10, vm11  }
0x374: {  	vm13 =	vgt.f32 v8, v55;
	vm14 =	vgt.f32 v8, v7;
	vm0 =	vmand vm0, vm12  }
0x375: {  	vm15 =	vge.f32 v8, v54;
	vm1 =	vmand vm13, vm14  }
0x376: {  	vm1 =	vmand vm1, vm15;
	_ =	sdelay $0x3  }
0x377: {  	[tilespmem:v11+s17+$0x0] =	vst.idx.add.f32.msk vm0, v6  }
0x378: {  	[tilespmem:v12+s17+$0x0] =	vst.idx.add.f32.msk vm0, v6  }
0x379: {  	[tilespmem:v11+s18+$0x0] =	vst.idx.add.f32.msk vm1, v6  }
0x37a: {  	[tilespmem:v12+s18+$0x0] =	vst.idx.add.f32.msk vm1, v6  }
0x37b: {  	v7 =	vld [tilespmem:$0xEC0]  }
0x37c: {  	v8 =	vld [tilespmem:$0xF40]  }
0x37d: {  	v56 =	vld [tilespmem:$0xFC0]  }
0x37e: {  	v57 =	vld [tilespmem:$0xE40];
	_ =	sdelay $0x3  }
0x37f: {  	v11 =	vld [tilespmem:$0x1740];
	vm4 =	vge.f32 v7, v8;
	vm5 =	vge.f32 v7, v56  }
0x380: {  	v12 =	vld [tilespmem:$0x17C0];
	vm6 =	vgt.f32 v7, v57;
	vm0 =	vmand vm4, vm5  }
0x381: {  	vm7 =	vgt.f32 v8, v57;
	vm8 =	vgt.f32 v8, v7;
	vm0 =	vmand vm0, vm6  }
0x382: {  	vm9 =	vge.f32 v8, v56;
	vm1 =	vmand vm7, vm8  }
0x383: {  	vm1 =	vmand vm1, vm9;
	_ =	sdelay $0x3  }
0x384: {  	[tilespmem:v11+s17+$0x0] =	vst.idx.add.f32.msk vm0, v6  }
0x385: {  	[tilespmem:v12+s17+$0x0] =	vst.idx.add.f32.msk vm0, v6  }
0x386: {  	[tilespmem:v11+s18+$0x0] =	vst.idx.add.f32.msk vm1, v6  }
0x387: {  	[tilespmem:v12+s18+$0x0] =	vst.idx.add.f32.msk vm1, v6  }
0x388: {  	v7 =	vld [tilespmem:$0xED0]  }
0x389: {  	v8 =	vld [tilespmem:$0xF50]  }
0x38a: {  	v58 =	vld [tilespmem:$0xFD0]  }
0x38b: {  	v59 =	vld [tilespmem:$0xE50];
	_ =	sdelay $0x3  }
0x38c: {  	v11 =	vld [tilespmem:$0x1750];
	vm10 =	vge.f32 v7, v8;
	vm11 =	vge.f32 v7, v58  }
0x38d: {  	v12 =	vld [tilespmem:$0x17D0];
	vm12 =	vgt.f32 v7, v59;
	vm0 =	vmand vm10, vm11  }
0x38e: {  	vm13 =	vgt.f32 v8, v59;
	vm14 =	vgt.f32 v8, v7;
	vm0 =	vmand vm0, vm12  }
0x38f: {  	vm15 =	vge.f32 v8, v58;
	vm1 =	vmand vm13, vm14  }
0x390: {  	vm1 =	vmand vm1, vm15;
	_ =	sdelay $0x3  }
0x391: {  	[tilespmem:v11+s17+$0x0] =	vst.idx.add.f32.msk vm0, v6  }
0x392: {  	[tilespmem:v12+s17+$0x0] =	vst.idx.add.f32.msk vm0, v6  }
0x393: {  	[tilespmem:v11+s18+$0x0] =	vst.idx.add.f32.msk vm1, v6  }
0x394: {  	[tilespmem:v12+s18+$0x0] =	vst.idx.add.f32.msk vm1, v6  }
0x395: {  	v7 =	vld [tilespmem:$0xEE0]  }
0x396: {  	v8 =	vld [tilespmem:$0xF60]  }
0x397: {  	v60 =	vld [tilespmem:$0xFE0]  }
0x398: {  	v61 =	vld [tilespmem:$0xE60];
	_ =	sdelay $0x3  }
0x399: {  	v11 =	vld [tilespmem:$0x1760];
	vm4 =	vge.f32 v7, v8;
	vm5 =	vge.f32 v7, v60  }
0x39a: {  	v12 =	vld [tilespmem:$0x17E0];
	vm6 =	vgt.f32 v7, v61;
	vm0 =	vmand vm4, vm5  }
0x39b: {  	vm7 =	vgt.f32 v8, v61;
	vm8 =	vgt.f32 v8, v7;
	vm0 =	vmand vm0, vm6  }
0x39c: {  	vm9 =	vge.f32 v8, v60;
	vm1 =	vmand vm7, vm8  }
0x39d: {  	vm1 =	vmand vm1, vm9;
	_ =	sdelay $0x3  }
0x39e: {  	[tilespmem:v11+s17+$0x0] =	vst.idx.add.f32.msk vm0, v6  }
0x39f: {  	[tilespmem:v12+s17+$0x0] =	vst.idx.add.f32.msk vm0, v6  }
0x3a0: {  	[tilespmem:v11+s18+$0x0] =	vst.idx.add.f32.msk vm1, v6  }
0x3a1: {  	[tilespmem:v12+s18+$0x0] =	vst.idx.add.f32.msk vm1, v6  }
0x3a2: {  	v7 =	vld [tilespmem:$0xEF0]  }
0x3a3: {  	v8 =	vld [tilespmem:$0xF70]  }
0x3a4: {  	v62 =	vld [tilespmem:$0xFF0]  }
0x3a5: {  	v63 =	vld [tilespmem:$0xE70];
	_ =	sdelay $0x3  }
0x3a6: {  	v11 =	vld [tilespmem:$0x1770];
	vm10 =	vge.f32 v7, v8;
	vm11 =	vge.f32 v7, v62  }
0x3a7: {  	v12 =	vld [tilespmem:$0x17F0];
	vm12 =	vgt.f32 v7, v63;
	vm0 =	vmand vm10, vm11  }
0x3a8: {  	vm13 =	vgt.f32 v8, v63;
	vm14 =	vgt.f32 v8, v7;
	vm0 =	vmand vm0, vm12  }
0x3a9: {  	vm15 =	vge.f32 v8, v62;
	vm1 =	vmand vm13, vm14  }
0x3aa: {  	vm1 =	vmand vm1, vm15;
	_ =	sdelay $0x2  }
.Ltmp6:
0x3ab: {  	_ = 	snop;
	(pc) =	sbr.rel .LBB2_6-.Ltmp6, $4  }
0x3ac: {  	[tilespmem:v11+s17+$0x0] =	vst.idx.add.f32.msk vm0, v6  }
0x3ad: {  	[tilespmem:v12+s17+$0x0] =	vst.idx.add.f32.msk vm0, v6  }
0x3ae: {  	[tilespmem:v11+s18+$0x0] =	vst.idx.add.f32.msk vm1, v6  }
0x3af: {  	[tilespmem:v12+s18+$0x0] =	vst.idx.add.f32.msk vm1, v6  }
.LBB2_8:
0x3b0: {  	_ =	sfence.sel $0x180000  }
0x3b1: {  	[bflag:$0x0] =	sbarrier.arrive $0xFFFF  }
0x3b2: {  	_ =	strace $0x90000047  }
0x3b3: {  	s0 =	sadd.s32 @!p0 $0x100000, s0;
	[bflag:$0x2] =	sbarrier.arrive $0xFFFF  }
0x3b4: {  	[sflag:s0] =	ssyncadd.tile.s32 @!p0 $0x1;
	_ =	shalt  }
.Lfunc_end2:
_tile_overlayer_lowered:
.L_overlay_start_2:
0x3b5: {  	(tag) =	ssettag $0x2  }
0x3b6: {  	s0 =	rddreg [dreg:$0x0];
	s2 =	stileid.u32  }
0x3b7: {  	s1 =	rddreg [dreg:$0x1];
	p0 =	sne.s32 s2, $0x0  }
0x3b8: {  	s3 =	rddreg [dreg:$0x2];
	[bflag:$0x3] =	sbarrier.arrive $0xFFFF;
	s2 =	simm.s32 @!p0 $0x1C05  }
0x3b9: {  	[timem:s3], [sflag:s2] =	dma.local @!p0 [hbm:s0], s1  }
0x3ba: {  	s0 =	simm.s32 @!p0 $0x5  }
0x3bb: {  	_ =	swait.ge @!p0 [sflag:s0], s1  }
0x3bc: {  	s1 =	ssub.s32 @!p0 $0x0, s1;
	[sflag:s0] =	ssyncset.done @!p0 $0x0  }
0x3bd: {  	[sflag:s0] =	ssyncadd.s32 @!p0 s1  }
0x3be: {  	[bflag:$0x3] =	sbarrier.arrive $0xFFFF  }
0x3bf: {  	_ =	shalt  }

// kernel: kernel.7.cloned.1.call-start
scs
__scs_entry_jumppad:
0x0: {  	(pc) =	sbr.rel $0x88, $3  }
0x1: {  	(tag) =	ssettag $0x0;
	lr =	simm.s32 $0x1  }
0x2: {  	[smem:$0x3F9E] =	sst lr;
	_ =	strace $0xD0000000  }
0x3: {  	_ = 	snop  }
0x4: {  	_ = 	snop  }
0x5: {  	_ = 	snop  }
0x6: {  	_ = 	snop  }
0x7: {  	_ = 	snop  }
__scs_overlays_trampoline_lowered:
0x8: {  	[smem:$0x3FAD] =	sst s0  }
0x9: {  	[smem:$0x3FAE] =	sst s1  }
0xa: {  	[smem:$0x3FAF] =	sst s2  }
0xb: {  	[smem:$0x3FB0] =	sst s3  }
0xc: {  	[smem:$0x3FB1] =	sst s4  }
0xd: {  	[smem:$0x3FB2] =	sst s5  }
0xe: {  	[smem:$0x3FB3] =	sst s6  }
0xf: {  	[smem:$0x3FB4] =	sst s7  }
0x10: {  	[smem:$0x3FB5] =	sst s8  }
0x11: {  	[smem:$0x3FB6] =	sst s9;
	s0 =	simm.s32 @!p0 $0x0  }
0x12: {  	s1 =	sld [smem:$0x3F9C];
	s0 =	simm.s32 @p0 $0x1  }
0x13: {  	[smem:$0x3FB7] =	sst s0;
	s0 =	simm.s32 @!p1 $0x0  }
0x14: {  	s2 =	sld [smem:$0x3F9B];
	s0 =	simm.s32 @p1 $0x1  }
0x15: {  	[smem:$0x3FB8] =	sst s0;
	s0 =	simm.s32 @!p2 $0x0  }
0x16: {  	s3 =	sld [smem:$0x3FDB];
	s0 =	simm.s32 @p2 $0x1  }
0x17: {  	s4 =	simm.s32 $0x1BF5;
	[smem:$0x3FBA] =	sst s0  }
0x18: {  	s0 =	sld [smem:$0x3F9D];
	_ =	swait.ge [sflag:s4], $0x0  }
0x19: {  	s7 =	sld [smem:$0x3F9E]  }
0x1a: {  	s8 =	sadd.s32 $0xFFFFE003, lr  }
0x1b: {  	s9 =	sadd.s32 $0xFFFFFEF7, lr;
	s5 =	simm.s32 $0xFFFFFFFF;
	p2 =	slt.u32 s8, $0xFFFFF086  }
0x1c: {  	p1 =	slt.u32 s9, $0xF7A;
	s5 =	simm.s32 @!p2 $0x0  }
0x1d: {  	s5 =	simm.s32 @p1 $0x1;
	p0 =	seq.s32 s7, s2  }
0x1e: {  	s7 =	smul.u32 @!p0 $0xF7A, s2;
	p2 =	seq.s32 @!p0 s5, $0x0  }
0x1f: {  	s9 =	smul.u32 $0xF7A, s1;
	s8 =	simm.s32 @!p0 $0x1BF5;
	p2 =	por !p2, p0  }
0x20: {  	[sflag:s8] =	ssyncset.s32 @!p0 $0xFFFFF086;
	s6 =	sadd.s32 @!p0 s3, s7;
	s7 =	simm.s32 @!p0 $0x108  }
0x21: {  	s3 =	sadd.s32 s3, s9;
	s6 =	sadd.s32 @!p0 $0x88, s6;
	s7 =	simm.s32 @p2 $0x1082  }
0x22: {  	[simem:s7], [sflag:s8] =	dma.local @!p0 [hbm:s6], $0xF7A  }
0x23: {  	s9 =	sor.u32 $0xD0000000, s2;
	s6 =	simm.s32 $0x108;
	_ =	swait.ge @!p0 [sflag:s8], $0x0  }
0x24: {  	s3 =	sadd.s32 $0x88, s3;
	s6 =	simm.s32 @!p1 $0x1082;
	[sflag:s4] =	ssyncset.s32 $0xFFFFF086  }
0x25: {  	[simem:s6], [sflag:s4] =	dma.local [hbm:s3], $0xF7A  }
0x26: {  	[smem:$0x3F9E] =	sst s1;
	(tag) =	ssettag s2;
	_ =	strace s9  }
0x27: {  	s1 =	sld [smem:$0x3FAE]  }
0x28: {  	s2 =	sld [smem:$0x3FAF]  }
0x29: {  	s4 =	sld [smem:$0x3FB1]  }
0x2a: {  	p0 =	seq.s32 s5, $0x0;
	s5 =	sld [smem:$0x3FB2]  }
0x2b: {  	s6 =	sld [smem:$0x3FB3]  }
0x2c: {  	s7 =	sld [smem:$0x3FB4]  }
0x2d: {  	s3 =	simm.s32 $0x108;
	s8 =	sld [smem:$0x3FB5]  }
0x2e: {  	s3 =	simm.s32 @!p0 $0x1082;
	s9 =	sld [smem:$0x3FB6]  }
0x2f: {  	lr =	sadd.s32 s0, s3;
	s0 =	sld [smem:$0x3FAD]  }
0x30: {  	s3 =	sld [smem:$0x3FB0]  }
0x31: {  	[smem:$0x3FB9] =	sst s10  }
0x32: {  	s10 =	sld [smem:$0x3FB7];
	_ =	sdelay $0x3  }
0x33: {  	p0 =	seq.s32 s10, $0x1;
	s10 =	sld [smem:$0x3FB9];
	_ =	sdelay $0x3  }
0x34: {  	[smem:$0x3FB9] =	sst s10  }
0x35: {  	s10 =	sld [smem:$0x3FB8];
	_ =	sdelay $0x3  }
0x36: {  	p1 =	seq.s32 s10, $0x1;
	s10 =	sld [smem:$0x3FB9];
	_ =	sdelay $0x3  }
0x37: {  	[smem:$0x3FB9] =	sst s10  }
0x38: {  	s10 =	sld [smem:$0x3FBA]  }
0x39: {  	_ = 	snop;
	(pc) =	sbr.ind lr, $3  }
0x3a: {  	_ = 	snop  }
0x3b: {  	_ = 	snop  }
0x3c: {  	p2 =	seq.s32 s10, $0x1;
	s10 =	sld [smem:$0x3FB9]  }
0x3d: {  	_ =	shalt  }
0x3e: {  	_ =	shalt  }
0x3f: {  	_ =	shalt  }
0x40: {  	_ =	shalt  }
0x41: {  	_ =	shalt  }
0x42: {  	_ =	shalt  }
0x43: {  	_ =	shalt  }
0x44: {  	_ =	shalt  }
0x45: {  	_ =	shalt  }
0x46: {  	_ =	shalt  }
0x47: {  	_ =	shalt  }
0x48: {  	_ =	shalt  }
0x49: {  	_ =	shalt  }
0x4a: {  	_ =	shalt  }
0x4b: {  	_ =	shalt  }
0x4c: {  	_ =	shalt  }
0x4d: {  	_ =	shalt  }
0x4e: {  	_ =	shalt  }
0x4f: {  	_ =	shalt  }
0x50: {  	_ =	shalt  }
0x51: {  	_ =	shalt  }
0x52: {  	_ =	shalt  }
0x53: {  	_ =	shalt  }
0x54: {  	_ =	shalt  }
0x55: {  	_ =	shalt  }
0x56: {  	_ =	shalt  }
0x57: {  	_ =	shalt  }
0x58: {  	_ =	shalt  }
0x59: {  	_ =	shalt  }
0x5a: {  	_ =	shalt  }
0x5b: {  	_ =	shalt  }
0x5c: {  	_ =	shalt  }
0x5d: {  	_ =	shalt  }
0x5e: {  	_ =	shalt  }
0x5f: {  	_ =	shalt  }
0x60: {  	_ =	shalt  }
0x61: {  	_ =	shalt  }
0x62: {  	_ =	shalt  }
0x63: {  	_ =	shalt  }
0x64: {  	_ =	shalt  }
0x65: {  	_ =	shalt  }
0x66: {  	_ =	shalt  }
0x67: {  	_ =	shalt  }
0x68: {  	_ =	shalt  }
0x69: {  	_ =	shalt  }
0x6a: {  	_ =	shalt  }
0x6b: {  	_ =	shalt  }
0x6c: {  	_ =	shalt  }
0x6d: {  	_ =	shalt  }
0x6e: {  	_ =	shalt  }
0x6f: {  	_ =	shalt  }
0x70: {  	_ =	shalt  }
0x71: {  	_ =	shalt  }
0x72: {  	_ =	shalt  }
0x73: {  	_ =	shalt  }
0x74: {  	_ =	shalt  }
0x75: {  	_ =	shalt  }
0x76: {  	_ =	shalt  }
0x77: {  	_ =	shalt  }
0x78: {  	_ =	shalt  }
0x79: {  	_ =	shalt  }
0x7a: {  	_ =	shalt  }
0x7b: {  	_ =	shalt  }
0x7c: {  	_ =	shalt  }
0x7d: {  	_ =	shalt  }
0x7e: {  	_ =	shalt  }
0x7f: {  	_ =	shalt  }
0x80: {  	_ =	shalt  }
0x81: {  	_ =	shalt  }
0x82: {  	_ =	shalt  }
0x83: {  	_ =	shalt  }
0x84: {  	_ =	shalt  }
0x85: {  	_ =	shalt  }
0x86: {  	_ =	shalt  }
0x87: {  	_ =	shalt  }
.Lfunc_end0:
.L_simem_size_0:
called_computation.1_lowered:
.L_overlay_start_0:
0x88: {  	s2 =	sld [smem:$0x3FD9]  }
0x89: {  	s3 =	sld [smem:$0x3FFE];
	_ =	sdelay $0x1  }
0x8a: {  	s1 =	srdreg.scid  }
0x8b: {  	s0 =	sand.u32 $0x1, s1  }
0x8c: {  	s17 =	sshll.u32 s0, $0xA;
	s2 =	sadd.s32 s3, s2  }
0x8d: {  	s2 =	sadd.s32 s2, s17  }
0x8e: {  	[smem:$0x3FC5] =	sst s2  }
0x8f: {  	_ = 	snop  }
0x90: {  	s2 =	sld [smem:$0x3FD0];
	(tm) =	ssettm $0x1  }
0x91: {  	s18 =	sld [smem:$0x3FFB];
	_ =	sdelay $0x3  }
0x92: {  	_ =	strace s18  }
0x93: {  	s3 =	sld [smem:$0x3FFC];
	_ =	sdelay $0x3  }
0x94: {  	_ =	strace s3  }
0x95: {  	s3 =	sld [smem:$0x3FFD];
	_ =	sdelay $0x3  }
0x96: {  	_ =	strace s3  }
0x97: {  	_ =	strace $0x8FFFFFFF  }
0x98: {  	s19 =	sld [smem:$0x3FDB];
	_ =	sdelay $0x1  }
0x99: {  	s4 =	simm.s32 $_scs_section_size  }
0x9a: {  	s5 =	simm.s32 $_size__tile_overlayer_lowered;
	s6 =	simm.s32 $_tile_overlayer_lowered  }
0x9b: {  	s22 =	simm.s32 $0x1BFF;
	s21 =	sshll.u32 s6, $0x1;
	s3 =	sadd.s32 s4, s19  }
0x9c: {  	s7 =	simm.s32 $0x0;
	s20 =	sshll.u32 s5, $0x1;
	s5 =	sadd.s32 s21, s3  }
0x9d: {  	[timem:s7], [sflag:s22] =	dma.local [hbm:s5], s20  }
0x9e: {  	_ =	swait.ge [sflag:s22], s20  }
0x9f: {  	s4 =	ssub.s32 $0x0, s20;
	[sflag:s22] =	ssyncset.done $0x0  }
0xa0: {  	[sflag:s22] =	ssyncadd.s32 s4;
	_ =	sdelay $0x1  }
0xa1: {  	s23 =	simm.s32 $0x1B8B  }
0xa2: {  	_ =	swait.ge [sflag:s23], $0x1  }
0xa3: {  	[sflag:s23] =	ssyncset.done $0x0  }
0xa4: {  	s25 =	simm.s32 $0x1B8E;
	s24 =	sld [smem:$0x3FFE];
	[sflag:s23] =	ssyncadd.s32 $0xFFFFFFFF  }
0xa5: {  	s26 =	simm.s32 $execute0_lowered;
	[smem:$0x3FD2] =	sst s25  }
0xa6: {  	s5 =	sshll.u32 s26, $0x1;
	_ =	strace $0x80000049;
	[dreg:$0x1] =	wrdreg $0xFFFFFFFF  }
0xa7: {  	s28 =	simm.s32 $_size_execute0_lowered;
	s3 =	sadd.s32 s3, s5;
	[dreg:$0x0] =	wrdreg $0x0  }
0xa8: {  	s5 =	sshll.u32 s28, $0x1;
	[dreg:$0x2] =	wrdreg s3  }
0xa9: {  	[dreg:$0x3] =	wrdreg s5  }
0xaa: {  	[dreg:$0x4] =	wrdreg $0xC0  }
0xab: {  	_ =	task [dreg:s7], $0x5FFFF  }
0xac: {  	[dreg:$0x1] =	wrdreg $0xFFFFFFFF  }
0xad: {  	[dreg:$0x0] =	wrdreg $0x60  }
0xae: {  	[dreg:$0x2] =	wrdreg s24  }
0xaf: {  	[dreg:$0x3] =	wrdreg s2  }
0xb0: {  	[dreg:$0x4] =	wrdreg $0x9  }
0xb1: {  	_ =	task.clear_ibuf [dreg:s7], $0x5FFFF;
	_ =	strace $0x90000049  }
0xb2: {  	s29 =	simm.s32 $0x9;
	_ =	strace $0x8000004B  }
0xb3: {  	_ =	swait.ge [sflag:s29], $0x1  }
0xb4: {  	[sflag:s29] =	ssyncadd.s32 $0xFFFFFFFF  }
0xb5: {  	_ =	strace $0x9000004B  }
0xb6: {  	_ =	sfence  }
0xb7: {  	s30 =	sld [smem:$0x0];
	_ =	sdelay $0x2  }
0xb8: {  	s31 =	sshll.u32 s1, $0xD;
	s1 =	sshrl.u32 s1, $0x2  }
0xb9: {  	s3 =	sand.u32 $0x4000, s31;
	s1 =	sadd.s32 s1, s30  }
0xba: {  	s0 =	sor.u32 s3, s0;
	s1 =	sshll.u32 s1, $0x11  }
0xbb: {  	s0 =	sor.u32 s1, s0  }
0xbc: {  	s0 =	sadd.s32 $0x8F2B, s0  }
0xbd: {  	[sflag:s0] =	ssyncadd.remote.s32 $0x1  }
0xbe: {  	_ =	sfence.sel $0xFFFF  }
0xbf: {  	[dreg:$0x0] =	wrdreg $0xFFFFFFFF;
	(pc) =	sbr.abs _section_cstart, $3  }
0xc0: {  	[dreg:$0x1] =	wrdreg $0xFFFFFFFF  }
0xc1: {  	_ =	task.clear_ibuf [dreg:s7], $0x2FFFF;
	_ =	strace $0x9FFFFFFF  }
0xc2: {  	(tm) =	ssettm $0x7FFFFFFF  }
0xc3: {  	_ =	shalt  }
tec
execute0_lowered:
.L_overlay_start_1:
0x0: {  	(tag) =	ssettag $0x1  }
0x1: {  	s4 =	rddreg [dreg:$0x0]  }
0x2: {  	s2 =	rddreg [dreg:$0x1]  }
0x3: {  	s0 =	rddreg [dreg:$0x2]  }
0x4: {  	s1 =	stileid.u32;
	s5 =	srdreg.scid  }
0x5: {  	s3 =	simm.s32 $0x0;
	s10 =	simm.s32 $0x3;
	s7 =	sand.u32 $0x1, s5  }
0x6: {  	s6 =	smul.u32 $0x500, s1;
	[smem:$0x7FF] =	sst s3;
	s5 =	ssub.s32 $0x2, s7  }
.Ltmp0:
0x7: {  	_ =	strace $0x8000004A;
	s9 =	sor.u32 s1, s7;
	(pc) =	sbr.rel .LBB2_1-.Ltmp0, $4  }
0x8: {  	p1 =	sne.s32 s7, $0x0;
	s7 =	simm.s32 $0x500;
	s6 =	sshrl.u32 s6, $0x3  }
0x9: {  	s8 =	sshrl.u32 s5, $0x1;
	p0 =	sne.s32 s9, $0x0;
	s6 =	sadd.s32 s6, s4  }
0xa: {  	s9 =	simm.s32 $0x2;
	s8 =	ssub.s32 s5, s8;
	s4 =	sadd.s32 $0x3B600, s6  }
0xb: {  	s5 =	sadd.s32 $0x3C000, s6;
	s6 =	smax.u32 s8, $0x1;
	s8 =	simm.s32 $0x1  }
.LBB2_3:
0xc: {  	[bflag:$0x0] =	sbarrier.arrive $0xFFFF  }
0xd: {  	s12 =	sld @!p0 [smem:$0x0];
	_ =	sdelay $0x2  }
0xe: {  	s12 =	scvt.s32.f32 @!p0 s12;
	_ =	sdelay $0x1  }
0xf: {  	s6 =	sadd.s32 $0xFFFFFFFF, s6;
	v0 =	vmov @!p0 s12  }
0x10: {  	p2 =	sne.s32 s6, $0x0;
	s12 =	simm.s32 @!p0 $0xA00;
	[tilespmem:$0xA00] =	vst @!p0 v0  }
0x11: {  	[hbm4b:s2+s11] =	stream.linear.scatter @!p0 [tilespmem:s12], [sflag:$0x4], $0x80, $0x38;
	[tilespmem:$0xA80] =	vst v63  }
.Ltmp1:
0x12: {  	_ = 	snop;
	(pc) =	sbr.rel @!p2 .LBB2_4-.Ltmp1, $4  }
0x13: {  	s11 =	simm.s32 @!p0 $0x4  }
0x14: {  	_ =	swait.ge @!p0 [sflag:s11], $0x80  }
0x15: {  	[sflag:s11] =	ssyncset.done @!p0 $0x0  }
0x16: {  	[sflag:s11] =	ssyncadd.s32 @!p0 $0xFFFFFF80  }
.LBB2_1:
.Ltmp2:
0x17: {  	(pc) =	sbr.rel @p1 .LBB2_3-.Ltmp2, $3  }
0x18: {  	s11 =	simm.s32 @!p0 $0x0  }
0x19: {  	[smem:$0x0] =	sst @!p0 s11  }
0x1a: {  	[bflag:$0x0] =	sbarrier.arrive $0xFFFF;
	_ =	sdelay $0x1  }
0x1b: {  	[tilespmem:s3], [sflag:$0x1] =	stream.linear.gather [hbm4b:s4+s3], $0x500, $0x38;
	[tilespmem:$0xA80] =	vst v63  }
0x1c: {  	_ = 	snop  }
0x1d: {  	[tilespmem:s7], [sflag:$0x2] =	stream.linear.gather [hbm4b:s5+s3], $0x500, $0x38;
	[tilespmem:$0xA80] =	vst v63  }
0x1e: {  	_ =	swait.ge [sflag:s8], $0x500  }
0x1f: {  	[sflag:s8] =	ssyncset.done $0x0  }
0x20: {  	[sflag:s8] =	ssyncadd.s32 $0xFFFFFB00  }
0x21: {  	_ =	swait.ge [sflag:s9], $0x500  }
0x22: {  	[sflag:s9] =	ssyncset.done $0x0  }
0x23: {  	[sflag:s9] =	ssyncadd.s32 $0xFFFFFB00  }
0x24: {  	v0 =	vld [tilespmem:$0x0]  }
0x25: {  	v1 =	vld [tilespmem:$0x500]  }
0x26: {  	v2 =	vld [tilespmem:$0x10]  }
0x27: {  	v3 =	vld [tilespmem:$0x510]  }
0x28: {  	v4 =	vld [tilespmem:$0x20]  }
0x29: {  	v5 =	vld [tilespmem:$0x520]  }
0x2a: {  	v6 =	vld [tilespmem:$0x30]  }
0x2b: {  	v7 =	vld [tilespmem:$0x530]  }
0x2c: {  	v23 =	vld [tilespmem:$0x40];
	v0 =	vadd.f32 v1, v0;
	v22 =	vadd.f32 v3, v2  }
0x2d: {  	v24 =	vld [tilespmem:$0x540]  }
0x2e: {  	v25 =	vld [tilespmem:$0x50];
	v4 =	vadd.f32 v5, v4;
	v0 =	vmul.f32 v0, v0;
	v1 =	vmul.f32 v22, v22  }
0x2f: {  	v8 =	vld [tilespmem:$0x550]  }
0x30: {  	v28 =	vld [tilespmem:$0x60];
	v27 =	vadd.f32 v7, v6;
	v26 =	vmul.f32 v4, v4;
	v0 =	vadd.f32 v1, v0  }
0x31: {  	v29 =	vld [tilespmem:$0x560]  }
0x32: {  	v31 =	vld [tilespmem:$0x70];
	v2 =	vadd.f32 v24, v23;
	v30 =	vmul.f32 v27, v27;
	v0 =	vadd.f32 v26, v0  }
0x33: {  	v32 =	vld [tilespmem:$0x570]  }
0x34: {  	v35 =	vld [tilespmem:$0x80];
	v34 =	vadd.f32 v8, v25;
	v33 =	vmul.f32 v2, v2;
	v0 =	vadd.f32 v30, v0  }
0x35: {  	v36 =	vld [tilespmem:$0x580]  }
0x36: {  	v39 =	vld [tilespmem:$0x90];
	v38 =	vadd.f32 v29, v28;
	v37 =	vmul.f32 v34, v34;
	v0 =	vadd.f32 v33, v0  }
0x37: {  	v40 =	vld [tilespmem:$0x590]  }
0x38: {  	v43 =	vld [tilespmem:$0xA0];
	v42 =	vadd.f32 v32, v31;
	v41 =	vmul.f32 v38, v38;
	v0 =	vadd.f32 v37, v0  }
0x39: {  	v44 =	vld [tilespmem:$0x5A0]  }
0x3a: {  	v47 =	vld [tilespmem:$0xB0];
	v46 =	vadd.f32 v36, v35;
	v45 =	vmul.f32 v42, v42;
	v0 =	vadd.f32 v41, v0  }
0x3b: {  	v48 =	vld [tilespmem:$0x5B0]  }
0x3c: {  	v51 =	vld [tilespmem:$0xC0];
	v50 =	vadd.f32 v40, v39;
	v49 =	vmul.f32 v46, v46;
	v0 =	vadd.f32 v45, v0  }
0x3d: {  	v52 =	vld [tilespmem:$0x5C0]  }
0x3e: {  	v55 =	vld [tilespmem:$0xD0];
	v54 =	vadd.f32 v44, v43;
	v53 =	vmul.f32 v50, v50;
	v0 =	vadd.f32 v49, v0  }
0x3f: {  	v56 =	vld [tilespmem:$0x5D0]  }
0x40: {  	v59 =	vld [tilespmem:$0xE0];
	v58 =	vadd.f32 v48, v47;
	v57 =	vmul.f32 v54, v54;
	v0 =	vadd.f32 v53, v0  }
0x41: {  	v60 =	vld [tilespmem:$0x5E0]  }
0x42: {  	v63 =	vld [tilespmem:$0xF0];
	v62 =	vadd.f32 v52, v51;
	v61 =	vmul.f32 v58, v58;
	v0 =	vadd.f32 v57, v0  }
0x43: {  	v12 =	vld [tilespmem:$0x5F0]  }
0x44: {  	v15 =	vld [tilespmem:$0x100];
	v14 =	vadd.f32 v56, v55;
	v13 =	vmul.f32 v62, v62;
	v0 =	vadd.f32 v61, v0  }
0x45: {  	v16 =	vld [tilespmem:$0x600]  }
0x46: {  	v19 =	vld [tilespmem:$0x110];
	v18 =	vadd.f32 v60, v59;
	v17 =	vmul.f32 v14, v14;
	v0 =	vadd.f32 v13, v0  }
0x47: {  	v20 =	vld [tilespmem:$0x610]  }
0x48: {  	v23 =	vld [tilespmem:$0x120];
	v21 =	vmul.f32 v18, v18;
	v22 =	vadd.f32 v12, v63;
	v0 =	vadd.f32 v17, v0  }
0x49: {  	v24 =	vld [tilespmem:$0x620]  }
0x4a: {  	v28 =	vld [tilespmem:$0x630];
	v25 =	vmul.f32 v22, v22;
	v26 =	vadd.f32 v16, v15;
	v0 =	vadd.f32 v21, v0  }
0x4b: {  	v27 =	vld [tilespmem:$0x130]  }
0x4c: {  	v31 =	vld [tilespmem:$0x140];
	v29 =	vmul.f32 v26, v26;
	v30 =	vadd.f32 v20, v19;
	v0 =	vadd.f32 v25, v0  }
0x4d: {  	v32 =	vld [tilespmem:$0x640]  }
0x4e: {  	v35 =	vld [tilespmem:$0x150];
	v34 =	vadd.f32 v24, v23;
	v33 =	vmul.f32 v30, v30;
	v0 =	vadd.f32 v29, v0  }
0x4f: {  	v36 =	vld [tilespmem:$0x650]  }
0x50: {  	v39 =	vld [tilespmem:$0x160];
	v38 =	vadd.f32 v28, v27;
	v37 =	vmul.f32 v34, v34;
	v0 =	vadd.f32 v33, v0  }
0x51: {  	v40 =	vld [tilespmem:$0x660]  }
0x52: {  	v43 =	vld [tilespmem:$0x170];
	v42 =	vadd.f32 v32, v31;
	v41 =	vmul.f32 v38, v38;
	v0 =	vadd.f32 v37, v0  }
0x53: {  	v44 =	vld [tilespmem:$0x670]  }
0x54: {  	v47 =	vld [tilespmem:$0x180];
	v46 =	vadd.f32 v36, v35;
	v45 =	vmul.f32 v42, v42;
	v0 =	vadd.f32 v41, v0  }
0x55: {  	v48 =	vld [tilespmem:$0x680]  }
0x56: {  	v51 =	vld [tilespmem:$0x190];
	v50 =	vadd.f32 v40, v39;
	v49 =	vmul.f32 v46, v46;
	v0 =	vadd.f32 v45, v0  }
0x57: {  	v52 =	vld [tilespmem:$0x690]  }
0x58: {  	v55 =	vld [tilespmem:$0x1A0];
	v54 =	vadd.f32 v44, v43;
	v53 =	vmul.f32 v50, v50;
	v0 =	vadd.f32 v49, v0  }
0x59: {  	v56 =	vld [tilespmem:$0x6A0]  }
0x5a: {  	v59 =	vld [tilespmem:$0x1B0];
	v58 =	vadd.f32 v48, v47;
	v57 =	vmul.f32 v54, v54;
	v0 =	vadd.f32 v53, v0  }
0x5b: {  	v60 =	vld [tilespmem:$0x6B0]  }
0x5c: {  	v63 =	vld [tilespmem:$0x1C0];
	v62 =	vadd.f32 v52, v51;
	v61 =	vmul.f32 v58, v58;
	v0 =	vadd.f32 v57, v0  }
0x5d: {  	v12 =	vld [tilespmem:$0x6C0]  }
0x5e: {  	v14 =	vadd.f32 v56, v55;
	v15 =	vld [tilespmem:$0x1D0];
	v13 =	vmul.f32 v62, v62;
	v0 =	vadd.f32 v61, v0  }
0x5f: {  	v16 =	vld [tilespmem:$0x6D0]  }
0x60: {  	v18 =	vadd.f32 v60, v59;
	v19 =	vld [tilespmem:$0x1E0];
	v17 =	vmul.f32 v14, v14;
	v0 =	vadd.f32 v13, v0  }
0x61: {  	v20 =	vld [tilespmem:$0x6E0]  }
0x62: {  	v23 =	vld [tilespmem:$0x1F0];
	v22 =	vadd.f32 v12, v63;
	v21 =	vmul.f32 v18, v18;
	v0 =	vadd.f32 v17, v0  }
0x63: {  	v24 =	vld [tilespmem:$0x6F0]  }
0x64: {  	v27 =	vld [tilespmem:$0x200];
	v26 =	vadd.f32 v16, v15;
	v25 =	vmul.f32 v22, v22;
	v0 =	vadd.f32 v21, v0  }
0x65: {  	v28 =	vld [tilespmem:$0x700]  }
0x66: {  	v31 =	vld [tilespmem:$0x210];
	v30 =	vadd.f32 v20, v19;
	v29 =	vmul.f32 v26, v26;
	v0 =	vadd.f32 v25, v0  }
0x67: {  	v32 =	vld [tilespmem:$0x710]  }
0x68: {  	v35 =	vld [tilespmem:$0x220];
	v34 =	vadd.f32 v24, v23;
	v33 =	vmul.f32 v30, v30;
	v0 =	vadd.f32 v29, v0  }
0x69: {  	v36 =	vld [tilespmem:$0x720]  }
0x6a: {  	v39 =	vld [tilespmem:$0x230];
	v38 =	vadd.f32 v28, v27;
	v37 =	vmul.f32 v34, v34;
	v0 =	vadd.f32 v33, v0  }
0x6b: {  	v40 =	vld [tilespmem:$0x730]  }
0x6c: {  	v43 =	vld [tilespmem:$0x240];
	v42 =	vadd.f32 v32, v31;
	v41 =	vmul.f32 v38, v38;
	v0 =	vadd.f32 v37, v0  }
0x6d: {  	v44 =	vld [tilespmem:$0x740]  }
0x6e: {  	v47 =	vld [tilespmem:$0x250];
	v46 =	vadd.f32 v36, v35;
	v45 =	vmul.f32 v42, v42;
	v0 =	vadd.f32 v41, v0  }
0x6f: {  	v48 =	vld [tilespmem:$0x750]  }
0x70: {  	v51 =	vld [tilespmem:$0x260];
	v50 =	vadd.f32 v40, v39;
	v49 =	vmul.f32 v46, v46;
	v0 =	vadd.f32 v45, v0  }
0x71: {  	v52 =	vld [tilespmem:$0x760]  }
0x72: {  	v55 =	vld [tilespmem:$0x270];
	v54 =	vadd.f32 v44, v43;
	v53 =	vmul.f32 v50, v50;
	v0 =	vadd.f32 v49, v0  }
0x73: {  	v56 =	vld [tilespmem:$0x770]  }
0x74: {  	v59 =	vld [tilespmem:$0x280];
	v58 =	vadd.f32 v48, v47;
	v57 =	vmul.f32 v54, v54;
	v0 =	vadd.f32 v53, v0  }
0x75: {  	v60 =	vld [tilespmem:$0x780]  }
0x76: {  	v63 =	vld [tilespmem:$0x290];
	v62 =	vadd.f32 v52, v51;
	v61 =	vmul.f32 v58, v58;
	v0 =	vadd.f32 v57, v0  }
0x77: {  	v12 =	vld [tilespmem:$0x790]  }
0x78: {  	v15 =	vld [tilespmem:$0x2A0];
	v14 =	vadd.f32 v56, v55;
	v13 =	vmul.f32 v62, v62;
	v0 =	vadd.f32 v61, v0  }
0x79: {  	v16 =	vld [tilespmem:$0x7A0]  }
0x7a: {  	v19 =	vld [tilespmem:$0x2B0];
	v18 =	vadd.f32 v60, v59;
	v17 =	vmul.f32 v14, v14;
	v0 =	vadd.f32 v13, v0  }
0x7b: {  	v20 =	vld [tilespmem:$0x7B0]  }
0x7c: {  	v23 =	vld [tilespmem:$0x2C0];
	v22 =	vadd.f32 v12, v63;
	v21 =	vmul.f32 v18, v18;
	v0 =	vadd.f32 v17, v0  }
0x7d: {  	v24 =	vld [tilespmem:$0x7C0]  }
0x7e: {  	v27 =	vld [tilespmem:$0x2D0];
	v26 =	vadd.f32 v16, v15;
	v25 =	vmul.f32 v22, v22;
	v0 =	vadd.f32 v21, v0  }
0x7f: {  	v28 =	vld [tilespmem:$0x7D0]  }
0x80: {  	v31 =	vld [tilespmem:$0x2E0];
	v30 =	vadd.f32 v20, v19;
	v29 =	vmul.f32 v26, v26;
	v0 =	vadd.f32 v25, v0  }
0x81: {  	v32 =	vld [tilespmem:$0x7E0]  }
0x82: {  	v35 =	vld [tilespmem:$0x2F0];
	v34 =	vadd.f32 v24, v23;
	v33 =	vmul.f32 v30, v30;
	v0 =	vadd.f32 v29, v0  }
0x83: {  	v36 =	vld [tilespmem:$0x7F0]  }
0x84: {  	v39 =	vld [tilespmem:$0x300];
	v38 =	vadd.f32 v28, v27;
	v37 =	vmul.f32 v34, v34;
	v0 =	vadd.f32 v33, v0  }
0x85: {  	v40 =	vld [tilespmem:$0x800]  }
0x86: {  	v43 =	vld [tilespmem:$0x310];
	v42 =	vadd.f32 v32, v31;
	v41 =	vmul.f32 v38, v38;
	v0 =	vadd.f32 v37, v0  }
0x87: {  	v44 =	vld [tilespmem:$0x810]  }
0x88: {  	v47 =	vld [tilespmem:$0x320];
	v46 =	vadd.f32 v36, v35;
	v45 =	vmul.f32 v42, v42;
	v0 =	vadd.f32 v41, v0  }
0x89: {  	v48 =	vld [tilespmem:$0x820]  }
0x8a: {  	v51 =	vld [tilespmem:$0x330];
	v50 =	vadd.f32 v40, v39;
	v49 =	vmul.f32 v46, v46;
	v0 =	vadd.f32 v45, v0  }
0x8b: {  	v52 =	vld [tilespmem:$0x830]  }
0x8c: {  	v55 =	vld [tilespmem:$0x340];
	v54 =	vadd.f32 v44, v43;
	v53 =	vmul.f32 v50, v50;
	v0 =	vadd.f32 v49, v0  }
0x8d: {  	v56 =	vld [tilespmem:$0x840]  }
0x8e: {  	v59 =	vld [tilespmem:$0x350];
	v58 =	vadd.f32 v48, v47;
	v57 =	vmul.f32 v54, v54;
	v0 =	vadd.f32 v53, v0  }
0x8f: {  	v60 =	vld [tilespmem:$0x850]  }
0x90: {  	v63 =	vld [tilespmem:$0x360];
	v62 =	vadd.f32 v52, v51;
	v61 =	vmul.f32 v58, v58;
	v0 =	vadd.f32 v57, v0  }
0x91: {  	v12 =	vld [tilespmem:$0x860]  }
0x92: {  	v15 =	vld [tilespmem:$0x370];
	v14 =	vadd.f32 v56, v55;
	v13 =	vmul.f32 v62, v62;
	v0 =	vadd.f32 v61, v0  }
0x93: {  	v16 =	vld [tilespmem:$0x870]  }
0x94: {  	v19 =	vld [tilespmem:$0x380];
	v18 =	vadd.f32 v60, v59;
	v17 =	vmul.f32 v14, v14;
	v0 =	vadd.f32 v13, v0  }
0x95: {  	v20 =	vld [tilespmem:$0x880]  }
0x96: {  	v23 =	vld [tilespmem:$0x390];
	v22 =	vadd.f32 v12, v63;
	v21 =	vmul.f32 v18, v18;
	v0 =	vadd.f32 v17, v0  }
0x97: {  	v24 =	vld [tilespmem:$0x890]  }
0x98: {  	v27 =	vld [tilespmem:$0x3A0];
	v26 =	vadd.f32 v16, v15;
	v25 =	vmul.f32 v22, v22;
	v0 =	vadd.f32 v21, v0  }
0x99: {  	v28 =	vld [tilespmem:$0x8A0]  }
0x9a: {  	v31 =	vld [tilespmem:$0x3B0];
	v30 =	vadd.f32 v20, v19;
	v29 =	vmul.f32 v26, v26;
	v0 =	vadd.f32 v25, v0  }
0x9b: {  	v32 =	vld [tilespmem:$0x8B0]  }
0x9c: {  	v35 =	vld [tilespmem:$0x3C0];
	v34 =	vadd.f32 v24, v23;
	v33 =	vmul.f32 v30, v30;
	v0 =	vadd.f32 v29, v0  }
0x9d: {  	v36 =	vld [tilespmem:$0x8C0]  }
0x9e: {  	v39 =	vld [tilespmem:$0x3D0];
	v38 =	vadd.f32 v28, v27;
	v37 =	vmul.f32 v34, v34;
	v0 =	vadd.f32 v33, v0  }
0x9f: {  	v40 =	vld [tilespmem:$0x8D0]  }
0xa0: {  	v43 =	vld [tilespmem:$0x3E0];
	v42 =	vadd.f32 v32, v31;
	v41 =	vmul.f32 v38, v38;
	v0 =	vadd.f32 v37, v0  }
0xa1: {  	v44 =	vld [tilespmem:$0x8E0]  }
0xa2: {  	v47 =	vld [tilespmem:$0x3F0];
	v46 =	vadd.f32 v36, v35;
	v45 =	vmul.f32 v42, v42;
	v0 =	vadd.f32 v41, v0  }
0xa3: {  	v48 =	vld [tilespmem:$0x8F0]  }
0xa4: {  	v51 =	vld [tilespmem:$0x400];
	v50 =	vadd.f32 v40, v39;
	v49 =	vmul.f32 v46, v46;
	v0 =	vadd.f32 v45, v0  }
0xa5: {  	v52 =	vld [tilespmem:$0x900]  }
0xa6: {  	v55 =	vld [tilespmem:$0x410];
	v54 =	vadd.f32 v44, v43;
	v53 =	vmul.f32 v50, v50;
	v0 =	vadd.f32 v49, v0  }
0xa7: {  	v56 =	vld [tilespmem:$0x910]  }
0xa8: {  	v59 =	vld [tilespmem:$0x420];
	v58 =	vadd.f32 v48, v47;
	v57 =	vmul.f32 v54, v54;
	v0 =	vadd.f32 v53, v0  }
0xa9: {  	v60 =	vld [tilespmem:$0x920]  }
0xaa: {  	v63 =	vld [tilespmem:$0x430];
	v62 =	vadd.f32 v52, v51;
	v61 =	vmul.f32 v58, v58;
	v0 =	vadd.f32 v57, v0  }
0xab: {  	v12 =	vld [tilespmem:$0x930]  }
0xac: {  	v15 =	vld [tilespmem:$0x440];
	v14 =	vadd.f32 v56, v55;
	v13 =	vmul.f32 v62, v62;
	v0 =	vadd.f32 v61, v0  }
0xad: {  	v16 =	vld [tilespmem:$0x940]  }
0xae: {  	v19 =	vld [tilespmem:$0x450];
	v18 =	vadd.f32 v60, v59;
	v17 =	vmul.f32 v14, v14;
	v0 =	vadd.f32 v13, v0  }
0xaf: {  	v20 =	vld [tilespmem:$0x950]  }
0xb0: {  	v23 =	vld [tilespmem:$0x460];
	v22 =	vadd.f32 v12, v63;
	v21 =	vmul.f32 v18, v18;
	v0 =	vadd.f32 v17, v0  }
0xb1: {  	v24 =	vld [tilespmem:$0x960]  }
0xb2: {  	v27 =	vld [tilespmem:$0x470];
	v26 =	vadd.f32 v16, v15;
	v25 =	vmul.f32 v22, v22;
	v0 =	vadd.f32 v21, v0  }
0xb3: {  	v28 =	vld [tilespmem:$0x970]  }
0xb4: {  	v31 =	vld [tilespmem:$0x480];
	v30 =	vadd.f32 v20, v19;
	v29 =	vmul.f32 v26, v26;
	v0 =	vadd.f32 v25, v0  }
0xb5: {  	v32 =	vld [tilespmem:$0x980]  }
0xb6: {  	v35 =	vld [tilespmem:$0x490];
	v34 =	vadd.f32 v24, v23;
	v33 =	vmul.f32 v30, v30;
	v0 =	vadd.f32 v29, v0  }
0xb7: {  	v36 =	vld [tilespmem:$0x990]  }
0xb8: {  	v39 =	vld [tilespmem:$0x4A0];
	v38 =	vadd.f32 v28, v27;
	v37 =	vmul.f32 v34, v34;
	v0 =	vadd.f32 v33, v0  }
0xb9: {  	v40 =	vld [tilespmem:$0x9A0]  }
0xba: {  	v43 =	vld [tilespmem:$0x4B0];
	v42 =	vadd.f32 v32, v31;
	v41 =	vmul.f32 v38, v38;
	v0 =	vadd.f32 v37, v0  }
0xbb: {  	v44 =	vld [tilespmem:$0x9B0]  }
0xbc: {  	v47 =	vld [tilespmem:$0x4C0];
	v46 =	vadd.f32 v36, v35;
	v45 =	vmul.f32 v42, v42;
	v0 =	vadd.f32 v41, v0  }
0xbd: {  	v48 =	vld [tilespmem:$0x9C0]  }
0xbe: {  	v51 =	vld [tilespmem:$0x4D0];
	v50 =	vadd.f32 v40, v39;
	v49 =	vmul.f32 v46, v46;
	v0 =	vadd.f32 v45, v0  }
0xbf: {  	v52 =	vld [tilespmem:$0x9D0]  }
0xc0: {  	v55 =	vld [tilespmem:$0x4E0];
	v54 =	vadd.f32 v44, v43;
	v53 =	vmul.f32 v50, v50;
	v0 =	vadd.f32 v49, v0  }
0xc1: {  	v56 =	vld [tilespmem:$0x9E0]  }
0xc2: {  	v59 =	vld [tilespmem:$0x4F0];
	v58 =	vadd.f32 v48, v47;
	v57 =	vmul.f32 v54, v54;
	v0 =	vadd.f32 v53, v0  }
0xc3: {  	v60 =	vld [tilespmem:$0x9F0]  }
0xc4: {  	v2 =	vmul.f32 v58, v58;
	v61 =	vadd.f32 v52, v51;
	v0 =	vadd.f32 v57, v0;
	_ =	sdelay $0x1  }
0xc5: {  	v62 =	vadd.f32 v56, v55;
	v1 =	vmul.f32 v61, v61;
	v0 =	vadd.f32 v2, v0;
	_ =	sdelay $0x1  }
0xc6: {  	v63 =	vadd.f32 v60, v59;
	v2 =	vmul.f32 v62, v62;
	v0 =	vadd.f32 v1, v0;
	_ =	sdelay $0x1  }
0xc7: {  	v1 =	vmul.f32 v63, v63;
	v0 =	vadd.f32 v2, v0;
	_ =	sdelay $0x1  }
0xc8: {  	v0 =	vadd.f32 v1, v0;
	_ =	sdelay $0x1  }
0xc9: {  	(xrf2) =	vadd.scan.msk.f32 $0xffff, v0;
	_ =	sdelay $0x9  }
0xca: {  	v0, _, _ =	vpop (xrf2)  }
0xcb: {  	(v2sf) =	vpush v0, $0xF;
	_ =	sdelay $0xe  }
0xcc: {  	s12 =	spop (v2sf)  }
0xcd: {  	s12 =	scvt.f32.s32 s12  }
.Ltmp3:
0xce: {  	[sflag:s10] =	ssyncset.done $0x0;
	(pc) =	sbr.rel .LBB2_3-.Ltmp3, $4  }
0xcf: {  	[smem:s3], [sflag:$0x3] =	smem.add.s32 s12  }
0xd0: {  	_ =	swait.done [sflag:s10]  }
0xd1: {  	[sflag:s10] =	ssyncset.s32 $0x0  }
0xd2: {  	[sflag:s10] =	ssyncset.done $0x0  }
.LBB2_4:
0xd3: {  	_ =	sfence.sel $0x180000  }
0xd4: {  	[bflag:$0x0] =	sbarrier.arrive $0xFFFF  }
0xd5: {  	p0 =	sne.s32 s1, $0x0;
	_ =	strace $0x9000004A  }
0xd6: {  	s0 =	sadd.s32 @!p0 $0x100000, s0;
	[bflag:$0x2] =	sbarrier.arrive $0xFFFF  }
0xd7: {  	[sflag:s0] =	ssyncadd.tile.s32 @!p0 $0x1;
	_ =	shalt  }
.Lfunc_end2:
_tile_overlayer_lowered:
.L_overlay_start_2:
0xd8: {  	(tag) =	ssettag $0x2  }
0xd9: {  	s0 =	rddreg [dreg:$0x0];
	s2 =	stileid.u32  }
0xda: {  	s1 =	rddreg [dreg:$0x1];
	p0 =	sne.s32 s2, $0x0  }
0xdb: {  	s3 =	rddreg [dreg:$0x2];
	[bflag:$0x3] =	sbarrier.arrive $0xFFFF;
	s2 =	simm.s32 @!p0 $0x1C03  }
0xdc: {  	[timem:s3], [sflag:s2] =	dma.local @!p0 [hbm:s0], s1  }
0xdd: {  	s0 =	simm.s32 @!p0 $0x3  }
0xde: {  	_ =	swait.ge @!p0 [sflag:s0], s1  }
0xdf: {  	s1 =	ssub.s32 @!p0 $0x0, s1;
	[sflag:s0] =	ssyncset.done @!p0 $0x0  }
0xe0: {  	[sflag:s0] =	ssyncadd.s32 @!p0 s1  }
0xe1: {  	[bflag:$0x3] =	sbarrier.arrive $0xFFFF  }
0xe2: {  	_ =	shalt  }

</sc_bundles>
